<compile_context>
chip_gen: v7x
topology: tpu7x:2x2x1
jax: 0.10.2.dev20260603
libtpu: 0.0.44.dev20260713+nightly
codegen_flags: <defaults>
</compile_context>

<pallas_src>
import dataclasses
import functools

import jax
import jax.numpy as jnp
from jax import lax
from jax.experimental import pallas as pl
from jax.experimental.pallas import tpu as pltpu
from jax.experimental.pallas import tpu_sc as plsc

N_NODES = 10000
N_EDGES = 320000
IN_DIM = 128
HID_DIM = 128
OUT_DIM = 64
PRIOR_MU = 0.0
PRIOR_SIGMA = 0.1

NC = 2
NS = 16
NW = NC * NS
CHUNK = 128
NROWS = 2560
NROWS_ALLOC = 2608
E_PAD = NROWS_ALLOC * CHUNK
NPAD = 10112
DROWS = NPAD // 128
ROWS_PER_TILE = NPAD // NS
K0_DEG = 128
K1_DEG = 32
K0_AGG = 128
K1_AGG = 32
AGG_STAGE = 32

_sc_mesh = functools.partial(
    plsc.VectorSubcoreMesh, core_axis_name="c", subcore_axis_name="s")


def _sc_params():
  cp = pltpu.CompilerParams()
  if "needs_layout_passes" in pltpu.CompilerParams.__dataclass_fields__:
    cp = dataclasses.replace(cp, needs_layout_passes=False)
  return cp


def _deg_pallas(src2, dst2):
  out_type = (jax.ShapeDtypeStruct((NW, DROWS, 128), jnp.float32),
              jax.ShapeDtypeStruct((NW, DROWS, 128), jnp.float32))

  @functools.partial(
      pl.kernel, out_type=out_type, mesh=_sc_mesh(),
      compiler_params=_sc_params(),
      scratch_types=[
          pltpu.VMEM((K0_DEG, CHUNK), jnp.int32),
          pltpu.VMEM((K0_DEG, CHUNK), jnp.int32),
          pltpu.VMEM((DROWS, 128), jnp.float32),
          pltpu.VMEM((DROWS, 128), jnp.float32),
      ])
  def deg_kernel(src_hbm, dst_hbm, outs_hbm, outd_hbm,
                 sidx, didx, accs, accd):
    c = lax.axis_index("c")
    s = lax.axis_index("s")
    wid = c * NS + s
    nch_c = jnp.where(c == 0, K0_DEG, K1_DEG)
    base_c = pl.multiple_of(
        jnp.where(c == 0, s * K0_DEG, NS * K0_DEG + s * K1_DEG), 8)
    zero = jnp.zeros((16,), jnp.float32)

    @pl.loop(0, DROWS)
    def _(r):
      @pl.loop(0, 128, step=16)
      def _(k):
        accs[r, pl.ds(k, 16)] = zero
        accd[r, pl.ds(k, 16)] = zero

    pltpu.sync_copy(src_hbm.at[pl.ds(base_c, K0_DEG)], sidx)
    pltpu.sync_copy(dst_hbm.at[pl.ds(base_c, K0_DEG)], didx)
    ones = jnp.full((16,), 1.0, jnp.float32)

    @pl.loop(0, nch_c)
    def _(j):
      @pl.loop(0, CHUNK, step=16)
      def _(k):
        iv = sidx[j, pl.ds(k, 16)]
        plsc.addupdate_scatter(
            accs, [jnp.right_shift(iv, 7), jnp.bitwise_and(iv, 127)], ones)
        jv = didx[j, pl.ds(k, 16)]
        plsc.addupdate_scatter(
            accd, [jnp.right_shift(jv, 7), jnp.bitwise_and(jv, 127)], ones)

    pltpu.sync_copy(accs, outs_hbm.at[wid])
    pltpu.sync_copy(accd, outd_hbm.at[wid])

  return deg_kernel(src2, dst2)


def _agg_pallas(src2, dst2, hh, zrows):
  out_type = jax.ShapeDtypeStruct((NC, NPAD, IN_DIM), jnp.float32)

  @functools.partial(
      pl.kernel, out_type=out_type, mesh=_sc_mesh(),
      scratch_types=[
          pltpu.VMEM((AGG_STAGE, CHUNK), jnp.int32),
          pltpu.VMEM((AGG_STAGE, CHUNK), jnp.int32),
          pltpu.VMEM((CHUNK, IN_DIM), jnp.float32),
          pltpu.VMEM((CHUNK, IN_DIM), jnp.float32),
          pltpu.VMEM_SHARED((NPAD, IN_DIM), jnp.float32),
          pltpu.SemaphoreType.DMA,
          pltpu.SemaphoreType.DMA,
      ])
  def agg_kernel(src_hbm, dst_hbm, hh_hbm, zrows_hbm, out_hbm,
                 sidx, didx, rows0, rows1, acc, sem0, sem1):
    c = lax.axis_index("c")
    s = lax.axis_index("s")
    r0 = s * ROWS_PER_TILE
    nch_c = jnp.where(c == 0, K0_AGG, K1_AGG)
    base_c = jnp.where(c == 0, s * K0_AGG, NS * K0_AGG + s * K1_AGG)
    for z in range(5):
      pltpu.sync_copy(zrows_hbm, acc.at[pl.ds(r0 + z * 120, 120)])
    pltpu.sync_copy(zrows_hbm.at[pl.ds(0, 32)], acc.at[pl.ds(r0 + 600, 32)])
    plsc.subcore_barrier()

    for st in range(K0_AGG // AGG_STAGE):
      @pl.when(st * AGG_STAGE < nch_c)
      def _():
        row0 = pl.multiple_of(base_c + st * AGG_STAGE, 8)
        pltpu.sync_copy(src_hbm.at[pl.ds(row0, AGG_STAGE)], sidx)
        pltpu.sync_copy(dst_hbm.at[pl.ds(row0, AGG_STAGE)], didx)
        pltpu.async_copy(hh_hbm.at[sidx.at[0]], rows0, sem0)

        @pl.loop(0, AGG_STAGE, step=2)
        def _(j):
          pltpu.async_copy(hh_hbm.at[sidx.at[j + 1]], rows1, sem1)
          pltpu.make_async_copy(hh_hbm.at[sidx.at[j]], rows0, sem0).wait()
          pltpu.sync_copy(rows0, acc.at[didx.at[j]], add=True)

          @pl.when(j + 2 < AGG_STAGE)
          def _():
            pltpu.async_copy(hh_hbm.at[sidx.at[j + 2]], rows0, sem0)

          pltpu.make_async_copy(hh_hbm.at[sidx.at[j + 1]], rows1, sem1).wait()
          pltpu.sync_copy(rows1, acc.at[didx.at[j + 1]], add=True)

    plsc.subcore_barrier()
    pltpu.sync_copy(acc.at[pl.ds(r0, ROWS_PER_TILE)],
                    out_hbm.at[c, pl.ds(r0, ROWS_PER_TILE), :])

  return agg_kernel(src2, dst2, hh, zrows)


def _prep_pallas(xp3, degs_p, degd_p, ident):
  def body(x_ref, ds_ref, dd_ref, id_ref, hh_ref, xsum_ref, ncold_ref):
    deg_s = jnp.sum(ds_ref[...], axis=0)
    deg_d = jnp.sum(dd_ref[...], axis=0)
    norm_s = lax.rsqrt(jnp.maximum(deg_s, 1.0))
    norm_d = lax.rsqrt(jnp.maximum(deg_d, 1.0))
    dn = (((1,), (1,)), ((), ()))
    colmat_s = lax.dot_general(id_ref[...], norm_s, dn,
                               preferred_element_type=jnp.float32)
    colmat_d = lax.dot_general(id_ref[...], norm_d, dn,
                               preferred_element_type=jnp.float32)
    xb = x_ref[...]
    for r in range(DROWS):
      hh_ref[r] = xb[r] * colmat_s[:, r:r + 1]
      ncold_ref[r] = colmat_d[:, r:r + 1]
    s1 = jnp.sum(xb, axis=0)
    xsum_ref[...] = jnp.sum(s1, axis=0, keepdims=True)

  return pl.pallas_call(
      body,
      out_shape=[
          jax.ShapeDtypeStruct((DROWS, 128, IN_DIM), jnp.float32),
          jax.ShapeDtypeStruct((1, IN_DIM), jnp.float32),
          jax.ShapeDtypeStruct((DROWS, 128, 1), jnp.float32),
      ],
  )(xp3, degs_p, degd_p, ident)


def _softplus(rho):
  return jnp.log1p(jnp.exp(rho))


def _weights_pallas(c0_w_mu, c0_w_rho, c0_w_eps, c0_b_mu, c0_b_rho, c0_b_eps,
                    c1_w_mu, c1_w_rho, c1_b_mu, c1_b_rho,
                    p0_w_mu, p0_w_rho, p0_w_eps, p0_b_mu, p0_b_rho, p0_b_eps,
                    p1_w_mu, p1_w_rho, p1_w_eps, p1_b_mu, p1_b_rho, p1_b_eps):
  def kl_sum(mu, sigma):
    return jnp.sum(jnp.log(PRIOR_SIGMA / sigma)
                   + (sigma ** 2 + (mu - PRIOR_MU) ** 2)
                   / (2.0 * PRIOR_SIGMA ** 2) - 0.5)

  def body(c0wm, c0wr, c0we, c0bm, c0br, c0be,
           c1wm, c1wr, c1bm, c1br,
           p0wm, p0wr, p0we, p0bm, p0br, p0be,
           p1wm, p1wr, p1we, p1bm, p1br, p1be,
           w0_ref, b0_ref, wp0_ref, bp0_ref, wp1_ref, bp1_ref, kl_ref):
    c0ws = _softplus(c0wr[...])
    c0bs = _softplus(c0br[...])
    w0_ref[...] = c0wm[...] + c0ws * c0we[...]
    b0_ref[...] = c0bm[...] + c0bs * c0be[...]
    wp0_ref[...] = p0wm[...] + _softplus(p0wr[...]) * p0we[...]
    bp0_ref[...] = p0bm[...] + _softplus(p0br[...]) * p0be[...]
    wp1_ref[...] = p1wm[...] + _softplus(p1wr[...]) * p1we[...]
    bp1_ref[...] = p1bm[...] + _softplus(p1br[...]) * p1be[...]
    kl = (kl_sum(c0wm[...], c0ws) + kl_sum(c0bm[...], c0bs)
          + kl_sum(c1wm[...], _softplus(c1wr[...]))
          + kl_sum(c1bm[...], _softplus(c1br[...])))
    kl_ref[...] = jnp.reshape(kl, (1, 1))

  return pl.pallas_call(
      body,
      out_shape=[
          jax.ShapeDtypeStruct((IN_DIM, HID_DIM), jnp.float32),
          jax.ShapeDtypeStruct((1, HID_DIM), jnp.float32),
          jax.ShapeDtypeStruct((IN_DIM, OUT_DIM), jnp.float32),
          jax.ShapeDtypeStruct((1, OUT_DIM), jnp.float32),
          jax.ShapeDtypeStruct((HID_DIM, OUT_DIM), jnp.float32),
          jax.ShapeDtypeStruct((1, OUT_DIM), jnp.float32),
          jax.ShapeDtypeStruct((1, 1), jnp.float32),
      ],
  )(c0_w_mu, c0_w_rho, c0_w_eps, c0_b_mu, c0_b_rho, c0_b_eps,
    c1_w_mu, c1_w_rho, c1_b_mu, c1_b_rho,
    p0_w_mu, p0_w_rho, p0_w_eps, p0_b_mu, p0_b_rho, p0_b_eps,
    p1_w_mu, p1_w_rho, p1_w_eps, p1_b_mu, p1_b_rho, p1_b_eps)


_FIN_BLK = 2000
_FIN_GRID = N_NODES // _FIN_BLK


def _final_pallas(part, ncold, w0, b0, wp0, bp0, wp1, bp1, xsum):
  def body(p_ref, nd_ref, w0_ref, b0_ref, wp0_ref, bp0_ref, wp1_ref, bp1_ref,
           xsum_ref, out_ref, hsum_scr):
    i = pl.program_id(0)
    aggn = (p_ref[0] + p_ref[1]) * nd_ref[...]
    h = jnp.dot(aggn, w0_ref[...], preferred_element_type=jnp.float32)
    h = jnp.maximum(h + b0_ref[...], 0.0)

    @pl.when(i == 0)
    def _():
      hsum_scr[...] = jnp.zeros_like(hsum_scr)

    hsum_scr[...] += jnp.sum(h, axis=0, keepdims=True)

    @pl.when(i == _FIN_GRID - 1)
    def _():
      xm = xsum_ref[...] * (1.0 / N_NODES)
      hm = hsum_scr[...] * (1.0 / N_NODES)
      p0v = jnp.dot(xm, wp0_ref[...],
                    preferred_element_type=jnp.float32) + bp0_ref[...]
      p1v = jnp.dot(hm, wp1_ref[...],
                    preferred_element_type=jnp.float32) + bp1_ref[...]
      out_ref[...] = 0.5 * (p0v + p1v)

  return pl.pallas_call(
      body,
      grid=(_FIN_GRID,),
      in_specs=[
          pl.BlockSpec((2, _FIN_BLK, IN_DIM), lambda i: (0, i, 0)),
          pl.BlockSpec((_FIN_BLK, 1), lambda i: (i, 0)),
          pl.BlockSpec((IN_DIM, HID_DIM), lambda i: (0, 0)),
          pl.BlockSpec((1, HID_DIM), lambda i: (0, 0)),
          pl.BlockSpec((IN_DIM, OUT_DIM), lambda i: (0, 0)),
          pl.BlockSpec((1, OUT_DIM), lambda i: (0, 0)),
          pl.BlockSpec((HID_DIM, OUT_DIM), lambda i: (0, 0)),
          pl.BlockSpec((1, OUT_DIM), lambda i: (0, 0)),
          pl.BlockSpec((1, IN_DIM), lambda i: (0, 0)),
      ],
      out_specs=pl.BlockSpec((1, OUT_DIM), lambda i: (0, 0)),
      out_shape=jax.ShapeDtypeStruct((1, OUT_DIM), jnp.float32),
      scratch_shapes=[pltpu.VMEM((1, HID_DIM), jnp.float32)],
  )(part, ncold, w0, b0, wp0, bp0, wp1, bp1, xsum)


def kernel(x, edge_index,
           c0_w_mu, c0_w_rho, c0_w_eps, c0_b_mu, c0_b_rho, c0_b_eps,
           c1_w_mu, c1_w_rho, c1_w_eps, c1_b_mu, c1_b_rho, c1_b_eps,
           p0_w_mu, p0_w_rho, p0_w_eps, p0_b_mu, p0_b_rho, p0_b_eps,
           p1_w_mu, p1_w_rho, p1_w_eps, p1_b_mu, p1_b_rho, p1_b_eps):
  pad = jnp.full((E_PAD - N_EDGES,), N_NODES, jnp.int32)
  src2 = jnp.concatenate([edge_index[0], pad]).reshape(NROWS_ALLOC, CHUNK)
  dst2 = jnp.concatenate([edge_index[1], pad]).reshape(NROWS_ALLOC, CHUNK)
  xp3 = jnp.pad(x, ((0, NPAD - N_NODES), (0, 0))).reshape(DROWS, 128, IN_DIM)
  ident = jnp.eye(128, dtype=jnp.float32)
  zrows = jnp.zeros((120, IN_DIM), jnp.float32)

  degs_p, degd_p = _deg_pallas(src2, dst2)
  hh3, xsum, ncold3 = _prep_pallas(xp3, degs_p, degd_p, ident)
  hh = hh3.reshape(NPAD, IN_DIM)
  ncold = ncold3.reshape(NPAD, 1)
  w0, b0, wp0, bp0, wp1, bp1, kl2 = _weights_pallas(
      c0_w_mu, c0_w_rho, c0_w_eps,
      c0_b_mu.reshape(1, HID_DIM), c0_b_rho.reshape(1, HID_DIM),
      c0_b_eps.reshape(1, HID_DIM),
      c1_w_mu, c1_w_rho,
      c1_b_mu.reshape(1, HID_DIM), c1_b_rho.reshape(1, HID_DIM),
      p0_w_mu, p0_w_rho, p0_w_eps,
      p0_b_mu.reshape(1, OUT_DIM), p0_b_rho.reshape(1, OUT_DIM),
      p0_b_eps.reshape(1, OUT_DIM),
      p1_w_mu, p1_w_rho, p1_w_eps,
      p1_b_mu.reshape(1, OUT_DIM), p1_b_rho.reshape(1, OUT_DIM),
      p1_b_eps.reshape(1, OUT_DIM))
  part = _agg_pallas(src2, dst2, hh, zrows)
  out = _final_pallas(part, ncold, w0, b0, wp0, bp0, wp1, bp1, xsum)
  return (out, kl2[0, 0])

# --- scband reference (transcript-rebuilt; emitter-appended) ---
"""Pipeline reference for scband-bgcn-20598663152187 (READ-ONLY COPY).

The authoritative reference and input builder live on the scoring server;
editing this copy changes nothing except your own understanding.
"""

import jax, jax.numpy as jnp
import numpy as np

N_NODES = 10000
N_EDGES = 320000
IN_DIM = 128
HID_DIM = 128
OUT_DIM = 64
PRIOR_MU = 0.0
PRIOR_SIGMA = 0.1


def _kl_term(mu, sigma):
    return jnp.sum(jnp.log(PRIOR_SIGMA / sigma) + (sigma ** 2 + (mu - PRIOR_MU) ** 2) / (2.0 * PRIOR_SIGMA ** 2) - 0.5)


def _bbb_apply(h, wmu, wrho, weps, bmu, brho, beps):
    # Bayes-by-backprop linear: sample W, b via reparameterization with fixed eps
    wsig = jnp.log1p(jnp.exp(wrho))
    bsig = jnp.log1p(jnp.exp(brho))
    W = wmu + wsig * weps
    b = bmu + bsig * beps
    out = h @ W + b
    kl = _kl_term(wmu, wsig) + _kl_term(bmu, bsig)
    return out, kl


def _make_bbb_params(key, fan_in, fan_out, prefix, inp):
    k1, k2, k3, k4, k5, k6 = jax.random.split(key, 6)
    inp[prefix + 'w_mu'] = jax.random.normal(k1, (fan_in, fan_out), jnp.float32) * 0.05
    inp[prefix + 'w_rho'] = -3.0 + 0.1 * jax.random.normal(k2, (fan_in, fan_out), jnp.float32)
    inp[prefix + 'w_eps'] = jax.random.normal(k3, (fan_in, fan_out), jnp.float32)
    inp[prefix + 'b_mu'] = jax.random.normal(k4, (fan_out,), jnp.float32) * 0.05
    inp[prefix + 'b_rho'] = -3.0 + 0.1 * jax.random.normal(k5, (fan_out,), jnp.float32)
    inp[prefix + 'b_eps'] = jax.random.normal(k6, (fan_out,), jnp.float32)


def setup_inputs(seed: int = 0):
    key = jax.random.key(seed)
    ks = jax.random.split(key, 8)
    inp = {}
    inp['x'] = jax.random.normal(ks[0], (N_NODES, IN_DIM), jnp.float32)
    inp['edge_index'] = jax.random.randint(ks[1], (2, N_EDGES), 0, N_NODES, dtype=jnp.int32)
    _make_bbb_params(ks[2], IN_DIM, HID_DIM, 'c0_', inp)   # BBBGraphConv 0
    _make_bbb_params(ks[3], HID_DIM, HID_DIM, 'c1_', inp)  # BBBGraphConv 1
    _make_bbb_params(ks[4], IN_DIM, OUT_DIM, 'p0_', inp)   # prediction BBBLinear 0
    _make_bbb_params(ks[5], HID_DIM, OUT_DIM, 'p1_', inp)  # prediction BBBLinear 1
    return inp


def reference(x, edge_index,
              c0_w_mu, c0_w_rho, c0_w_eps, c0_b_mu, c0_b_rho, c0_b_eps,
              c1_w_mu, c1_w_rho, c1_w_eps, c1_b_mu, c1_b_rho, c1_b_eps,
              p0_w_mu, p0_w_rho, p0_w_eps, p0_b_mu, p0_b_rho, p0_b_eps,
              p1_w_mu, p1_w_rho, p1_w_eps, p1_b_mu, p1_b_rho, p1_b_eps):
    src = edge_index[0]
    dst = edge_index[1]
    ones = jnp.ones((src.shape[0],), jnp.float32)
    deg_out = jax.ops.segment_sum(ones, src, num_segments=N_NODES)
    deg_in = jax.ops.segment_sum(ones, dst, num_segments=N_NODES)
    norm_src = jax.lax.rsqrt(jnp.maximum(deg_out, 1.0))
    norm_dst = jax.lax.rsqrt(jnp.maximum(deg_in, 1.0))

    def conv(h, wmu, wrho, weps, bmu, brho, beps):
        # DGL GraphConv with symmetric normalization + Bayesian linear + relu
        hh = h * norm_src[:, None]
        msg = jnp.take(hh, src, axis=0)
        agg = jax.ops.segment_sum(msg, dst, num_segments=N_NODES)
        agg = agg * norm_dst[:, None]
        out, kl = _bbb_apply(agg, wmu, wrho, weps, bmu, brho, beps)
        return jax.nn.relu(out), kl

    # layer 0 (dropout skipped: eval mode identity)
    p0, _ = _bbb_apply(x, p0_w_mu, p0_w_rho, p0_w_eps, p0_b_mu, p0_b_rho, p0_b_eps)
    h, kl0 = conv(x, c0_w_mu, c0_w_rho, c0_w_eps, c0_b_mu, c0_b_rho, c0_b_eps)
    # layer 1
    p1, _ = _bbb_apply(h, p1_w_mu, p1_w_rho, p1_w_eps, p1_b_mu, p1_b_rho, p1_b_eps)
    h, kl1 = conv(h, c1_w_mu, c1_w_rho, c1_w_eps, c1_b_mu, c1_b_rho, c1_b_eps)
    kl = kl0 + kl1  # original only accumulates conv-layer KL
    hm = (p0 + p1) * 0.5  # torch.stack(h_list).mean(0)
    out = jnp.mean(hm, axis=0, keepdims=True)  # dgl.mean_nodes (single graph)
    return (out, kl)

if __name__ == "__main__":
    import jax
    _d = setup_inputs()
    print(jax.jit(kernel)(*tuple(_d.values())))

</pallas_src>

<mosaic_0001>
#map = affine_map<(d0, d1) -> (0, 0)>
#map1 = affine_map<(d0, d1) -> (0, 0, 0)>
module attributes {stable_mosaic.version = 14 : i64} {
  func.func @deg_kernel(%arg0: i32, %arg1: i32, %arg2: memref<2608x128xi32, #tpu.memory_space<hbm>>, %arg3: memref<2608x128xi32, #tpu.memory_space<hbm>>, %arg4: memref<32x79x128xf32, #tpu.memory_space<hbm>>, %arg5: memref<32x79x128xf32, #tpu.memory_space<hbm>>, %arg6: memref<128x128xi32, #tpu.memory_space<vmem>>, %arg7: memref<128x128xi32, #tpu.memory_space<vmem>>, %arg8: memref<79x128xf32, #tpu.memory_space<vmem>>, %arg9: memref<79x128xf32, #tpu.memory_space<vmem>>) attributes {dimension_semantics = [#tpu.dimension_semantics<core_parallel>, #tpu.dimension_semantics<subcore_parallel>], iteration_bounds = array<i64: 2, 16>, scalar_prefetch = 0 : i64, scratch_operands = 4 : i64, tpu.core_type = #tpu.core_type<sc_vector_subcore>, window_params = [{transform_indices = #map}, {transform_indices = #map}, {transform_indices = #map1}, {transform_indices = #map1}]} {
    %mul3A = arith.constant 16 : i32
    %mul3A_0 = arith.muli %arg0, %mul3A : i32
    %add3A = arith.addi %mul3A_0, %arg1 : i32
    %eq3A = arith.constant 0 : i32
    %eq3A_1 = arith.cmpi eq, %arg0, %eq3A : i32
    %jit3A = arith.constant 128 : i32
    %jit3A_2 = arith.constant 32 : i32
    %select_n3A = arith.select %eq3A_1, %jit3A, %jit3A_2 : i32
    %eq3A_3 = arith.constant 0 : i32
    %eq3A_4 = arith.cmpi eq, %arg0, %eq3A_3 : i32
    %mul3A_5 = arith.constant 128 : i32
    %mul3A_6 = arith.muli %arg1, %mul3A_5 : i32
    %mul3A_7 = arith.constant 32 : i32
    %mul3A_8 = arith.muli %arg1, %mul3A_7 : i32
    %add3A_9 = arith.constant 2048 : i32
    %add3A_10 = arith.addi %add3A_9, %mul3A_8 : i32
    %select_n3A_11 = arith.select %eq3A_4, %mul3A_6, %add3A_10 : i32
    %multiple_of3A = tpu.assume_multiple %select_n3A_11, 8 : i32
    %broadcast_in_dim3A = arith.constant 0.000000e+00 : f32
    %broadcast_in_dim3A_12 = vector.broadcast %broadcast_in_dim3A : f32 to vector<16xf32>
    %scan3A = arith.constant 0 : i32
    %scan3A_13 = arith.constant 79 : i32
    %scan3A_14 = arith.addi %scan3A, %scan3A_13 : i32
    %scan3A_15 = arith.constant 1 : i32
    scf.for %scan3A_35 = %scan3A to %scan3A_14 step %scan3A_15  : i32 {
      %mul3A_36 = arith.constant 1 : i32
      %mul3A_37 = arith.muli %scan3A_35, %mul3A_36 : i32
      %add3A_38 = arith.constant 0 : i32
      %add3A_39 = arith.addi %add3A_38, %mul3A_37 : i32
      %scan3A_40 = arith.constant 0 : i32
      %scan3A_41 = arith.constant 8 : i32
      %scan3A_42 = arith.addi %scan3A_40, %scan3A_41 : i32
      %scan3A_43 = arith.constant 1 : i32
      scf.for %scan3A_45 = %scan3A_40 to %scan3A_42 step %scan3A_43  : i32 {
        %mul3A_46 = arith.constant 16 : i32
        %mul3A_47 = arith.muli %scan3A_45, %mul3A_46 : i32
        %add3A_48 = arith.constant 0 : i32
        %add3A_49 = arith.addi %add3A_48, %mul3A_47 : i32
        %swap3A = arith.index_cast %add3A_39 : i32 to index
        %swap3A_50 = arith.index_cast %add3A_49 : i32 to index
        %swap3A_51 = tpu.vector_load %arg8[%swap3A, %swap3A_50] {strides = array<i32>} : memref<79x128xf32, #tpu.memory_space<vmem>>, vector<16xf32>,
        tpu.vector_store %arg8[%swap3A, %swap3A_50], %broadcast_in_dim3A_12 {strides = array<i32>} : memref<79x128xf32, #tpu.memory_space<vmem>>, vector<16xf32>,
        %swap3A_52 = arith.index_cast %add3A_39 : i32 to index
        %swap3A_53 = arith.index_cast %add3A_49 : i32 to index
        %swap3A_54 = tpu.vector_load %arg9[%swap3A_52, %swap3A_53] {strides = array<i32>} : memref<79x128xf32, #tpu.memory_space<vmem>>, vector<16xf32>,
        tpu.vector_store %arg9[%swap3A_52, %swap3A_53], %broadcast_in_dim3A_12 {strides = array<i32>} : memref<79x128xf32, #tpu.memory_space<vmem>>, vector<16xf32>,
      }
      %scan3A_44 = arith.constant 8 : i32
    }
    %scan3A_16 = arith.constant 79 : i32
    "tpu.region"() ({
      %run_scoped3A = tpu.sem_alloc : memref<!tpu.dma_semaphore, #tpu.memory_space<semaphore_mem>>
      %dma_start3A = arith.constant 0 : i32
      %dma_start3A_35 = tpu.memref_slice %arg2[%multiple_of3A, %dma_start3A] : memref<2608x128xi32, #tpu.memory_space<hbm>> -> memref<128x128xi32, #tpu.memory_space<hbm>>
      %dma_start3A_36 = arith.constant 0 : i32
      %dma_start3A_37 = tpu.memref_slice %arg2[%multiple_of3A, %dma_start3A_36] : memref<2608x128xi32, #tpu.memory_space<hbm>> -> memref<128x128xi32, #tpu.memory_space<hbm>>
      tpu.enqueue_dma source(%dma_start3A_37 : memref<128x128xi32, #tpu.memory_space<hbm>>) target(%arg6 : memref<128x128xi32, #tpu.memory_space<vmem>>) target_semaphore(%run_scoped3A : memref<!tpu.dma_semaphore, #tpu.memory_space<semaphore_mem>>)
      %dma_wait3A = arith.constant 0 : i32
      %dma_wait3A_38 = tpu.memref_slice %arg2[%multiple_of3A, %dma_wait3A] : memref<2608x128xi32, #tpu.memory_space<hbm>> -> memref<128x128xi32, #tpu.memory_space<hbm>>
      %dma_wait3A_39 = arith.constant 0 : i32
      %dma_wait3A_40 = tpu.memref_slice %arg2[%multiple_of3A, %dma_wait3A_39] : memref<2608x128xi32, #tpu.memory_space<hbm>> -> memref<128x128xi32, #tpu.memory_space<hbm>>
      tpu.wait_dma2 semaphore(%run_scoped3A : memref<!tpu.dma_semaphore, #tpu.memory_space<semaphore_mem>>) src(%dma_wait3A_40 : memref<128x128xi32, #tpu.memory_space<hbm>>) dst(%arg6 : memref<128x128xi32, #tpu.memory_space<vmem>>)
      tpu.yield
    }) : () -> ()
    "tpu.region"() ({
      %run_scoped3A = tpu.sem_alloc : memref<!tpu.dma_semaphore, #tpu.memory_space<semaphore_mem>>
      %dma_start3A = arith.constant 0 : i32
      %dma_start3A_35 = tpu.memref_slice %arg3[%multiple_of3A, %dma_start3A] : memref<2608x128xi32, #tpu.memory_space<hbm>> -> memref<128x128xi32, #tpu.memory_space<hbm>>
      %dma_start3A_36 = arith.constant 0 : i32
      %dma_start3A_37 = tpu.memref_slice %arg3[%multiple_of3A, %dma_start3A_36] : memref<2608x128xi32, #tpu.memory_space<hbm>> -> memref<128x128xi32, #tpu.memory_space<hbm>>
      tpu.enqueue_dma source(%dma_start3A_37 : memref<128x128xi32, #tpu.memory_space<hbm>>) target(%arg7 : memref<128x128xi32, #tpu.memory_space<vmem>>) target_semaphore(%run_scoped3A : memref<!tpu.dma_semaphore, #tpu.memory_space<semaphore_mem>>)
      %dma_wait3A = arith.constant 0 : i32
      %dma_wait3A_38 = tpu.memref_slice %arg3[%multiple_of3A, %dma_wait3A] : memref<2608x128xi32, #tpu.memory_space<hbm>> -> memref<128x128xi32, #tpu.memory_space<hbm>>
      %dma_wait3A_39 = arith.constant 0 : i32
      %dma_wait3A_40 = tpu.memref_slice %arg3[%multiple_of3A, %dma_wait3A_39] : memref<2608x128xi32, #tpu.memory_space<hbm>> -> memref<128x128xi32, #tpu.memory_space<hbm>>
      tpu.wait_dma2 semaphore(%run_scoped3A : memref<!tpu.dma_semaphore, #tpu.memory_space<semaphore_mem>>) src(%dma_wait3A_40 : memref<128x128xi32, #tpu.memory_space<hbm>>) dst(%arg7 : memref<128x128xi32, #tpu.memory_space<vmem>>)
      tpu.yield
    }) : () -> ()
    %broadcast_in_dim3A_17 = arith.constant 1.000000e+00 : f32
    %broadcast_in_dim3A_18 = vector.broadcast %broadcast_in_dim3A_17 : f32 to vector<16xf32>
    %sub3A = arith.constant 0 : i32
    %sub3A_19 = arith.subi %select_n3A, %sub3A : i32
    %sub3A_20 = arith.constant 1 : i32
    %sub3A_21 = arith.constant 1 : i32
    %sub3A_22 = arith.subi %sub3A_20, %sub3A_21 : i32
    %add3A_23 = arith.addi %sub3A_19, %sub3A_22 : i32
    %div3A = arith.constant 1 : i32
    %div3A_24 = arith.divsi %add3A_23, %div3A : i32
    %while3A = arith.constant 1 : i32
    %while3A_25 = arith.constant 0 : i32
    %while3A_26 = arith.constant 0 : i32
    %while3A_27 = arith.subi %div3A_24, %while3A_26 : i32
    %while3A_28 = arith.addi %while3A_26, %while3A_27 : i32
    %while3A_29 = arith.constant 1 : i32
    %while3A_30 = arith.divsi %while3A_27, %while3A_29 : i32
    %while3A_31 = arith.muli %while3A_30, %while3A_29 : i32
    %while3A_32 = arith.addi %while3A_26, %while3A_31 : i32
    %while3A_33 = arith.constant 1 : i32
    scf.for %while3A_35 = %while3A_26 to %while3A_32 step %while3A_33  : i32 {
      %mul3A_36 = arith.muli %while3A_35, %while3A : i32
      %add3A_37 = arith.addi %while3A_25, %mul3A_36 : i32
      %scan3A_38 = arith.constant 0 : i32
      %scan3A_39 = arith.constant 8 : i32
      %scan3A_40 = arith.addi %scan3A_38, %scan3A_39 : i32
      %scan3A_41 = arith.constant 1 : i32
      scf.for %scan3A_43 = %scan3A_38 to %scan3A_40 step %scan3A_41  : i32 {
        %mul3A_44 = arith.constant 16 : i32
        %mul3A_45 = arith.muli %scan3A_43, %mul3A_44 : i32
        %add3A_46 = arith.constant 0 : i32
        %add3A_47 = arith.addi %add3A_46, %mul3A_45 : i32
        %get3A = arith.index_cast %add3A_37 : i32 to index
        %get3A_48 = arith.index_cast %add3A_47 : i32 to index
        %get3A_49 = tpu.vector_load %arg6[%get3A, %get3A_48] {strides = array<i32>} : memref<128x128xi32, #tpu.memory_space<vmem>>, vector<16xi32>,
        %shift_right_arithmetic3A = arith.constant 7 : i32
        %shift_right_arithmetic3A_50 = vector.broadcast %shift_right_arithmetic3A : i32 to vector<16xi32>
        %shift_right_arithmetic3A_51 = arith.shrsi %get3A_49, %shift_right_arithmetic3A_50 : vector<16xi32>
        %and3A = arith.constant 127 : i32
        %and3A_52 = vector.broadcast %and3A : i32 to vector<16xi32>
        %and3A_53 = arith.andi %get3A_49, %and3A_52 : vector<16xi32>
        tpu.vector_store_idx %arg8[%shift_right_arithmetic3A_51, %and3A_53], %broadcast_in_dim3A_18 {add = true} : memref<79x128xf32, #tpu.memory_space<vmem>>[vector<16xi32>, vector<16xi32>], vector<16xf32>,
        %get3A_54 = arith.index_cast %add3A_37 : i32 to index
        %get3A_55 = arith.index_cast %add3A_47 : i32 to index
        %get3A_56 = tpu.vector_load %arg7[%get3A_54, %get3A_55] {strides = array<i32>} : memref<128x128xi32, #tpu.memory_space<vmem>>, vector<16xi32>,
        %shift_right_arithmetic3A_57 = arith.constant 7 : i32
        %shift_right_arithmetic3A_58 = vector.broadcast %shift_right_arithmetic3A_57 : i32 to vector<16xi32>
        %shift_right_arithmetic3A_59 = arith.shrsi %get3A_56, %shift_right_arithmetic3A_58 : vector<16xi32>
        %and3A_60 = arith.constant 127 : i32
        %and3A_61 = vector.broadcast %and3A_60 : i32 to vector<16xi32>
        %and3A_62 = arith.andi %get3A_56, %and3A_61 : vector<16xi32>
        tpu.vector_store_idx %arg9[%shift_right_arithmetic3A_59, %and3A_62], %broadcast_in_dim3A_18 {add = true} : memref<79x128xf32, #tpu.memory_space<vmem>>[vector<16xi32>, vector<16xi32>], vector<16xf32>,
      }
      %scan3A_42 = arith.constant 8 : i32
    }
    %while3A_34 = arith.constant 1 : i32
    scf.for %while3A_35 = %while3A_32 to %while3A_28 step %while3A_34  : i32 {
      %mul3A_36 = arith.muli %while3A_35, %while3A : i32
      %add3A_37 = arith.addi %while3A_25, %mul3A_36 : i32
      %scan3A_38 = arith.constant 0 : i32
      %scan3A_39 = arith.constant 8 : i32
      %scan3A_40 = arith.addi %scan3A_38, %scan3A_39 : i32
      %scan3A_41 = arith.constant 1 : i32
      scf.for %scan3A_43 = %scan3A_38 to %scan3A_40 step %scan3A_41  : i32 {
        %mul3A_44 = arith.constant 16 : i32
        %mul3A_45 = arith.muli %scan3A_43, %mul3A_44 : i32
        %add3A_46 = arith.constant 0 : i32
        %add3A_47 = arith.addi %add3A_46, %mul3A_45 : i32
        %get3A = arith.index_cast %add3A_37 : i32 to index
        %get3A_48 = arith.index_cast %add3A_47 : i32 to index
        %get3A_49 = tpu.vector_load %arg6[%get3A, %get3A_48] {strides = array<i32>} : memref<128x128xi32, #tpu.memory_space<vmem>>, vector<16xi32>,
        %shift_right_arithmetic3A = arith.constant 7 : i32
        %shift_right_arithmetic3A_50 = vector.broadcast %shift_right_arithmetic3A : i32 to vector<16xi32>
        %shift_right_arithmetic3A_51 = arith.shrsi %get3A_49, %shift_right_arithmetic3A_50 : vector<16xi32>
        %and3A = arith.constant 127 : i32
        %and3A_52 = vector.broadcast %and3A : i32 to vector<16xi32>
        %and3A_53 = arith.andi %get3A_49, %and3A_52 : vector<16xi32>
        tpu.vector_store_idx %arg8[%shift_right_arithmetic3A_51, %and3A_53], %broadcast_in_dim3A_18 {add = true} : memref<79x128xf32, #tpu.memory_space<vmem>>[vector<16xi32>, vector<16xi32>], vector<16xf32>,
        %get3A_54 = arith.index_cast %add3A_37 : i32 to index
        %get3A_55 = arith.index_cast %add3A_47 : i32 to index
        %get3A_56 = tpu.vector_load %arg7[%get3A_54, %get3A_55] {strides = array<i32>} : memref<128x128xi32, #tpu.memory_space<vmem>>, vector<16xi32>,
        %shift_right_arithmetic3A_57 = arith.constant 7 : i32
        %shift_right_arithmetic3A_58 = vector.broadcast %shift_right_arithmetic3A_57 : i32 to vector<16xi32>
        %shift_right_arithmetic3A_59 = arith.shrsi %get3A_56, %shift_right_arithmetic3A_58 : vector<16xi32>
        %and3A_60 = arith.constant 127 : i32
        %and3A_61 = vector.broadcast %and3A_60 : i32 to vector<16xi32>
        %and3A_62 = arith.andi %get3A_56, %and3A_61 : vector<16xi32>
        tpu.vector_store_idx %arg9[%shift_right_arithmetic3A_59, %and3A_62], %broadcast_in_dim3A_18 {add = true} : memref<79x128xf32, #tpu.memory_space<vmem>>[vector<16xi32>, vector<16xi32>], vector<16xf32>,
      }
      %scan3A_42 = arith.constant 8 : i32
    }
    "tpu.region"() ({
      %run_scoped3A = tpu.sem_alloc : memref<!tpu.dma_semaphore, #tpu.memory_space<semaphore_mem>>
      %dma_start3A = arith.constant 0 : i32
      %dma_start3A_35 = arith.constant 0 : i32
      %dma_start3A_36 = tpu.memref_slice %arg4[%add3A, %dma_start3A, %dma_start3A_35] : memref<32x79x128xf32, #tpu.memory_space<hbm>> -> memref<1x79x128xf32, #tpu.memory_space<hbm>>
      %dma_start3A_37 = tpu.memref_squeeze %dma_start3A_36 : memref<1x79x128xf32, #tpu.memory_space<hbm>> -> memref<79x128xf32, #tpu.memory_space<hbm>>
      %dma_start3A_38 = arith.constant 0 : i32
      %dma_start3A_39 = arith.constant 0 : i32
      %dma_start3A_40 = tpu.memref_slice %arg4[%add3A, %dma_start3A_38, %dma_start3A_39] : memref<32x79x128xf32, #tpu.memory_space<hbm>> -> memref<1x79x128xf32, #tpu.memory_space<hbm>>
      %dma_start3A_41 = tpu.memref_squeeze %dma_start3A_40 : memref<1x79x128xf32, #tpu.memory_space<hbm>> -> memref<79x128xf32, #tpu.memory_space<hbm>>
      tpu.enqueue_dma source(%arg8 : memref<79x128xf32, #tpu.memory_space<vmem>>) target(%dma_start3A_41 : memref<79x128xf32, #tpu.memory_space<hbm>>) target_semaphore(%run_scoped3A : memref<!tpu.dma_semaphore, #tpu.memory_space<semaphore_mem>>)
      %dma_wait3A = arith.constant 0 : i32
      %dma_wait3A_42 = arith.constant 0 : i32
      %dma_wait3A_43 = tpu.memref_slice %arg4[%add3A, %dma_wait3A, %dma_wait3A_42] : memref<32x79x128xf32, #tpu.memory_space<hbm>> -> memref<1x79x128xf32, #tpu.memory_space<hbm>>
      %dma_wait3A_44 = tpu.memref_squeeze %dma_wait3A_43 : memref<1x79x128xf32, #tpu.memory_space<hbm>> -> memref<79x128xf32, #tpu.memory_space<hbm>>
      %dma_wait3A_45 = arith.constant 0 : i32
      %dma_wait3A_46 = arith.constant 0 : i32
      %dma_wait3A_47 = tpu.memref_slice %arg4[%add3A, %dma_wait3A_45, %dma_wait3A_46] : memref<32x79x128xf32, #tpu.memory_space<hbm>> -> memref<1x79x128xf32, #tpu.memory_space<hbm>>
      %dma_wait3A_48 = tpu.memref_squeeze %dma_wait3A_47 : memref<1x79x128xf32, #tpu.memory_space<hbm>> -> memref<79x128xf32, #tpu.memory_space<hbm>>
      tpu.wait_dma2 semaphore(%run_scoped3A : memref<!tpu.dma_semaphore, #tpu.memory_space<semaphore_mem>>) src(%arg8 : memref<79x128xf32, #tpu.memory_space<vmem>>) dst(%dma_wait3A_48 : memref<79x128xf32, #tpu.memory_space<hbm>>)
      tpu.yield
    }) : () -> ()
    "tpu.region"() ({
      %run_scoped3A = tpu.sem_alloc : memref<!tpu.dma_semaphore, #tpu.memory_space<semaphore_mem>>
      %dma_start3A = arith.constant 0 : i32
      %dma_start3A_35 = arith.constant 0 : i32
      %dma_start3A_36 = tpu.memref_slice %arg5[%add3A, %dma_start3A, %dma_start3A_35] : memref<32x79x128xf32, #tpu.memory_space<hbm>> -> memref<1x79x128xf32, #tpu.memory_space<hbm>>
      %dma_start3A_37 = tpu.memref_squeeze %dma_start3A_36 : memref<1x79x128xf32, #tpu.memory_space<hbm>> -> memref<79x128xf32, #tpu.memory_space<hbm>>
      %dma_start3A_38 = arith.constant 0 : i32
      %dma_start3A_39 = arith.constant 0 : i32
      %dma_start3A_40 = tpu.memref_slice %arg5[%add3A, %dma_start3A_38, %dma_start3A_39] : memref<32x79x128xf32, #tpu.memory_space<hbm>> -> memref<1x79x128xf32, #tpu.memory_space<hbm>>
      %dma_start3A_41 = tpu.memref_squeeze %dma_start3A_40 : memref<1x79x128xf32, #tpu.memory_space<hbm>> -> memref<79x128xf32, #tpu.memory_space<hbm>>
      tpu.enqueue_dma source(%arg9 : memref<79x128xf32, #tpu.memory_space<vmem>>) target(%dma_start3A_41 : memref<79x128xf32, #tpu.memory_space<hbm>>) target_semaphore(%run_scoped3A : memref<!tpu.dma_semaphore, #tpu.memory_space<semaphore_mem>>)
      %dma_wait3A = arith.constant 0 : i32
      %dma_wait3A_42 = arith.constant 0 : i32
      %dma_wait3A_43 = tpu.memref_slice %arg5[%add3A, %dma_wait3A, %dma_wait3A_42] : memref<32x79x128xf32, #tpu.memory_space<hbm>> -> memref<1x79x128xf32, #tpu.memory_space<hbm>>
      %dma_wait3A_44 = tpu.memref_squeeze %dma_wait3A_43 : memref<1x79x128xf32, #tpu.memory_space<hbm>> -> memref<79x128xf32, #tpu.memory_space<hbm>>
      %dma_wait3A_45 = arith.constant 0 : i32
      %dma_wait3A_46 = arith.constant 0 : i32
      %dma_wait3A_47 = tpu.memref_slice %arg5[%add3A, %dma_wait3A_45, %dma_wait3A_46] : memref<32x79x128xf32, #tpu.memory_space<hbm>> -> memref<1x79x128xf32, #tpu.memory_space<hbm>>
      %dma_wait3A_48 = tpu.memref_squeeze %dma_wait3A_47 : memref<1x79x128xf32, #tpu.memory_space<hbm>> -> memref<79x128xf32, #tpu.memory_space<hbm>>
      tpu.wait_dma2 semaphore(%run_scoped3A : memref<!tpu.dma_semaphore, #tpu.memory_space<semaphore_mem>>) src(%arg9 : memref<79x128xf32, #tpu.memory_space<vmem>>) dst(%dma_wait3A_48 : memref<79x128xf32, #tpu.memory_space<hbm>>)
      tpu.yield
    }) : () -> ()
    return
  }
}

#map = affine_map<(d0, d1) -> (0, 0)>
#map1 = affine_map<(d0, d1) -> (0, 0, 0)>
module attributes {stable_mosaic.version = 14 : i64} {
  func.func @agg_kernel(%arg0: i32, %arg1: i32, %arg2: memref<2608x128xi32, #tpu.memory_space<hbm>>, %arg3: memref<2608x128xi32, #tpu.memory_space<hbm>>, %arg4: memref<10112x128xf32, #tpu.memory_space<hbm>>, %arg5: memref<120x128xf32, #tpu.memory_space<hbm>>, %arg6: memref<2x10112x128xf32, #tpu.memory_space<hbm>>, %arg7: memref<32x128xi32, #tpu.memory_space<vmem>>, %arg8: memref<32x128xi32, #tpu.memory_space<vmem>>, %arg9: memref<128x128xf32, #tpu.memory_space<vmem>>, %arg10: memref<128x128xf32, #tpu.memory_space<vmem>>, %arg11: memref<10112x128xf32, #tpu.memory_space<vmem_shared>>, %arg12: memref<!tpu.dma_semaphore, #tpu.memory_space<semaphore_mem>>, %arg13: memref<!tpu.dma_semaphore, #tpu.memory_space<semaphore_mem>>) attributes {dimension_semantics = [#tpu.dimension_semantics<core_parallel>, #tpu.dimension_semantics<subcore_parallel>], iteration_bounds = array<i64: 2, 16>, scalar_prefetch = 0 : i64, scratch_operands = 7 : i64, tpu.core_type = #tpu.core_type<sc_vector_subcore>, window_params = [{transform_indices = #map}, {transform_indices = #map}, {transform_indices = #map}, {transform_indices = #map}, {transform_indices = #map1}]} {
    %mul3A = arith.constant 632 : i32
    %mul3A_0 = arith.muli %arg1, %mul3A : i32
    %eq3A = arith.constant 0 : i32
    %eq3A_1 = arith.cmpi eq, %arg0, %eq3A : i32
    %jit3A = arith.constant 128 : i32
    %jit3A_2 = arith.constant 32 : i32
    %select_n3A = arith.select %eq3A_1, %jit3A, %jit3A_2 : i32
    %eq3A_3 = arith.constant 0 : i32
    %eq3A_4 = arith.cmpi eq, %arg0, %eq3A_3 : i32
    %mul3A_5 = arith.constant 128 : i32
    %mul3A_6 = arith.muli %arg1, %mul3A_5 : i32
    %mul3A_7 = arith.constant 32 : i32
    %mul3A_8 = arith.muli %arg1, %mul3A_7 : i32
    %add3A = arith.constant 2048 : i32
    %add3A_9 = arith.addi %add3A, %mul3A_8 : i32
    %select_n3A_10 = arith.select %eq3A_4, %mul3A_6, %add3A_9 : i32
    %add3A_11 = arith.constant 0 : i32
    %add3A_12 = arith.addi %mul3A_0, %add3A_11 : i32
    "tpu.region"() ({
      %run_scoped3A = tpu.sem_alloc : memref<!tpu.dma_semaphore, #tpu.memory_space<semaphore_mem>>
      %dma_start3A = arith.constant 0 : i32
      %dma_start3A_41 = tpu.memref_slice %arg11[%add3A_12, %dma_start3A] : memref<10112x128xf32, #tpu.memory_space<vmem_shared>> -> memref<120x128xf32, #tpu.memory_space<vmem_shared>>
      tpu.enqueue_dma source(%arg5 : memref<120x128xf32, #tpu.memory_space<hbm>>) target(%dma_start3A_41 : memref<120x128xf32, #tpu.memory_space<vmem_shared>>) target_semaphore(%run_scoped3A : memref<!tpu.dma_semaphore, #tpu.memory_space<semaphore_mem>>)
      %dma_wait3A = arith.constant 0 : i32
      %dma_wait3A_42 = tpu.memref_slice %arg11[%add3A_12, %dma_wait3A] : memref<10112x128xf32, #tpu.memory_space<vmem_shared>> -> memref<120x128xf32, #tpu.memory_space<vmem_shared>>
      tpu.wait_dma2 semaphore(%run_scoped3A : memref<!tpu.dma_semaphore, #tpu.memory_space<semaphore_mem>>) src(%arg5 : memref<120x128xf32, #tpu.memory_space<hbm>>) dst(%dma_wait3A_42 : memref<120x128xf32, #tpu.memory_space<vmem_shared>>)
      tpu.yield
    }) : () -> ()
    %add3A_13 = arith.constant 120 : i32
    %add3A_14 = arith.addi %mul3A_0, %add3A_13 : i32
    "tpu.region"() ({
      %run_scoped3A = tpu.sem_alloc : memref<!tpu.dma_semaphore, #tpu.memory_space<semaphore_mem>>
      %dma_start3A = arith.constant 0 : i32
      %dma_start3A_41 = tpu.memref_slice %arg11[%add3A_14, %dma_start3A] : memref<10112x128xf32, #tpu.memory_space<vmem_shared>> -> memref<120x128xf32, #tpu.memory_space<vmem_shared>>
      tpu.enqueue_dma source(%arg5 : memref<120x128xf32, #tpu.memory_space<hbm>>) target(%dma_start3A_41 : memref<120x128xf32, #tpu.memory_space<vmem_shared>>) target_semaphore(%run_scoped3A : memref<!tpu.dma_semaphore, #tpu.memory_space<semaphore_mem>>)
      %dma_wait3A = arith.constant 0 : i32
      %dma_wait3A_42 = tpu.memref_slice %arg11[%add3A_14, %dma_wait3A] : memref<10112x128xf32, #tpu.memory_space<vmem_shared>> -> memref<120x128xf32, #tpu.memory_space<vmem_shared>>
      tpu.wait_dma2 semaphore(%run_scoped3A : memref<!tpu.dma_semaphore, #tpu.memory_space<semaphore_mem>>) src(%arg5 : memref<120x128xf32, #tpu.memory_space<hbm>>) dst(%dma_wait3A_42 : memref<120x128xf32, #tpu.memory_space<vmem_shared>>)
      tpu.yield
    }) : () -> ()
    %add3A_15 = arith.constant 240 : i32
    %add3A_16 = arith.addi %mul3A_0, %add3A_15 : i32
    "tpu.region"() ({
      %run_scoped3A = tpu.sem_alloc : memref<!tpu.dma_semaphore, #tpu.memory_space<semaphore_mem>>
      %dma_start3A = arith.constant 0 : i32
      %dma_start3A_41 = tpu.memref_slice %arg11[%add3A_16, %dma_start3A] : memref<10112x128xf32, #tpu.memory_space<vmem_shared>> -> memref<120x128xf32, #tpu.memory_space<vmem_shared>>
      tpu.enqueue_dma source(%arg5 : memref<120x128xf32, #tpu.memory_space<hbm>>) target(%dma_start3A_41 : memref<120x128xf32, #tpu.memory_space<vmem_shared>>) target_semaphore(%run_scoped3A : memref<!tpu.dma_semaphore, #tpu.memory_space<semaphore_mem>>)
      %dma_wait3A = arith.constant 0 : i32
      %dma_wait3A_42 = tpu.memref_slice %arg11[%add3A_16, %dma_wait3A] : memref<10112x128xf32, #tpu.memory_space<vmem_shared>> -> memref<120x128xf32, #tpu.memory_space<vmem_shared>>
      tpu.wait_dma2 semaphore(%run_scoped3A : memref<!tpu.dma_semaphore, #tpu.memory_space<semaphore_mem>>) src(%arg5 : memref<120x128xf32, #tpu.memory_space<hbm>>) dst(%dma_wait3A_42 : memref<120x128xf32, #tpu.memory_space<vmem_shared>>)
      tpu.yield
    }) : () -> ()
    %add3A_17 = arith.constant 360 : i32
    %add3A_18 = arith.addi %mul3A_0, %add3A_17 : i32
    "tpu.region"() ({
      %run_scoped3A = tpu.sem_alloc : memref<!tpu.dma_semaphore, #tpu.memory_space<semaphore_mem>>
      %dma_start3A = arith.constant 0 : i32
      %dma_start3A_41 = tpu.memref_slice %arg11[%add3A_18, %dma_start3A] : memref<10112x128xf32, #tpu.memory_space<vmem_shared>> -> memref<120x128xf32, #tpu.memory_space<vmem_shared>>
      tpu.enqueue_dma source(%arg5 : memref<120x128xf32, #tpu.memory_space<hbm>>) target(%dma_start3A_41 : memref<120x128xf32, #tpu.memory_space<vmem_shared>>) target_semaphore(%run_scoped3A : memref<!tpu.dma_semaphore, #tpu.memory_space<semaphore_mem>>)
      %dma_wait3A = arith.constant 0 : i32
      %dma_wait3A_42 = tpu.memref_slice %arg11[%add3A_18, %dma_wait3A] : memref<10112x128xf32, #tpu.memory_space<vmem_shared>> -> memref<120x128xf32, #tpu.memory_space<vmem_shared>>
      tpu.wait_dma2 semaphore(%run_scoped3A : memref<!tpu.dma_semaphore, #tpu.memory_space<semaphore_mem>>) src(%arg5 : memref<120x128xf32, #tpu.memory_space<hbm>>) dst(%dma_wait3A_42 : memref<120x128xf32, #tpu.memory_space<vmem_shared>>)
      tpu.yield
    }) : () -> ()
    %add3A_19 = arith.constant 480 : i32
    %add3A_20 = arith.addi %mul3A_0, %add3A_19 : i32
    "tpu.region"() ({
      %run_scoped3A = tpu.sem_alloc : memref<!tpu.dma_semaphore, #tpu.memory_space<semaphore_mem>>
      %dma_start3A = arith.constant 0 : i32
      %dma_start3A_41 = tpu.memref_slice %arg11[%add3A_20, %dma_start3A] : memref<10112x128xf32, #tpu.memory_space<vmem_shared>> -> memref<120x128xf32, #tpu.memory_space<vmem_shared>>
      tpu.enqueue_dma source(%arg5 : memref<120x128xf32, #tpu.memory_space<hbm>>) target(%dma_start3A_41 : memref<120x128xf32, #tpu.memory_space<vmem_shared>>) target_semaphore(%run_scoped3A : memref<!tpu.dma_semaphore, #tpu.memory_space<semaphore_mem>>)
      %dma_wait3A = arith.constant 0 : i32
      %dma_wait3A_42 = tpu.memref_slice %arg11[%add3A_20, %dma_wait3A] : memref<10112x128xf32, #tpu.memory_space<vmem_shared>> -> memref<120x128xf32, #tpu.memory_space<vmem_shared>>
      tpu.wait_dma2 semaphore(%run_scoped3A : memref<!tpu.dma_semaphore, #tpu.memory_space<semaphore_mem>>) src(%arg5 : memref<120x128xf32, #tpu.memory_space<hbm>>) dst(%dma_wait3A_42 : memref<120x128xf32, #tpu.memory_space<vmem_shared>>)
      tpu.yield
    }) : () -> ()
    %add3A_21 = arith.constant 600 : i32
    %add3A_22 = arith.addi %mul3A_0, %add3A_21 : i32
    "tpu.region"() ({
      %run_scoped3A = tpu.sem_alloc : memref<!tpu.dma_semaphore, #tpu.memory_space<semaphore_mem>>
      %dma_start3A = arith.constant 0 : i32
      %dma_start3A_41 = tpu.memref_slice %arg11[%add3A_22, %dma_start3A] : memref<10112x128xf32, #tpu.memory_space<vmem_shared>> -> memref<32x128xf32, #tpu.memory_space<vmem_shared>>
      %dma_start3A_42 = arith.constant 0 : i32
      %dma_start3A_43 = arith.constant 0 : i32
      %dma_start3A_44 = tpu.memref_slice %arg5[%dma_start3A_42, %dma_start3A_43] : memref<120x128xf32, #tpu.memory_space<hbm>> -> memref<32x128xf32, #tpu.memory_space<hbm>>
      tpu.enqueue_dma source(%dma_start3A_44 : memref<32x128xf32, #tpu.memory_space<hbm>>) target(%dma_start3A_41 : memref<32x128xf32, #tpu.memory_space<vmem_shared>>) target_semaphore(%run_scoped3A : memref<!tpu.dma_semaphore, #tpu.memory_space<semaphore_mem>>)
      %dma_wait3A = arith.constant 0 : i32
      %dma_wait3A_45 = tpu.memref_slice %arg11[%add3A_22, %dma_wait3A] : memref<10112x128xf32, #tpu.memory_space<vmem_shared>> -> memref<32x128xf32, #tpu.memory_space<vmem_shared>>
      %dma_wait3A_46 = arith.constant 0 : i32
      %dma_wait3A_47 = arith.constant 0 : i32
      %dma_wait3A_48 = tpu.memref_slice %arg5[%dma_wait3A_46, %dma_wait3A_47] : memref<120x128xf32, #tpu.memory_space<hbm>> -> memref<32x128xf32, #tpu.memory_space<hbm>>
      tpu.wait_dma2 semaphore(%run_scoped3A : memref<!tpu.dma_semaphore, #tpu.memory_space<semaphore_mem>>) src(%dma_wait3A_48 : memref<32x128xf32, #tpu.memory_space<hbm>>) dst(%dma_wait3A_45 : memref<32x128xf32, #tpu.memory_space<vmem_shared>>)
      tpu.yield
    }) : () -> ()
    %barrier3A = arith.constant 0 : index
    tpu.barrier barrier_id(%barrier3A)
    %gt3A = arith.constant 0 : i32
    %gt3A_23 = arith.cmpi sgt, %select_n3A, %gt3A : i32
    %convert_element_type3A = arith.extui %gt3A_23 : i1 to i32
    %cond3A = arith.constant 0 : i32
    %cond3A_24 = arith.cmpi ne, %convert_element_type3A, %cond3A : i32
    scf.if %cond3A_24 {
      %add3A_41 = arith.constant 0 : i32
      %add3A_42 = arith.addi %select_n3A_10, %add3A_41 : i32
      %multiple_of3A = tpu.assume_multiple %add3A_42, 8 : i32
      "tpu.region"() ({
        %run_scoped3A = tpu.sem_alloc : memref<!tpu.dma_semaphore, #tpu.memory_space<semaphore_mem>>
        %dma_start3A_53 = arith.constant 0 : i32
        %dma_start3A_54 = tpu.memref_slice %arg2[%multiple_of3A, %dma_start3A_53] : memref<2608x128xi32, #tpu.memory_space<hbm>> -> memref<32x128xi32, #tpu.memory_space<hbm>>
        %dma_start3A_55 = arith.constant 0 : i32
        %dma_start3A_56 = tpu.memref_slice %arg2[%multiple_of3A, %dma_start3A_55] : memref<2608x128xi32, #tpu.memory_space<hbm>> -> memref<32x128xi32, #tpu.memory_space<hbm>>
        tpu.enqueue_dma source(%dma_start3A_56 : memref<32x128xi32, #tpu.memory_space<hbm>>) target(%arg7 : memref<32x128xi32, #tpu.memory_space<vmem>>) target_semaphore(%run_scoped3A : memref<!tpu.dma_semaphore, #tpu.memory_space<semaphore_mem>>)
        %dma_wait3A = arith.constant 0 : i32
        %dma_wait3A_57 = tpu.memref_slice %arg2[%multiple_of3A, %dma_wait3A] : memref<2608x128xi32, #tpu.memory_space<hbm>> -> memref<32x128xi32, #tpu.memory_space<hbm>>
        %dma_wait3A_58 = arith.constant 0 : i32
        %dma_wait3A_59 = tpu.memref_slice %arg2[%multiple_of3A, %dma_wait3A_58] : memref<2608x128xi32, #tpu.memory_space<hbm>> -> memref<32x128xi32, #tpu.memory_space<hbm>>
        tpu.wait_dma2 semaphore(%run_scoped3A : memref<!tpu.dma_semaphore, #tpu.memory_space<semaphore_mem>>) src(%dma_wait3A_59 : memref<32x128xi32, #tpu.memory_space<hbm>>) dst(%arg7 : memref<32x128xi32, #tpu.memory_space<vmem>>)
        tpu.yield
      }) : () -> ()
      "tpu.region"() ({
        %run_scoped3A = tpu.sem_alloc : memref<!tpu.dma_semaphore, #tpu.memory_space<semaphore_mem>>
        %dma_start3A_53 = arith.constant 0 : i32
        %dma_start3A_54 = tpu.memref_slice %arg3[%multiple_of3A, %dma_start3A_53] : memref<2608x128xi32, #tpu.memory_space<hbm>> -> memref<32x128xi32, #tpu.memory_space<hbm>>
        %dma_start3A_55 = arith.constant 0 : i32
        %dma_start3A_56 = tpu.memref_slice %arg3[%multiple_of3A, %dma_start3A_55] : memref<2608x128xi32, #tpu.memory_space<hbm>> -> memref<32x128xi32, #tpu.memory_space<hbm>>
        tpu.enqueue_dma source(%dma_start3A_56 : memref<32x128xi32, #tpu.memory_space<hbm>>) target(%arg8 : memref<32x128xi32, #tpu.memory_space<vmem>>) target_semaphore(%run_scoped3A : memref<!tpu.dma_semaphore, #tpu.memory_space<semaphore_mem>>)
        %dma_wait3A = arith.constant 0 : i32
        %dma_wait3A_57 = tpu.memref_slice %arg3[%multiple_of3A, %dma_wait3A] : memref<2608x128xi32, #tpu.memory_space<hbm>> -> memref<32x128xi32, #tpu.memory_space<hbm>>
        %dma_wait3A_58 = arith.constant 0 : i32
        %dma_wait3A_59 = tpu.memref_slice %arg3[%multiple_of3A, %dma_wait3A_58] : memref<2608x128xi32, #tpu.memory_space<hbm>> -> memref<32x128xi32, #tpu.memory_space<hbm>>
        tpu.wait_dma2 semaphore(%run_scoped3A : memref<!tpu.dma_semaphore, #tpu.memory_space<semaphore_mem>>) src(%dma_wait3A_59 : memref<32x128xi32, #tpu.memory_space<hbm>>) dst(%arg8 : memref<32x128xi32, #tpu.memory_space<vmem>>)
        tpu.yield
      }) : () -> ()
      %dma_start3A = arith.constant 0 : i32
      %dma_start3A_43 = arith.constant 0 : i32
      %dma_start3A_44 = tpu.memref_slice %arg7[%dma_start3A, %dma_start3A_43] : memref<32x128xi32, #tpu.memory_space<vmem>> -> memref<1x128xi32, #tpu.memory_space<vmem>>
      %dma_start3A_45 = tpu.memref_squeeze %dma_start3A_44 : memref<1x128xi32, #tpu.memory_space<vmem>> -> memref<128xi32, #tpu.memory_space<vmem>>
      %dma_start3A_46 = arith.constant 0 : i32
      %dma_start3A_47 = arith.constant 0 : i32
      %dma_start3A_48 = tpu.memref_slice %arg4[%dma_start3A_46, %dma_start3A_47] : memref<10112x128xf32, #tpu.memory_space<hbm>> -> memref<10112x128xf32, #tpu.memory_space<hbm>>
      tpu.enqueue_indirect_dma source(%dma_start3A_48 : memref<10112x128xf32, #tpu.memory_space<hbm>>) target(%arg9 : memref<128x128xf32, #tpu.memory_space<vmem>>) offsets(%dma_start3A_45 : memref<128xi32, #tpu.memory_space<vmem>>) semaphore(%arg12 : memref<!tpu.dma_semaphore, #tpu.memory_space<semaphore_mem>>)
      %scan3A = arith.constant 0 : i32
      %scan3A_49 = arith.constant 16 : i32
      %scan3A_50 = arith.addi %scan3A, %scan3A_49 : i32
      %scan3A_51 = arith.constant 1 : i32
      scf.for %scan3A_53 = %scan3A to %scan3A_50 step %scan3A_51  : i32 {
        %mul3A_54 = arith.constant 2 : i32
        %mul3A_55 = arith.muli %scan3A_53, %mul3A_54 : i32
        %add3A_56 = arith.constant 0 : i32
        %add3A_57 = arith.addi %add3A_56, %mul3A_55 : i32
        %add3A_58 = arith.constant 1 : i32
        %add3A_59 = arith.addi %add3A_57, %add3A_58 : i32
        %dma_start3A_60 = arith.constant 0 : i32
        %dma_start3A_61 = tpu.memref_slice %arg7[%add3A_59, %dma_start3A_60] : memref<32x128xi32, #tpu.memory_space<vmem>> -> memref<1x128xi32, #tpu.memory_space<vmem>>
        %dma_start3A_62 = tpu.memref_squeeze %dma_start3A_61 : memref<1x128xi32, #tpu.memory_space<vmem>> -> memref<128xi32, #tpu.memory_space<vmem>>
        %dma_start3A_63 = arith.constant 0 : i32
        %dma_start3A_64 = arith.constant 0 : i32
        %dma_start3A_65 = tpu.memref_slice %arg4[%dma_start3A_63, %dma_start3A_64] : memref<10112x128xf32, #tpu.memory_space<hbm>> -> memref<10112x128xf32, #tpu.memory_space<hbm>>
        tpu.enqueue_indirect_dma source(%dma_start3A_65 : memref<10112x128xf32, #tpu.memory_space<hbm>>) target(%arg10 : memref<128x128xf32, #tpu.memory_space<vmem>>) offsets(%dma_start3A_62 : memref<128xi32, #tpu.memory_space<vmem>>) semaphore(%arg13 : memref<!tpu.dma_semaphore, #tpu.memory_space<semaphore_mem>>)
        %dma_wait3A = arith.constant 0 : i32
        %dma_wait3A_66 = tpu.memref_slice %arg7[%add3A_57, %dma_wait3A] : memref<32x128xi32, #tpu.memory_space<vmem>> -> memref<1x128xi32, #tpu.memory_space<vmem>>
        %dma_wait3A_67 = tpu.memref_squeeze %dma_wait3A_66 : memref<1x128xi32, #tpu.memory_space<vmem>> -> memref<128xi32, #tpu.memory_space<vmem>>
        %dma_wait3A_68 = arith.constant 0 : i32
        %dma_wait3A_69 = arith.constant 0 : i32
        %dma_wait3A_70 = tpu.memref_slice %arg4[%dma_wait3A_68, %dma_wait3A_69] : memref<10112x128xf32, #tpu.memory_space<hbm>> -> memref<10112x128xf32, #tpu.memory_space<hbm>>
        tpu.wait_indirect_dma semaphore(%arg12 : memref<!tpu.dma_semaphore, #tpu.memory_space<semaphore_mem>>) src(%dma_wait3A_70 : memref<10112x128xf32, #tpu.memory_space<hbm>>) dst(%arg9 : memref<128x128xf32, #tpu.memory_space<vmem>>)
        "tpu.region"() ({
          %run_scoped3A = tpu.sem_alloc : memref<!tpu.dma_semaphore, #tpu.memory_space<semaphore_mem>>
          %dma_start3A_87 = arith.constant 0 : i32
          %dma_start3A_88 = tpu.memref_slice %arg8[%add3A_57, %dma_start3A_87] : memref<32x128xi32, #tpu.memory_space<vmem>> -> memref<1x128xi32, #tpu.memory_space<vmem>>
          %dma_start3A_89 = tpu.memref_squeeze %dma_start3A_88 : memref<1x128xi32, #tpu.memory_space<vmem>> -> memref<128xi32, #tpu.memory_space<vmem>>
          %dma_start3A_90 = arith.constant 0 : i32
          %dma_start3A_91 = arith.constant 0 : i32
          %dma_start3A_92 = tpu.memref_slice %arg11[%dma_start3A_90, %dma_start3A_91] : memref<10112x128xf32, #tpu.memory_space<vmem_shared>> -> memref<10112x128xf32, #tpu.memory_space<vmem_shared>>
          tpu.enqueue_indirect_dma source(%arg9 : memref<128x128xf32, #tpu.memory_space<vmem>>) target(%dma_start3A_92 : memref<10112x128xf32, #tpu.memory_space<vmem_shared>>) offsets(%dma_start3A_89 : memref<128xi32, #tpu.memory_space<vmem>>) semaphore(%run_scoped3A : memref<!tpu.dma_semaphore, #tpu.memory_space<semaphore_mem>>) {add = true}
          %dma_wait3A_93 = arith.constant 0 : i32
          %dma_wait3A_94 = tpu.memref_slice %arg8[%add3A_57, %dma_wait3A_93] : memref<32x128xi32, #tpu.memory_space<vmem>> -> memref<1x128xi32, #tpu.memory_space<vmem>>
          %dma_wait3A_95 = tpu.memref_squeeze %dma_wait3A_94 : memref<1x128xi32, #tpu.memory_space<vmem>> -> memref<128xi32, #tpu.memory_space<vmem>>
          %dma_wait3A_96 = arith.constant 0 : i32
          %dma_wait3A_97 = arith.constant 0 : i32
          %dma_wait3A_98 = tpu.memref_slice %arg11[%dma_wait3A_96, %dma_wait3A_97] : memref<10112x128xf32, #tpu.memory_space<vmem_shared>> -> memref<10112x128xf32, #tpu.memory_space<vmem_shared>>
          tpu.wait_indirect_dma semaphore(%run_scoped3A : memref<!tpu.dma_semaphore, #tpu.memory_space<semaphore_mem>>) src(%arg9 : memref<128x128xf32, #tpu.memory_space<vmem>>) dst(%dma_wait3A_98 : memref<10112x128xf32, #tpu.memory_space<vmem_shared>>)
          tpu.yield
        }) : () -> ()
        %add3A_71 = arith.constant 2 : i32
        %add3A_72 = arith.addi %add3A_57, %add3A_71 : i32
        %lt3A = arith.constant 32 : i32
        %lt3A_73 = arith.cmpi slt, %add3A_72, %lt3A : i32
        %convert_element_type3A_74 = arith.extui %lt3A_73 : i1 to i32
        %cond3A_75 = arith.constant 0 : i32
        %cond3A_76 = arith.cmpi ne, %convert_element_type3A_74, %cond3A_75 : i32
        scf.if %cond3A_76 {
          %add3A_87 = arith.constant 2 : i32
          %add3A_88 = arith.addi %add3A_57, %add3A_87 : i32
          %dma_start3A_89 = arith.constant 0 : i32
          %dma_start3A_90 = tpu.memref_slice %arg7[%add3A_88, %dma_start3A_89] : memref<32x128xi32, #tpu.memory_space<vmem>> -> memref<1x128xi32, #tpu.memory_space<vmem>>
          %dma_start3A_91 = tpu.memref_squeeze %dma_start3A_90 : memref<1x128xi32, #tpu.memory_space<vmem>> -> memref<128xi32, #tpu.memory_space<vmem>>
          %dma_start3A_92 = arith.constant 0 : i32
          %dma_start3A_93 = arith.constant 0 : i32
          %dma_start3A_94 = tpu.memref_slice %arg4[%dma_start3A_92, %dma_start3A_93] : memref<10112x128xf32, #tpu.memory_space<hbm>> -> memref<10112x128xf32, #tpu.memory_space<hbm>>
          tpu.enqueue_indirect_dma source(%dma_start3A_94 : memref<10112x128xf32, #tpu.memory_space<hbm>>) target(%arg9 : memref<128x128xf32, #tpu.memory_space<vmem>>) offsets(%dma_start3A_91 : memref<128xi32, #tpu.memory_space<vmem>>) semaphore(%arg12 : memref<!tpu.dma_semaphore, #tpu.memory_space<semaphore_mem>>)
        } else {
        }
        %add3A_77 = arith.constant 1 : i32
        %add3A_78 = arith.addi %add3A_57, %add3A_77 : i32
        %dma_wait3A_79 = arith.constant 0 : i32
        %dma_wait3A_80 = tpu.memref_slice %arg7[%add3A_78, %dma_wait3A_79] : memref<32x128xi32, #tpu.memory_space<vmem>> -> memref<1x128xi32, #tpu.memory_space<vmem>>
        %dma_wait3A_81 = tpu.memref_squeeze %dma_wait3A_80 : memref<1x128xi32, #tpu.memory_space<vmem>> -> memref<128xi32, #tpu.memory_space<vmem>>
        %dma_wait3A_82 = arith.constant 0 : i32
        %dma_wait3A_83 = arith.constant 0 : i32
        %dma_wait3A_84 = tpu.memref_slice %arg4[%dma_wait3A_82, %dma_wait3A_83] : memref<10112x128xf32, #tpu.memory_space<hbm>> -> memref<10112x128xf32, #tpu.memory_space<hbm>>
        tpu.wait_indirect_dma semaphore(%arg13 : memref<!tpu.dma_semaphore, #tpu.memory_space<semaphore_mem>>) src(%dma_wait3A_84 : memref<10112x128xf32, #tpu.memory_space<hbm>>) dst(%arg10 : memref<128x128xf32, #tpu.memory_space<vmem>>)
        %add3A_85 = arith.constant 1 : i32
        %add3A_86 = arith.addi %add3A_57, %add3A_85 : i32
        "tpu.region"() ({
          %run_scoped3A = tpu.sem_alloc : memref<!tpu.dma_semaphore, #tpu.memory_space<semaphore_mem>>
          %dma_start3A_87 = arith.constant 0 : i32
          %dma_start3A_88 = tpu.memref_slice %arg8[%add3A_86, %dma_start3A_87] : memref<32x128xi32, #tpu.memory_space<vmem>> -> memref<1x128xi32, #tpu.memory_space<vmem>>
          %dma_start3A_89 = tpu.memref_squeeze %dma_start3A_88 : memref<1x128xi32, #tpu.memory_space<vmem>> -> memref<128xi32, #tpu.memory_space<vmem>>
          %dma_start3A_90 = arith.constant 0 : i32
          %dma_start3A_91 = arith.constant 0 : i32
          %dma_start3A_92 = tpu.memref_slice %arg11[%dma_start3A_90, %dma_start3A_91] : memref<10112x128xf32, #tpu.memory_space<vmem_shared>> -> memref<10112x128xf32, #tpu.memory_space<vmem_shared>>
          tpu.enqueue_indirect_dma source(%arg10 : memref<128x128xf32, #tpu.memory_space<vmem>>) target(%dma_start3A_92 : memref<10112x128xf32, #tpu.memory_space<vmem_shared>>) offsets(%dma_start3A_89 : memref<128xi32, #tpu.memory_space<vmem>>) semaphore(%run_scoped3A : memref<!tpu.dma_semaphore, #tpu.memory_space<semaphore_mem>>) {add = true}
          %dma_wait3A_93 = arith.constant 0 : i32
          %dma_wait3A_94 = tpu.memref_slice %arg8[%add3A_86, %dma_wait3A_93] : memref<32x128xi32, #tpu.memory_space<vmem>> -> memref<1x128xi32, #tpu.memory_space<vmem>>
          %dma_wait3A_95 = tpu.memref_squeeze %dma_wait3A_94 : memref<1x128xi32, #tpu.memory_space<vmem>> -> memref<128xi32, #tpu.memory_space<vmem>>
          %dma_wait3A_96 = arith.constant 0 : i32
          %dma_wait3A_97 = arith.constant 0 : i32
          %dma_wait3A_98 = tpu.memref_slice %arg11[%dma_wait3A_96, %dma_wait3A_97] : memref<10112x128xf32, #tpu.memory_space<vmem_shared>> -> memref<10112x128xf32, #tpu.memory_space<vmem_shared>>
          tpu.wait_indirect_dma semaphore(%run_scoped3A : memref<!tpu.dma_semaphore, #tpu.memory_space<semaphore_mem>>) src(%arg10 : memref<128x128xf32, #tpu.memory_space<vmem>>) dst(%dma_wait3A_98 : memref<10112x128xf32, #tpu.memory_space<vmem_shared>>)
          tpu.yield
        }) : () -> ()
      }
      %scan3A_52 = arith.constant 16 : i32
    } else {
    }
    %gt3A_25 = arith.constant 32 : i32
    %gt3A_26 = arith.cmpi sgt, %select_n3A, %gt3A_25 : i32
    %convert_element_type3A_27 = arith.extui %gt3A_26 : i1 to i32
    %cond3A_28 = arith.constant 0 : i32
    %cond3A_29 = arith.cmpi ne, %convert_element_type3A_27, %cond3A_28 : i32
    scf.if %cond3A_29 {
      %add3A_41 = arith.constant 32 : i32
      %add3A_42 = arith.addi %select_n3A_10, %add3A_41 : i32
      %multiple_of3A = tpu.assume_multiple %add3A_42, 8 : i32
      "tpu.region"() ({
        %run_scoped3A = tpu.sem_alloc : memref<!tpu.dma_semaphore, #tpu.memory_space<semaphore_mem>>
        %dma_start3A_53 = arith.constant 0 : i32
        %dma_start3A_54 = tpu.memref_slice %arg2[%multiple_of3A, %dma_start3A_53] : memref<2608x128xi32, #tpu.memory_space<hbm>> -> memref<32x128xi32, #tpu.memory_space<hbm>>
        %dma_start3A_55 = arith.constant 0 : i32
        %dma_start3A_56 = tpu.memref_slice %arg2[%multiple_of3A, %dma_start3A_55] : memref<2608x128xi32, #tpu.memory_space<hbm>> -> memref<32x128xi32, #tpu.memory_space<hbm>>
        tpu.enqueue_dma source(%dma_start3A_56 : memref<32x128xi32, #tpu.memory_space<hbm>>) target(%arg7 : memref<32x128xi32, #tpu.memory_space<vmem>>) target_semaphore(%run_scoped3A : memref<!tpu.dma_semaphore, #tpu.memory_space<semaphore_mem>>)
        %dma_wait3A = arith.constant 0 : i32
        %dma_wait3A_57 = tpu.memref_slice %arg2[%multiple_of3A, %dma_wait3A] : memref<2608x128xi32, #tpu.memory_space<hbm>> -> memref<32x128xi32, #tpu.memory_space<hbm>>
        %dma_wait3A_58 = arith.constant 0 : i32
        %dma_wait3A_59 = tpu.memref_slice %arg2[%multiple_of3A, %dma_wait3A_58] : memref<2608x128xi32, #tpu.memory_space<hbm>> -> memref<32x128xi32, #tpu.memory_space<hbm>>
        tpu.wait_dma2 semaphore(%run_scoped3A : memref<!tpu.dma_semaphore, #tpu.memory_space<semaphore_mem>>) src(%dma_wait3A_59 : memref<32x128xi32, #tpu.memory_space<hbm>>) dst(%arg7 : memref<32x128xi32, #tpu.memory_space<vmem>>)
        tpu.yield
      }) : () -> ()
      "tpu.region"() ({
        %run_scoped3A = tpu.sem_alloc : memref<!tpu.dma_semaphore, #tpu.memory_space<semaphore_mem>>
        %dma_start3A_53 = arith.constant 0 : i32
        %dma_start3A_54 = tpu.memref_slice %arg3[%multiple_of3A, %dma_start3A_53] : memref<2608x128xi32, #tpu.memory_space<hbm>> -> memref<32x128xi32, #tpu.memory_space<hbm>>
        %dma_start3A_55 = arith.constant 0 : i32
        %dma_start3A_56 = tpu.memref_slice %arg3[%multiple_of3A, %dma_start3A_55] : memref<2608x128xi32, #tpu.memory_space<hbm>> -> memref<32x128xi32, #tpu.memory_space<hbm>>
        tpu.enqueue_dma source(%dma_start3A_56 : memref<32x128xi32, #tpu.memory_space<hbm>>) target(%arg8 : memref<32x128xi32, #tpu.memory_space<vmem>>) target_semaphore(%run_scoped3A : memref<!tpu.dma_semaphore, #tpu.memory_space<semaphore_mem>>)
        %dma_wait3A = arith.constant 0 : i32
        %dma_wait3A_57 = tpu.memref_slice %arg3[%multiple_of3A, %dma_wait3A] : memref<2608x128xi32, #tpu.memory_space<hbm>> -> memref<32x128xi32, #tpu.memory_space<hbm>>
        %dma_wait3A_58 = arith.constant 0 : i32
        %dma_wait3A_59 = tpu.memref_slice %arg3[%multiple_of3A, %dma_wait3A_58] : memref<2608x128xi32, #tpu.memory_space<hbm>> -> memref<32x128xi32, #tpu.memory_space<hbm>>
        tpu.wait_dma2 semaphore(%run_scoped3A : memref<!tpu.dma_semaphore, #tpu.memory_space<semaphore_mem>>) src(%dma_wait3A_59 : memref<32x128xi32, #tpu.memory_space<hbm>>) dst(%arg8 : memref<32x128xi32, #tpu.memory_space<vmem>>)
        tpu.yield
      }) : () -> ()
      %dma_start3A = arith.constant 0 : i32
      %dma_start3A_43 = arith.constant 0 : i32
      %dma_start3A_44 = tpu.memref_slice %arg7[%dma_start3A, %dma_start3A_43] : memref<32x128xi32, #tpu.memory_space<vmem>> -> memref<1x128xi32, #tpu.memory_space<vmem>>
      %dma_start3A_45 = tpu.memref_squeeze %dma_start3A_44 : memref<1x128xi32, #tpu.memory_space<vmem>> -> memref<128xi32, #tpu.memory_space<vmem>>
      %dma_start3A_46 = arith.constant 0 : i32
      %dma_start3A_47 = arith.constant 0 : i32
      %dma_start3A_48 = tpu.memref_slice %arg4[%dma_start3A_46, %dma_start3A_47] : memref<10112x128xf32, #tpu.memory_space<hbm>> -> memref<10112x128xf32, #tpu.memory_space<hbm>>
      tpu.enqueue_indirect_dma source(%dma_start3A_48 : memref<10112x128xf32, #tpu.memory_space<hbm>>) target(%arg9 : memref<128x128xf32, #tpu.memory_space<vmem>>) offsets(%dma_start3A_45 : memref<128xi32, #tpu.memory_space<vmem>>) semaphore(%arg12 : memref<!tpu.dma_semaphore, #tpu.memory_space<semaphore_mem>>)
      %scan3A = arith.constant 0 : i32
      %scan3A_49 = arith.constant 16 : i32
      %scan3A_50 = arith.addi %scan3A, %scan3A_49 : i32
      %scan3A_51 = arith.constant 1 : i32
      scf.for %scan3A_53 = %scan3A to %scan3A_50 step %scan3A_51  : i32 {
        %mul3A_54 = arith.constant 2 : i32
        %mul3A_55 = arith.muli %scan3A_53, %mul3A_54 : i32
        %add3A_56 = arith.constant 0 : i32
        %add3A_57 = arith.addi %add3A_56, %mul3A_55 : i32
        %add3A_58 = arith.constant 1 : i32
        %add3A_59 = arith.addi %add3A_57, %add3A_58 : i32
        %dma_start3A_60 = arith.constant 0 : i32
        %dma_start3A_61 = tpu.memref_slice %arg7[%add3A_59, %dma_start3A_60] : memref<32x128xi32, #tpu.memory_space<vmem>> -> memref<1x128xi32, #tpu.memory_space<vmem>>
        %dma_start3A_62 = tpu.memref_squeeze %dma_start3A_61 : memref<1x128xi32, #tpu.memory_space<vmem>> -> memref<128xi32, #tpu.memory_space<vmem>>
        %dma_start3A_63 = arith.constant 0 : i32
        %dma_start3A_64 = arith.constant 0 : i32
        %dma_start3A_65 = tpu.memref_slice %arg4[%dma_start3A_63, %dma_start3A_64] : memref<10112x128xf32, #tpu.memory_space<hbm>> -> memref<10112x128xf32, #tpu.memory_space<hbm>>
        tpu.enqueue_indirect_dma source(%dma_start3A_65 : memref<10112x128xf32, #tpu.memory_space<hbm>>) target(%arg10 : memref<128x128xf32, #tpu.memory_space<vmem>>) offsets(%dma_start3A_62 : memref<128xi32, #tpu.memory_space<vmem>>) semaphore(%arg13 : memref<!tpu.dma_semaphore, #tpu.memory_space<semaphore_mem>>)
        %dma_wait3A = arith.constant 0 : i32
        %dma_wait3A_66 = tpu.memref_slice %arg7[%add3A_57, %dma_wait3A] : memref<32x128xi32, #tpu.memory_space<vmem>> -> memref<1x128xi32, #tpu.memory_space<vmem>>
        %dma_wait3A_67 = tpu.memref_squeeze %dma_wait3A_66 : memref<1x128xi32, #tpu.memory_space<vmem>> -> memref<128xi32, #tpu.memory_space<vmem>>
        %dma_wait3A_68 = arith.constant 0 : i32
        %dma_wait3A_69 = arith.constant 0 : i32
        %dma_wait3A_70 = tpu.memref_slice %arg4[%dma_wait3A_68, %dma_wait3A_69] : memref<10112x128xf32, #tpu.memory_space<hbm>> -> memref<10112x128xf32, #tpu.memory_space<hbm>>
        tpu.wait_indirect_dma semaphore(%arg12 : memref<!tpu.dma_semaphore, #tpu.memory_space<semaphore_mem>>) src(%dma_wait3A_70 : memref<10112x128xf32, #tpu.memory_space<hbm>>) dst(%arg9 : memref<128x128xf32, #tpu.memory_space<vmem>>)
        "tpu.region"() ({
          %run_scoped3A = tpu.sem_alloc : memref<!tpu.dma_semaphore, #tpu.memory_space<semaphore_mem>>
          %dma_start3A_87 = arith.constant 0 : i32
          %dma_start3A_88 = tpu.memref_slice %arg8[%add3A_57, %dma_start3A_87] : memref<32x128xi32, #tpu.memory_space<vmem>> -> memref<1x128xi32, #tpu.memory_space<vmem>>
          %dma_start3A_89 = tpu.memref_squeeze %dma_start3A_88 : memref<1x128xi32, #tpu.memory_space<vmem>> -> memref<128xi32, #tpu.memory_space<vmem>>
          %dma_start3A_90 = arith.constant 0 : i32
          %dma_start3A_91 = arith.constant 0 : i32
          %dma_start3A_92 = tpu.memref_slice %arg11[%dma_start3A_90, %dma_start3A_91] : memref<10112x128xf32, #tpu.memory_space<vmem_shared>> -> memref<10112x128xf32, #tpu.memory_space<vmem_shared>>
          tpu.enqueue_indirect_dma source(%arg9 : memref<128x128xf32, #tpu.memory_space<vmem>>) target(%dma_start3A_92 : memref<10112x128xf32, #tpu.memory_space<vmem_shared>>) offsets(%dma_start3A_89 : memref<128xi32, #tpu.memory_space<vmem>>) semaphore(%run_scoped3A : memref<!tpu.dma_semaphore, #tpu.memory_space<semaphore_mem>>) {add = true}
          %dma_wait3A_93 = arith.constant 0 : i32
          %dma_wait3A_94 = tpu.memref_slice %arg8[%add3A_57, %dma_wait3A_93] : memref<32x128xi32, #tpu.memory_space<vmem>> -> memref<1x128xi32, #tpu.memory_space<vmem>>
          %dma_wait3A_95 = tpu.memref_squeeze %dma_wait3A_94 : memref<1x128xi32, #tpu.memory_space<vmem>> -> memref<128xi32, #tpu.memory_space<vmem>>
          %dma_wait3A_96 = arith.constant 0 : i32
          %dma_wait3A_97 = arith.constant 0 : i32
          %dma_wait3A_98 = tpu.memref_slice %arg11[%dma_wait3A_96, %dma_wait3A_97] : memref<10112x128xf32, #tpu.memory_space<vmem_shared>> -> memref<10112x128xf32, #tpu.memory_space<vmem_shared>>
          tpu.wait_indirect_dma semaphore(%run_scoped3A : memref<!tpu.dma_semaphore, #tpu.memory_space<semaphore_mem>>) src(%arg9 : memref<128x128xf32, #tpu.memory_space<vmem>>) dst(%dma_wait3A_98 : memref<10112x128xf32, #tpu.memory_space<vmem_shared>>)
          tpu.yield
        }) : () -> ()
        %add3A_71 = arith.constant 2 : i32
        %add3A_72 = arith.addi %add3A_57, %add3A_71 : i32
        %lt3A = arith.constant 32 : i32
        %lt3A_73 = arith.cmpi slt, %add3A_72, %lt3A : i32
        %convert_element_type3A_74 = arith.extui %lt3A_73 : i1 to i32
        %cond3A_75 = arith.constant 0 : i32
        %cond3A_76 = arith.cmpi ne, %convert_element_type3A_74, %cond3A_75 : i32
        scf.if %cond3A_76 {
          %add3A_87 = arith.constant 2 : i32
          %add3A_88 = arith.addi %add3A_57, %add3A_87 : i32
          %dma_start3A_89 = arith.constant 0 : i32
          %dma_start3A_90 = tpu.memref_slice %arg7[%add3A_88, %dma_start3A_89] : memref<32x128xi32, #tpu.memory_space<vmem>> -> memref<1x128xi32, #tpu.memory_space<vmem>>
          %dma_start3A_91 = tpu.memref_squeeze %dma_start3A_90 : memref<1x128xi32, #tpu.memory_space<vmem>> -> memref<128xi32, #tpu.memory_space<vmem>>
          %dma_start3A_92 = arith.constant 0 : i32
          %dma_start3A_93 = arith.constant 0 : i32
          %dma_start3A_94 = tpu.memref_slice %arg4[%dma_start3A_92, %dma_start3A_93] : memref<10112x128xf32, #tpu.memory_space<hbm>> -> memref<10112x128xf32, #tpu.memory_space<hbm>>
          tpu.enqueue_indirect_dma source(%dma_start3A_94 : memref<10112x128xf32, #tpu.memory_space<hbm>>) target(%arg9 : memref<128x128xf32, #tpu.memory_space<vmem>>) offsets(%dma_start3A_91 : memref<128xi32, #tpu.memory_space<vmem>>) semaphore(%arg12 : memref<!tpu.dma_semaphore, #tpu.memory_space<semaphore_mem>>)
        } else {
        }
        %add3A_77 = arith.constant 1 : i32
        %add3A_78 = arith.addi %add3A_57, %add3A_77 : i32
        %dma_wait3A_79 = arith.constant 0 : i32
        %dma_wait3A_80 = tpu.memref_slice %arg7[%add3A_78, %dma_wait3A_79] : memref<32x128xi32, #tpu.memory_space<vmem>> -> memref<1x128xi32, #tpu.memory_space<vmem>>
        %dma_wait3A_81 = tpu.memref_squeeze %dma_wait3A_80 : memref<1x128xi32, #tpu.memory_space<vmem>> -> memref<128xi32, #tpu.memory_space<vmem>>
        %dma_wait3A_82 = arith.constant 0 : i32
        %dma_wait3A_83 = arith.constant 0 : i32
        %dma_wait3A_84 = tpu.memref_slice %arg4[%dma_wait3A_82, %dma_wait3A_83] : memref<10112x128xf32, #tpu.memory_space<hbm>> -> memref<10112x128xf32, #tpu.memory_space<hbm>>
        tpu.wait_indirect_dma semaphore(%arg13 : memref<!tpu.dma_semaphore, #tpu.memory_space<semaphore_mem>>) src(%dma_wait3A_84 : memref<10112x128xf32, #tpu.memory_space<hbm>>) dst(%arg10 : memref<128x128xf32, #tpu.memory_space<vmem>>)
        %add3A_85 = arith.constant 1 : i32
        %add3A_86 = arith.addi %add3A_57, %add3A_85 : i32
        "tpu.region"() ({
          %run_scoped3A = tpu.sem_alloc : memref<!tpu.dma_semaphore, #tpu.memory_space<semaphore_mem>>
          %dma_start3A_87 = arith.constant 0 : i32
          %dma_start3A_88 = tpu.memref_slice %arg8[%add3A_86, %dma_start3A_87] : memref<32x128xi32, #tpu.memory_space<vmem>> -> memref<1x128xi32, #tpu.memory_space<vmem>>
          %dma_start3A_89 = tpu.memref_squeeze %dma_start3A_88 : memref<1x128xi32, #tpu.memory_space<vmem>> -> memref<128xi32, #tpu.memory_space<vmem>>
          %dma_start3A_90 = arith.constant 0 : i32
          %dma_start3A_91 = arith.constant 0 : i32
          %dma_start3A_92 = tpu.memref_slice %arg11[%dma_start3A_90, %dma_start3A_91] : memref<10112x128xf32, #tpu.memory_space<vmem_shared>> -> memref<10112x128xf32, #tpu.memory_space<vmem_shared>>
          tpu.enqueue_indirect_dma source(%arg10 : memref<128x128xf32, #tpu.memory_space<vmem>>) target(%dma_start3A_92 : memref<10112x128xf32, #tpu.memory_space<vmem_shared>>) offsets(%dma_start3A_89 : memref<128xi32, #tpu.memory_space<vmem>>) semaphore(%run_scoped3A : memref<!tpu.dma_semaphore, #tpu.memory_space<semaphore_mem>>) {add = true}
          %dma_wait3A_93 = arith.constant 0 : i32
          %dma_wait3A_94 = tpu.memref_slice %arg8[%add3A_86, %dma_wait3A_93] : memref<32x128xi32, #tpu.memory_space<vmem>> -> memref<1x128xi32, #tpu.memory_space<vmem>>
          %dma_wait3A_95 = tpu.memref_squeeze %dma_wait3A_94 : memref<1x128xi32, #tpu.memory_space<vmem>> -> memref<128xi32, #tpu.memory_space<vmem>>
          %dma_wait3A_96 = arith.constant 0 : i32
          %dma_wait3A_97 = arith.constant 0 : i32
          %dma_wait3A_98 = tpu.memref_slice %arg11[%dma_wait3A_96, %dma_wait3A_97] : memref<10112x128xf32, #tpu.memory_space<vmem_shared>> -> memref<10112x128xf32, #tpu.memory_space<vmem_shared>>
          tpu.wait_indirect_dma semaphore(%run_scoped3A : memref<!tpu.dma_semaphore, #tpu.memory_space<semaphore_mem>>) src(%arg10 : memref<128x128xf32, #tpu.memory_space<vmem>>) dst(%dma_wait3A_98 : memref<10112x128xf32, #tpu.memory_space<vmem_shared>>)
          tpu.yield
        }) : () -> ()
      }
      %scan3A_52 = arith.constant 16 : i32
    } else {
    }
    %gt3A_30 = arith.constant 64 : i32
    %gt3A_31 = arith.cmpi sgt, %select_n3A, %gt3A_30 : i32
    %convert_element_type3A_32 = arith.extui %gt3A_31 : i1 to i32
    %cond3A_33 = arith.constant 0 : i32
    %cond3A_34 = arith.cmpi ne, %convert_element_type3A_32, %cond3A_33 : i32
    scf.if %cond3A_34 {
      %add3A_41 = arith.constant 64 : i32
      %add3A_42 = arith.addi %select_n3A_10, %add3A_41 : i32
      %multiple_of3A = tpu.assume_multiple %add3A_42, 8 : i32
      "tpu.region"() ({
        %run_scoped3A = tpu.sem_alloc : memref<!tpu.dma_semaphore, #tpu.memory_space<semaphore_mem>>
        %dma_start3A_53 = arith.constant 0 : i32
        %dma_start3A_54 = tpu.memref_slice %arg2[%multiple_of3A, %dma_start3A_53] : memref<2608x128xi32, #tpu.memory_space<hbm>> -> memref<32x128xi32, #tpu.memory_space<hbm>>
        %dma_start3A_55 = arith.constant 0 : i32
        %dma_start3A_56 = tpu.memref_slice %arg2[%multiple_of3A, %dma_start3A_55] : memref<2608x128xi32, #tpu.memory_space<hbm>> -> memref<32x128xi32, #tpu.memory_space<hbm>>
        tpu.enqueue_dma source(%dma_start3A_56 : memref<32x128xi32, #tpu.memory_space<hbm>>) target(%arg7 : memref<32x128xi32, #tpu.memory_space<vmem>>) target_semaphore(%run_scoped3A : memref<!tpu.dma_semaphore, #tpu.memory_space<semaphore_mem>>)
        %dma_wait3A = arith.constant 0 : i32
        %dma_wait3A_57 = tpu.memref_slice %arg2[%multiple_of3A, %dma_wait3A] : memref<2608x128xi32, #tpu.memory_space<hbm>> -> memref<32x128xi32, #tpu.memory_space<hbm>>
        %dma_wait3A_58 = arith.constant 0 : i32
        %dma_wait3A_59 = tpu.memref_slice %arg2[%multiple_of3A, %dma_wait3A_58] : memref<2608x128xi32, #tpu.memory_space<hbm>> -> memref<32x128xi32, #tpu.memory_space<hbm>>
        tpu.wait_dma2 semaphore(%run_scoped3A : memref<!tpu.dma_semaphore, #tpu.memory_space<semaphore_mem>>) src(%dma_wait3A_59 : memref<32x128xi32, #tpu.memory_space<hbm>>) dst(%arg7 : memref<32x128xi32, #tpu.memory_space<vmem>>)
        tpu.yield
      }) : () -> ()
      "tpu.region"() ({
        %run_scoped3A = tpu.sem_alloc : memref<!tpu.dma_semaphore, #tpu.memory_space<semaphore_mem>>
        %dma_start3A_53 = arith.constant 0 : i32
        %dma_start3A_54 = tpu.memref_slice %arg3[%multiple_of3A, %dma_start3A_53] : memref<2608x128xi32, #tpu.memory_space<hbm>> -> memref<32x128xi32, #tpu.memory_space<hbm>>
        %dma_start3A_55 = arith.constant 0 : i32
        %dma_start3A_56 = tpu.memref_slice %arg3[%multiple_of3A, %dma_start3A_55] : memref<2608x128xi32, #tpu.memory_space<hbm>> -> memref<32x128xi32, #tpu.memory_space<hbm>>
        tpu.enqueue_dma source(%dma_start3A_56 : memref<32x128xi32, #tpu.memory_space<hbm>>) target(%arg8 : memref<32x128xi32, #tpu.memory_space<vmem>>) target_semaphore(%run_scoped3A : memref<!tpu.dma_semaphore, #tpu.memory_space<semaphore_mem>>)
        %dma_wait3A = arith.constant 0 : i32
        %dma_wait3A_57 = tpu.memref_slice %arg3[%multiple_of3A, %dma_wait3A] : memref<2608x128xi32, #tpu.memory_space<hbm>> -> memref<32x128xi32, #tpu.memory_space<hbm>>
        %dma_wait3A_58 = arith.constant 0 : i32
        %dma_wait3A_59 = tpu.memref_slice %arg3[%multiple_of3A, %dma_wait3A_58] : memref<2608x128xi32, #tpu.memory_space<hbm>> -> memref<32x128xi32, #tpu.memory_space<hbm>>
        tpu.wait_dma2 semaphore(%run_scoped3A : memref<!tpu.dma_semaphore, #tpu.memory_space<semaphore_mem>>) src(%dma_wait3A_59 : memref<32x128xi32, #tpu.memory_space<hbm>>) dst(%arg8 : memref<32x128xi32, #tpu.memory_space<vmem>>)
        tpu.yield
      }) : () -> ()
      %dma_start3A = arith.constant 0 : i32
      %dma_start3A_43 = arith.constant 0 : i32
      %dma_start3A_44 = tpu.memref_slice %arg7[%dma_start3A, %dma_start3A_43] : memref<32x128xi32, #tpu.memory_space<vmem>> -> memref<1x128xi32, #tpu.memory_space<vmem>>
      %dma_start3A_45 = tpu.memref_squeeze %dma_start3A_44 : memref<1x128xi32, #tpu.memory_space<vmem>> -> memref<128xi32, #tpu.memory_space<vmem>>
      %dma_start3A_46 = arith.constant 0 : i32
      %dma_start3A_47 = arith.constant 0 : i32
      %dma_start3A_48 = tpu.memref_slice %arg4[%dma_start3A_46, %dma_start3A_47] : memref<10112x128xf32, #tpu.memory_space<hbm>> -> memref<10112x128xf32, #tpu.memory_space<hbm>>
      tpu.enqueue_indirect_dma source(%dma_start3A_48 : memref<10112x128xf32, #tpu.memory_space<hbm>>) target(%arg9 : memref<128x128xf32, #tpu.memory_space<vmem>>) offsets(%dma_start3A_45 : memref<128xi32, #tpu.memory_space<vmem>>) semaphore(%arg12 : memref<!tpu.dma_semaphore, #tpu.memory_space<semaphore_mem>>)
      %scan3A = arith.constant 0 : i32
      %scan3A_49 = arith.constant 16 : i32
      %scan3A_50 = arith.addi %scan3A, %scan3A_49 : i32
      %scan3A_51 = arith.constant 1 : i32
      scf.for %scan3A_53 = %scan3A to %scan3A_50 step %scan3A_51  : i32 {
        %mul3A_54 = arith.constant 2 : i32
        %mul3A_55 = arith.muli %scan3A_53, %mul3A_54 : i32
        %add3A_56 = arith.constant 0 : i32
        %add3A_57 = arith.addi %add3A_56, %mul3A_55 : i32
        %add3A_58 = arith.constant 1 : i32
        %add3A_59 = arith.addi %add3A_57, %add3A_58 : i32
        %dma_start3A_60 = arith.constant 0 : i32
        %dma_start3A_61 = tpu.memref_slice %arg7[%add3A_59, %dma_start3A_60] : memref<32x128xi32, #tpu.memory_space<vmem>> -> memref<1x128xi32, #tpu.memory_space<vmem>>
        %dma_start3A_62 = tpu.memref_squeeze %dma_start3A_61 : memref<1x128xi32, #tpu.memory_space<vmem>> -> memref<128xi32, #tpu.memory_space<vmem>>
        %dma_start3A_63 = arith.constant 0 : i32
        %dma_start3A_64 = arith.constant 0 : i32
        %dma_start3A_65 = tpu.memref_slice %arg4[%dma_start3A_63, %dma_start3A_64] : memref<10112x128xf32, #tpu.memory_space<hbm>> -> memref<10112x128xf32, #tpu.memory_space<hbm>>
        tpu.enqueue_indirect_dma source(%dma_start3A_65 : memref<10112x128xf32, #tpu.memory_space<hbm>>) target(%arg10 : memref<128x128xf32, #tpu.memory_space<vmem>>) offsets(%dma_start3A_62 : memref<128xi32, #tpu.memory_space<vmem>>) semaphore(%arg13 : memref<!tpu.dma_semaphore, #tpu.memory_space<semaphore_mem>>)
        %dma_wait3A = arith.constant 0 : i32
        %dma_wait3A_66 = tpu.memref_slice %arg7[%add3A_57, %dma_wait3A] : memref<32x128xi32, #tpu.memory_space<vmem>> -> memref<1x128xi32, #tpu.memory_space<vmem>>
        %dma_wait3A_67 = tpu.memref_squeeze %dma_wait3A_66 : memref<1x128xi32, #tpu.memory_space<vmem>> -> memref<128xi32, #tpu.memory_space<vmem>>
        %dma_wait3A_68 = arith.constant 0 : i32
        %dma_wait3A_69 = arith.constant 0 : i32
        %dma_wait3A_70 = tpu.memref_slice %arg4[%dma_wait3A_68, %dma_wait3A_69] : memref<10112x128xf32, #tpu.memory_space<hbm>> -> memref<10112x128xf32, #tpu.memory_space<hbm>>
        tpu.wait_indirect_dma semaphore(%arg12 : memref<!tpu.dma_semaphore, #tpu.memory_space<semaphore_mem>>) src(%dma_wait3A_70 : memref<10112x128xf32, #tpu.memory_space<hbm>>) dst(%arg9 : memref<128x128xf32, #tpu.memory_space<vmem>>)
        "tpu.region"() ({
          %run_scoped3A = tpu.sem_alloc : memref<!tpu.dma_semaphore, #tpu.memory_space<semaphore_mem>>
          %dma_start3A_87 = arith.constant 0 : i32
          %dma_start3A_88 = tpu.memref_slice %arg8[%add3A_57, %dma_start3A_87] : memref<32x128xi32, #tpu.memory_space<vmem>> -> memref<1x128xi32, #tpu.memory_space<vmem>>
          %dma_start3A_89 = tpu.memref_squeeze %dma_start3A_88 : memref<1x128xi32, #tpu.memory_space<vmem>> -> memref<128xi32, #tpu.memory_space<vmem>>
          %dma_start3A_90 = arith.constant 0 : i32
          %dma_start3A_91 = arith.constant 0 : i32
          %dma_start3A_92 = tpu.memref_slice %arg11[%dma_start3A_90, %dma_start3A_91] : memref<10112x128xf32, #tpu.memory_space<vmem_shared>> -> memref<10112x128xf32, #tpu.memory_space<vmem_shared>>
          tpu.enqueue_indirect_dma source(%arg9 : memref<128x128xf32, #tpu.memory_space<vmem>>) target(%dma_start3A_92 : memref<10112x128xf32, #tpu.memory_space<vmem_shared>>) offsets(%dma_start3A_89 : memref<128xi32, #tpu.memory_space<vmem>>) semaphore(%run_scoped3A : memref<!tpu.dma_semaphore, #tpu.memory_space<semaphore_mem>>) {add = true}
          %dma_wait3A_93 = arith.constant 0 : i32
          %dma_wait3A_94 = tpu.memref_slice %arg8[%add3A_57, %dma_wait3A_93] : memref<32x128xi32, #tpu.memory_space<vmem>> -> memref<1x128xi32, #tpu.memory_space<vmem>>
          %dma_wait3A_95 = tpu.memref_squeeze %dma_wait3A_94 : memref<1x128xi32, #tpu.memory_space<vmem>> -> memref<128xi32, #tpu.memory_space<vmem>>
          %dma_wait3A_96 = arith.constant 0 : i32
          %dma_wait3A_97 = arith.constant 0 : i32
          %dma_wait3A_98 = tpu.memref_slice %arg11[%dma_wait3A_96, %dma_wait3A_97] : memref<10112x128xf32, #tpu.memory_space<vmem_shared>> -> memref<10112x128xf32, #tpu.memory_space<vmem_shared>>
          tpu.wait_indirect_dma semaphore(%run_scoped3A : memref<!tpu.dma_semaphore, #tpu.memory_space<semaphore_mem>>) src(%arg9 : memref<128x128xf32, #tpu.memory_space<vmem>>) dst(%dma_wait3A_98 : memref<10112x128xf32, #tpu.memory_space<vmem_shared>>)
          tpu.yield
        }) : () -> ()
        %add3A_71 = arith.constant 2 : i32
        %add3A_72 = arith.addi %add3A_57, %add3A_71 : i32
        %lt3A = arith.constant 32 : i32
        %lt3A_73 = arith.cmpi slt, %add3A_72, %lt3A : i32
        %convert_element_type3A_74 = arith.extui %lt3A_73 : i1 to i32
        %cond3A_75 = arith.constant 0 : i32
        %cond3A_76 = arith.cmpi ne, %convert_element_type3A_74, %cond3A_75 : i32
        scf.if %cond3A_76 {
          %add3A_87 = arith.constant 2 : i32
          %add3A_88 = arith.addi %add3A_57, %add3A_87 : i32
          %dma_start3A_89 = arith.constant 0 : i32
          %dma_start3A_90 = tpu.memref_slice %arg7[%add3A_88, %dma_start3A_89] : memref<32x128xi32, #tpu.memory_space<vmem>> -> memref<1x128xi32, #tpu.memory_space<vmem>>
          %dma_start3A_91 = tpu.memref_squeeze %dma_start3A_90 : memref<1x128xi32, #tpu.memory_space<vmem>> -> memref<128xi32, #tpu.memory_space<vmem>>
          %dma_start3A_92 = arith.constant 0 : i32
          %dma_start3A_93 = arith.constant 0 : i32
          %dma_start3A_94 = tpu.memref_slice %arg4[%dma_start3A_92, %dma_start3A_93] : memref<10112x128xf32, #tpu.memory_space<hbm>> -> memref<10112x128xf32, #tpu.memory_space<hbm>>
          tpu.enqueue_indirect_dma source(%dma_start3A_94 : memref<10112x128xf32, #tpu.memory_space<hbm>>) target(%arg9 : memref<128x128xf32, #tpu.memory_space<vmem>>) offsets(%dma_start3A_91 : memref<128xi32, #tpu.memory_space<vmem>>) semaphore(%arg12 : memref<!tpu.dma_semaphore, #tpu.memory_space<semaphore_mem>>)
        } else {
        }
        %add3A_77 = arith.constant 1 : i32
        %add3A_78 = arith.addi %add3A_57, %add3A_77 : i32
        %dma_wait3A_79 = arith.constant 0 : i32
        %dma_wait3A_80 = tpu.memref_slice %arg7[%add3A_78, %dma_wait3A_79] : memref<32x128xi32, #tpu.memory_space<vmem>> -> memref<1x128xi32, #tpu.memory_space<vmem>>
        %dma_wait3A_81 = tpu.memref_squeeze %dma_wait3A_80 : memref<1x128xi32, #tpu.memory_space<vmem>> -> memref<128xi32, #tpu.memory_space<vmem>>
        %dma_wait3A_82 = arith.constant 0 : i32
        %dma_wait3A_83 = arith.constant 0 : i32
        %dma_wait3A_84 = tpu.memref_slice %arg4[%dma_wait3A_82, %dma_wait3A_83] : memref<10112x128xf32, #tpu.memory_space<hbm>> -> memref<10112x128xf32, #tpu.memory_space<hbm>>
        tpu.wait_indirect_dma semaphore(%arg13 : memref<!tpu.dma_semaphore, #tpu.memory_space<semaphore_mem>>) src(%dma_wait3A_84 : memref<10112x128xf32, #tpu.memory_space<hbm>>) dst(%arg10 : memref<128x128xf32, #tpu.memory_space<vmem>>)
        %add3A_85 = arith.constant 1 : i32
        %add3A_86 = arith.addi %add3A_57, %add3A_85 : i32
        "tpu.region"() ({
          %run_scoped3A = tpu.sem_alloc : memref<!tpu.dma_semaphore, #tpu.memory_space<semaphore_mem>>
          %dma_start3A_87 = arith.constant 0 : i32
          %dma_start3A_88 = tpu.memref_slice %arg8[%add3A_86, %dma_start3A_87] : memref<32x128xi32, #tpu.memory_space<vmem>> -> memref<1x128xi32, #tpu.memory_space<vmem>>
          %dma_start3A_89 = tpu.memref_squeeze %dma_start3A_88 : memref<1x128xi32, #tpu.memory_space<vmem>> -> memref<128xi32, #tpu.memory_space<vmem>>
          %dma_start3A_90 = arith.constant 0 : i32
          %dma_start3A_91 = arith.constant 0 : i32
          %dma_start3A_92 = tpu.memref_slice %arg11[%dma_start3A_90, %dma_start3A_91] : memref<10112x128xf32, #tpu.memory_space<vmem_shared>> -> memref<10112x128xf32, #tpu.memory_space<vmem_shared>>
          tpu.enqueue_indirect_dma source(%arg10 : memref<128x128xf32, #tpu.memory_space<vmem>>) target(%dma_start3A_92 : memref<10112x128xf32, #tpu.memory_space<vmem_shared>>) offsets(%dma_start3A_89 : memref<128xi32, #tpu.memory_space<vmem>>) semaphore(%run_scoped3A : memref<!tpu.dma_semaphore, #tpu.memory_space<semaphore_mem>>) {add = true}
          %dma_wait3A_93 = arith.constant 0 : i32
          %dma_wait3A_94 = tpu.memref_slice %arg8[%add3A_86, %dma_wait3A_93] : memref<32x128xi32, #tpu.memory_space<vmem>> -> memref<1x128xi32, #tpu.memory_space<vmem>>
          %dma_wait3A_95 = tpu.memref_squeeze %dma_wait3A_94 : memref<1x128xi32, #tpu.memory_space<vmem>> -> memref<128xi32, #tpu.memory_space<vmem>>
          %dma_wait3A_96 = arith.constant 0 : i32
          %dma_wait3A_97 = arith.constant 0 : i32
          %dma_wait3A_98 = tpu.memref_slice %arg11[%dma_wait3A_96, %dma_wait3A_97] : memref<10112x128xf32, #tpu.memory_space<vmem_shared>> -> memref<10112x128xf32, #tpu.memory_space<vmem_shared>>
          tpu.wait_indirect_dma semaphore(%run_scoped3A : memref<!tpu.dma_semaphore, #tpu.memory_space<semaphore_mem>>) src(%arg10 : memref<128x128xf32, #tpu.memory_space<vmem>>) dst(%dma_wait3A_98 : memref<10112x128xf32, #tpu.memory_space<vmem_shared>>)
          tpu.yield
        }) : () -> ()
      }
      %scan3A_52 = arith.constant 16 : i32
    } else {
    }
    %gt3A_35 = arith.constant 96 : i32
    %gt3A_36 = arith.cmpi sgt, %select_n3A, %gt3A_35 : i32
    %convert_element_type3A_37 = arith.extui %gt3A_36 : i1 to i32
    %cond3A_38 = arith.constant 0 : i32
    %cond3A_39 = arith.cmpi ne, %convert_element_type3A_37, %cond3A_38 : i32
    scf.if %cond3A_39 {
      %add3A_41 = arith.constant 96 : i32
      %add3A_42 = arith.addi %select_n3A_10, %add3A_41 : i32
      %multiple_of3A = tpu.assume_multiple %add3A_42, 8 : i32
      "tpu.region"() ({
        %run_scoped3A = tpu.sem_alloc : memref<!tpu.dma_semaphore, #tpu.memory_space<semaphore_mem>>
        %dma_start3A_53 = arith.constant 0 : i32
        %dma_start3A_54 = tpu.memref_slice %arg2[%multiple_of3A, %dma_start3A_53] : memref<2608x128xi32, #tpu.memory_space<hbm>> -> memref<32x128xi32, #tpu.memory_space<hbm>>
        %dma_start3A_55 = arith.constant 0 : i32
        %dma_start3A_56 = tpu.memref_slice %arg2[%multiple_of3A, %dma_start3A_55] : memref<2608x128xi32, #tpu.memory_space<hbm>> -> memref<32x128xi32, #tpu.memory_space<hbm>>
        tpu.enqueue_dma source(%dma_start3A_56 : memref<32x128xi32, #tpu.memory_space<hbm>>) target(%arg7 : memref<32x128xi32, #tpu.memory_space<vmem>>) target_semaphore(%run_scoped3A : memref<!tpu.dma_semaphore, #tpu.memory_space<semaphore_mem>>)
        %dma_wait3A = arith.constant 0 : i32
        %dma_wait3A_57 = tpu.memref_slice %arg2[%multiple_of3A, %dma_wait3A] : memref<2608x128xi32, #tpu.memory_space<hbm>> -> memref<32x128xi32, #tpu.memory_space<hbm>>
        %dma_wait3A_58 = arith.constant 0 : i32
        %dma_wait3A_59 = tpu.memref_slice %arg2[%multiple_of3A, %dma_wait3A_58] : memref<2608x128xi32, #tpu.memory_space<hbm>> -> memref<32x128xi32, #tpu.memory_space<hbm>>
        tpu.wait_dma2 semaphore(%run_scoped3A : memref<!tpu.dma_semaphore, #tpu.memory_space<semaphore_mem>>) src(%dma_wait3A_59 : memref<32x128xi32, #tpu.memory_space<hbm>>) dst(%arg7 : memref<32x128xi32, #tpu.memory_space<vmem>>)
        tpu.yield
      }) : () -> ()
      "tpu.region"() ({
        %run_scoped3A = tpu.sem_alloc : memref<!tpu.dma_semaphore, #tpu.memory_space<semaphore_mem>>
        %dma_start3A_53 = arith.constant 0 : i32
        %dma_start3A_54 = tpu.memref_slice %arg3[%multiple_of3A, %dma_start3A_53] : memref<2608x128xi32, #tpu.memory_space<hbm>> -> memref<32x128xi32, #tpu.memory_space<hbm>>
        %dma_start3A_55 = arith.constant 0 : i32
        %dma_start3A_56 = tpu.memref_slice %arg3[%multiple_of3A, %dma_start3A_55] : memref<2608x128xi32, #tpu.memory_space<hbm>> -> memref<32x128xi32, #tpu.memory_space<hbm>>
        tpu.enqueue_dma source(%dma_start3A_56 : memref<32x128xi32, #tpu.memory_space<hbm>>) target(%arg8 : memref<32x128xi32, #tpu.memory_space<vmem>>) target_semaphore(%run_scoped3A : memref<!tpu.dma_semaphore, #tpu.memory_space<semaphore_mem>>)
        %dma_wait3A = arith.constant 0 : i32
        %dma_wait3A_57 = tpu.memref_slice %arg3[%multiple_of3A, %dma_wait3A] : memref<2608x128xi32, #tpu.memory_space<hbm>> -> memref<32x128xi32, #tpu.memory_space<hbm>>
        %dma_wait3A_58 = arith.constant 0 : i32
        %dma_wait3A_59 = tpu.memref_slice %arg3[%multiple_of3A, %dma_wait3A_58] : memref<2608x128xi32, #tpu.memory_space<hbm>> -> memref<32x128xi32, #tpu.memory_space<hbm>>
        tpu.wait_dma2 semaphore(%run_scoped3A : memref<!tpu.dma_semaphore, #tpu.memory_space<semaphore_mem>>) src(%dma_wait3A_59 : memref<32x128xi32, #tpu.memory_space<hbm>>) dst(%arg8 : memref<32x128xi32, #tpu.memory_space<vmem>>)
        tpu.yield
      }) : () -> ()
      %dma_start3A = arith.constant 0 : i32
      %dma_start3A_43 = arith.constant 0 : i32
      %dma_start3A_44 = tpu.memref_slice %arg7[%dma_start3A, %dma_start3A_43] : memref<32x128xi32, #tpu.memory_space<vmem>> -> memref<1x128xi32, #tpu.memory_space<vmem>>
      %dma_start3A_45 = tpu.memref_squeeze %dma_start3A_44 : memref<1x128xi32, #tpu.memory_space<vmem>> -> memref<128xi32, #tpu.memory_space<vmem>>
      %dma_start3A_46 = arith.constant 0 : i32
      %dma_start3A_47 = arith.constant 0 : i32
      %dma_start3A_48 = tpu.memref_slice %arg4[%dma_start3A_46, %dma_start3A_47] : memref<10112x128xf32, #tpu.memory_space<hbm>> -> memref<10112x128xf32, #tpu.memory_space<hbm>>
      tpu.enqueue_indirect_dma source(%dma_start3A_48 : memref<10112x128xf32, #tpu.memory_space<hbm>>) target(%arg9 : memref<128x128xf32, #tpu.memory_space<vmem>>) offsets(%dma_start3A_45 : memref<128xi32, #tpu.memory_space<vmem>>) semaphore(%arg12 : memref<!tpu.dma_semaphore, #tpu.memory_space<semaphore_mem>>)
      %scan3A = arith.constant 0 : i32
      %scan3A_49 = arith.constant 16 : i32
      %scan3A_50 = arith.addi %scan3A, %scan3A_49 : i32
      %scan3A_51 = arith.constant 1 : i32
      scf.for %scan3A_53 = %scan3A to %scan3A_50 step %scan3A_51  : i32 {
        %mul3A_54 = arith.constant 2 : i32
        %mul3A_55 = arith.muli %scan3A_53, %mul3A_54 : i32
        %add3A_56 = arith.constant 0 : i32
        %add3A_57 = arith.addi %add3A_56, %mul3A_55 : i32
        %add3A_58 = arith.constant 1 : i32
        %add3A_59 = arith.addi %add3A_57, %add3A_58 : i32
        %dma_start3A_60 = arith.constant 0 : i32
        %dma_start3A_61 = tpu.memref_slice %arg7[%add3A_59, %dma_start3A_60] : memref<32x128xi32, #tpu.memory_space<vmem>> -> memref<1x128xi32, #tpu.memory_space<vmem>>
        %dma_start3A_62 = tpu.memref_squeeze %dma_start3A_61 : memref<1x128xi32, #tpu.memory_space<vmem>> -> memref<128xi32, #tpu.memory_space<vmem>>
        %dma_start3A_63 = arith.constant 0 : i32
        %dma_start3A_64 = arith.constant 0 : i32
        %dma_start3A_65 = tpu.memref_slice %arg4[%dma_start3A_63, %dma_start3A_64] : memref<10112x128xf32, #tpu.memory_space<hbm>> -> memref<10112x128xf32, #tpu.memory_space<hbm>>
        tpu.enqueue_indirect_dma source(%dma_start3A_65 : memref<10112x128xf32, #tpu.memory_space<hbm>>) target(%arg10 : memref<128x128xf32, #tpu.memory_space<vmem>>) offsets(%dma_start3A_62 : memref<128xi32, #tpu.memory_space<vmem>>) semaphore(%arg13 : memref<!tpu.dma_semaphore, #tpu.memory_space<semaphore_mem>>)
        %dma_wait3A = arith.constant 0 : i32
        %dma_wait3A_66 = tpu.memref_slice %arg7[%add3A_57, %dma_wait3A] : memref<32x128xi32, #tpu.memory_space<vmem>> -> memref<1x128xi32, #tpu.memory_space<vmem>>
        %dma_wait3A_67 = tpu.memref_squeeze %dma_wait3A_66 : memref<1x128xi32, #tpu.memory_space<vmem>> -> memref<128xi32, #tpu.memory_space<vmem>>
        %dma_wait3A_68 = arith.constant 0 : i32
        %dma_wait3A_69 = arith.constant 0 : i32
        %dma_wait3A_70 = tpu.memref_slice %arg4[%dma_wait3A_68, %dma_wait3A_69] : memref<10112x128xf32, #tpu.memory_space<hbm>> -> memref<10112x128xf32, #tpu.memory_space<hbm>>
        tpu.wait_indirect_dma semaphore(%arg12 : memref<!tpu.dma_semaphore, #tpu.memory_space<semaphore_mem>>) src(%dma_wait3A_70 : memref<10112x128xf32, #tpu.memory_space<hbm>>) dst(%arg9 : memref<128x128xf32, #tpu.memory_space<vmem>>)
        "tpu.region"() ({
          %run_scoped3A = tpu.sem_alloc : memref<!tpu.dma_semaphore, #tpu.memory_space<semaphore_mem>>
          %dma_start3A_87 = arith.constant 0 : i32
          %dma_start3A_88 = tpu.memref_slice %arg8[%add3A_57, %dma_start3A_87] : memref<32x128xi32, #tpu.memory_space<vmem>> -> memref<1x128xi32, #tpu.memory_space<vmem>>
          %dma_start3A_89 = tpu.memref_squeeze %dma_start3A_88 : memref<1x128xi32, #tpu.memory_space<vmem>> -> memref<128xi32, #tpu.memory_space<vmem>>
          %dma_start3A_90 = arith.constant 0 : i32
          %dma_start3A_91 = arith.constant 0 : i32
          %dma_start3A_92 = tpu.memref_slice %arg11[%dma_start3A_90, %dma_start3A_91] : memref<10112x128xf32, #tpu.memory_space<vmem_shared>> -> memref<10112x128xf32, #tpu.memory_space<vmem_shared>>
          tpu.enqueue_indirect_dma source(%arg9 : memref<128x128xf32, #tpu.memory_space<vmem>>) target(%dma_start3A_92 : memref<10112x128xf32, #tpu.memory_space<vmem_shared>>) offsets(%dma_start3A_89 : memref<128xi32, #tpu.memory_space<vmem>>) semaphore(%run_scoped3A : memref<!tpu.dma_semaphore, #tpu.memory_space<semaphore_mem>>) {add = true}
          %dma_wait3A_93 = arith.constant 0 : i32
          %dma_wait3A_94 = tpu.memref_slice %arg8[%add3A_57, %dma_wait3A_93] : memref<32x128xi32, #tpu.memory_space<vmem>> -> memref<1x128xi32, #tpu.memory_space<vmem>>
          %dma_wait3A_95 = tpu.memref_squeeze %dma_wait3A_94 : memref<1x128xi32, #tpu.memory_space<vmem>> -> memref<128xi32, #tpu.memory_space<vmem>>
          %dma_wait3A_96 = arith.constant 0 : i32
          %dma_wait3A_97 = arith.constant 0 : i32
          %dma_wait3A_98 = tpu.memref_slice %arg11[%dma_wait3A_96, %dma_wait3A_97] : memref<10112x128xf32, #tpu.memory_space<vmem_shared>> -> memref<10112x128xf32, #tpu.memory_space<vmem_shared>>
          tpu.wait_indirect_dma semaphore(%run_scoped3A : memref<!tpu.dma_semaphore, #tpu.memory_space<semaphore_mem>>) src(%arg9 : memref<128x128xf32, #tpu.memory_space<vmem>>) dst(%dma_wait3A_98 : memref<10112x128xf32, #tpu.memory_space<vmem_shared>>)
          tpu.yield
        }) : () -> ()
        %add3A_71 = arith.constant 2 : i32
        %add3A_72 = arith.addi %add3A_57, %add3A_71 : i32
        %lt3A = arith.constant 32 : i32
        %lt3A_73 = arith.cmpi slt, %add3A_72, %lt3A : i32
        %convert_element_type3A_74 = arith.extui %lt3A_73 : i1 to i32
        %cond3A_75 = arith.constant 0 : i32
        %cond3A_76 = arith.cmpi ne, %convert_element_type3A_74, %cond3A_75 : i32
        scf.if %cond3A_76 {
          %add3A_87 = arith.constant 2 : i32
          %add3A_88 = arith.addi %add3A_57, %add3A_87 : i32
          %dma_start3A_89 = arith.constant 0 : i32
          %dma_start3A_90 = tpu.memref_slice %arg7[%add3A_88, %dma_start3A_89] : memref<32x128xi32, #tpu.memory_space<vmem>> -> memref<1x128xi32, #tpu.memory_space<vmem>>
          %dma_start3A_91 = tpu.memref_squeeze %dma_start3A_90 : memref<1x128xi32, #tpu.memory_space<vmem>> -> memref<128xi32, #tpu.memory_space<vmem>>
          %dma_start3A_92 = arith.constant 0 : i32
          %dma_start3A_93 = arith.constant 0 : i32
          %dma_start3A_94 = tpu.memref_slice %arg4[%dma_start3A_92, %dma_start3A_93] : memref<10112x128xf32, #tpu.memory_space<hbm>> -> memref<10112x128xf32, #tpu.memory_space<hbm>>
          tpu.enqueue_indirect_dma source(%dma_start3A_94 : memref<10112x128xf32, #tpu.memory_space<hbm>>) target(%arg9 : memref<128x128xf32, #tpu.memory_space<vmem>>) offsets(%dma_start3A_91 : memref<128xi32, #tpu.memory_space<vmem>>) semaphore(%arg12 : memref<!tpu.dma_semaphore, #tpu.memory_space<semaphore_mem>>)
        } else {
        }
        %add3A_77 = arith.constant 1 : i32
        %add3A_78 = arith.addi %add3A_57, %add3A_77 : i32
        %dma_wait3A_79 = arith.constant 0 : i32
        %dma_wait3A_80 = tpu.memref_slice %arg7[%add3A_78, %dma_wait3A_79] : memref<32x128xi32, #tpu.memory_space<vmem>> -> memref<1x128xi32, #tpu.memory_space<vmem>>
        %dma_wait3A_81 = tpu.memref_squeeze %dma_wait3A_80 : memref<1x128xi32, #tpu.memory_space<vmem>> -> memref<128xi32, #tpu.memory_space<vmem>>
        %dma_wait3A_82 = arith.constant 0 : i32
        %dma_wait3A_83 = arith.constant 0 : i32
        %dma_wait3A_84 = tpu.memref_slice %arg4[%dma_wait3A_82, %dma_wait3A_83] : memref<10112x128xf32, #tpu.memory_space<hbm>> -> memref<10112x128xf32, #tpu.memory_space<hbm>>
        tpu.wait_indirect_dma semaphore(%arg13 : memref<!tpu.dma_semaphore, #tpu.memory_space<semaphore_mem>>) src(%dma_wait3A_84 : memref<10112x128xf32, #tpu.memory_space<hbm>>) dst(%arg10 : memref<128x128xf32, #tpu.memory_space<vmem>>)
        %add3A_85 = arith.constant 1 : i32
        %add3A_86 = arith.addi %add3A_57, %add3A_85 : i32
        "tpu.region"() ({
          %run_scoped3A = tpu.sem_alloc : memref<!tpu.dma_semaphore, #tpu.memory_space<semaphore_mem>>
          %dma_start3A_87 = arith.constant 0 : i32
          %dma_start3A_88 = tpu.memref_slice %arg8[%add3A_86, %dma_start3A_87] : memref<32x128xi32, #tpu.memory_space<vmem>> -> memref<1x128xi32, #tpu.memory_space<vmem>>
          %dma_start3A_89 = tpu.memref_squeeze %dma_start3A_88 : memref<1x128xi32, #tpu.memory_space<vmem>> -> memref<128xi32, #tpu.memory_space<vmem>>
          %dma_start3A_90 = arith.constant 0 : i32
          %dma_start3A_91 = arith.constant 0 : i32
          %dma_start3A_92 = tpu.memref_slice %arg11[%dma_start3A_90, %dma_start3A_91] : memref<10112x128xf32, #tpu.memory_space<vmem_shared>> -> memref<10112x128xf32, #tpu.memory_space<vmem_shared>>
          tpu.enqueue_indirect_dma source(%arg10 : memref<128x128xf32, #tpu.memory_space<vmem>>) target(%dma_start3A_92 : memref<10112x128xf32, #tpu.memory_space<vmem_shared>>) offsets(%dma_start3A_89 : memref<128xi32, #tpu.memory_space<vmem>>) semaphore(%run_scoped3A : memref<!tpu.dma_semaphore, #tpu.memory_space<semaphore_mem>>) {add = true}
          %dma_wait3A_93 = arith.constant 0 : i32
          %dma_wait3A_94 = tpu.memref_slice %arg8[%add3A_86, %dma_wait3A_93] : memref<32x128xi32, #tpu.memory_space<vmem>> -> memref<1x128xi32, #tpu.memory_space<vmem>>
          %dma_wait3A_95 = tpu.memref_squeeze %dma_wait3A_94 : memref<1x128xi32, #tpu.memory_space<vmem>> -> memref<128xi32, #tpu.memory_space<vmem>>
          %dma_wait3A_96 = arith.constant 0 : i32
          %dma_wait3A_97 = arith.constant 0 : i32
          %dma_wait3A_98 = tpu.memref_slice %arg11[%dma_wait3A_96, %dma_wait3A_97] : memref<10112x128xf32, #tpu.memory_space<vmem_shared>> -> memref<10112x128xf32, #tpu.memory_space<vmem_shared>>
          tpu.wait_indirect_dma semaphore(%run_scoped3A : memref<!tpu.dma_semaphore, #tpu.memory_space<semaphore_mem>>) src(%arg10 : memref<128x128xf32, #tpu.memory_space<vmem>>) dst(%dma_wait3A_98 : memref<10112x128xf32, #tpu.memory_space<vmem_shared>>)
          tpu.yield
        }) : () -> ()
      }
      %scan3A_52 = arith.constant 16 : i32
    } else {
    }
    %barrier3A_40 = arith.constant 0 : index
    tpu.barrier barrier_id(%barrier3A_40)
    "tpu.region"() ({
      %run_scoped3A = tpu.sem_alloc : memref<!tpu.dma_semaphore, #tpu.memory_space<semaphore_mem>>
      %dma_start3A = arith.constant 0 : i32
      %dma_start3A_41 = tpu.memref_slice %arg6[%arg0, %mul3A_0, %dma_start3A] : memref<2x10112x128xf32, #tpu.memory_space<hbm>> -> memref<1x632x128xf32, #tpu.memory_space<hbm>>
      %dma_start3A_42 = tpu.memref_squeeze %dma_start3A_41 : memref<1x632x128xf32, #tpu.memory_space<hbm>> -> memref<632x128xf32, #tpu.memory_space<hbm>>
      %dma_start3A_43 = arith.constant 0 : i32
      %dma_start3A_44 = tpu.memref_slice %arg11[%mul3A_0, %dma_start3A_43] : memref<10112x128xf32, #tpu.memory_space<vmem_shared>> -> memref<632x128xf32, #tpu.memory_space<vmem_shared>>
      tpu.enqueue_dma source(%dma_start3A_44 : memref<632x128xf32, #tpu.memory_space<vmem_shared>>) target(%dma_start3A_42 : memref<632x128xf32, #tpu.memory_space<hbm>>) target_semaphore(%run_scoped3A : memref<!tpu.dma_semaphore, #tpu.memory_space<semaphore_mem>>)
      %dma_wait3A = arith.constant 0 : i32
      %dma_wait3A_45 = tpu.memref_slice %arg6[%arg0, %mul3A_0, %dma_wait3A] : memref<2x10112x128xf32, #tpu.memory_space<hbm>> -> memref<1x632x128xf32, #tpu.memory_space<hbm>>
      %dma_wait3A_46 = tpu.memref_squeeze %dma_wait3A_45 : memref<1x632x128xf32, #tpu.memory_space<hbm>> -> memref<632x128xf32, #tpu.memory_space<hbm>>
      %dma_wait3A_47 = arith.constant 0 : i32
      %dma_wait3A_48 = tpu.memref_slice %arg11[%mul3A_0, %dma_wait3A_47] : memref<10112x128xf32, #tpu.memory_space<vmem_shared>> -> memref<632x128xf32, #tpu.memory_space<vmem_shared>>
      tpu.wait_dma2 semaphore(%run_scoped3A : memref<!tpu.dma_semaphore, #tpu.memory_space<semaphore_mem>>) src(%dma_wait3A_48 : memref<632x128xf32, #tpu.memory_space<vmem_shared>>) dst(%dma_wait3A_46 : memref<632x128xf32, #tpu.memory_space<hbm>>)
      tpu.yield
    }) : () -> ()
    return
  }
}

module attributes {stable_mosaic.version = 14 : i64} {
  func.func @body(%arg0: memref<79x128x128xf32, #tpu.memory_space<vmem>>, %arg1: memref<32x79x128xf32, #tpu.memory_space<vmem>>, %arg2: memref<32x79x128xf32, #tpu.memory_space<vmem>>, %arg3: memref<128x128xf32, #tpu.memory_space<vmem>>, %arg4: memref<79x128x128xf32, #tpu.memory_space<vmem>>, %arg5: memref<1x128xf32, #tpu.memory_space<vmem>>, %arg6: memref<79x128x1xf32, #tpu.memory_space<vmem>>) attributes {dimension_semantics = [], scalar_prefetch = 0 : i64, scratch_operands = 0 : i64, tpu.core_type = #tpu.core_type<tc>} {
    %get3A = arith.constant 0 : index
    %get3A_0 = arith.constant 0 : index
    %get3A_1 = arith.constant 0 : index
    %get3A_2 = vector.load %arg1[%get3A, %get3A_0, %get3A_1] : memref<32x79x128xf32, #tpu.memory_space<vmem>>, vector<32x79x128xf32>
    %reduce_sum3A = arith.constant dense<0.000000e+00> : vector<79x128xf32>
    %reduce_sum3A_3 = vector.multi_reduction <add>, %get3A_2, %reduce_sum3A [0] : vector<32x79x128xf32> to vector<79x128xf32>
    %get3A_4 = arith.constant 0 : index
    %get3A_5 = arith.constant 0 : index
    %get3A_6 = arith.constant 0 : index
    %get3A_7 = vector.load %arg2[%get3A_4, %get3A_5, %get3A_6] : memref<32x79x128xf32, #tpu.memory_space<vmem>>, vector<32x79x128xf32>
    %reduce_sum3A_8 = arith.constant dense<0.000000e+00> : vector<79x128xf32>
    %reduce_sum3A_9 = vector.multi_reduction <add>, %get3A_7, %reduce_sum3A_8 [0] : vector<32x79x128xf32> to vector<79x128xf32>
    %max3A = arith.constant 1.000000e+00 : f32
    %max3A_10 = vector.broadcast %max3A : f32 to vector<79x128xf32>
    %max3A_11 = arith.maximumf %reduce_sum3A_3, %max3A_10 : vector<79x128xf32>
    %rsqrt3A = math.rsqrt %max3A_11 : vector<79x128xf32>
    %max3A_12 = arith.constant 1.000000e+00 : f32
    %max3A_13 = vector.broadcast %max3A_12 : f32 to vector<79x128xf32>
    %max3A_14 = arith.maximumf %reduce_sum3A_9, %max3A_13 : vector<79x128xf32>
    %rsqrt3A_15 = math.rsqrt %max3A_14 : vector<79x128xf32>
    %get3A_16 = arith.constant 0 : index
    %get3A_17 = arith.constant 0 : index
    %get3A_18 = vector.load %arg3[%get3A_16, %get3A_17] : memref<128x128xf32, #tpu.memory_space<vmem>>, vector<128x128xf32>
    %dot_general3A = arith.constant dense<0.000000e+00> : vector<128x79xf32>
    %dot_general3A_19 = tpu.matmul %get3A_18, %rsqrt3A, %dot_general3A {dimension_numbers = #tpu.dot_dimension_numbers<[1], [1], [0], [0], [0, 0, 1, 0], [], []>, transpose_lhs_hint = false} : vector<128x128xf32>, vector<79x128xf32>, vector<128x79xf32> -> vector<128x79xf32>
    %get3A_20 = arith.constant 0 : index
    %get3A_21 = arith.constant 0 : index
    %get3A_22 = vector.load %arg3[%get3A_20, %get3A_21] : memref<128x128xf32, #tpu.memory_space<vmem>>, vector<128x128xf32>
    %dot_general3A_23 = arith.constant dense<0.000000e+00> : vector<128x79xf32>
    %dot_general3A_24 = tpu.matmul %get3A_22, %rsqrt3A_15, %dot_general3A_23 {dimension_numbers = #tpu.dot_dimension_numbers<[1], [1], [0], [0], [0, 0, 1, 0], [], []>, transpose_lhs_hint = false} : vector<128x128xf32>, vector<79x128xf32>, vector<128x79xf32> -> vector<128x79xf32>
    %get3A_25 = arith.constant 0 : index
    %get3A_26 = arith.constant 0 : index
    %get3A_27 = arith.constant 0 : index
    %get3A_28 = vector.load %arg0[%get3A_25, %get3A_26, %get3A_27] : memref<79x128x128xf32, #tpu.memory_space<vmem>>, vector<79x128x128xf32>
    %slice3A = vector.extract_strided_slice %get3A_28 {offsets = [0, 0, 0], sizes = [1, 128, 128], strides = [1, 1, 1]} : vector<79x128x128xf32> to vector<1x128x128xf32>
    %squeeze3A = vector.shape_cast %slice3A : vector<1x128x128xf32> to vector<128x128xf32>
    %slice3A_29 = vector.extract_strided_slice %dot_general3A_19 {offsets = [0, 0], sizes = [128, 1], strides = [1, 1]} : vector<128x79xf32> to vector<128x1xf32>
    %mul3A = vector.broadcast %slice3A_29 : vector<128x1xf32> to vector<128x128xf32>
    %mul3A_30 = arith.mulf %squeeze3A, %mul3A : vector<128x128xf32>
    %swap3A = arith.constant 0 : index
    %swap3A_31 = arith.constant 0 : index
    %swap3A_32 = arith.constant 0 : index
    %swap3A_33 = vector.load %arg4[%swap3A, %swap3A_31, %swap3A_32] : memref<79x128x128xf32, #tpu.memory_space<vmem>>, vector<1x128x128xf32>
    %swap3A_34 = vector.shape_cast %swap3A_33 : vector<1x128x128xf32> to vector<128x128xf32>
    %swap3A_35 = vector.shape_cast %mul3A_30 : vector<128x128xf32> to vector<1x128x128xf32>
    tpu.vector_store %arg4[%swap3A, %swap3A_31, %swap3A_32], %swap3A_35 {strides = array<i32>} : memref<79x128x128xf32, #tpu.memory_space<vmem>>, vector<1x128x128xf32>,
    %slice3A_36 = vector.extract_strided_slice %dot_general3A_24 {offsets = [0, 0], sizes = [128, 1], strides = [1, 1]} : vector<128x79xf32> to vector<128x1xf32>
    %swap3A_37 = arith.constant 0 : index
    %swap3A_38 = arith.constant 0 : index
    %swap3A_39 = arith.constant 0 : index
    %swap3A_40 = vector.load %arg6[%swap3A_37, %swap3A_38, %swap3A_39] : memref<79x128x1xf32, #tpu.memory_space<vmem>>, vector<1x128x1xf32>
    %swap3A_41 = vector.shape_cast %swap3A_40 : vector<1x128x1xf32> to vector<128x1xf32>
    %swap3A_42 = vector.shape_cast %slice3A_36 : vector<128x1xf32> to vector<1x128x1xf32>
    tpu.vector_store %arg6[%swap3A_37, %swap3A_38, %swap3A_39], %swap3A_42 {strides = array<i32>} : memref<79x128x1xf32, #tpu.memory_space<vmem>>, vector<1x128x1xf32>,
    %slice3A_43 = vector.extract_strided_slice %get3A_28 {offsets = [1, 0, 0], sizes = [1, 128, 128], strides = [1, 1, 1]} : vector<79x128x128xf32> to vector<1x128x128xf32>
    %squeeze3A_44 = vector.shape_cast %slice3A_43 : vector<1x128x128xf32> to vector<128x128xf32>
    %slice3A_45 = vector.extract_strided_slice %dot_general3A_19 {offsets = [0, 1], sizes = [128, 1], strides = [1, 1]} : vector<128x79xf32> to vector<128x1xf32>
    %mul3A_46 = vector.broadcast %slice3A_45 : vector<128x1xf32> to vector<128x128xf32>
    %mul3A_47 = arith.mulf %squeeze3A_44, %mul3A_46 : vector<128x128xf32>
    %swap3A_48 = arith.constant 1 : index
    %swap3A_49 = arith.constant 0 : index
    %swap3A_50 = arith.constant 0 : index
    %swap3A_51 = vector.load %arg4[%swap3A_48, %swap3A_49, %swap3A_50] : memref<79x128x128xf32, #tpu.memory_space<vmem>>, vector<1x128x128xf32>
    %swap3A_52 = vector.shape_cast %swap3A_51 : vector<1x128x128xf32> to vector<128x128xf32>
    %swap3A_53 = vector.shape_cast %mul3A_47 : vector<128x128xf32> to vector<1x128x128xf32>
    tpu.vector_store %arg4[%swap3A_48, %swap3A_49, %swap3A_50], %swap3A_53 {strides = array<i32>} : memref<79x128x128xf32, #tpu.memory_space<vmem>>, vector<1x128x128xf32>,
    %slice3A_54 = vector.extract_strided_slice %dot_general3A_24 {offsets = [0, 1], sizes = [128, 1], strides = [1, 1]} : vector<128x79xf32> to vector<128x1xf32>
    %swap3A_55 = arith.constant 1 : index
    %swap3A_56 = arith.constant 0 : index
    %swap3A_57 = arith.constant 0 : index
    %swap3A_58 = vector.load %arg6[%swap3A_55, %swap3A_56, %swap3A_57] : memref<79x128x1xf32, #tpu.memory_space<vmem>>, vector<1x128x1xf32>
    %swap3A_59 = vector.shape_cast %swap3A_58 : vector<1x128x1xf32> to vector<128x1xf32>
    %swap3A_60 = vector.shape_cast %slice3A_54 : vector<128x1xf32> to vector<1x128x1xf32>
    tpu.vector_store %arg6[%swap3A_55, %swap3A_56, %swap3A_57], %swap3A_60 {strides = array<i32>} : memref<79x128x1xf32, #tpu.memory_space<vmem>>, vector<1x128x1xf32>,
    %slice3A_61 = vector.extract_strided_slice %get3A_28 {offsets = [2, 0, 0], sizes = [1, 128, 128], strides = [1, 1, 1]} : vector<79x128x128xf32> to vector<1x128x128xf32>
    %squeeze3A_62 = vector.shape_cast %slice3A_61 : vector<1x128x128xf32> to vector<128x128xf32>
    %slice3A_63 = vector.extract_strided_slice %dot_general3A_19 {offsets = [0, 2], sizes = [128, 1], strides = [1, 1]} : vector<128x79xf32> to vector<128x1xf32>
    %mul3A_64 = vector.broadcast %slice3A_63 : vector<128x1xf32> to vector<128x128xf32>
    %mul3A_65 = arith.mulf %squeeze3A_62, %mul3A_64 : vector<128x128xf32>
    %swap3A_66 = arith.constant 2 : index
    %swap3A_67 = arith.constant 0 : index
    %swap3A_68 = arith.constant 0 : index
    %swap3A_69 = vector.load %arg4[%swap3A_66, %swap3A_67, %swap3A_68] : memref<79x128x128xf32, #tpu.memory_space<vmem>>, vector<1x128x128xf32>
    %swap3A_70 = vector.shape_cast %swap3A_69 : vector<1x128x128xf32> to vector<128x128xf32>
    %swap3A_71 = vector.shape_cast %mul3A_65 : vector<128x128xf32> to vector<1x128x128xf32>
    tpu.vector_store %arg4[%swap3A_66, %swap3A_67, %swap3A_68], %swap3A_71 {strides = array<i32>} : memref<79x128x128xf32, #tpu.memory_space<vmem>>, vector<1x128x128xf32>,
    %slice3A_72 = vector.extract_strided_slice %dot_general3A_24 {offsets = [0, 2], sizes = [128, 1], strides = [1, 1]} : vector<128x79xf32> to vector<128x1xf32>
    %swap3A_73 = arith.constant 2 : index
    %swap3A_74 = arith.constant 0 : index
    %swap3A_75 = arith.constant 0 : index
    %swap3A_76 = vector.load %arg6[%swap3A_73, %swap3A_74, %swap3A_75] : memref<79x128x1xf32, #tpu.memory_space<vmem>>, vector<1x128x1xf32>
    %swap3A_77 = vector.shape_cast %swap3A_76 : vector<1x128x1xf32> to vector<128x1xf32>
    %swap3A_78 = vector.shape_cast %slice3A_72 : vector<128x1xf32> to vector<1x128x1xf32>
    tpu.vector_store %arg6[%swap3A_73, %swap3A_74, %swap3A_75], %swap3A_78 {strides = array<i32>} : memref<79x128x1xf32, #tpu.memory_space<vmem>>, vector<1x128x1xf32>,
    %slice3A_79 = vector.extract_strided_slice %get3A_28 {offsets = [3, 0, 0], sizes = [1, 128, 128], strides = [1, 1, 1]} : vector<79x128x128xf32> to vector<1x128x128xf32>
    %squeeze3A_80 = vector.shape_cast %slice3A_79 : vector<1x128x128xf32> to vector<128x128xf32>
    %slice3A_81 = vector.extract_strided_slice %dot_general3A_19 {offsets = [0, 3], sizes = [128, 1], strides = [1, 1]} : vector<128x79xf32> to vector<128x1xf32>
    %mul3A_82 = vector.broadcast %slice3A_81 : vector<128x1xf32> to vector<128x128xf32>
    %mul3A_83 = arith.mulf %squeeze3A_80, %mul3A_82 : vector<128x128xf32>
    %swap3A_84 = arith.constant 3 : index
    %swap3A_85 = arith.constant 0 : index
    %swap3A_86 = arith.constant 0 : index
    %swap3A_87 = vector.load %arg4[%swap3A_84, %swap3A_85, %swap3A_86] : memref<79x128x128xf32, #tpu.memory_space<vmem>>, vector<1x128x128xf32>
    %swap3A_88 = vector.shape_cast %swap3A_87 : vector<1x128x128xf32> to vector<128x128xf32>
    %swap3A_89 = vector.shape_cast %mul3A_83 : vector<128x128xf32> to vector<1x128x128xf32>
    tpu.vector_store %arg4[%swap3A_84, %swap3A_85, %swap3A_86], %swap3A_89 {strides = array<i32>} : memref<79x128x128xf32, #tpu.memory_space<vmem>>, vector<1x128x128xf32>,
    %slice3A_90 = vector.extract_strided_slice %dot_general3A_24 {offsets = [0, 3], sizes = [128, 1], strides = [1, 1]} : vector<128x79xf32> to vector<128x1xf32>
    %swap3A_91 = arith.constant 3 : index
    %swap3A_92 = arith.constant 0 : index
    %swap3A_93 = arith.constant 0 : index
    %swap3A_94 = vector.load %arg6[%swap3A_91, %swap3A_92, %swap3A_93] : memref<79x128x1xf32, #tpu.memory_space<vmem>>, vector<1x128x1xf32>
    %swap3A_95 = vector.shape_cast %swap3A_94 : vector<1x128x1xf32> to vector<128x1xf32>
    %swap3A_96 = vector.shape_cast %slice3A_90 : vector<128x1xf32> to vector<1x128x1xf32>
    tpu.vector_store %arg6[%swap3A_91, %swap3A_92, %swap3A_93], %swap3A_96 {strides = array<i32>} : memref<79x128x1xf32, #tpu.memory_space<vmem>>, vector<1x128x1xf32>,
    %slice3A_97 = vector.extract_strided_slice %get3A_28 {offsets = [4, 0, 0], sizes = [1, 128, 128], strides = [1, 1, 1]} : vector<79x128x128xf32> to vector<1x128x128xf32>
    %squeeze3A_98 = vector.shape_cast %slice3A_97 : vector<1x128x128xf32> to vector<128x128xf32>
    %slice3A_99 = vector.extract_strided_slice %dot_general3A_19 {offsets = [0, 4], sizes = [128, 1], strides = [1, 1]} : vector<128x79xf32> to vector<128x1xf32>
    %mul3A_100 = vector.broadcast %slice3A_99 : vector<128x1xf32> to vector<128x128xf32>
    %mul3A_101 = arith.mulf %squeeze3A_98, %mul3A_100 : vector<128x128xf32>
    %swap3A_102 = arith.constant 4 : index
    %swap3A_103 = arith.constant 0 : index
    %swap3A_104 = arith.constant 0 : index
    %swap3A_105 = vector.load %arg4[%swap3A_102, %swap3A_103, %swap3A_104] : memref<79x128x128xf32, #tpu.memory_space<vmem>>, vector<1x128x128xf32>
    %swap3A_106 = vector.shape_cast %swap3A_105 : vector<1x128x128xf32> to vector<128x128xf32>
    %swap3A_107 = vector.shape_cast %mul3A_101 : vector<128x128xf32> to vector<1x128x128xf32>
    tpu.vector_store %arg4[%swap3A_102, %swap3A_103, %swap3A_104], %swap3A_107 {strides = array<i32>} : memref<79x128x128xf32, #tpu.memory_space<vmem>>, vector<1x128x128xf32>,
    %slice3A_108 = vector.extract_strided_slice %dot_general3A_24 {offsets = [0, 4], sizes = [128, 1], strides = [1, 1]} : vector<128x79xf32> to vector<128x1xf32>
    %swap3A_109 = arith.constant 4 : index
    %swap3A_110 = arith.constant 0 : index
    %swap3A_111 = arith.constant 0 : index
    %swap3A_112 = vector.load %arg6[%swap3A_109, %swap3A_110, %swap3A_111] : memref<79x128x1xf32, #tpu.memory_space<vmem>>, vector<1x128x1xf32>
    %swap3A_113 = vector.shape_cast %swap3A_112 : vector<1x128x1xf32> to vector<128x1xf32>
    %swap3A_114 = vector.shape_cast %slice3A_108 : vector<128x1xf32> to vector<1x128x1xf32>
    tpu.vector_store %arg6[%swap3A_109, %swap3A_110, %swap3A_111], %swap3A_114 {strides = array<i32>} : memref<79x128x1xf32, #tpu.memory_space<vmem>>, vector<1x128x1xf32>,
    %slice3A_115 = vector.extract_strided_slice %get3A_28 {offsets = [5, 0, 0], sizes = [1, 128, 128], strides = [1, 1, 1]} : vector<79x128x128xf32> to vector<1x128x128xf32>
    %squeeze3A_116 = vector.shape_cast %slice3A_115 : vector<1x128x128xf32> to vector<128x128xf32>
    %slice3A_117 = vector.extract_strided_slice %dot_general3A_19 {offsets = [0, 5], sizes = [128, 1], strides = [1, 1]} : vector<128x79xf32> to vector<128x1xf32>
    %mul3A_118 = vector.broadcast %slice3A_117 : vector<128x1xf32> to vector<128x128xf32>
    %mul3A_119 = arith.mulf %squeeze3A_116, %mul3A_118 : vector<128x128xf32>
    %swap3A_120 = arith.constant 5 : index
    %swap3A_121 = arith.constant 0 : index
    %swap3A_122 = arith.constant 0 : index
    %swap3A_123 = vector.load %arg4[%swap3A_120, %swap3A_121, %swap3A_122] : memref<79x128x128xf32, #tpu.memory_space<vmem>>, vector<1x128x128xf32>
    %swap3A_124 = vector.shape_cast %swap3A_123 : vector<1x128x128xf32> to vector<128x128xf32>
    %swap3A_125 = vector.shape_cast %mul3A_119 : vector<128x128xf32> to vector<1x128x128xf32>
    tpu.vector_store %arg4[%swap3A_120, %swap3A_121, %swap3A_122], %swap3A_125 {strides = array<i32>} : memref<79x128x128xf32, #tpu.memory_space<vmem>>, vector<1x128x128xf32>,
    %slice3A_126 = vector.extract_strided_slice %dot_general3A_24 {offsets = [0, 5], sizes = [128, 1], strides = [1, 1]} : vector<128x79xf32> to vector<128x1xf32>
    %swap3A_127 = arith.constant 5 : index
    %swap3A_128 = arith.constant 0 : index
    %swap3A_129 = arith.constant 0 : index
    %swap3A_130 = vector.load %arg6[%swap3A_127, %swap3A_128, %swap3A_129] : memref<79x128x1xf32, #tpu.memory_space<vmem>>, vector<1x128x1xf32>
    %swap3A_131 = vector.shape_cast %swap3A_130 : vector<1x128x1xf32> to vector<128x1xf32>
    %swap3A_132 = vector.shape_cast %slice3A_126 : vector<128x1xf32> to vector<1x128x1xf32>
    tpu.vector_store %arg6[%swap3A_127, %swap3A_128, %swap3A_129], %swap3A_132 {strides = array<i32>} : memref<79x128x1xf32, #tpu.memory_space<vmem>>, vector<1x128x1xf32>,
    %slice3A_133 = vector.extract_strided_slice %get3A_28 {offsets = [6, 0, 0], sizes = [1, 128, 128], strides = [1, 1, 1]} : vector<79x128x128xf32> to vector<1x128x128xf32>
    %squeeze3A_134 = vector.shape_cast %slice3A_133 : vector<1x128x128xf32> to vector<128x128xf32>
    %slice3A_135 = vector.extract_strided_slice %dot_general3A_19 {offsets = [0, 6], sizes = [128, 1], strides = [1, 1]} : vector<128x79xf32> to vector<128x1xf32>
    %mul3A_136 = vector.broadcast %slice3A_135 : vector<128x1xf32> to vector<128x128xf32>
    %mul3A_137 = arith.mulf %squeeze3A_134, %mul3A_136 : vector<128x128xf32>
    %swap3A_138 = arith.constant 6 : index
    %swap3A_139 = arith.constant 0 : index
    %swap3A_140 = arith.constant 0 : index
    %swap3A_141 = vector.load %arg4[%swap3A_138, %swap3A_139, %swap3A_140] : memref<79x128x128xf32, #tpu.memory_space<vmem>>, vector<1x128x128xf32>
    %swap3A_142 = vector.shape_cast %swap3A_141 : vector<1x128x128xf32> to vector<128x128xf32>
    %swap3A_143 = vector.shape_cast %mul3A_137 : vector<128x128xf32> to vector<1x128x128xf32>
    tpu.vector_store %arg4[%swap3A_138, %swap3A_139, %swap3A_140], %swap3A_143 {strides = array<i32>} : memref<79x128x128xf32, #tpu.memory_space<vmem>>, vector<1x128x128xf32>,
    %slice3A_144 = vector.extract_strided_slice %dot_general3A_24 {offsets = [0, 6], sizes = [128, 1], strides = [1, 1]} : vector<128x79xf32> to vector<128x1xf32>
    %swap3A_145 = arith.constant 6 : index
    %swap3A_146 = arith.constant 0 : index
    %swap3A_147 = arith.constant 0 : index
    %swap3A_148 = vector.load %arg6[%swap3A_145, %swap3A_146, %swap3A_147] : memref<79x128x1xf32, #tpu.memory_space<vmem>>, vector<1x128x1xf32>
    %swap3A_149 = vector.shape_cast %swap3A_148 : vector<1x128x1xf32> to vector<128x1xf32>
    %swap3A_150 = vector.shape_cast %slice3A_144 : vector<128x1xf32> to vector<1x128x1xf32>
    tpu.vector_store %arg6[%swap3A_145, %swap3A_146, %swap3A_147], %swap3A_150 {strides = array<i32>} : memref<79x128x1xf32, #tpu.memory_space<vmem>>, vector<1x128x1xf32>,
    %slice3A_151 = vector.extract_strided_slice %get3A_28 {offsets = [7, 0, 0], sizes = [1, 128, 128], strides = [1, 1, 1]} : vector<79x128x128xf32> to vector<1x128x128xf32>
    %squeeze3A_152 = vector.shape_cast %slice3A_151 : vector<1x128x128xf32> to vector<128x128xf32>
    %slice3A_153 = vector.extract_strided_slice %dot_general3A_19 {offsets = [0, 7], sizes = [128, 1], strides = [1, 1]} : vector<128x79xf32> to vector<128x1xf32>
    %mul3A_154 = vector.broadcast %slice3A_153 : vector<128x1xf32> to vector<128x128xf32>
    %mul3A_155 = arith.mulf %squeeze3A_152, %mul3A_154 : vector<128x128xf32>
    %swap3A_156 = arith.constant 7 : index
    %swap3A_157 = arith.constant 0 : index
    %swap3A_158 = arith.constant 0 : index
    %swap3A_159 = vector.load %arg4[%swap3A_156, %swap3A_157, %swap3A_158] : memref<79x128x128xf32, #tpu.memory_space<vmem>>, vector<1x128x128xf32>
    %swap3A_160 = vector.shape_cast %swap3A_159 : vector<1x128x128xf32> to vector<128x128xf32>
    %swap3A_161 = vector.shape_cast %mul3A_155 : vector<128x128xf32> to vector<1x128x128xf32>
    tpu.vector_store %arg4[%swap3A_156, %swap3A_157, %swap3A_158], %swap3A_161 {strides = array<i32>} : memref<79x128x128xf32, #tpu.memory_space<vmem>>, vector<1x128x128xf32>,
    %slice3A_162 = vector.extract_strided_slice %dot_general3A_24 {offsets = [0, 7], sizes = [128, 1], strides = [1, 1]} : vector<128x79xf32> to vector<128x1xf32>
    %swap3A_163 = arith.constant 7 : index
    %swap3A_164 = arith.constant 0 : index
    %swap3A_165 = arith.constant 0 : index
    %swap3A_166 = vector.load %arg6[%swap3A_163, %swap3A_164, %swap3A_165] : memref<79x128x1xf32, #tpu.memory_space<vmem>>, vector<1x128x1xf32>
    %swap3A_167 = vector.shape_cast %swap3A_166 : vector<1x128x1xf32> to vector<128x1xf32>
    %swap3A_168 = vector.shape_cast %slice3A_162 : vector<128x1xf32> to vector<1x128x1xf32>
    tpu.vector_store %arg6[%swap3A_163, %swap3A_164, %swap3A_165], %swap3A_168 {strides = array<i32>} : memref<79x128x1xf32, #tpu.memory_space<vmem>>, vector<1x128x1xf32>,
    %slice3A_169 = vector.extract_strided_slice %get3A_28 {offsets = [8, 0, 0], sizes = [1, 128, 128], strides = [1, 1, 1]} : vector<79x128x128xf32> to vector<1x128x128xf32>
    %squeeze3A_170 = vector.shape_cast %slice3A_169 : vector<1x128x128xf32> to vector<128x128xf32>
    %slice3A_171 = vector.extract_strided_slice %dot_general3A_19 {offsets = [0, 8], sizes = [128, 1], strides = [1, 1]} : vector<128x79xf32> to vector<128x1xf32>
    %mul3A_172 = vector.broadcast %slice3A_171 : vector<128x1xf32> to vector<128x128xf32>
    %mul3A_173 = arith.mulf %squeeze3A_170, %mul3A_172 : vector<128x128xf32>
    %swap3A_174 = arith.constant 8 : index
    %swap3A_175 = arith.constant 0 : index
    %swap3A_176 = arith.constant 0 : index
    %swap3A_177 = vector.load %arg4[%swap3A_174, %swap3A_175, %swap3A_176] : memref<79x128x128xf32, #tpu.memory_space<vmem>>, vector<1x128x128xf32>
    %swap3A_178 = vector.shape_cast %swap3A_177 : vector<1x128x128xf32> to vector<128x128xf32>
    %swap3A_179 = vector.shape_cast %mul3A_173 : vector<128x128xf32> to vector<1x128x128xf32>
    tpu.vector_store %arg4[%swap3A_174, %swap3A_175, %swap3A_176], %swap3A_179 {strides = array<i32>} : memref<79x128x128xf32, #tpu.memory_space<vmem>>, vector<1x128x128xf32>,
    %slice3A_180 = vector.extract_strided_slice %dot_general3A_24 {offsets = [0, 8], sizes = [128, 1], strides = [1, 1]} : vector<128x79xf32> to vector<128x1xf32>
    %swap3A_181 = arith.constant 8 : index
    %swap3A_182 = arith.constant 0 : index
    %swap3A_183 = arith.constant 0 : index
    %swap3A_184 = vector.load %arg6[%swap3A_181, %swap3A_182, %swap3A_183] : memref<79x128x1xf32, #tpu.memory_space<vmem>>, vector<1x128x1xf32>
    %swap3A_185 = vector.shape_cast %swap3A_184 : vector<1x128x1xf32> to vector<128x1xf32>
    %swap3A_186 = vector.shape_cast %slice3A_180 : vector<128x1xf32> to vector<1x128x1xf32>
    tpu.vector_store %arg6[%swap3A_181, %swap3A_182, %swap3A_183], %swap3A_186 {strides = array<i32>} : memref<79x128x1xf32, #tpu.memory_space<vmem>>, vector<1x128x1xf32>,
    %slice3A_187 = vector.extract_strided_slice %get3A_28 {offsets = [9, 0, 0], sizes = [1, 128, 128], strides = [1, 1, 1]} : vector<79x128x128xf32> to vector<1x128x128xf32>
    %squeeze3A_188 = vector.shape_cast %slice3A_187 : vector<1x128x128xf32> to vector<128x128xf32>
    %slice3A_189 = vector.extract_strided_slice %dot_general3A_19 {offsets = [0, 9], sizes = [128, 1], strides = [1, 1]} : vector<128x79xf32> to vector<128x1xf32>
    %mul3A_190 = vector.broadcast %slice3A_189 : vector<128x1xf32> to vector<128x128xf32>
    %mul3A_191 = arith.mulf %squeeze3A_188, %mul3A_190 : vector<128x128xf32>
    %swap3A_192 = arith.constant 9 : index
    %swap3A_193 = arith.constant 0 : index
    %swap3A_194 = arith.constant 0 : index
    %swap3A_195 = vector.load %arg4[%swap3A_192, %swap3A_193, %swap3A_194] : memref<79x128x128xf32, #tpu.memory_space<vmem>>, vector<1x128x128xf32>
    %swap3A_196 = vector.shape_cast %swap3A_195 : vector<1x128x128xf32> to vector<128x128xf32>
    %swap3A_197 = vector.shape_cast %mul3A_191 : vector<128x128xf32> to vector<1x128x128xf32>
    tpu.vector_store %arg4[%swap3A_192, %swap3A_193, %swap3A_194], %swap3A_197 {strides = array<i32>} : memref<79x128x128xf32, #tpu.memory_space<vmem>>, vector<1x128x128xf32>,
    %slice3A_198 = vector.extract_strided_slice %dot_general3A_24 {offsets = [0, 9], sizes = [128, 1], strides = [1, 1]} : vector<128x79xf32> to vector<128x1xf32>
    %swap3A_199 = arith.constant 9 : index
    %swap3A_200 = arith.constant 0 : index
    %swap3A_201 = arith.constant 0 : index
    %swap3A_202 = vector.load %arg6[%swap3A_199, %swap3A_200, %swap3A_201] : memref<79x128x1xf32, #tpu.memory_space<vmem>>, vector<1x128x1xf32>
    %swap3A_203 = vector.shape_cast %swap3A_202 : vector<1x128x1xf32> to vector<128x1xf32>
    %swap3A_204 = vector.shape_cast %slice3A_198 : vector<128x1xf32> to vector<1x128x1xf32>
    tpu.vector_store %arg6[%swap3A_199, %swap3A_200, %swap3A_201], %swap3A_204 {strides = array<i32>} : memref<79x128x1xf32, #tpu.memory_space<vmem>>, vector<1x128x1xf32>,
    %slice3A_205 = vector.extract_strided_slice %get3A_28 {offsets = [10, 0, 0], sizes = [1, 128, 128], strides = [1, 1, 1]} : vector<79x128x128xf32> to vector<1x128x128xf32>
    %squeeze3A_206 = vector.shape_cast %slice3A_205 : vector<1x128x128xf32> to vector<128x128xf32>
    %slice3A_207 = vector.extract_strided_slice %dot_general3A_19 {offsets = [0, 10], sizes = [128, 1], strides = [1, 1]} : vector<128x79xf32> to vector<128x1xf32>
    %mul3A_208 = vector.broadcast %slice3A_207 : vector<128x1xf32> to vector<128x128xf32>
    %mul3A_209 = arith.mulf %squeeze3A_206, %mul3A_208 : vector<128x128xf32>
    %swap3A_210 = arith.constant 10 : index
    %swap3A_211 = arith.constant 0 : index
    %swap3A_212 = arith.constant 0 : index
    %swap3A_213 = vector.load %arg4[%swap3A_210, %swap3A_211, %swap3A_212] : memref<79x128x128xf32, #tpu.memory_space<vmem>>, vector<1x128x128xf32>
    %swap3A_214 = vector.shape_cast %swap3A_213 : vector<1x128x128xf32> to vector<128x128xf32>
    %swap3A_215 = vector.shape_cast %mul3A_209 : vector<128x128xf32> to vector<1x128x128xf32>
    tpu.vector_store %arg4[%swap3A_210, %swap3A_211, %swap3A_212], %swap3A_215 {strides = array<i32>} : memref<79x128x128xf32, #tpu.memory_space<vmem>>, vector<1x128x128xf32>,
    %slice3A_216 = vector.extract_strided_slice %dot_general3A_24 {offsets = [0, 10], sizes = [128, 1], strides = [1, 1]} : vector<128x79xf32> to vector<128x1xf32>
    %swap3A_217 = arith.constant 10 : index
    %swap3A_218 = arith.constant 0 : index
    %swap3A_219 = arith.constant 0 : index
    %swap3A_220 = vector.load %arg6[%swap3A_217, %swap3A_218, %swap3A_219] : memref<79x128x1xf32, #tpu.memory_space<vmem>>, vector<1x128x1xf32>
    %swap3A_221 = vector.shape_cast %swap3A_220 : vector<1x128x1xf32> to vector<128x1xf32>
    %swap3A_222 = vector.shape_cast %slice3A_216 : vector<128x1xf32> to vector<1x128x1xf32>
    tpu.vector_store %arg6[%swap3A_217, %swap3A_218, %swap3A_219], %swap3A_222 {strides = array<i32>} : memref<79x128x1xf32, #tpu.memory_space<vmem>>, vector<1x128x1xf32>,
    %slice3A_223 = vector.extract_strided_slice %get3A_28 {offsets = [11, 0, 0], sizes = [1, 128, 128], strides = [1, 1, 1]} : vector<79x128x128xf32> to vector<1x128x128xf32>
    %squeeze3A_224 = vector.shape_cast %slice3A_223 : vector<1x128x128xf32> to vector<128x128xf32>
    %slice3A_225 = vector.extract_strided_slice %dot_general3A_19 {offsets = [0, 11], sizes = [128, 1], strides = [1, 1]} : vector<128x79xf32> to vector<128x1xf32>
    %mul3A_226 = vector.broadcast %slice3A_225 : vector<128x1xf32> to vector<128x128xf32>
    %mul3A_227 = arith.mulf %squeeze3A_224, %mul3A_226 : vector<128x128xf32>
    %swap3A_228 = arith.constant 11 : index
    %swap3A_229 = arith.constant 0 : index
    %swap3A_230 = arith.constant 0 : index
    %swap3A_231 = vector.load %arg4[%swap3A_228, %swap3A_229, %swap3A_230] : memref<79x128x128xf32, #tpu.memory_space<vmem>>, vector<1x128x128xf32>
    %swap3A_232 = vector.shape_cast %swap3A_231 : vector<1x128x128xf32> to vector<128x128xf32>
    %swap3A_233 = vector.shape_cast %mul3A_227 : vector<128x128xf32> to vector<1x128x128xf32>
    tpu.vector_store %arg4[%swap3A_228, %swap3A_229, %swap3A_230], %swap3A_233 {strides = array<i32>} : memref<79x128x128xf32, #tpu.memory_space<vmem>>, vector<1x128x128xf32>,
    %slice3A_234 = vector.extract_strided_slice %dot_general3A_24 {offsets = [0, 11], sizes = [128, 1], strides = [1, 1]} : vector<128x79xf32> to vector<128x1xf32>
    %swap3A_235 = arith.constant 11 : index
    %swap3A_236 = arith.constant 0 : index
    %swap3A_237 = arith.constant 0 : index
    %swap3A_238 = vector.load %arg6[%swap3A_235, %swap3A_236, %swap3A_237] : memref<79x128x1xf32, #tpu.memory_space<vmem>>, vector<1x128x1xf32>
    %swap3A_239 = vector.shape_cast %swap3A_238 : vector<1x128x1xf32> to vector<128x1xf32>
    %swap3A_240 = vector.shape_cast %slice3A_234 : vector<128x1xf32> to vector<1x128x1xf32>
    tpu.vector_store %arg6[%swap3A_235, %swap3A_236, %swap3A_237], %swap3A_240 {strides = array<i32>} : memref<79x128x1xf32, #tpu.memory_space<vmem>>, vector<1x128x1xf32>,
    %slice3A_241 = vector.extract_strided_slice %get3A_28 {offsets = [12, 0, 0], sizes = [1, 128, 128], strides = [1, 1, 1]} : vector<79x128x128xf32> to vector<1x128x128xf32>
    %squeeze3A_242 = vector.shape_cast %slice3A_241 : vector<1x128x128xf32> to vector<128x128xf32>
    %slice3A_243 = vector.extract_strided_slice %dot_general3A_19 {offsets = [0, 12], sizes = [128, 1], strides = [1, 1]} : vector<128x79xf32> to vector<128x1xf32>
    %mul3A_244 = vector.broadcast %slice3A_243 : vector<128x1xf32> to vector<128x128xf32>
    %mul3A_245 = arith.mulf %squeeze3A_242, %mul3A_244 : vector<128x128xf32>
    %swap3A_246 = arith.constant 12 : index
    %swap3A_247 = arith.constant 0 : index
    %swap3A_248 = arith.constant 0 : index
    %swap3A_249 = vector.load %arg4[%swap3A_246, %swap3A_247, %swap3A_248] : memref<79x128x128xf32, #tpu.memory_space<vmem>>, vector<1x128x128xf32>
    %swap3A_250 = vector.shape_cast %swap3A_249 : vector<1x128x128xf32> to vector<128x128xf32>
    %swap3A_251 = vector.shape_cast %mul3A_245 : vector<128x128xf32> to vector<1x128x128xf32>
    tpu.vector_store %arg4[%swap3A_246, %swap3A_247, %swap3A_248], %swap3A_251 {strides = array<i32>} : memref<79x128x128xf32, #tpu.memory_space<vmem>>, vector<1x128x128xf32>,
    %slice3A_252 = vector.extract_strided_slice %dot_general3A_24 {offsets = [0, 12], sizes = [128, 1], strides = [1, 1]} : vector<128x79xf32> to vector<128x1xf32>
    %swap3A_253 = arith.constant 12 : index
    %swap3A_254 = arith.constant 0 : index
    %swap3A_255 = arith.constant 0 : index
    %swap3A_256 = vector.load %arg6[%swap3A_253, %swap3A_254, %swap3A_255] : memref<79x128x1xf32, #tpu.memory_space<vmem>>, vector<1x128x1xf32>
    %swap3A_257 = vector.shape_cast %swap3A_256 : vector<1x128x1xf32> to vector<128x1xf32>
    %swap3A_258 = vector.shape_cast %slice3A_252 : vector<128x1xf32> to vector<1x128x1xf32>
    tpu.vector_store %arg6[%swap3A_253, %swap3A_254, %swap3A_255], %swap3A_258 {strides = array<i32>} : memref<79x128x1xf32, #tpu.memory_space<vmem>>, vector<1x128x1xf32>,
    %slice3A_259 = vector.extract_strided_slice %get3A_28 {offsets = [13, 0, 0], sizes = [1, 128, 128], strides = [1, 1, 1]} : vector<79x128x128xf32> to vector<1x128x128xf32>
    %squeeze3A_260 = vector.shape_cast %slice3A_259 : vector<1x128x128xf32> to vector<128x128xf32>
    %slice3A_261 = vector.extract_strided_slice %dot_general3A_19 {offsets = [0, 13], sizes = [128, 1], strides = [1, 1]} : vector<128x79xf32> to vector<128x1xf32>
    %mul3A_262 = vector.broadcast %slice3A_261 : vector<128x1xf32> to vector<128x128xf32>
    %mul3A_263 = arith.mulf %squeeze3A_260, %mul3A_262 : vector<128x128xf32>
    %swap3A_264 = arith.constant 13 : index
    %swap3A_265 = arith.constant 0 : index
    %swap3A_266 = arith.constant 0 : index
    %swap3A_267 = vector.load %arg4[%swap3A_264, %swap3A_265, %swap3A_266] : memref<79x128x128xf32, #tpu.memory_space<vmem>>, vector<1x128x128xf32>
    %swap3A_268 = vector.shape_cast %swap3A_267 : vector<1x128x128xf32> to vector<128x128xf32>
    %swap3A_269 = vector.shape_cast %mul3A_263 : vector<128x128xf32> to vector<1x128x128xf32>
    tpu.vector_store %arg4[%swap3A_264, %swap3A_265, %swap3A_266], %swap3A_269 {strides = array<i32>} : memref<79x128x128xf32, #tpu.memory_space<vmem>>, vector<1x128x128xf32>,
    %slice3A_270 = vector.extract_strided_slice %dot_general3A_24 {offsets = [0, 13], sizes = [128, 1], strides = [1, 1]} : vector<128x79xf32> to vector<128x1xf32>
    %swap3A_271 = arith.constant 13 : index
    %swap3A_272 = arith.constant 0 : index
    %swap3A_273 = arith.constant 0 : index
    %swap3A_274 = vector.load %arg6[%swap3A_271, %swap3A_272, %swap3A_273] : memref<79x128x1xf32, #tpu.memory_space<vmem>>, vector<1x128x1xf32>
    %swap3A_275 = vector.shape_cast %swap3A_274 : vector<1x128x1xf32> to vector<128x1xf32>
    %swap3A_276 = vector.shape_cast %slice3A_270 : vector<128x1xf32> to vector<1x128x1xf32>
    tpu.vector_store %arg6[%swap3A_271, %swap3A_272, %swap3A_273], %swap3A_276 {strides = array<i32>} : memref<79x128x1xf32, #tpu.memory_space<vmem>>, vector<1x128x1xf32>,
    %slice3A_277 = vector.extract_strided_slice %get3A_28 {offsets = [14, 0, 0], sizes = [1, 128, 128], strides = [1, 1, 1]} : vector<79x128x128xf32> to vector<1x128x128xf32>
    %squeeze3A_278 = vector.shape_cast %slice3A_277 : vector<1x128x128xf32> to vector<128x128xf32>
    %slice3A_279 = vector.extract_strided_slice %dot_general3A_19 {offsets = [0, 14], sizes = [128, 1], strides = [1, 1]} : vector<128x79xf32> to vector<128x1xf32>
    %mul3A_280 = vector.broadcast %slice3A_279 : vector<128x1xf32> to vector<128x128xf32>
    %mul3A_281 = arith.mulf %squeeze3A_278, %mul3A_280 : vector<128x128xf32>
    %swap3A_282 = arith.constant 14 : index
    %swap3A_283 = arith.constant 0 : index
    %swap3A_284 = arith.constant 0 : index
    %swap3A_285 = vector.load %arg4[%swap3A_282, %swap3A_283, %swap3A_284] : memref<79x128x128xf32, #tpu.memory_space<vmem>>, vector<1x128x128xf32>
    %swap3A_286 = vector.shape_cast %swap3A_285 : vector<1x128x128xf32> to vector<128x128xf32>
    %swap3A_287 = vector.shape_cast %mul3A_281 : vector<128x128xf32> to vector<1x128x128xf32>
    tpu.vector_store %arg4[%swap3A_282, %swap3A_283, %swap3A_284], %swap3A_287 {strides = array<i32>} : memref<79x128x128xf32, #tpu.memory_space<vmem>>, vector<1x128x128xf32>,
    %slice3A_288 = vector.extract_strided_slice %dot_general3A_24 {offsets = [0, 14], sizes = [128, 1], strides = [1, 1]} : vector<128x79xf32> to vector<128x1xf32>
    %swap3A_289 = arith.constant 14 : index
    %swap3A_290 = arith.constant 0 : index
    %swap3A_291 = arith.constant 0 : index
    %swap3A_292 = vector.load %arg6[%swap3A_289, %swap3A_290, %swap3A_291] : memref<79x128x1xf32, #tpu.memory_space<vmem>>, vector<1x128x1xf32>
    %swap3A_293 = vector.shape_cast %swap3A_292 : vector<1x128x1xf32> to vector<128x1xf32>
    %swap3A_294 = vector.shape_cast %slice3A_288 : vector<128x1xf32> to vector<1x128x1xf32>
    tpu.vector_store %arg6[%swap3A_289, %swap3A_290, %swap3A_291], %swap3A_294 {strides = array<i32>} : memref<79x128x1xf32, #tpu.memory_space<vmem>>, vector<1x128x1xf32>,
    %slice3A_295 = vector.extract_strided_slice %get3A_28 {offsets = [15, 0, 0], sizes = [1, 128, 128], strides = [1, 1, 1]} : vector<79x128x128xf32> to vector<1x128x128xf32>
    %squeeze3A_296 = vector.shape_cast %slice3A_295 : vector<1x128x128xf32> to vector<128x128xf32>
    %slice3A_297 = vector.extract_strided_slice %dot_general3A_19 {offsets = [0, 15], sizes = [128, 1], strides = [1, 1]} : vector<128x79xf32> to vector<128x1xf32>
    %mul3A_298 = vector.broadcast %slice3A_297 : vector<128x1xf32> to vector<128x128xf32>
    %mul3A_299 = arith.mulf %squeeze3A_296, %mul3A_298 : vector<128x128xf32>
    %swap3A_300 = arith.constant 15 : index
    %swap3A_301 = arith.constant 0 : index
    %swap3A_302 = arith.constant 0 : index
    %swap3A_303 = vector.load %arg4[%swap3A_300, %swap3A_301, %swap3A_302] : memref<79x128x128xf32, #tpu.memory_space<vmem>>, vector<1x128x128xf32>
    %swap3A_304 = vector.shape_cast %swap3A_303 : vector<1x128x128xf32> to vector<128x128xf32>
    %swap3A_305 = vector.shape_cast %mul3A_299 : vector<128x128xf32> to vector<1x128x128xf32>
    tpu.vector_store %arg4[%swap3A_300, %swap3A_301, %swap3A_302], %swap3A_305 {strides = array<i32>} : memref<79x128x128xf32, #tpu.memory_space<vmem>>, vector<1x128x128xf32>,
    %slice3A_306 = vector.extract_strided_slice %dot_general3A_24 {offsets = [0, 15], sizes = [128, 1], strides = [1, 1]} : vector<128x79xf32> to vector<128x1xf32>
    %swap3A_307 = arith.constant 15 : index
    %swap3A_308 = arith.constant 0 : index
    %swap3A_309 = arith.constant 0 : index
    %swap3A_310 = vector.load %arg6[%swap3A_307, %swap3A_308, %swap3A_309] : memref<79x128x1xf32, #tpu.memory_space<vmem>>, vector<1x128x1xf32>
    %swap3A_311 = vector.shape_cast %swap3A_310 : vector<1x128x1xf32> to vector<128x1xf32>
    %swap3A_312 = vector.shape_cast %slice3A_306 : vector<128x1xf32> to vector<1x128x1xf32>
    tpu.vector_store %arg6[%swap3A_307, %swap3A_308, %swap3A_309], %swap3A_312 {strides = array<i32>} : memref<79x128x1xf32, #tpu.memory_space<vmem>>, vector<1x128x1xf32>,
    %slice3A_313 = vector.extract_strided_slice %get3A_28 {offsets = [16, 0, 0], sizes = [1, 128, 128], strides = [1, 1, 1]} : vector<79x128x128xf32> to vector<1x128x128xf32>
    %squeeze3A_314 = vector.shape_cast %slice3A_313 : vector<1x128x128xf32> to vector<128x128xf32>
    %slice3A_315 = vector.extract_strided_slice %dot_general3A_19 {offsets = [0, 16], sizes = [128, 1], strides = [1, 1]} : vector<128x79xf32> to vector<128x1xf32>
    %mul3A_316 = vector.broadcast %slice3A_315 : vector<128x1xf32> to vector<128x128xf32>
    %mul3A_317 = arith.mulf %squeeze3A_314, %mul3A_316 : vector<128x128xf32>
    %swap3A_318 = arith.constant 16 : index
    %swap3A_319 = arith.constant 0 : index
    %swap3A_320 = arith.constant 0 : index
    %swap3A_321 = vector.load %arg4[%swap3A_318, %swap3A_319, %swap3A_320] : memref<79x128x128xf32, #tpu.memory_space<vmem>>, vector<1x128x128xf32>
    %swap3A_322 = vector.shape_cast %swap3A_321 : vector<1x128x128xf32> to vector<128x128xf32>
    %swap3A_323 = vector.shape_cast %mul3A_317 : vector<128x128xf32> to vector<1x128x128xf32>
    tpu.vector_store %arg4[%swap3A_318, %swap3A_319, %swap3A_320], %swap3A_323 {strides = array<i32>} : memref<79x128x128xf32, #tpu.memory_space<vmem>>, vector<1x128x128xf32>,
    %slice3A_324 = vector.extract_strided_slice %dot_general3A_24 {offsets = [0, 16], sizes = [128, 1], strides = [1, 1]} : vector<128x79xf32> to vector<128x1xf32>
    %swap3A_325 = arith.constant 16 : index
    %swap3A_326 = arith.constant 0 : index
    %swap3A_327 = arith.constant 0 : index
    %swap3A_328 = vector.load %arg6[%swap3A_325, %swap3A_326, %swap3A_327] : memref<79x128x1xf32, #tpu.memory_space<vmem>>, vector<1x128x1xf32>
    %swap3A_329 = vector.shape_cast %swap3A_328 : vector<1x128x1xf32> to vector<128x1xf32>
    %swap3A_330 = vector.shape_cast %slice3A_324 : vector<128x1xf32> to vector<1x128x1xf32>
    tpu.vector_store %arg6[%swap3A_325, %swap3A_326, %swap3A_327], %swap3A_330 {strides = array<i32>} : memref<79x128x1xf32, #tpu.memory_space<vmem>>, vector<1x128x1xf32>,
    %slice3A_331 = vector.extract_strided_slice %get3A_28 {offsets = [17, 0, 0], sizes = [1, 128, 128], strides = [1, 1, 1]} : vector<79x128x128xf32> to vector<1x128x128xf32>
    %squeeze3A_332 = vector.shape_cast %slice3A_331 : vector<1x128x128xf32> to vector<128x128xf32>
    %slice3A_333 = vector.extract_strided_slice %dot_general3A_19 {offsets = [0, 17], sizes = [128, 1], strides = [1, 1]} : vector<128x79xf32> to vector<128x1xf32>
    %mul3A_334 = vector.broadcast %slice3A_333 : vector<128x1xf32> to vector<128x128xf32>
    %mul3A_335 = arith.mulf %squeeze3A_332, %mul3A_334 : vector<128x128xf32>
    %swap3A_336 = arith.constant 17 : index
    %swap3A_337 = arith.constant 0 : index
    %swap3A_338 = arith.constant 0 : index
    %swap3A_339 = vector.load %arg4[%swap3A_336, %swap3A_337, %swap3A_338] : memref<79x128x128xf32, #tpu.memory_space<vmem>>, vector<1x128x128xf32>
    %swap3A_340 = vector.shape_cast %swap3A_339 : vector<1x128x128xf32> to vector<128x128xf32>
    %swap3A_341 = vector.shape_cast %mul3A_335 : vector<128x128xf32> to vector<1x128x128xf32>
    tpu.vector_store %arg4[%swap3A_336, %swap3A_337, %swap3A_338], %swap3A_341 {strides = array<i32>} : memref<79x128x128xf32, #tpu.memory_space<vmem>>, vector<1x128x128xf32>,
    %slice3A_342 = vector.extract_strided_slice %dot_general3A_24 {offsets = [0, 17], sizes = [128, 1], strides = [1, 1]} : vector<128x79xf32> to vector<128x1xf32>
    %swap3A_343 = arith.constant 17 : index
    %swap3A_344 = arith.constant 0 : index
    %swap3A_345 = arith.constant 0 : index
    %swap3A_346 = vector.load %arg6[%swap3A_343, %swap3A_344, %swap3A_345] : memref<79x128x1xf32, #tpu.memory_space<vmem>>, vector<1x128x1xf32>
    %swap3A_347 = vector.shape_cast %swap3A_346 : vector<1x128x1xf32> to vector<128x1xf32>
    %swap3A_348 = vector.shape_cast %slice3A_342 : vector<128x1xf32> to vector<1x128x1xf32>
    tpu.vector_store %arg6[%swap3A_343, %swap3A_344, %swap3A_345], %swap3A_348 {strides = array<i32>} : memref<79x128x1xf32, #tpu.memory_space<vmem>>, vector<1x128x1xf32>,
    %slice3A_349 = vector.extract_strided_slice %get3A_28 {offsets = [18, 0, 0], sizes = [1, 128, 128], strides = [1, 1, 1]} : vector<79x128x128xf32> to vector<1x128x128xf32>
    %squeeze3A_350 = vector.shape_cast %slice3A_349 : vector<1x128x128xf32> to vector<128x128xf32>
    %slice3A_351 = vector.extract_strided_slice %dot_general3A_19 {offsets = [0, 18], sizes = [128, 1], strides = [1, 1]} : vector<128x79xf32> to vector<128x1xf32>
    %mul3A_352 = vector.broadcast %slice3A_351 : vector<128x1xf32> to vector<128x128xf32>
    %mul3A_353 = arith.mulf %squeeze3A_350, %mul3A_352 : vector<128x128xf32>
    %swap3A_354 = arith.constant 18 : index
    %swap3A_355 = arith.constant 0 : index
    %swap3A_356 = arith.constant 0 : index
    %swap3A_357 = vector.load %arg4[%swap3A_354, %swap3A_355, %swap3A_356] : memref<79x128x128xf32, #tpu.memory_space<vmem>>, vector<1x128x128xf32>
    %swap3A_358 = vector.shape_cast %swap3A_357 : vector<1x128x128xf32> to vector<128x128xf32>
    %swap3A_359 = vector.shape_cast %mul3A_353 : vector<128x128xf32> to vector<1x128x128xf32>
    tpu.vector_store %arg4[%swap3A_354, %swap3A_355, %swap3A_356], %swap3A_359 {strides = array<i32>} : memref<79x128x128xf32, #tpu.memory_space<vmem>>, vector<1x128x128xf32>,
    %slice3A_360 = vector.extract_strided_slice %dot_general3A_24 {offsets = [0, 18], sizes = [128, 1], strides = [1, 1]} : vector<128x79xf32> to vector<128x1xf32>
    %swap3A_361 = arith.constant 18 : index
    %swap3A_362 = arith.constant 0 : index
    %swap3A_363 = arith.constant 0 : index
    %swap3A_364 = vector.load %arg6[%swap3A_361, %swap3A_362, %swap3A_363] : memref<79x128x1xf32, #tpu.memory_space<vmem>>, vector<1x128x1xf32>
    %swap3A_365 = vector.shape_cast %swap3A_364 : vector<1x128x1xf32> to vector<128x1xf32>
    %swap3A_366 = vector.shape_cast %slice3A_360 : vector<128x1xf32> to vector<1x128x1xf32>
    tpu.vector_store %arg6[%swap3A_361, %swap3A_362, %swap3A_363], %swap3A_366 {strides = array<i32>} : memref<79x128x1xf32, #tpu.memory_space<vmem>>, vector<1x128x1xf32>,
    %slice3A_367 = vector.extract_strided_slice %get3A_28 {offsets = [19, 0, 0], sizes = [1, 128, 128], strides = [1, 1, 1]} : vector<79x128x128xf32> to vector<1x128x128xf32>
    %squeeze3A_368 = vector.shape_cast %slice3A_367 : vector<1x128x128xf32> to vector<128x128xf32>
    %slice3A_369 = vector.extract_strided_slice %dot_general3A_19 {offsets = [0, 19], sizes = [128, 1], strides = [1, 1]} : vector<128x79xf32> to vector<128x1xf32>
    %mul3A_370 = vector.broadcast %slice3A_369 : vector<128x1xf32> to vector<128x128xf32>
    %mul3A_371 = arith.mulf %squeeze3A_368, %mul3A_370 : vector<128x128xf32>
    %swap3A_372 = arith.constant 19 : index
    %swap3A_373 = arith.constant 0 : index
    %swap3A_374 = arith.constant 0 : index
    %swap3A_375 = vector.load %arg4[%swap3A_372, %swap3A_373, %swap3A_374] : memref<79x128x128xf32, #tpu.memory_space<vmem>>, vector<1x128x128xf32>
    %swap3A_376 = vector.shape_cast %swap3A_375 : vector<1x128x128xf32> to vector<128x128xf32>
    %swap3A_377 = vector.shape_cast %mul3A_371 : vector<128x128xf32> to vector<1x128x128xf32>
    tpu.vector_store %arg4[%swap3A_372, %swap3A_373, %swap3A_374], %swap3A_377 {strides = array<i32>} : memref<79x128x128xf32, #tpu.memory_space<vmem>>, vector<1x128x128xf32>,
    %slice3A_378 = vector.extract_strided_slice %dot_general3A_24 {offsets = [0, 19], sizes = [128, 1], strides = [1, 1]} : vector<128x79xf32> to vector<128x1xf32>
    %swap3A_379 = arith.constant 19 : index
    %swap3A_380 = arith.constant 0 : index
    %swap3A_381 = arith.constant 0 : index
    %swap3A_382 = vector.load %arg6[%swap3A_379, %swap3A_380, %swap3A_381] : memref<79x128x1xf32, #tpu.memory_space<vmem>>, vector<1x128x1xf32>
    %swap3A_383 = vector.shape_cast %swap3A_382 : vector<1x128x1xf32> to vector<128x1xf32>
    %swap3A_384 = vector.shape_cast %slice3A_378 : vector<128x1xf32> to vector<1x128x1xf32>
    tpu.vector_store %arg6[%swap3A_379, %swap3A_380, %swap3A_381], %swap3A_384 {strides = array<i32>} : memref<79x128x1xf32, #tpu.memory_space<vmem>>, vector<1x128x1xf32>,
    %slice3A_385 = vector.extract_strided_slice %get3A_28 {offsets = [20, 0, 0], sizes = [1, 128, 128], strides = [1, 1, 1]} : vector<79x128x128xf32> to vector<1x128x128xf32>
    %squeeze3A_386 = vector.shape_cast %slice3A_385 : vector<1x128x128xf32> to vector<128x128xf32>
    %slice3A_387 = vector.extract_strided_slice %dot_general3A_19 {offsets = [0, 20], sizes = [128, 1], strides = [1, 1]} : vector<128x79xf32> to vector<128x1xf32>
    %mul3A_388 = vector.broadcast %slice3A_387 : vector<128x1xf32> to vector<128x128xf32>
    %mul3A_389 = arith.mulf %squeeze3A_386, %mul3A_388 : vector<128x128xf32>
    %swap3A_390 = arith.constant 20 : index
    %swap3A_391 = arith.constant 0 : index
    %swap3A_392 = arith.constant 0 : index
    %swap3A_393 = vector.load %arg4[%swap3A_390, %swap3A_391, %swap3A_392] : memref<79x128x128xf32, #tpu.memory_space<vmem>>, vector<1x128x128xf32>
    %swap3A_394 = vector.shape_cast %swap3A_393 : vector<1x128x128xf32> to vector<128x128xf32>
    %swap3A_395 = vector.shape_cast %mul3A_389 : vector<128x128xf32> to vector<1x128x128xf32>
    tpu.vector_store %arg4[%swap3A_390, %swap3A_391, %swap3A_392], %swap3A_395 {strides = array<i32>} : memref<79x128x128xf32, #tpu.memory_space<vmem>>, vector<1x128x128xf32>,
    %slice3A_396 = vector.extract_strided_slice %dot_general3A_24 {offsets = [0, 20], sizes = [128, 1], strides = [1, 1]} : vector<128x79xf32> to vector<128x1xf32>
    %swap3A_397 = arith.constant 20 : index
    %swap3A_398 = arith.constant 0 : index
    %swap3A_399 = arith.constant 0 : index
    %swap3A_400 = vector.load %arg6[%swap3A_397, %swap3A_398, %swap3A_399] : memref<79x128x1xf32, #tpu.memory_space<vmem>>, vector<1x128x1xf32>
    %swap3A_401 = vector.shape_cast %swap3A_400 : vector<1x128x1xf32> to vector<128x1xf32>
    %swap3A_402 = vector.shape_cast %slice3A_396 : vector<128x1xf32> to vector<1x128x1xf32>
    tpu.vector_store %arg6[%swap3A_397, %swap3A_398, %swap3A_399], %swap3A_402 {strides = array<i32>} : memref<79x128x1xf32, #tpu.memory_space<vmem>>, vector<1x128x1xf32>,
    %slice3A_403 = vector.extract_strided_slice %get3A_28 {offsets = [21, 0, 0], sizes = [1, 128, 128], strides = [1, 1, 1]} : vector<79x128x128xf32> to vector<1x128x128xf32>
    %squeeze3A_404 = vector.shape_cast %slice3A_403 : vector<1x128x128xf32> to vector<128x128xf32>
    %slice3A_405 = vector.extract_strided_slice %dot_general3A_19 {offsets = [0, 21], sizes = [128, 1], strides = [1, 1]} : vector<128x79xf32> to vector<128x1xf32>
    %mul3A_406 = vector.broadcast %slice3A_405 : vector<128x1xf32> to vector<128x128xf32>
    %mul3A_407 = arith.mulf %squeeze3A_404, %mul3A_406 : vector<128x128xf32>
    %swap3A_408 = arith.constant 21 : index
    %swap3A_409 = arith.constant 0 : index
    %swap3A_410 = arith.constant 0 : index
    %swap3A_411 = vector.load %arg4[%swap3A_408, %swap3A_409, %swap3A_410] : memref<79x128x128xf32, #tpu.memory_space<vmem>>, vector<1x128x128xf32>
    %swap3A_412 = vector.shape_cast %swap3A_411 : vector<1x128x128xf32> to vector<128x128xf32>
    %swap3A_413 = vector.shape_cast %mul3A_407 : vector<128x128xf32> to vector<1x128x128xf32>
    tpu.vector_store %arg4[%swap3A_408, %swap3A_409, %swap3A_410], %swap3A_413 {strides = array<i32>} : memref<79x128x128xf32, #tpu.memory_space<vmem>>, vector<1x128x128xf32>,
    %slice3A_414 = vector.extract_strided_slice %dot_general3A_24 {offsets = [0, 21], sizes = [128, 1], strides = [1, 1]} : vector<128x79xf32> to vector<128x1xf32>
    %swap3A_415 = arith.constant 21 : index
    %swap3A_416 = arith.constant 0 : index
    %swap3A_417 = arith.constant 0 : index
    %swap3A_418 = vector.load %arg6[%swap3A_415, %swap3A_416, %swap3A_417] : memref<79x128x1xf32, #tpu.memory_space<vmem>>, vector<1x128x1xf32>
    %swap3A_419 = vector.shape_cast %swap3A_418 : vector<1x128x1xf32> to vector<128x1xf32>
    %swap3A_420 = vector.shape_cast %slice3A_414 : vector<128x1xf32> to vector<1x128x1xf32>
    tpu.vector_store %arg6[%swap3A_415, %swap3A_416, %swap3A_417], %swap3A_420 {strides = array<i32>} : memref<79x128x1xf32, #tpu.memory_space<vmem>>, vector<1x128x1xf32>,
    %slice3A_421 = vector.extract_strided_slice %get3A_28 {offsets = [22, 0, 0], sizes = [1, 128, 128], strides = [1, 1, 1]} : vector<79x128x128xf32> to vector<1x128x128xf32>
    %squeeze3A_422 = vector.shape_cast %slice3A_421 : vector<1x128x128xf32> to vector<128x128xf32>
    %slice3A_423 = vector.extract_strided_slice %dot_general3A_19 {offsets = [0, 22], sizes = [128, 1], strides = [1, 1]} : vector<128x79xf32> to vector<128x1xf32>
    %mul3A_424 = vector.broadcast %slice3A_423 : vector<128x1xf32> to vector<128x128xf32>
    %mul3A_425 = arith.mulf %squeeze3A_422, %mul3A_424 : vector<128x128xf32>
    %swap3A_426 = arith.constant 22 : index
    %swap3A_427 = arith.constant 0 : index
    %swap3A_428 = arith.constant 0 : index
    %swap3A_429 = vector.load %arg4[%swap3A_426, %swap3A_427, %swap3A_428] : memref<79x128x128xf32, #tpu.memory_space<vmem>>, vector<1x128x128xf32>
    %swap3A_430 = vector.shape_cast %swap3A_429 : vector<1x128x128xf32> to vector<128x128xf32>
    %swap3A_431 = vector.shape_cast %mul3A_425 : vector<128x128xf32> to vector<1x128x128xf32>
    tpu.vector_store %arg4[%swap3A_426, %swap3A_427, %swap3A_428], %swap3A_431 {strides = array<i32>} : memref<79x128x128xf32, #tpu.memory_space<vmem>>, vector<1x128x128xf32>,
    %slice3A_432 = vector.extract_strided_slice %dot_general3A_24 {offsets = [0, 22], sizes = [128, 1], strides = [1, 1]} : vector<128x79xf32> to vector<128x1xf32>
    %swap3A_433 = arith.constant 22 : index
    %swap3A_434 = arith.constant 0 : index
    %swap3A_435 = arith.constant 0 : index
    %swap3A_436 = vector.load %arg6[%swap3A_433, %swap3A_434, %swap3A_435] : memref<79x128x1xf32, #tpu.memory_space<vmem>>, vector<1x128x1xf32>
    %swap3A_437 = vector.shape_cast %swap3A_436 : vector<1x128x1xf32> to vector<128x1xf32>
    %swap3A_438 = vector.shape_cast %slice3A_432 : vector<128x1xf32> to vector<1x128x1xf32>
    tpu.vector_store %arg6[%swap3A_433, %swap3A_434, %swap3A_435], %swap3A_438 {strides = array<i32>} : memref<79x128x1xf32, #tpu.memory_space<vmem>>, vector<1x128x1xf32>,
    %slice3A_439 = vector.extract_strided_slice %get3A_28 {offsets = [23, 0, 0], sizes = [1, 128, 128], strides = [1, 1, 1]} : vector<79x128x128xf32> to vector<1x128x128xf32>
    %squeeze3A_440 = vector.shape_cast %slice3A_439 : vector<1x128x128xf32> to vector<128x128xf32>
    %slice3A_441 = vector.extract_strided_slice %dot_general3A_19 {offsets = [0, 23], sizes = [128, 1], strides = [1, 1]} : vector<128x79xf32> to vector<128x1xf32>
    %mul3A_442 = vector.broadcast %slice3A_441 : vector<128x1xf32> to vector<128x128xf32>
    %mul3A_443 = arith.mulf %squeeze3A_440, %mul3A_442 : vector<128x128xf32>
    %swap3A_444 = arith.constant 23 : index
    %swap3A_445 = arith.constant 0 : index
    %swap3A_446 = arith.constant 0 : index
    %swap3A_447 = vector.load %arg4[%swap3A_444, %swap3A_445, %swap3A_446] : memref<79x128x128xf32, #tpu.memory_space<vmem>>, vector<1x128x128xf32>
    %swap3A_448 = vector.shape_cast %swap3A_447 : vector<1x128x128xf32> to vector<128x128xf32>
    %swap3A_449 = vector.shape_cast %mul3A_443 : vector<128x128xf32> to vector<1x128x128xf32>
    tpu.vector_store %arg4[%swap3A_444, %swap3A_445, %swap3A_446], %swap3A_449 {strides = array<i32>} : memref<79x128x128xf32, #tpu.memory_space<vmem>>, vector<1x128x128xf32>,
    %slice3A_450 = vector.extract_strided_slice %dot_general3A_24 {offsets = [0, 23], sizes = [128, 1], strides = [1, 1]} : vector<128x79xf32> to vector<128x1xf32>
    %swap3A_451 = arith.constant 23 : index
    %swap3A_452 = arith.constant 0 : index
    %swap3A_453 = arith.constant 0 : index
    %swap3A_454 = vector.load %arg6[%swap3A_451, %swap3A_452, %swap3A_453] : memref<79x128x1xf32, #tpu.memory_space<vmem>>, vector<1x128x1xf32>
    %swap3A_455 = vector.shape_cast %swap3A_454 : vector<1x128x1xf32> to vector<128x1xf32>
    %swap3A_456 = vector.shape_cast %slice3A_450 : vector<128x1xf32> to vector<1x128x1xf32>
    tpu.vector_store %arg6[%swap3A_451, %swap3A_452, %swap3A_453], %swap3A_456 {strides = array<i32>} : memref<79x128x1xf32, #tpu.memory_space<vmem>>, vector<1x128x1xf32>,
    %slice3A_457 = vector.extract_strided_slice %get3A_28 {offsets = [24, 0, 0], sizes = [1, 128, 128], strides = [1, 1, 1]} : vector<79x128x128xf32> to vector<1x128x128xf32>
    %squeeze3A_458 = vector.shape_cast %slice3A_457 : vector<1x128x128xf32> to vector<128x128xf32>
    %slice3A_459 = vector.extract_strided_slice %dot_general3A_19 {offsets = [0, 24], sizes = [128, 1], strides = [1, 1]} : vector<128x79xf32> to vector<128x1xf32>
    %mul3A_460 = vector.broadcast %slice3A_459 : vector<128x1xf32> to vector<128x128xf32>
    %mul3A_461 = arith.mulf %squeeze3A_458, %mul3A_460 : vector<128x128xf32>
    %swap3A_462 = arith.constant 24 : index
    %swap3A_463 = arith.constant 0 : index
    %swap3A_464 = arith.constant 0 : index
    %swap3A_465 = vector.load %arg4[%swap3A_462, %swap3A_463, %swap3A_464] : memref<79x128x128xf32, #tpu.memory_space<vmem>>, vector<1x128x128xf32>
    %swap3A_466 = vector.shape_cast %swap3A_465 : vector<1x128x128xf32> to vector<128x128xf32>
    %swap3A_467 = vector.shape_cast %mul3A_461 : vector<128x128xf32> to vector<1x128x128xf32>
    tpu.vector_store %arg4[%swap3A_462, %swap3A_463, %swap3A_464], %swap3A_467 {strides = array<i32>} : memref<79x128x128xf32, #tpu.memory_space<vmem>>, vector<1x128x128xf32>,
    %slice3A_468 = vector.extract_strided_slice %dot_general3A_24 {offsets = [0, 24], sizes = [128, 1], strides = [1, 1]} : vector<128x79xf32> to vector<128x1xf32>
    %swap3A_469 = arith.constant 24 : index
    %swap3A_470 = arith.constant 0 : index
    %swap3A_471 = arith.constant 0 : index
    %swap3A_472 = vector.load %arg6[%swap3A_469, %swap3A_470, %swap3A_471] : memref<79x128x1xf32, #tpu.memory_space<vmem>>, vector<1x128x1xf32>
    %swap3A_473 = vector.shape_cast %swap3A_472 : vector<1x128x1xf32> to vector<128x1xf32>
    %swap3A_474 = vector.shape_cast %slice3A_468 : vector<128x1xf32> to vector<1x128x1xf32>
    tpu.vector_store %arg6[%swap3A_469, %swap3A_470, %swap3A_471], %swap3A_474 {strides = array<i32>} : memref<79x128x1xf32, #tpu.memory_space<vmem>>, vector<1x128x1xf32>,
    %slice3A_475 = vector.extract_strided_slice %get3A_28 {offsets = [25, 0, 0], sizes = [1, 128, 128], strides = [1, 1, 1]} : vector<79x128x128xf32> to vector<1x128x128xf32>
    %squeeze3A_476 = vector.shape_cast %slice3A_475 : vector<1x128x128xf32> to vector<128x128xf32>
    %slice3A_477 = vector.extract_strided_slice %dot_general3A_19 {offsets = [0, 25], sizes = [128, 1], strides = [1, 1]} : vector<128x79xf32> to vector<128x1xf32>
    %mul3A_478 = vector.broadcast %slice3A_477 : vector<128x1xf32> to vector<128x128xf32>
    %mul3A_479 = arith.mulf %squeeze3A_476, %mul3A_478 : vector<128x128xf32>
    %swap3A_480 = arith.constant 25 : index
    %swap3A_481 = arith.constant 0 : index
    %swap3A_482 = arith.constant 0 : index
    %swap3A_483 = vector.load %arg4[%swap3A_480, %swap3A_481, %swap3A_482] : memref<79x128x128xf32, #tpu.memory_space<vmem>>, vector<1x128x128xf32>
    %swap3A_484 = vector.shape_cast %swap3A_483 : vector<1x128x128xf32> to vector<128x128xf32>
    %swap3A_485 = vector.shape_cast %mul3A_479 : vector<128x128xf32> to vector<1x128x128xf32>
    tpu.vector_store %arg4[%swap3A_480, %swap3A_481, %swap3A_482], %swap3A_485 {strides = array<i32>} : memref<79x128x128xf32, #tpu.memory_space<vmem>>, vector<1x128x128xf32>,
    %slice3A_486 = vector.extract_strided_slice %dot_general3A_24 {offsets = [0, 25], sizes = [128, 1], strides = [1, 1]} : vector<128x79xf32> to vector<128x1xf32>
    %swap3A_487 = arith.constant 25 : index
    %swap3A_488 = arith.constant 0 : index
    %swap3A_489 = arith.constant 0 : index
    %swap3A_490 = vector.load %arg6[%swap3A_487, %swap3A_488, %swap3A_489] : memref<79x128x1xf32, #tpu.memory_space<vmem>>, vector<1x128x1xf32>
    %swap3A_491 = vector.shape_cast %swap3A_490 : vector<1x128x1xf32> to vector<128x1xf32>
    %swap3A_492 = vector.shape_cast %slice3A_486 : vector<128x1xf32> to vector<1x128x1xf32>
    tpu.vector_store %arg6[%swap3A_487, %swap3A_488, %swap3A_489], %swap3A_492 {strides = array<i32>} : memref<79x128x1xf32, #tpu.memory_space<vmem>>, vector<1x128x1xf32>,
    %slice3A_493 = vector.extract_strided_slice %get3A_28 {offsets = [26, 0, 0], sizes = [1, 128, 128], strides = [1, 1, 1]} : vector<79x128x128xf32> to vector<1x128x128xf32>
    %squeeze3A_494 = vector.shape_cast %slice3A_493 : vector<1x128x128xf32> to vector<128x128xf32>
    %slice3A_495 = vector.extract_strided_slice %dot_general3A_19 {offsets = [0, 26], sizes = [128, 1], strides = [1, 1]} : vector<128x79xf32> to vector<128x1xf32>
    %mul3A_496 = vector.broadcast %slice3A_495 : vector<128x1xf32> to vector<128x128xf32>
    %mul3A_497 = arith.mulf %squeeze3A_494, %mul3A_496 : vector<128x128xf32>
    %swap3A_498 = arith.constant 26 : index
    %swap3A_499 = arith.constant 0 : index
    %swap3A_500 = arith.constant 0 : index
    %swap3A_501 = vector.load %arg4[%swap3A_498, %swap3A_499, %swap3A_500] : memref<79x128x128xf32, #tpu.memory_space<vmem>>, vector<1x128x128xf32>
    %swap3A_502 = vector.shape_cast %swap3A_501 : vector<1x128x128xf32> to vector<128x128xf32>
    %swap3A_503 = vector.shape_cast %mul3A_497 : vector<128x128xf32> to vector<1x128x128xf32>
    tpu.vector_store %arg4[%swap3A_498, %swap3A_499, %swap3A_500], %swap3A_503 {strides = array<i32>} : memref<79x128x128xf32, #tpu.memory_space<vmem>>, vector<1x128x128xf32>,
    %slice3A_504 = vector.extract_strided_slice %dot_general3A_24 {offsets = [0, 26], sizes = [128, 1], strides = [1, 1]} : vector<128x79xf32> to vector<128x1xf32>
    %swap3A_505 = arith.constant 26 : index
    %swap3A_506 = arith.constant 0 : index
    %swap3A_507 = arith.constant 0 : index
    %swap3A_508 = vector.load %arg6[%swap3A_505, %swap3A_506, %swap3A_507] : memref<79x128x1xf32, #tpu.memory_space<vmem>>, vector<1x128x1xf32>
    %swap3A_509 = vector.shape_cast %swap3A_508 : vector<1x128x1xf32> to vector<128x1xf32>
    %swap3A_510 = vector.shape_cast %slice3A_504 : vector<128x1xf32> to vector<1x128x1xf32>
    tpu.vector_store %arg6[%swap3A_505, %swap3A_506, %swap3A_507], %swap3A_510 {strides = array<i32>} : memref<79x128x1xf32, #tpu.memory_space<vmem>>, vector<1x128x1xf32>,
    %slice3A_511 = vector.extract_strided_slice %get3A_28 {offsets = [27, 0, 0], sizes = [1, 128, 128], strides = [1, 1, 1]} : vector<79x128x128xf32> to vector<1x128x128xf32>
    %squeeze3A_512 = vector.shape_cast %slice3A_511 : vector<1x128x128xf32> to vector<128x128xf32>
    %slice3A_513 = vector.extract_strided_slice %dot_general3A_19 {offsets = [0, 27], sizes = [128, 1], strides = [1, 1]} : vector<128x79xf32> to vector<128x1xf32>
    %mul3A_514 = vector.broadcast %slice3A_513 : vector<128x1xf32> to vector<128x128xf32>
    %mul3A_515 = arith.mulf %squeeze3A_512, %mul3A_514 : vector<128x128xf32>
    %swap3A_516 = arith.constant 27 : index
    %swap3A_517 = arith.constant 0 : index
    %swap3A_518 = arith.constant 0 : index
    %swap3A_519 = vector.load %arg4[%swap3A_516, %swap3A_517, %swap3A_518] : memref<79x128x128xf32, #tpu.memory_space<vmem>>, vector<1x128x128xf32>
    %swap3A_520 = vector.shape_cast %swap3A_519 : vector<1x128x128xf32> to vector<128x128xf32>
    %swap3A_521 = vector.shape_cast %mul3A_515 : vector<128x128xf32> to vector<1x128x128xf32>
    tpu.vector_store %arg4[%swap3A_516, %swap3A_517, %swap3A_518], %swap3A_521 {strides = array<i32>} : memref<79x128x128xf32, #tpu.memory_space<vmem>>, vector<1x128x128xf32>,
    %slice3A_522 = vector.extract_strided_slice %dot_general3A_24 {offsets = [0, 27], sizes = [128, 1], strides = [1, 1]} : vector<128x79xf32> to vector<128x1xf32>
    %swap3A_523 = arith.constant 27 : index
    %swap3A_524 = arith.constant 0 : index
    %swap3A_525 = arith.constant 0 : index
    %swap3A_526 = vector.load %arg6[%swap3A_523, %swap3A_524, %swap3A_525] : memref<79x128x1xf32, #tpu.memory_space<vmem>>, vector<1x128x1xf32>
    %swap3A_527 = vector.shape_cast %swap3A_526 : vector<1x128x1xf32> to vector<128x1xf32>
    %swap3A_528 = vector.shape_cast %slice3A_522 : vector<128x1xf32> to vector<1x128x1xf32>
    tpu.vector_store %arg6[%swap3A_523, %swap3A_524, %swap3A_525], %swap3A_528 {strides = array<i32>} : memref<79x128x1xf32, #tpu.memory_space<vmem>>, vector<1x128x1xf32>,
    %slice3A_529 = vector.extract_strided_slice %get3A_28 {offsets = [28, 0, 0], sizes = [1, 128, 128], strides = [1, 1, 1]} : vector<79x128x128xf32> to vector<1x128x128xf32>
    %squeeze3A_530 = vector.shape_cast %slice3A_529 : vector<1x128x128xf32> to vector<128x128xf32>
    %slice3A_531 = vector.extract_strided_slice %dot_general3A_19 {offsets = [0, 28], sizes = [128, 1], strides = [1, 1]} : vector<128x79xf32> to vector<128x1xf32>
    %mul3A_532 = vector.broadcast %slice3A_531 : vector<128x1xf32> to vector<128x128xf32>
    %mul3A_533 = arith.mulf %squeeze3A_530, %mul3A_532 : vector<128x128xf32>
    %swap3A_534 = arith.constant 28 : index
    %swap3A_535 = arith.constant 0 : index
    %swap3A_536 = arith.constant 0 : index
    %swap3A_537 = vector.load %arg4[%swap3A_534, %swap3A_535, %swap3A_536] : memref<79x128x128xf32, #tpu.memory_space<vmem>>, vector<1x128x128xf32>
    %swap3A_538 = vector.shape_cast %swap3A_537 : vector<1x128x128xf32> to vector<128x128xf32>
    %swap3A_539 = vector.shape_cast %mul3A_533 : vector<128x128xf32> to vector<1x128x128xf32>
    tpu.vector_store %arg4[%swap3A_534, %swap3A_535, %swap3A_536], %swap3A_539 {strides = array<i32>} : memref<79x128x128xf32, #tpu.memory_space<vmem>>, vector<1x128x128xf32>,
    %slice3A_540 = vector.extract_strided_slice %dot_general3A_24 {offsets = [0, 28], sizes = [128, 1], strides = [1, 1]} : vector<128x79xf32> to vector<128x1xf32>
    %swap3A_541 = arith.constant 28 : index
    %swap3A_542 = arith.constant 0 : index
    %swap3A_543 = arith.constant 0 : index
    %swap3A_544 = vector.load %arg6[%swap3A_541, %swap3A_542, %swap3A_543] : memref<79x128x1xf32, #tpu.memory_space<vmem>>, vector<1x128x1xf32>
    %swap3A_545 = vector.shape_cast %swap3A_544 : vector<1x128x1xf32> to vector<128x1xf32>
    %swap3A_546 = vector.shape_cast %slice3A_540 : vector<128x1xf32> to vector<1x128x1xf32>
    tpu.vector_store %arg6[%swap3A_541, %swap3A_542, %swap3A_543], %swap3A_546 {strides = array<i32>} : memref<79x128x1xf32, #tpu.memory_space<vmem>>, vector<1x128x1xf32>,
    %slice3A_547 = vector.extract_strided_slice %get3A_28 {offsets = [29, 0, 0], sizes = [1, 128, 128], strides = [1, 1, 1]} : vector<79x128x128xf32> to vector<1x128x128xf32>
    %squeeze3A_548 = vector.shape_cast %slice3A_547 : vector<1x128x128xf32> to vector<128x128xf32>
    %slice3A_549 = vector.extract_strided_slice %dot_general3A_19 {offsets = [0, 29], sizes = [128, 1], strides = [1, 1]} : vector<128x79xf32> to vector<128x1xf32>
    %mul3A_550 = vector.broadcast %slice3A_549 : vector<128x1xf32> to vector<128x128xf32>
    %mul3A_551 = arith.mulf %squeeze3A_548, %mul3A_550 : vector<128x128xf32>
    %swap3A_552 = arith.constant 29 : index
    %swap3A_553 = arith.constant 0 : index
    %swap3A_554 = arith.constant 0 : index
    %swap3A_555 = vector.load %arg4[%swap3A_552, %swap3A_553, %swap3A_554] : memref<79x128x128xf32, #tpu.memory_space<vmem>>, vector<1x128x128xf32>
    %swap3A_556 = vector.shape_cast %swap3A_555 : vector<1x128x128xf32> to vector<128x128xf32>
    %swap3A_557 = vector.shape_cast %mul3A_551 : vector<128x128xf32> to vector<1x128x128xf32>
    tpu.vector_store %arg4[%swap3A_552, %swap3A_553, %swap3A_554], %swap3A_557 {strides = array<i32>} : memref<79x128x128xf32, #tpu.memory_space<vmem>>, vector<1x128x128xf32>,
    %slice3A_558 = vector.extract_strided_slice %dot_general3A_24 {offsets = [0, 29], sizes = [128, 1], strides = [1, 1]} : vector<128x79xf32> to vector<128x1xf32>
    %swap3A_559 = arith.constant 29 : index
    %swap3A_560 = arith.constant 0 : index
    %swap3A_561 = arith.constant 0 : index
    %swap3A_562 = vector.load %arg6[%swap3A_559, %swap3A_560, %swap3A_561] : memref<79x128x1xf32, #tpu.memory_space<vmem>>, vector<1x128x1xf32>
    %swap3A_563 = vector.shape_cast %swap3A_562 : vector<1x128x1xf32> to vector<128x1xf32>
    %swap3A_564 = vector.shape_cast %slice3A_558 : vector<128x1xf32> to vector<1x128x1xf32>
    tpu.vector_store %arg6[%swap3A_559, %swap3A_560, %swap3A_561], %swap3A_564 {strides = array<i32>} : memref<79x128x1xf32, #tpu.memory_space<vmem>>, vector<1x128x1xf32>,
    %slice3A_565 = vector.extract_strided_slice %get3A_28 {offsets = [30, 0, 0], sizes = [1, 128, 128], strides = [1, 1, 1]} : vector<79x128x128xf32> to vector<1x128x128xf32>
    %squeeze3A_566 = vector.shape_cast %slice3A_565 : vector<1x128x128xf32> to vector<128x128xf32>
    %slice3A_567 = vector.extract_strided_slice %dot_general3A_19 {offsets = [0, 30], sizes = [128, 1], strides = [1, 1]} : vector<128x79xf32> to vector<128x1xf32>
    %mul3A_568 = vector.broadcast %slice3A_567 : vector<128x1xf32> to vector<128x128xf32>
    %mul3A_569 = arith.mulf %squeeze3A_566, %mul3A_568 : vector<128x128xf32>
    %swap3A_570 = arith.constant 30 : index
    %swap3A_571 = arith.constant 0 : index
    %swap3A_572 = arith.constant 0 : index
    %swap3A_573 = vector.load %arg4[%swap3A_570, %swap3A_571, %swap3A_572] : memref<79x128x128xf32, #tpu.memory_space<vmem>>, vector<1x128x128xf32>
    %swap3A_574 = vector.shape_cast %swap3A_573 : vector<1x128x128xf32> to vector<128x128xf32>
    %swap3A_575 = vector.shape_cast %mul3A_569 : vector<128x128xf32> to vector<1x128x128xf32>
    tpu.vector_store %arg4[%swap3A_570, %swap3A_571, %swap3A_572], %swap3A_575 {strides = array<i32>} : memref<79x128x128xf32, #tpu.memory_space<vmem>>, vector<1x128x128xf32>,
    %slice3A_576 = vector.extract_strided_slice %dot_general3A_24 {offsets = [0, 30], sizes = [128, 1], strides = [1, 1]} : vector<128x79xf32> to vector<128x1xf32>
    %swap3A_577 = arith.constant 30 : index
    %swap3A_578 = arith.constant 0 : index
    %swap3A_579 = arith.constant 0 : index
    %swap3A_580 = vector.load %arg6[%swap3A_577, %swap3A_578, %swap3A_579] : memref<79x128x1xf32, #tpu.memory_space<vmem>>, vector<1x128x1xf32>
    %swap3A_581 = vector.shape_cast %swap3A_580 : vector<1x128x1xf32> to vector<128x1xf32>
    %swap3A_582 = vector.shape_cast %slice3A_576 : vector<128x1xf32> to vector<1x128x1xf32>
    tpu.vector_store %arg6[%swap3A_577, %swap3A_578, %swap3A_579], %swap3A_582 {strides = array<i32>} : memref<79x128x1xf32, #tpu.memory_space<vmem>>, vector<1x128x1xf32>,
    %slice3A_583 = vector.extract_strided_slice %get3A_28 {offsets = [31, 0, 0], sizes = [1, 128, 128], strides = [1, 1, 1]} : vector<79x128x128xf32> to vector<1x128x128xf32>
    %squeeze3A_584 = vector.shape_cast %slice3A_583 : vector<1x128x128xf32> to vector<128x128xf32>
    %slice3A_585 = vector.extract_strided_slice %dot_general3A_19 {offsets = [0, 31], sizes = [128, 1], strides = [1, 1]} : vector<128x79xf32> to vector<128x1xf32>
    %mul3A_586 = vector.broadcast %slice3A_585 : vector<128x1xf32> to vector<128x128xf32>
    %mul3A_587 = arith.mulf %squeeze3A_584, %mul3A_586 : vector<128x128xf32>
    %swap3A_588 = arith.constant 31 : index
    %swap3A_589 = arith.constant 0 : index
    %swap3A_590 = arith.constant 0 : index
    %swap3A_591 = vector.load %arg4[%swap3A_588, %swap3A_589, %swap3A_590] : memref<79x128x128xf32, #tpu.memory_space<vmem>>, vector<1x128x128xf32>
    %swap3A_592 = vector.shape_cast %swap3A_591 : vector<1x128x128xf32> to vector<128x128xf32>
    %swap3A_593 = vector.shape_cast %mul3A_587 : vector<128x128xf32> to vector<1x128x128xf32>
    tpu.vector_store %arg4[%swap3A_588, %swap3A_589, %swap3A_590], %swap3A_593 {strides = array<i32>} : memref<79x128x128xf32, #tpu.memory_space<vmem>>, vector<1x128x128xf32>,
    %slice3A_594 = vector.extract_strided_slice %dot_general3A_24 {offsets = [0, 31], sizes = [128, 1], strides = [1, 1]} : vector<128x79xf32> to vector<128x1xf32>
    %swap3A_595 = arith.constant 31 : index
    %swap3A_596 = arith.constant 0 : index
    %swap3A_597 = arith.constant 0 : index
    %swap3A_598 = vector.load %arg6[%swap3A_595, %swap3A_596, %swap3A_597] : memref<79x128x1xf32, #tpu.memory_space<vmem>>, vector<1x128x1xf32>
    %swap3A_599 = vector.shape_cast %swap3A_598 : vector<1x128x1xf32> to vector<128x1xf32>
    %swap3A_600 = vector.shape_cast %slice3A_594 : vector<128x1xf32> to vector<1x128x1xf32>
    tpu.vector_store %arg6[%swap3A_595, %swap3A_596, %swap3A_597], %swap3A_600 {strides = array<i32>} : memref<79x128x1xf32, #tpu.memory_space<vmem>>, vector<1x128x1xf32>,
    %slice3A_601 = vector.extract_strided_slice %get3A_28 {offsets = [32, 0, 0], sizes = [1, 128, 128], strides = [1, 1, 1]} : vector<79x128x128xf32> to vector<1x128x128xf32>
    %squeeze3A_602 = vector.shape_cast %slice3A_601 : vector<1x128x128xf32> to vector<128x128xf32>
    %slice3A_603 = vector.extract_strided_slice %dot_general3A_19 {offsets = [0, 32], sizes = [128, 1], strides = [1, 1]} : vector<128x79xf32> to vector<128x1xf32>
    %mul3A_604 = vector.broadcast %slice3A_603 : vector<128x1xf32> to vector<128x128xf32>
    %mul3A_605 = arith.mulf %squeeze3A_602, %mul3A_604 : vector<128x128xf32>
    %swap3A_606 = arith.constant 32 : index
    %swap3A_607 = arith.constant 0 : index
    %swap3A_608 = arith.constant 0 : index
    %swap3A_609 = vector.load %arg4[%swap3A_606, %swap3A_607, %swap3A_608] : memref<79x128x128xf32, #tpu.memory_space<vmem>>, vector<1x128x128xf32>
    %swap3A_610 = vector.shape_cast %swap3A_609 : vector<1x128x128xf32> to vector<128x128xf32>
    %swap3A_611 = vector.shape_cast %mul3A_605 : vector<128x128xf32> to vector<1x128x128xf32>
    tpu.vector_store %arg4[%swap3A_606, %swap3A_607, %swap3A_608], %swap3A_611 {strides = array<i32>} : memref<79x128x128xf32, #tpu.memory_space<vmem>>, vector<1x128x128xf32>,
    %slice3A_612 = vector.extract_strided_slice %dot_general3A_24 {offsets = [0, 32], sizes = [128, 1], strides = [1, 1]} : vector<128x79xf32> to vector<128x1xf32>
    %swap3A_613 = arith.constant 32 : index
    %swap3A_614 = arith.constant 0 : index
    %swap3A_615 = arith.constant 0 : index
    %swap3A_616 = vector.load %arg6[%swap3A_613, %swap3A_614, %swap3A_615] : memref<79x128x1xf32, #tpu.memory_space<vmem>>, vector<1x128x1xf32>
    %swap3A_617 = vector.shape_cast %swap3A_616 : vector<1x128x1xf32> to vector<128x1xf32>
    %swap3A_618 = vector.shape_cast %slice3A_612 : vector<128x1xf32> to vector<1x128x1xf32>
    tpu.vector_store %arg6[%swap3A_613, %swap3A_614, %swap3A_615], %swap3A_618 {strides = array<i32>} : memref<79x128x1xf32, #tpu.memory_space<vmem>>, vector<1x128x1xf32>,
    %slice3A_619 = vector.extract_strided_slice %get3A_28 {offsets = [33, 0, 0], sizes = [1, 128, 128], strides = [1, 1, 1]} : vector<79x128x128xf32> to vector<1x128x128xf32>
    %squeeze3A_620 = vector.shape_cast %slice3A_619 : vector<1x128x128xf32> to vector<128x128xf32>
    %slice3A_621 = vector.extract_strided_slice %dot_general3A_19 {offsets = [0, 33], sizes = [128, 1], strides = [1, 1]} : vector<128x79xf32> to vector<128x1xf32>
    %mul3A_622 = vector.broadcast %slice3A_621 : vector<128x1xf32> to vector<128x128xf32>
    %mul3A_623 = arith.mulf %squeeze3A_620, %mul3A_622 : vector<128x128xf32>
    %swap3A_624 = arith.constant 33 : index
    %swap3A_625 = arith.constant 0 : index
    %swap3A_626 = arith.constant 0 : index
    %swap3A_627 = vector.load %arg4[%swap3A_624, %swap3A_625, %swap3A_626] : memref<79x128x128xf32, #tpu.memory_space<vmem>>, vector<1x128x128xf32>
    %swap3A_628 = vector.shape_cast %swap3A_627 : vector<1x128x128xf32> to vector<128x128xf32>
    %swap3A_629 = vector.shape_cast %mul3A_623 : vector<128x128xf32> to vector<1x128x128xf32>
    tpu.vector_store %arg4[%swap3A_624, %swap3A_625, %swap3A_626], %swap3A_629 {strides = array<i32>} : memref<79x128x128xf32, #tpu.memory_space<vmem>>, vector<1x128x128xf32>,
    %slice3A_630 = vector.extract_strided_slice %dot_general3A_24 {offsets = [0, 33], sizes = [128, 1], strides = [1, 1]} : vector<128x79xf32> to vector<128x1xf32>
    %swap3A_631 = arith.constant 33 : index
    %swap3A_632 = arith.constant 0 : index
    %swap3A_633 = arith.constant 0 : index
    %swap3A_634 = vector.load %arg6[%swap3A_631, %swap3A_632, %swap3A_633] : memref<79x128x1xf32, #tpu.memory_space<vmem>>, vector<1x128x1xf32>
    %swap3A_635 = vector.shape_cast %swap3A_634 : vector<1x128x1xf32> to vector<128x1xf32>
    %swap3A_636 = vector.shape_cast %slice3A_630 : vector<128x1xf32> to vector<1x128x1xf32>
    tpu.vector_store %arg6[%swap3A_631, %swap3A_632, %swap3A_633], %swap3A_636 {strides = array<i32>} : memref<79x128x1xf32, #tpu.memory_space<vmem>>, vector<1x128x1xf32>,
    %slice3A_637 = vector.extract_strided_slice %get3A_28 {offsets = [34, 0, 0], sizes = [1, 128, 128], strides = [1, 1, 1]} : vector<79x128x128xf32> to vector<1x128x128xf32>
    %squeeze3A_638 = vector.shape_cast %slice3A_637 : vector<1x128x128xf32> to vector<128x128xf32>
    %slice3A_639 = vector.extract_strided_slice %dot_general3A_19 {offsets = [0, 34], sizes = [128, 1], strides = [1, 1]} : vector<128x79xf32> to vector<128x1xf32>
    %mul3A_640 = vector.broadcast %slice3A_639 : vector<128x1xf32> to vector<128x128xf32>
    %mul3A_641 = arith.mulf %squeeze3A_638, %mul3A_640 : vector<128x128xf32>
    %swap3A_642 = arith.constant 34 : index
    %swap3A_643 = arith.constant 0 : index
    %swap3A_644 = arith.constant 0 : index
    %swap3A_645 = vector.load %arg4[%swap3A_642, %swap3A_643, %swap3A_644] : memref<79x128x128xf32, #tpu.memory_space<vmem>>, vector<1x128x128xf32>
    %swap3A_646 = vector.shape_cast %swap3A_645 : vector<1x128x128xf32> to vector<128x128xf32>
    %swap3A_647 = vector.shape_cast %mul3A_641 : vector<128x128xf32> to vector<1x128x128xf32>
    tpu.vector_store %arg4[%swap3A_642, %swap3A_643, %swap3A_644], %swap3A_647 {strides = array<i32>} : memref<79x128x128xf32, #tpu.memory_space<vmem>>, vector<1x128x128xf32>,
    %slice3A_648 = vector.extract_strided_slice %dot_general3A_24 {offsets = [0, 34], sizes = [128, 1], strides = [1, 1]} : vector<128x79xf32> to vector<128x1xf32>
    %swap3A_649 = arith.constant 34 : index
    %swap3A_650 = arith.constant 0 : index
    %swap3A_651 = arith.constant 0 : index
    %swap3A_652 = vector.load %arg6[%swap3A_649, %swap3A_650, %swap3A_651] : memref<79x128x1xf32, #tpu.memory_space<vmem>>, vector<1x128x1xf32>
    %swap3A_653 = vector.shape_cast %swap3A_652 : vector<1x128x1xf32> to vector<128x1xf32>
    %swap3A_654 = vector.shape_cast %slice3A_648 : vector<128x1xf32> to vector<1x128x1xf32>
    tpu.vector_store %arg6[%swap3A_649, %swap3A_650, %swap3A_651], %swap3A_654 {strides = array<i32>} : memref<79x128x1xf32, #tpu.memory_space<vmem>>, vector<1x128x1xf32>,
    %slice3A_655 = vector.extract_strided_slice %get3A_28 {offsets = [35, 0, 0], sizes = [1, 128, 128], strides = [1, 1, 1]} : vector<79x128x128xf32> to vector<1x128x128xf32>
    %squeeze3A_656 = vector.shape_cast %slice3A_655 : vector<1x128x128xf32> to vector<128x128xf32>
    %slice3A_657 = vector.extract_strided_slice %dot_general3A_19 {offsets = [0, 35], sizes = [128, 1], strides = [1, 1]} : vector<128x79xf32> to vector<128x1xf32>
    %mul3A_658 = vector.broadcast %slice3A_657 : vector<128x1xf32> to vector<128x128xf32>
    %mul3A_659 = arith.mulf %squeeze3A_656, %mul3A_658 : vector<128x128xf32>
    %swap3A_660 = arith.constant 35 : index
    %swap3A_661 = arith.constant 0 : index
    %swap3A_662 = arith.constant 0 : index
    %swap3A_663 = vector.load %arg4[%swap3A_660, %swap3A_661, %swap3A_662] : memref<79x128x128xf32, #tpu.memory_space<vmem>>, vector<1x128x128xf32>
    %swap3A_664 = vector.shape_cast %swap3A_663 : vector<1x128x128xf32> to vector<128x128xf32>
    %swap3A_665 = vector.shape_cast %mul3A_659 : vector<128x128xf32> to vector<1x128x128xf32>
    tpu.vector_store %arg4[%swap3A_660, %swap3A_661, %swap3A_662], %swap3A_665 {strides = array<i32>} : memref<79x128x128xf32, #tpu.memory_space<vmem>>, vector<1x128x128xf32>,
    %slice3A_666 = vector.extract_strided_slice %dot_general3A_24 {offsets = [0, 35], sizes = [128, 1], strides = [1, 1]} : vector<128x79xf32> to vector<128x1xf32>
    %swap3A_667 = arith.constant 35 : index
    %swap3A_668 = arith.constant 0 : index
    %swap3A_669 = arith.constant 0 : index
    %swap3A_670 = vector.load %arg6[%swap3A_667, %swap3A_668, %swap3A_669] : memref<79x128x1xf32, #tpu.memory_space<vmem>>, vector<1x128x1xf32>
    %swap3A_671 = vector.shape_cast %swap3A_670 : vector<1x128x1xf32> to vector<128x1xf32>
    %swap3A_672 = vector.shape_cast %slice3A_666 : vector<128x1xf32> to vector<1x128x1xf32>
    tpu.vector_store %arg6[%swap3A_667, %swap3A_668, %swap3A_669], %swap3A_672 {strides = array<i32>} : memref<79x128x1xf32, #tpu.memory_space<vmem>>, vector<1x128x1xf32>,
    %slice3A_673 = vector.extract_strided_slice %get3A_28 {offsets = [36, 0, 0], sizes = [1, 128, 128], strides = [1, 1, 1]} : vector<79x128x128xf32> to vector<1x128x128xf32>
    %squeeze3A_674 = vector.shape_cast %slice3A_673 : vector<1x128x128xf32> to vector<128x128xf32>
    %slice3A_675 = vector.extract_strided_slice %dot_general3A_19 {offsets = [0, 36], sizes = [128, 1], strides = [1, 1]} : vector<128x79xf32> to vector<128x1xf32>
    %mul3A_676 = vector.broadcast %slice3A_675 : vector<128x1xf32> to vector<128x128xf32>
    %mul3A_677 = arith.mulf %squeeze3A_674, %mul3A_676 : vector<128x128xf32>
    %swap3A_678 = arith.constant 36 : index
    %swap3A_679 = arith.constant 0 : index
    %swap3A_680 = arith.constant 0 : index
    %swap3A_681 = vector.load %arg4[%swap3A_678, %swap3A_679, %swap3A_680] : memref<79x128x128xf32, #tpu.memory_space<vmem>>, vector<1x128x128xf32>
    %swap3A_682 = vector.shape_cast %swap3A_681 : vector<1x128x128xf32> to vector<128x128xf32>
    %swap3A_683 = vector.shape_cast %mul3A_677 : vector<128x128xf32> to vector<1x128x128xf32>
    tpu.vector_store %arg4[%swap3A_678, %swap3A_679, %swap3A_680], %swap3A_683 {strides = array<i32>} : memref<79x128x128xf32, #tpu.memory_space<vmem>>, vector<1x128x128xf32>,
    %slice3A_684 = vector.extract_strided_slice %dot_general3A_24 {offsets = [0, 36], sizes = [128, 1], strides = [1, 1]} : vector<128x79xf32> to vector<128x1xf32>
    %swap3A_685 = arith.constant 36 : index
    %swap3A_686 = arith.constant 0 : index
    %swap3A_687 = arith.constant 0 : index
    %swap3A_688 = vector.load %arg6[%swap3A_685, %swap3A_686, %swap3A_687] : memref<79x128x1xf32, #tpu.memory_space<vmem>>, vector<1x128x1xf32>
    %swap3A_689 = vector.shape_cast %swap3A_688 : vector<1x128x1xf32> to vector<128x1xf32>
    %swap3A_690 = vector.shape_cast %slice3A_684 : vector<128x1xf32> to vector<1x128x1xf32>
    tpu.vector_store %arg6[%swap3A_685, %swap3A_686, %swap3A_687], %swap3A_690 {strides = array<i32>} : memref<79x128x1xf32, #tpu.memory_space<vmem>>, vector<1x128x1xf32>,
    %slice3A_691 = vector.extract_strided_slice %get3A_28 {offsets = [37, 0, 0], sizes = [1, 128, 128], strides = [1, 1, 1]} : vector<79x128x128xf32> to vector<1x128x128xf32>
    %squeeze3A_692 = vector.shape_cast %slice3A_691 : vector<1x128x128xf32> to vector<128x128xf32>
    %slice3A_693 = vector.extract_strided_slice %dot_general3A_19 {offsets = [0, 37], sizes = [128, 1], strides = [1, 1]} : vector<128x79xf32> to vector<128x1xf32>
    %mul3A_694 = vector.broadcast %slice3A_693 : vector<128x1xf32> to vector<128x128xf32>
    %mul3A_695 = arith.mulf %squeeze3A_692, %mul3A_694 : vector<128x128xf32>
    %swap3A_696 = arith.constant 37 : index
    %swap3A_697 = arith.constant 0 : index
    %swap3A_698 = arith.constant 0 : index
    %swap3A_699 = vector.load %arg4[%swap3A_696, %swap3A_697, %swap3A_698] : memref<79x128x128xf32, #tpu.memory_space<vmem>>, vector<1x128x128xf32>
    %swap3A_700 = vector.shape_cast %swap3A_699 : vector<1x128x128xf32> to vector<128x128xf32>
    %swap3A_701 = vector.shape_cast %mul3A_695 : vector<128x128xf32> to vector<1x128x128xf32>
    tpu.vector_store %arg4[%swap3A_696, %swap3A_697, %swap3A_698], %swap3A_701 {strides = array<i32>} : memref<79x128x128xf32, #tpu.memory_space<vmem>>, vector<1x128x128xf32>,
    %slice3A_702 = vector.extract_strided_slice %dot_general3A_24 {offsets = [0, 37], sizes = [128, 1], strides = [1, 1]} : vector<128x79xf32> to vector<128x1xf32>
    %swap3A_703 = arith.constant 37 : index
    %swap3A_704 = arith.constant 0 : index
    %swap3A_705 = arith.constant 0 : index
    %swap3A_706 = vector.load %arg6[%swap3A_703, %swap3A_704, %swap3A_705] : memref<79x128x1xf32, #tpu.memory_space<vmem>>, vector<1x128x1xf32>
    %swap3A_707 = vector.shape_cast %swap3A_706 : vector<1x128x1xf32> to vector<128x1xf32>
    %swap3A_708 = vector.shape_cast %slice3A_702 : vector<128x1xf32> to vector<1x128x1xf32>
    tpu.vector_store %arg6[%swap3A_703, %swap3A_704, %swap3A_705], %swap3A_708 {strides = array<i32>} : memref<79x128x1xf32, #tpu.memory_space<vmem>>, vector<1x128x1xf32>,
    %slice3A_709 = vector.extract_strided_slice %get3A_28 {offsets = [38, 0, 0], sizes = [1, 128, 128], strides = [1, 1, 1]} : vector<79x128x128xf32> to vector<1x128x128xf32>
    %squeeze3A_710 = vector.shape_cast %slice3A_709 : vector<1x128x128xf32> to vector<128x128xf32>
    %slice3A_711 = vector.extract_strided_slice %dot_general3A_19 {offsets = [0, 38], sizes = [128, 1], strides = [1, 1]} : vector<128x79xf32> to vector<128x1xf32>
    %mul3A_712 = vector.broadcast %slice3A_711 : vector<128x1xf32> to vector<128x128xf32>
    %mul3A_713 = arith.mulf %squeeze3A_710, %mul3A_712 : vector<128x128xf32>
    %swap3A_714 = arith.constant 38 : index
    %swap3A_715 = arith.constant 0 : index
    %swap3A_716 = arith.constant 0 : index
    %swap3A_717 = vector.load %arg4[%swap3A_714, %swap3A_715, %swap3A_716] : memref<79x128x128xf32, #tpu.memory_space<vmem>>, vector<1x128x128xf32>
    %swap3A_718 = vector.shape_cast %swap3A_717 : vector<1x128x128xf32> to vector<128x128xf32>
    %swap3A_719 = vector.shape_cast %mul3A_713 : vector<128x128xf32> to vector<1x128x128xf32>
    tpu.vector_store %arg4[%swap3A_714, %swap3A_715, %swap3A_716], %swap3A_719 {strides = array<i32>} : memref<79x128x128xf32, #tpu.memory_space<vmem>>, vector<1x128x128xf32>,
    %slice3A_720 = vector.extract_strided_slice %dot_general3A_24 {offsets = [0, 38], sizes = [128, 1], strides = [1, 1]} : vector<128x79xf32> to vector<128x1xf32>
    %swap3A_721 = arith.constant 38 : index
    %swap3A_722 = arith.constant 0 : index
    %swap3A_723 = arith.constant 0 : index
    %swap3A_724 = vector.load %arg6[%swap3A_721, %swap3A_722, %swap3A_723] : memref<79x128x1xf32, #tpu.memory_space<vmem>>, vector<1x128x1xf32>
    %swap3A_725 = vector.shape_cast %swap3A_724 : vector<1x128x1xf32> to vector<128x1xf32>
    %swap3A_726 = vector.shape_cast %slice3A_720 : vector<128x1xf32> to vector<1x128x1xf32>
    tpu.vector_store %arg6[%swap3A_721, %swap3A_722, %swap3A_723], %swap3A_726 {strides = array<i32>} : memref<79x128x1xf32, #tpu.memory_space<vmem>>, vector<1x128x1xf32>,
    %slice3A_727 = vector.extract_strided_slice %get3A_28 {offsets = [39, 0, 0], sizes = [1, 128, 128], strides = [1, 1, 1]} : vector<79x128x128xf32> to vector<1x128x128xf32>
    %squeeze3A_728 = vector.shape_cast %slice3A_727 : vector<1x128x128xf32> to vector<128x128xf32>
    %slice3A_729 = vector.extract_strided_slice %dot_general3A_19 {offsets = [0, 39], sizes = [128, 1], strides = [1, 1]} : vector<128x79xf32> to vector<128x1xf32>
    %mul3A_730 = vector.broadcast %slice3A_729 : vector<128x1xf32> to vector<128x128xf32>
    %mul3A_731 = arith.mulf %squeeze3A_728, %mul3A_730 : vector<128x128xf32>
    %swap3A_732 = arith.constant 39 : index
    %swap3A_733 = arith.constant 0 : index
    %swap3A_734 = arith.constant 0 : index
    %swap3A_735 = vector.load %arg4[%swap3A_732, %swap3A_733, %swap3A_734] : memref<79x128x128xf32, #tpu.memory_space<vmem>>, vector<1x128x128xf32>
    %swap3A_736 = vector.shape_cast %swap3A_735 : vector<1x128x128xf32> to vector<128x128xf32>
    %swap3A_737 = vector.shape_cast %mul3A_731 : vector<128x128xf32> to vector<1x128x128xf32>
    tpu.vector_store %arg4[%swap3A_732, %swap3A_733, %swap3A_734], %swap3A_737 {strides = array<i32>} : memref<79x128x128xf32, #tpu.memory_space<vmem>>, vector<1x128x128xf32>,
    %slice3A_738 = vector.extract_strided_slice %dot_general3A_24 {offsets = [0, 39], sizes = [128, 1], strides = [1, 1]} : vector<128x79xf32> to vector<128x1xf32>
    %swap3A_739 = arith.constant 39 : index
    %swap3A_740 = arith.constant 0 : index
    %swap3A_741 = arith.constant 0 : index
    %swap3A_742 = vector.load %arg6[%swap3A_739, %swap3A_740, %swap3A_741] : memref<79x128x1xf32, #tpu.memory_space<vmem>>, vector<1x128x1xf32>
    %swap3A_743 = vector.shape_cast %swap3A_742 : vector<1x128x1xf32> to vector<128x1xf32>
    %swap3A_744 = vector.shape_cast %slice3A_738 : vector<128x1xf32> to vector<1x128x1xf32>
    tpu.vector_store %arg6[%swap3A_739, %swap3A_740, %swap3A_741], %swap3A_744 {strides = array<i32>} : memref<79x128x1xf32, #tpu.memory_space<vmem>>, vector<1x128x1xf32>,
    %slice3A_745 = vector.extract_strided_slice %get3A_28 {offsets = [40, 0, 0], sizes = [1, 128, 128], strides = [1, 1, 1]} : vector<79x128x128xf32> to vector<1x128x128xf32>
    %squeeze3A_746 = vector.shape_cast %slice3A_745 : vector<1x128x128xf32> to vector<128x128xf32>
    %slice3A_747 = vector.extract_strided_slice %dot_general3A_19 {offsets = [0, 40], sizes = [128, 1], strides = [1, 1]} : vector<128x79xf32> to vector<128x1xf32>
    %mul3A_748 = vector.broadcast %slice3A_747 : vector<128x1xf32> to vector<128x128xf32>
    %mul3A_749 = arith.mulf %squeeze3A_746, %mul3A_748 : vector<128x128xf32>
    %swap3A_750 = arith.constant 40 : index
    %swap3A_751 = arith.constant 0 : index
    %swap3A_752 = arith.constant 0 : index
    %swap3A_753 = vector.load %arg4[%swap3A_750, %swap3A_751, %swap3A_752] : memref<79x128x128xf32, #tpu.memory_space<vmem>>, vector<1x128x128xf32>
    %swap3A_754 = vector.shape_cast %swap3A_753 : vector<1x128x128xf32> to vector<128x128xf32>
    %swap3A_755 = vector.shape_cast %mul3A_749 : vector<128x128xf32> to vector<1x128x128xf32>
    tpu.vector_store %arg4[%swap3A_750, %swap3A_751, %swap3A_752], %swap3A_755 {strides = array<i32>} : memref<79x128x128xf32, #tpu.memory_space<vmem>>, vector<1x128x128xf32>,
    %slice3A_756 = vector.extract_strided_slice %dot_general3A_24 {offsets = [0, 40], sizes = [128, 1], strides = [1, 1]} : vector<128x79xf32> to vector<128x1xf32>
    %swap3A_757 = arith.constant 40 : index
    %swap3A_758 = arith.constant 0 : index
    %swap3A_759 = arith.constant 0 : index
    %swap3A_760 = vector.load %arg6[%swap3A_757, %swap3A_758, %swap3A_759] : memref<79x128x1xf32, #tpu.memory_space<vmem>>, vector<1x128x1xf32>
    %swap3A_761 = vector.shape_cast %swap3A_760 : vector<1x128x1xf32> to vector<128x1xf32>
    %swap3A_762 = vector.shape_cast %slice3A_756 : vector<128x1xf32> to vector<1x128x1xf32>
    tpu.vector_store %arg6[%swap3A_757, %swap3A_758, %swap3A_759], %swap3A_762 {strides = array<i32>} : memref<79x128x1xf32, #tpu.memory_space<vmem>>, vector<1x128x1xf32>,
    %slice3A_763 = vector.extract_strided_slice %get3A_28 {offsets = [41, 0, 0], sizes = [1, 128, 128], strides = [1, 1, 1]} : vector<79x128x128xf32> to vector<1x128x128xf32>
    %squeeze3A_764 = vector.shape_cast %slice3A_763 : vector<1x128x128xf32> to vector<128x128xf32>
    %slice3A_765 = vector.extract_strided_slice %dot_general3A_19 {offsets = [0, 41], sizes = [128, 1], strides = [1, 1]} : vector<128x79xf32> to vector<128x1xf32>
    %mul3A_766 = vector.broadcast %slice3A_765 : vector<128x1xf32> to vector<128x128xf32>
    %mul3A_767 = arith.mulf %squeeze3A_764, %mul3A_766 : vector<128x128xf32>
    %swap3A_768 = arith.constant 41 : index
    %swap3A_769 = arith.constant 0 : index
    %swap3A_770 = arith.constant 0 : index
    %swap3A_771 = vector.load %arg4[%swap3A_768, %swap3A_769, %swap3A_770] : memref<79x128x128xf32, #tpu.memory_space<vmem>>, vector<1x128x128xf32>
    %swap3A_772 = vector.shape_cast %swap3A_771 : vector<1x128x128xf32> to vector<128x128xf32>
    %swap3A_773 = vector.shape_cast %mul3A_767 : vector<128x128xf32> to vector<1x128x128xf32>
    tpu.vector_store %arg4[%swap3A_768, %swap3A_769, %swap3A_770], %swap3A_773 {strides = array<i32>} : memref<79x128x128xf32, #tpu.memory_space<vmem>>, vector<1x128x128xf32>,
    %slice3A_774 = vector.extract_strided_slice %dot_general3A_24 {offsets = [0, 41], sizes = [128, 1], strides = [1, 1]} : vector<128x79xf32> to vector<128x1xf32>
    %swap3A_775 = arith.constant 41 : index
    %swap3A_776 = arith.constant 0 : index
    %swap3A_777 = arith.constant 0 : index
    %swap3A_778 = vector.load %arg6[%swap3A_775, %swap3A_776, %swap3A_777] : memref<79x128x1xf32, #tpu.memory_space<vmem>>, vector<1x128x1xf32>
    %swap3A_779 = vector.shape_cast %swap3A_778 : vector<1x128x1xf32> to vector<128x1xf32>
    %swap3A_780 = vector.shape_cast %slice3A_774 : vector<128x1xf32> to vector<1x128x1xf32>
    tpu.vector_store %arg6[%swap3A_775, %swap3A_776, %swap3A_777], %swap3A_780 {strides = array<i32>} : memref<79x128x1xf32, #tpu.memory_space<vmem>>, vector<1x128x1xf32>,
    %slice3A_781 = vector.extract_strided_slice %get3A_28 {offsets = [42, 0, 0], sizes = [1, 128, 128], strides = [1, 1, 1]} : vector<79x128x128xf32> to vector<1x128x128xf32>
    %squeeze3A_782 = vector.shape_cast %slice3A_781 : vector<1x128x128xf32> to vector<128x128xf32>
    %slice3A_783 = vector.extract_strided_slice %dot_general3A_19 {offsets = [0, 42], sizes = [128, 1], strides = [1, 1]} : vector<128x79xf32> to vector<128x1xf32>
    %mul3A_784 = vector.broadcast %slice3A_783 : vector<128x1xf32> to vector<128x128xf32>
    %mul3A_785 = arith.mulf %squeeze3A_782, %mul3A_784 : vector<128x128xf32>
    %swap3A_786 = arith.constant 42 : index
    %swap3A_787 = arith.constant 0 : index
    %swap3A_788 = arith.constant 0 : index
    %swap3A_789 = vector.load %arg4[%swap3A_786, %swap3A_787, %swap3A_788] : memref<79x128x128xf32, #tpu.memory_space<vmem>>, vector<1x128x128xf32>
    %swap3A_790 = vector.shape_cast %swap3A_789 : vector<1x128x128xf32> to vector<128x128xf32>
    %swap3A_791 = vector.shape_cast %mul3A_785 : vector<128x128xf32> to vector<1x128x128xf32>
    tpu.vector_store %arg4[%swap3A_786, %swap3A_787, %swap3A_788], %swap3A_791 {strides = array<i32>} : memref<79x128x128xf32, #tpu.memory_space<vmem>>, vector<1x128x128xf32>,
    %slice3A_792 = vector.extract_strided_slice %dot_general3A_24 {offsets = [0, 42], sizes = [128, 1], strides = [1, 1]} : vector<128x79xf32> to vector<128x1xf32>
    %swap3A_793 = arith.constant 42 : index
    %swap3A_794 = arith.constant 0 : index
    %swap3A_795 = arith.constant 0 : index
    %swap3A_796 = vector.load %arg6[%swap3A_793, %swap3A_794, %swap3A_795] : memref<79x128x1xf32, #tpu.memory_space<vmem>>, vector<1x128x1xf32>
    %swap3A_797 = vector.shape_cast %swap3A_796 : vector<1x128x1xf32> to vector<128x1xf32>
    %swap3A_798 = vector.shape_cast %slice3A_792 : vector<128x1xf32> to vector<1x128x1xf32>
    tpu.vector_store %arg6[%swap3A_793, %swap3A_794, %swap3A_795], %swap3A_798 {strides = array<i32>} : memref<79x128x1xf32, #tpu.memory_space<vmem>>, vector<1x128x1xf32>,
    %slice3A_799 = vector.extract_strided_slice %get3A_28 {offsets = [43, 0, 0], sizes = [1, 128, 128], strides = [1, 1, 1]} : vector<79x128x128xf32> to vector<1x128x128xf32>
    %squeeze3A_800 = vector.shape_cast %slice3A_799 : vector<1x128x128xf32> to vector<128x128xf32>
    %slice3A_801 = vector.extract_strided_slice %dot_general3A_19 {offsets = [0, 43], sizes = [128, 1], strides = [1, 1]} : vector<128x79xf32> to vector<128x1xf32>
    %mul3A_802 = vector.broadcast %slice3A_801 : vector<128x1xf32> to vector<128x128xf32>
    %mul3A_803 = arith.mulf %squeeze3A_800, %mul3A_802 : vector<128x128xf32>
    %swap3A_804 = arith.constant 43 : index
    %swap3A_805 = arith.constant 0 : index
    %swap3A_806 = arith.constant 0 : index
    %swap3A_807 = vector.load %arg4[%swap3A_804, %swap3A_805, %swap3A_806] : memref<79x128x128xf32, #tpu.memory_space<vmem>>, vector<1x128x128xf32>
    %swap3A_808 = vector.shape_cast %swap3A_807 : vector<1x128x128xf32> to vector<128x128xf32>
    %swap3A_809 = vector.shape_cast %mul3A_803 : vector<128x128xf32> to vector<1x128x128xf32>
    tpu.vector_store %arg4[%swap3A_804, %swap3A_805, %swap3A_806], %swap3A_809 {strides = array<i32>} : memref<79x128x128xf32, #tpu.memory_space<vmem>>, vector<1x128x128xf32>,
    %slice3A_810 = vector.extract_strided_slice %dot_general3A_24 {offsets = [0, 43], sizes = [128, 1], strides = [1, 1]} : vector<128x79xf32> to vector<128x1xf32>
    %swap3A_811 = arith.constant 43 : index
    %swap3A_812 = arith.constant 0 : index
    %swap3A_813 = arith.constant 0 : index
    %swap3A_814 = vector.load %arg6[%swap3A_811, %swap3A_812, %swap3A_813] : memref<79x128x1xf32, #tpu.memory_space<vmem>>, vector<1x128x1xf32>
    %swap3A_815 = vector.shape_cast %swap3A_814 : vector<1x128x1xf32> to vector<128x1xf32>
    %swap3A_816 = vector.shape_cast %slice3A_810 : vector<128x1xf32> to vector<1x128x1xf32>
    tpu.vector_store %arg6[%swap3A_811, %swap3A_812, %swap3A_813], %swap3A_816 {strides = array<i32>} : memref<79x128x1xf32, #tpu.memory_space<vmem>>, vector<1x128x1xf32>,
    %slice3A_817 = vector.extract_strided_slice %get3A_28 {offsets = [44, 0, 0], sizes = [1, 128, 128], strides = [1, 1, 1]} : vector<79x128x128xf32> to vector<1x128x128xf32>
    %squeeze3A_818 = vector.shape_cast %slice3A_817 : vector<1x128x128xf32> to vector<128x128xf32>
    %slice3A_819 = vector.extract_strided_slice %dot_general3A_19 {offsets = [0, 44], sizes = [128, 1], strides = [1, 1]} : vector<128x79xf32> to vector<128x1xf32>
    %mul3A_820 = vector.broadcast %slice3A_819 : vector<128x1xf32> to vector<128x128xf32>
    %mul3A_821 = arith.mulf %squeeze3A_818, %mul3A_820 : vector<128x128xf32>
    %swap3A_822 = arith.constant 44 : index
    %swap3A_823 = arith.constant 0 : index
    %swap3A_824 = arith.constant 0 : index
    %swap3A_825 = vector.load %arg4[%swap3A_822, %swap3A_823, %swap3A_824] : memref<79x128x128xf32, #tpu.memory_space<vmem>>, vector<1x128x128xf32>
    %swap3A_826 = vector.shape_cast %swap3A_825 : vector<1x128x128xf32> to vector<128x128xf32>
    %swap3A_827 = vector.shape_cast %mul3A_821 : vector<128x128xf32> to vector<1x128x128xf32>
    tpu.vector_store %arg4[%swap3A_822, %swap3A_823, %swap3A_824], %swap3A_827 {strides = array<i32>} : memref<79x128x128xf32, #tpu.memory_space<vmem>>, vector<1x128x128xf32>,
    %slice3A_828 = vector.extract_strided_slice %dot_general3A_24 {offsets = [0, 44], sizes = [128, 1], strides = [1, 1]} : vector<128x79xf32> to vector<128x1xf32>
    %swap3A_829 = arith.constant 44 : index
    %swap3A_830 = arith.constant 0 : index
    %swap3A_831 = arith.constant 0 : index
    %swap3A_832 = vector.load %arg6[%swap3A_829, %swap3A_830, %swap3A_831] : memref<79x128x1xf32, #tpu.memory_space<vmem>>, vector<1x128x1xf32>
    %swap3A_833 = vector.shape_cast %swap3A_832 : vector<1x128x1xf32> to vector<128x1xf32>
    %swap3A_834 = vector.shape_cast %slice3A_828 : vector<128x1xf32> to vector<1x128x1xf32>
    tpu.vector_store %arg6[%swap3A_829, %swap3A_830, %swap3A_831], %swap3A_834 {strides = array<i32>} : memref<79x128x1xf32, #tpu.memory_space<vmem>>, vector<1x128x1xf32>,
    %slice3A_835 = vector.extract_strided_slice %get3A_28 {offsets = [45, 0, 0], sizes = [1, 128, 128], strides = [1, 1, 1]} : vector<79x128x128xf32> to vector<1x128x128xf32>
    %squeeze3A_836 = vector.shape_cast %slice3A_835 : vector<1x128x128xf32> to vector<128x128xf32>
    %slice3A_837 = vector.extract_strided_slice %dot_general3A_19 {offsets = [0, 45], sizes = [128, 1], strides = [1, 1]} : vector<128x79xf32> to vector<128x1xf32>
    %mul3A_838 = vector.broadcast %slice3A_837 : vector<128x1xf32> to vector<128x128xf32>
    %mul3A_839 = arith.mulf %squeeze3A_836, %mul3A_838 : vector<128x128xf32>
    %swap3A_840 = arith.constant 45 : index
    %swap3A_841 = arith.constant 0 : index
    %swap3A_842 = arith.constant 0 : index
    %swap3A_843 = vector.load %arg4[%swap3A_840, %swap3A_841, %swap3A_842] : memref<79x128x128xf32, #tpu.memory_space<vmem>>, vector<1x128x128xf32>
    %swap3A_844 = vector.shape_cast %swap3A_843 : vector<1x128x128xf32> to vector<128x128xf32>
    %swap3A_845 = vector.shape_cast %mul3A_839 : vector<128x128xf32> to vector<1x128x128xf32>
    tpu.vector_store %arg4[%swap3A_840, %swap3A_841, %swap3A_842], %swap3A_845 {strides = array<i32>} : memref<79x128x128xf32, #tpu.memory_space<vmem>>, vector<1x128x128xf32>,
    %slice3A_846 = vector.extract_strided_slice %dot_general3A_24 {offsets = [0, 45], sizes = [128, 1], strides = [1, 1]} : vector<128x79xf32> to vector<128x1xf32>
    %swap3A_847 = arith.constant 45 : index
    %swap3A_848 = arith.constant 0 : index
    %swap3A_849 = arith.constant 0 : index
    %swap3A_850 = vector.load %arg6[%swap3A_847, %swap3A_848, %swap3A_849] : memref<79x128x1xf32, #tpu.memory_space<vmem>>, vector<1x128x1xf32>
    %swap3A_851 = vector.shape_cast %swap3A_850 : vector<1x128x1xf32> to vector<128x1xf32>
    %swap3A_852 = vector.shape_cast %slice3A_846 : vector<128x1xf32> to vector<1x128x1xf32>
    tpu.vector_store %arg6[%swap3A_847, %swap3A_848, %swap3A_849], %swap3A_852 {strides = array<i32>} : memref<79x128x1xf32, #tpu.memory_space<vmem>>, vector<1x128x1xf32>,
    %slice3A_853 = vector.extract_strided_slice %get3A_28 {offsets = [46, 0, 0], sizes = [1, 128, 128], strides = [1, 1, 1]} : vector<79x128x128xf32> to vector<1x128x128xf32>
    %squeeze3A_854 = vector.shape_cast %slice3A_853 : vector<1x128x128xf32> to vector<128x128xf32>
    %slice3A_855 = vector.extract_strided_slice %dot_general3A_19 {offsets = [0, 46], sizes = [128, 1], strides = [1, 1]} : vector<128x79xf32> to vector<128x1xf32>
    %mul3A_856 = vector.broadcast %slice3A_855 : vector<128x1xf32> to vector<128x128xf32>
    %mul3A_857 = arith.mulf %squeeze3A_854, %mul3A_856 : vector<128x128xf32>
    %swap3A_858 = arith.constant 46 : index
    %swap3A_859 = arith.constant 0 : index
    %swap3A_860 = arith.constant 0 : index
    %swap3A_861 = vector.load %arg4[%swap3A_858, %swap3A_859, %swap3A_860] : memref<79x128x128xf32, #tpu.memory_space<vmem>>, vector<1x128x128xf32>
    %swap3A_862 = vector.shape_cast %swap3A_861 : vector<1x128x128xf32> to vector<128x128xf32>
    %swap3A_863 = vector.shape_cast %mul3A_857 : vector<128x128xf32> to vector<1x128x128xf32>
    tpu.vector_store %arg4[%swap3A_858, %swap3A_859, %swap3A_860], %swap3A_863 {strides = array<i32>} : memref<79x128x128xf32, #tpu.memory_space<vmem>>, vector<1x128x128xf32>,
    %slice3A_864 = vector.extract_strided_slice %dot_general3A_24 {offsets = [0, 46], sizes = [128, 1], strides = [1, 1]} : vector<128x79xf32> to vector<128x1xf32>
    %swap3A_865 = arith.constant 46 : index
    %swap3A_866 = arith.constant 0 : index
    %swap3A_867 = arith.constant 0 : index
    %swap3A_868 = vector.load %arg6[%swap3A_865, %swap3A_866, %swap3A_867] : memref<79x128x1xf32, #tpu.memory_space<vmem>>, vector<1x128x1xf32>
    %swap3A_869 = vector.shape_cast %swap3A_868 : vector<1x128x1xf32> to vector<128x1xf32>
    %swap3A_870 = vector.shape_cast %slice3A_864 : vector<128x1xf32> to vector<1x128x1xf32>
    tpu.vector_store %arg6[%swap3A_865, %swap3A_866, %swap3A_867], %swap3A_870 {strides = array<i32>} : memref<79x128x1xf32, #tpu.memory_space<vmem>>, vector<1x128x1xf32>,
    %slice3A_871 = vector.extract_strided_slice %get3A_28 {offsets = [47, 0, 0], sizes = [1, 128, 128], strides = [1, 1, 1]} : vector<79x128x128xf32> to vector<1x128x128xf32>
    %squeeze3A_872 = vector.shape_cast %slice3A_871 : vector<1x128x128xf32> to vector<128x128xf32>
    %slice3A_873 = vector.extract_strided_slice %dot_general3A_19 {offsets = [0, 47], sizes = [128, 1], strides = [1, 1]} : vector<128x79xf32> to vector<128x1xf32>
    %mul3A_874 = vector.broadcast %slice3A_873 : vector<128x1xf32> to vector<128x128xf32>
    %mul3A_875 = arith.mulf %squeeze3A_872, %mul3A_874 : vector<128x128xf32>
    %swap3A_876 = arith.constant 47 : index
    %swap3A_877 = arith.constant 0 : index
    %swap3A_878 = arith.constant 0 : index
    %swap3A_879 = vector.load %arg4[%swap3A_876, %swap3A_877, %swap3A_878] : memref<79x128x128xf32, #tpu.memory_space<vmem>>, vector<1x128x128xf32>
    %swap3A_880 = vector.shape_cast %swap3A_879 : vector<1x128x128xf32> to vector<128x128xf32>
    %swap3A_881 = vector.shape_cast %mul3A_875 : vector<128x128xf32> to vector<1x128x128xf32>
    tpu.vector_store %arg4[%swap3A_876, %swap3A_877, %swap3A_878], %swap3A_881 {strides = array<i32>} : memref<79x128x128xf32, #tpu.memory_space<vmem>>, vector<1x128x128xf32>,
    %slice3A_882 = vector.extract_strided_slice %dot_general3A_24 {offsets = [0, 47], sizes = [128, 1], strides = [1, 1]} : vector<128x79xf32> to vector<128x1xf32>
    %swap3A_883 = arith.constant 47 : index
    %swap3A_884 = arith.constant 0 : index
    %swap3A_885 = arith.constant 0 : index
    %swap3A_886 = vector.load %arg6[%swap3A_883, %swap3A_884, %swap3A_885] : memref<79x128x1xf32, #tpu.memory_space<vmem>>, vector<1x128x1xf32>
    %swap3A_887 = vector.shape_cast %swap3A_886 : vector<1x128x1xf32> to vector<128x1xf32>
    %swap3A_888 = vector.shape_cast %slice3A_882 : vector<128x1xf32> to vector<1x128x1xf32>
    tpu.vector_store %arg6[%swap3A_883, %swap3A_884, %swap3A_885], %swap3A_888 {strides = array<i32>} : memref<79x128x1xf32, #tpu.memory_space<vmem>>, vector<1x128x1xf32>,
    %slice3A_889 = vector.extract_strided_slice %get3A_28 {offsets = [48, 0, 0], sizes = [1, 128, 128], strides = [1, 1, 1]} : vector<79x128x128xf32> to vector<1x128x128xf32>
    %squeeze3A_890 = vector.shape_cast %slice3A_889 : vector<1x128x128xf32> to vector<128x128xf32>
    %slice3A_891 = vector.extract_strided_slice %dot_general3A_19 {offsets = [0, 48], sizes = [128, 1], strides = [1, 1]} : vector<128x79xf32> to vector<128x1xf32>
    %mul3A_892 = vector.broadcast %slice3A_891 : vector<128x1xf32> to vector<128x128xf32>
    %mul3A_893 = arith.mulf %squeeze3A_890, %mul3A_892 : vector<128x128xf32>
    %swap3A_894 = arith.constant 48 : index
    %swap3A_895 = arith.constant 0 : index
    %swap3A_896 = arith.constant 0 : index
    %swap3A_897 = vector.load %arg4[%swap3A_894, %swap3A_895, %swap3A_896] : memref<79x128x128xf32, #tpu.memory_space<vmem>>, vector<1x128x128xf32>
    %swap3A_898 = vector.shape_cast %swap3A_897 : vector<1x128x128xf32> to vector<128x128xf32>
    %swap3A_899 = vector.shape_cast %mul3A_893 : vector<128x128xf32> to vector<1x128x128xf32>
    tpu.vector_store %arg4[%swap3A_894, %swap3A_895, %swap3A_896], %swap3A_899 {strides = array<i32>} : memref<79x128x128xf32, #tpu.memory_space<vmem>>, vector<1x128x128xf32>,
    %slice3A_900 = vector.extract_strided_slice %dot_general3A_24 {offsets = [0, 48], sizes = [128, 1], strides = [1, 1]} : vector<128x79xf32> to vector<128x1xf32>
    %swap3A_901 = arith.constant 48 : index
    %swap3A_902 = arith.constant 0 : index
    %swap3A_903 = arith.constant 0 : index
    %swap3A_904 = vector.load %arg6[%swap3A_901, %swap3A_902, %swap3A_903] : memref<79x128x1xf32, #tpu.memory_space<vmem>>, vector<1x128x1xf32>
    %swap3A_905 = vector.shape_cast %swap3A_904 : vector<1x128x1xf32> to vector<128x1xf32>
    %swap3A_906 = vector.shape_cast %slice3A_900 : vector<128x1xf32> to vector<1x128x1xf32>
    tpu.vector_store %arg6[%swap3A_901, %swap3A_902, %swap3A_903], %swap3A_906 {strides = array<i32>} : memref<79x128x1xf32, #tpu.memory_space<vmem>>, vector<1x128x1xf32>,
    %slice3A_907 = vector.extract_strided_slice %get3A_28 {offsets = [49, 0, 0], sizes = [1, 128, 128], strides = [1, 1, 1]} : vector<79x128x128xf32> to vector<1x128x128xf32>
    %squeeze3A_908 = vector.shape_cast %slice3A_907 : vector<1x128x128xf32> to vector<128x128xf32>
    %slice3A_909 = vector.extract_strided_slice %dot_general3A_19 {offsets = [0, 49], sizes = [128, 1], strides = [1, 1]} : vector<128x79xf32> to vector<128x1xf32>
    %mul3A_910 = vector.broadcast %slice3A_909 : vector<128x1xf32> to vector<128x128xf32>
    %mul3A_911 = arith.mulf %squeeze3A_908, %mul3A_910 : vector<128x128xf32>
    %swap3A_912 = arith.constant 49 : index
    %swap3A_913 = arith.constant 0 : index
    %swap3A_914 = arith.constant 0 : index
    %swap3A_915 = vector.load %arg4[%swap3A_912, %swap3A_913, %swap3A_914] : memref<79x128x128xf32, #tpu.memory_space<vmem>>, vector<1x128x128xf32>
    %swap3A_916 = vector.shape_cast %swap3A_915 : vector<1x128x128xf32> to vector<128x128xf32>
    %swap3A_917 = vector.shape_cast %mul3A_911 : vector<128x128xf32> to vector<1x128x128xf32>
    tpu.vector_store %arg4[%swap3A_912, %swap3A_913, %swap3A_914], %swap3A_917 {strides = array<i32>} : memref<79x128x128xf32, #tpu.memory_space<vmem>>, vector<1x128x128xf32>,
    %slice3A_918 = vector.extract_strided_slice %dot_general3A_24 {offsets = [0, 49], sizes = [128, 1], strides = [1, 1]} : vector<128x79xf32> to vector<128x1xf32>
    %swap3A_919 = arith.constant 49 : index
    %swap3A_920 = arith.constant 0 : index
    %swap3A_921 = arith.constant 0 : index
    %swap3A_922 = vector.load %arg6[%swap3A_919, %swap3A_920, %swap3A_921] : memref<79x128x1xf32, #tpu.memory_space<vmem>>, vector<1x128x1xf32>
    %swap3A_923 = vector.shape_cast %swap3A_922 : vector<1x128x1xf32> to vector<128x1xf32>
    %swap3A_924 = vector.shape_cast %slice3A_918 : vector<128x1xf32> to vector<1x128x1xf32>
    tpu.vector_store %arg6[%swap3A_919, %swap3A_920, %swap3A_921], %swap3A_924 {strides = array<i32>} : memref<79x128x1xf32, #tpu.memory_space<vmem>>, vector<1x128x1xf32>,
    %slice3A_925 = vector.extract_strided_slice %get3A_28 {offsets = [50, 0, 0], sizes = [1, 128, 128], strides = [1, 1, 1]} : vector<79x128x128xf32> to vector<1x128x128xf32>
    %squeeze3A_926 = vector.shape_cast %slice3A_925 : vector<1x128x128xf32> to vector<128x128xf32>
    %slice3A_927 = vector.extract_strided_slice %dot_general3A_19 {offsets = [0, 50], sizes = [128, 1], strides = [1, 1]} : vector<128x79xf32> to vector<128x1xf32>
    %mul3A_928 = vector.broadcast %slice3A_927 : vector<128x1xf32> to vector<128x128xf32>
    %mul3A_929 = arith.mulf %squeeze3A_926, %mul3A_928 : vector<128x128xf32>
    %swap3A_930 = arith.constant 50 : index
    %swap3A_931 = arith.constant 0 : index
    %swap3A_932 = arith.constant 0 : index
    %swap3A_933 = vector.load %arg4[%swap3A_930, %swap3A_931, %swap3A_932] : memref<79x128x128xf32, #tpu.memory_space<vmem>>, vector<1x128x128xf32>
    %swap3A_934 = vector.shape_cast %swap3A_933 : vector<1x128x128xf32> to vector<128x128xf32>
    %swap3A_935 = vector.shape_cast %mul3A_929 : vector<128x128xf32> to vector<1x128x128xf32>
    tpu.vector_store %arg4[%swap3A_930, %swap3A_931, %swap3A_932], %swap3A_935 {strides = array<i32>} : memref<79x128x128xf32, #tpu.memory_space<vmem>>, vector<1x128x128xf32>,
    %slice3A_936 = vector.extract_strided_slice %dot_general3A_24 {offsets = [0, 50], sizes = [128, 1], strides = [1, 1]} : vector<128x79xf32> to vector<128x1xf32>
    %swap3A_937 = arith.constant 50 : index
    %swap3A_938 = arith.constant 0 : index
    %swap3A_939 = arith.constant 0 : index
    %swap3A_940 = vector.load %arg6[%swap3A_937, %swap3A_938, %swap3A_939] : memref<79x128x1xf32, #tpu.memory_space<vmem>>, vector<1x128x1xf32>
    %swap3A_941 = vector.shape_cast %swap3A_940 : vector<1x128x1xf32> to vector<128x1xf32>
    %swap3A_942 = vector.shape_cast %slice3A_936 : vector<128x1xf32> to vector<1x128x1xf32>
    tpu.vector_store %arg6[%swap3A_937, %swap3A_938, %swap3A_939], %swap3A_942 {strides = array<i32>} : memref<79x128x1xf32, #tpu.memory_space<vmem>>, vector<1x128x1xf32>,
    %slice3A_943 = vector.extract_strided_slice %get3A_28 {offsets = [51, 0, 0], sizes = [1, 128, 128], strides = [1, 1, 1]} : vector<79x128x128xf32> to vector<1x128x128xf32>
    %squeeze3A_944 = vector.shape_cast %slice3A_943 : vector<1x128x128xf32> to vector<128x128xf32>
    %slice3A_945 = vector.extract_strided_slice %dot_general3A_19 {offsets = [0, 51], sizes = [128, 1], strides = [1, 1]} : vector<128x79xf32> to vector<128x1xf32>
    %mul3A_946 = vector.broadcast %slice3A_945 : vector<128x1xf32> to vector<128x128xf32>
    %mul3A_947 = arith.mulf %squeeze3A_944, %mul3A_946 : vector<128x128xf32>
    %swap3A_948 = arith.constant 51 : index
    %swap3A_949 = arith.constant 0 : index
    %swap3A_950 = arith.constant 0 : index
    %swap3A_951 = vector.load %arg4[%swap3A_948, %swap3A_949, %swap3A_950] : memref<79x128x128xf32, #tpu.memory_space<vmem>>, vector<1x128x128xf32>
    %swap3A_952 = vector.shape_cast %swap3A_951 : vector<1x128x128xf32> to vector<128x128xf32>
    %swap3A_953 = vector.shape_cast %mul3A_947 : vector<128x128xf32> to vector<1x128x128xf32>
    tpu.vector_store %arg4[%swap3A_948, %swap3A_949, %swap3A_950], %swap3A_953 {strides = array<i32>} : memref<79x128x128xf32, #tpu.memory_space<vmem>>, vector<1x128x128xf32>,
    %slice3A_954 = vector.extract_strided_slice %dot_general3A_24 {offsets = [0, 51], sizes = [128, 1], strides = [1, 1]} : vector<128x79xf32> to vector<128x1xf32>
    %swap3A_955 = arith.constant 51 : index
    %swap3A_956 = arith.constant 0 : index
    %swap3A_957 = arith.constant 0 : index
    %swap3A_958 = vector.load %arg6[%swap3A_955, %swap3A_956, %swap3A_957] : memref<79x128x1xf32, #tpu.memory_space<vmem>>, vector<1x128x1xf32>
    %swap3A_959 = vector.shape_cast %swap3A_958 : vector<1x128x1xf32> to vector<128x1xf32>
    %swap3A_960 = vector.shape_cast %slice3A_954 : vector<128x1xf32> to vector<1x128x1xf32>
    tpu.vector_store %arg6[%swap3A_955, %swap3A_956, %swap3A_957], %swap3A_960 {strides = array<i32>} : memref<79x128x1xf32, #tpu.memory_space<vmem>>, vector<1x128x1xf32>,
    %slice3A_961 = vector.extract_strided_slice %get3A_28 {offsets = [52, 0, 0], sizes = [1, 128, 128], strides = [1, 1, 1]} : vector<79x128x128xf32> to vector<1x128x128xf32>
    %squeeze3A_962 = vector.shape_cast %slice3A_961 : vector<1x128x128xf32> to vector<128x128xf32>
    %slice3A_963 = vector.extract_strided_slice %dot_general3A_19 {offsets = [0, 52], sizes = [128, 1], strides = [1, 1]} : vector<128x79xf32> to vector<128x1xf32>
    %mul3A_964 = vector.broadcast %slice3A_963 : vector<128x1xf32> to vector<128x128xf32>
    %mul3A_965 = arith.mulf %squeeze3A_962, %mul3A_964 : vector<128x128xf32>
    %swap3A_966 = arith.constant 52 : index
    %swap3A_967 = arith.constant 0 : index
    %swap3A_968 = arith.constant 0 : index
    %swap3A_969 = vector.load %arg4[%swap3A_966, %swap3A_967, %swap3A_968] : memref<79x128x128xf32, #tpu.memory_space<vmem>>, vector<1x128x128xf32>
    %swap3A_970 = vector.shape_cast %swap3A_969 : vector<1x128x128xf32> to vector<128x128xf32>
    %swap3A_971 = vector.shape_cast %mul3A_965 : vector<128x128xf32> to vector<1x128x128xf32>
    tpu.vector_store %arg4[%swap3A_966, %swap3A_967, %swap3A_968], %swap3A_971 {strides = array<i32>} : memref<79x128x128xf32, #tpu.memory_space<vmem>>, vector<1x128x128xf32>,
    %slice3A_972 = vector.extract_strided_slice %dot_general3A_24 {offsets = [0, 52], sizes = [128, 1], strides = [1, 1]} : vector<128x79xf32> to vector<128x1xf32>
    %swap3A_973 = arith.constant 52 : index
    %swap3A_974 = arith.constant 0 : index
    %swap3A_975 = arith.constant 0 : index
    %swap3A_976 = vector.load %arg6[%swap3A_973, %swap3A_974, %swap3A_975] : memref<79x128x1xf32, #tpu.memory_space<vmem>>, vector<1x128x1xf32>
    %swap3A_977 = vector.shape_cast %swap3A_976 : vector<1x128x1xf32> to vector<128x1xf32>
    %swap3A_978 = vector.shape_cast %slice3A_972 : vector<128x1xf32> to vector<1x128x1xf32>
    tpu.vector_store %arg6[%swap3A_973, %swap3A_974, %swap3A_975], %swap3A_978 {strides = array<i32>} : memref<79x128x1xf32, #tpu.memory_space<vmem>>, vector<1x128x1xf32>,
    %slice3A_979 = vector.extract_strided_slice %get3A_28 {offsets = [53, 0, 0], sizes = [1, 128, 128], strides = [1, 1, 1]} : vector<79x128x128xf32> to vector<1x128x128xf32>
    %squeeze3A_980 = vector.shape_cast %slice3A_979 : vector<1x128x128xf32> to vector<128x128xf32>
    %slice3A_981 = vector.extract_strided_slice %dot_general3A_19 {offsets = [0, 53], sizes = [128, 1], strides = [1, 1]} : vector<128x79xf32> to vector<128x1xf32>
    %mul3A_982 = vector.broadcast %slice3A_981 : vector<128x1xf32> to vector<128x128xf32>
    %mul3A_983 = arith.mulf %squeeze3A_980, %mul3A_982 : vector<128x128xf32>
    %swap3A_984 = arith.constant 53 : index
    %swap3A_985 = arith.constant 0 : index
    %swap3A_986 = arith.constant 0 : index
    %swap3A_987 = vector.load %arg4[%swap3A_984, %swap3A_985, %swap3A_986] : memref<79x128x128xf32, #tpu.memory_space<vmem>>, vector<1x128x128xf32>
    %swap3A_988 = vector.shape_cast %swap3A_987 : vector<1x128x128xf32> to vector<128x128xf32>
    %swap3A_989 = vector.shape_cast %mul3A_983 : vector<128x128xf32> to vector<1x128x128xf32>
    tpu.vector_store %arg4[%swap3A_984, %swap3A_985, %swap3A_986], %swap3A_989 {strides = array<i32>} : memref<79x128x128xf32, #tpu.memory_space<vmem>>, vector<1x128x128xf32>,
    %slice3A_990 = vector.extract_strided_slice %dot_general3A_24 {offsets = [0, 53], sizes = [128, 1], strides = [1, 1]} : vector<128x79xf32> to vector<128x1xf32>
    %swap3A_991 = arith.constant 53 : index
    %swap3A_992 = arith.constant 0 : index
    %swap3A_993 = arith.constant 0 : index
    %swap3A_994 = vector.load %arg6[%swap3A_991, %swap3A_992, %swap3A_993] : memref<79x128x1xf32, #tpu.memory_space<vmem>>, vector<1x128x1xf32>
    %swap3A_995 = vector.shape_cast %swap3A_994 : vector<1x128x1xf32> to vector<128x1xf32>
    %swap3A_996 = vector.shape_cast %slice3A_990 : vector<128x1xf32> to vector<1x128x1xf32>
    tpu.vector_store %arg6[%swap3A_991, %swap3A_992, %swap3A_993], %swap3A_996 {strides = array<i32>} : memref<79x128x1xf32, #tpu.memory_space<vmem>>, vector<1x128x1xf32>,
    %slice3A_997 = vector.extract_strided_slice %get3A_28 {offsets = [54, 0, 0], sizes = [1, 128, 128], strides = [1, 1, 1]} : vector<79x128x128xf32> to vector<1x128x128xf32>
    %squeeze3A_998 = vector.shape_cast %slice3A_997 : vector<1x128x128xf32> to vector<128x128xf32>
    %slice3A_999 = vector.extract_strided_slice %dot_general3A_19 {offsets = [0, 54], sizes = [128, 1], strides = [1, 1]} : vector<128x79xf32> to vector<128x1xf32>
    %mul3A_1000 = vector.broadcast %slice3A_999 : vector<128x1xf32> to vector<128x128xf32>
    %mul3A_1001 = arith.mulf %squeeze3A_998, %mul3A_1000 : vector<128x128xf32>
    %swap3A_1002 = arith.constant 54 : index
    %swap3A_1003 = arith.constant 0 : index
    %swap3A_1004 = arith.constant 0 : index
    %swap3A_1005 = vector.load %arg4[%swap3A_1002, %swap3A_1003, %swap3A_1004] : memref<79x128x128xf32, #tpu.memory_space<vmem>>, vector<1x128x128xf32>
    %swap3A_1006 = vector.shape_cast %swap3A_1005 : vector<1x128x128xf32> to vector<128x128xf32>
    %swap3A_1007 = vector.shape_cast %mul3A_1001 : vector<128x128xf32> to vector<1x128x128xf32>
    tpu.vector_store %arg4[%swap3A_1002, %swap3A_1003, %swap3A_1004], %swap3A_1007 {strides = array<i32>} : memref<79x128x128xf32, #tpu.memory_space<vmem>>, vector<1x128x128xf32>,
    %slice3A_1008 = vector.extract_strided_slice %dot_general3A_24 {offsets = [0, 54], sizes = [128, 1], strides = [1, 1]} : vector<128x79xf32> to vector<128x1xf32>
    %swap3A_1009 = arith.constant 54 : index
    %swap3A_1010 = arith.constant 0 : index
    %swap3A_1011 = arith.constant 0 : index
    %swap3A_1012 = vector.load %arg6[%swap3A_1009, %swap3A_1010, %swap3A_1011] : memref<79x128x1xf32, #tpu.memory_space<vmem>>, vector<1x128x1xf32>
    %swap3A_1013 = vector.shape_cast %swap3A_1012 : vector<1x128x1xf32> to vector<128x1xf32>
    %swap3A_1014 = vector.shape_cast %slice3A_1008 : vector<128x1xf32> to vector<1x128x1xf32>
    tpu.vector_store %arg6[%swap3A_1009, %swap3A_1010, %swap3A_1011], %swap3A_1014 {strides = array<i32>} : memref<79x128x1xf32, #tpu.memory_space<vmem>>, vector<1x128x1xf32>,
    %slice3A_1015 = vector.extract_strided_slice %get3A_28 {offsets = [55, 0, 0], sizes = [1, 128, 128], strides = [1, 1, 1]} : vector<79x128x128xf32> to vector<1x128x128xf32>
    %squeeze3A_1016 = vector.shape_cast %slice3A_1015 : vector<1x128x128xf32> to vector<128x128xf32>
    %slice3A_1017 = vector.extract_strided_slice %dot_general3A_19 {offsets = [0, 55], sizes = [128, 1], strides = [1, 1]} : vector<128x79xf32> to vector<128x1xf32>
    %mul3A_1018 = vector.broadcast %slice3A_1017 : vector<128x1xf32> to vector<128x128xf32>
    %mul3A_1019 = arith.mulf %squeeze3A_1016, %mul3A_1018 : vector<128x128xf32>
    %swap3A_1020 = arith.constant 55 : index
    %swap3A_1021 = arith.constant 0 : index
    %swap3A_1022 = arith.constant 0 : index
    %swap3A_1023 = vector.load %arg4[%swap3A_1020, %swap3A_1021, %swap3A_1022] : memref<79x128x128xf32, #tpu.memory_space<vmem>>, vector<1x128x128xf32>
    %swap3A_1024 = vector.shape_cast %swap3A_1023 : vector<1x128x128xf32> to vector<128x128xf32>
    %swap3A_1025 = vector.shape_cast %mul3A_1019 : vector<128x128xf32> to vector<1x128x128xf32>
    tpu.vector_store %arg4[%swap3A_1020, %swap3A_1021, %swap3A_1022], %swap3A_1025 {strides = array<i32>} : memref<79x128x128xf32, #tpu.memory_space<vmem>>, vector<1x128x128xf32>,
    %slice3A_1026 = vector.extract_strided_slice %dot_general3A_24 {offsets = [0, 55], sizes = [128, 1], strides = [1, 1]} : vector<128x79xf32> to vector<128x1xf32>
    %swap3A_1027 = arith.constant 55 : index
    %swap3A_1028 = arith.constant 0 : index
    %swap3A_1029 = arith.constant 0 : index
    %swap3A_1030 = vector.load %arg6[%swap3A_1027, %swap3A_1028, %swap3A_1029] : memref<79x128x1xf32, #tpu.memory_space<vmem>>, vector<1x128x1xf32>
    %swap3A_1031 = vector.shape_cast %swap3A_1030 : vector<1x128x1xf32> to vector<128x1xf32>
    %swap3A_1032 = vector.shape_cast %slice3A_1026 : vector<128x1xf32> to vector<1x128x1xf32>
    tpu.vector_store %arg6[%swap3A_1027, %swap3A_1028, %swap3A_1029], %swap3A_1032 {strides = array<i32>} : memref<79x128x1xf32, #tpu.memory_space<vmem>>, vector<1x128x1xf32>,
    %slice3A_1033 = vector.extract_strided_slice %get3A_28 {offsets = [56, 0, 0], sizes = [1, 128, 128], strides = [1, 1, 1]} : vector<79x128x128xf32> to vector<1x128x128xf32>
    %squeeze3A_1034 = vector.shape_cast %slice3A_1033 : vector<1x128x128xf32> to vector<128x128xf32>
    %slice3A_1035 = vector.extract_strided_slice %dot_general3A_19 {offsets = [0, 56], sizes = [128, 1], strides = [1, 1]} : vector<128x79xf32> to vector<128x1xf32>
    %mul3A_1036 = vector.broadcast %slice3A_1035 : vector<128x1xf32> to vector<128x128xf32>
    %mul3A_1037 = arith.mulf %squeeze3A_1034, %mul3A_1036 : vector<128x128xf32>
    %swap3A_1038 = arith.constant 56 : index
    %swap3A_1039 = arith.constant 0 : index
    %swap3A_1040 = arith.constant 0 : index
    %swap3A_1041 = vector.load %arg4[%swap3A_1038, %swap3A_1039, %swap3A_1040] : memref<79x128x128xf32, #tpu.memory_space<vmem>>, vector<1x128x128xf32>
    %swap3A_1042 = vector.shape_cast %swap3A_1041 : vector<1x128x128xf32> to vector<128x128xf32>
    %swap3A_1043 = vector.shape_cast %mul3A_1037 : vector<128x128xf32> to vector<1x128x128xf32>
    tpu.vector_store %arg4[%swap3A_1038, %swap3A_1039, %swap3A_1040], %swap3A_1043 {strides = array<i32>} : memref<79x128x128xf32, #tpu.memory_space<vmem>>, vector<1x128x128xf32>,
    %slice3A_1044 = vector.extract_strided_slice %dot_general3A_24 {offsets = [0, 56], sizes = [128, 1], strides = [1, 1]} : vector<128x79xf32> to vector<128x1xf32>
    %swap3A_1045 = arith.constant 56 : index
    %swap3A_1046 = arith.constant 0 : index
    %swap3A_1047 = arith.constant 0 : index
    %swap3A_1048 = vector.load %arg6[%swap3A_1045, %swap3A_1046, %swap3A_1047] : memref<79x128x1xf32, #tpu.memory_space<vmem>>, vector<1x128x1xf32>
    %swap3A_1049 = vector.shape_cast %swap3A_1048 : vector<1x128x1xf32> to vector<128x1xf32>
    %swap3A_1050 = vector.shape_cast %slice3A_1044 : vector<128x1xf32> to vector<1x128x1xf32>
    tpu.vector_store %arg6[%swap3A_1045, %swap3A_1046, %swap3A_1047], %swap3A_1050 {strides = array<i32>} : memref<79x128x1xf32, #tpu.memory_space<vmem>>, vector<1x128x1xf32>,
    %slice3A_1051 = vector.extract_strided_slice %get3A_28 {offsets = [57, 0, 0], sizes = [1, 128, 128], strides = [1, 1, 1]} : vector<79x128x128xf32> to vector<1x128x128xf32>
    %squeeze3A_1052 = vector.shape_cast %slice3A_1051 : vector<1x128x128xf32> to vector<128x128xf32>
    %slice3A_1053 = vector.extract_strided_slice %dot_general3A_19 {offsets = [0, 57], sizes = [128, 1], strides = [1, 1]} : vector<128x79xf32> to vector<128x1xf32>
    %mul3A_1054 = vector.broadcast %slice3A_1053 : vector<128x1xf32> to vector<128x128xf32>
    %mul3A_1055 = arith.mulf %squeeze3A_1052, %mul3A_1054 : vector<128x128xf32>
    %swap3A_1056 = arith.constant 57 : index
    %swap3A_1057 = arith.constant 0 : index
    %swap3A_1058 = arith.constant 0 : index
    %swap3A_1059 = vector.load %arg4[%swap3A_1056, %swap3A_1057, %swap3A_1058] : memref<79x128x128xf32, #tpu.memory_space<vmem>>, vector<1x128x128xf32>
    %swap3A_1060 = vector.shape_cast %swap3A_1059 : vector<1x128x128xf32> to vector<128x128xf32>
    %swap3A_1061 = vector.shape_cast %mul3A_1055 : vector<128x128xf32> to vector<1x128x128xf32>
    tpu.vector_store %arg4[%swap3A_1056, %swap3A_1057, %swap3A_1058], %swap3A_1061 {strides = array<i32>} : memref<79x128x128xf32, #tpu.memory_space<vmem>>, vector<1x128x128xf32>,
    %slice3A_1062 = vector.extract_strided_slice %dot_general3A_24 {offsets = [0, 57], sizes = [128, 1], strides = [1, 1]} : vector<128x79xf32> to vector<128x1xf32>
    %swap3A_1063 = arith.constant 57 : index
    %swap3A_1064 = arith.constant 0 : index
    %swap3A_1065 = arith.constant 0 : index
    %swap3A_1066 = vector.load %arg6[%swap3A_1063, %swap3A_1064, %swap3A_1065] : memref<79x128x1xf32, #tpu.memory_space<vmem>>, vector<1x128x1xf32>
    %swap3A_1067 = vector.shape_cast %swap3A_1066 : vector<1x128x1xf32> to vector<128x1xf32>
    %swap3A_1068 = vector.shape_cast %slice3A_1062 : vector<128x1xf32> to vector<1x128x1xf32>
    tpu.vector_store %arg6[%swap3A_1063, %swap3A_1064, %swap3A_1065], %swap3A_1068 {strides = array<i32>} : memref<79x128x1xf32, #tpu.memory_space<vmem>>, vector<1x128x1xf32>,
    %slice3A_1069 = vector.extract_strided_slice %get3A_28 {offsets = [58, 0, 0], sizes = [1, 128, 128], strides = [1, 1, 1]} : vector<79x128x128xf32> to vector<1x128x128xf32>
    %squeeze3A_1070 = vector.shape_cast %slice3A_1069 : vector<1x128x128xf32> to vector<128x128xf32>
    %slice3A_1071 = vector.extract_strided_slice %dot_general3A_19 {offsets = [0, 58], sizes = [128, 1], strides = [1, 1]} : vector<128x79xf32> to vector<128x1xf32>
    %mul3A_1072 = vector.broadcast %slice3A_1071 : vector<128x1xf32> to vector<128x128xf32>
    %mul3A_1073 = arith.mulf %squeeze3A_1070, %mul3A_1072 : vector<128x128xf32>
    %swap3A_1074 = arith.constant 58 : index
    %swap3A_1075 = arith.constant 0 : index
    %swap3A_1076 = arith.constant 0 : index
    %swap3A_1077 = vector.load %arg4[%swap3A_1074, %swap3A_1075, %swap3A_1076] : memref<79x128x128xf32, #tpu.memory_space<vmem>>, vector<1x128x128xf32>
    %swap3A_1078 = vector.shape_cast %swap3A_1077 : vector<1x128x128xf32> to vector<128x128xf32>
    %swap3A_1079 = vector.shape_cast %mul3A_1073 : vector<128x128xf32> to vector<1x128x128xf32>
    tpu.vector_store %arg4[%swap3A_1074, %swap3A_1075, %swap3A_1076], %swap3A_1079 {strides = array<i32>} : memref<79x128x128xf32, #tpu.memory_space<vmem>>, vector<1x128x128xf32>,
    %slice3A_1080 = vector.extract_strided_slice %dot_general3A_24 {offsets = [0, 58], sizes = [128, 1], strides = [1, 1]} : vector<128x79xf32> to vector<128x1xf32>
    %swap3A_1081 = arith.constant 58 : index
    %swap3A_1082 = arith.constant 0 : index
    %swap3A_1083 = arith.constant 0 : index
    %swap3A_1084 = vector.load %arg6[%swap3A_1081, %swap3A_1082, %swap3A_1083] : memref<79x128x1xf32, #tpu.memory_space<vmem>>, vector<1x128x1xf32>
    %swap3A_1085 = vector.shape_cast %swap3A_1084 : vector<1x128x1xf32> to vector<128x1xf32>
    %swap3A_1086 = vector.shape_cast %slice3A_1080 : vector<128x1xf32> to vector<1x128x1xf32>
    tpu.vector_store %arg6[%swap3A_1081, %swap3A_1082, %swap3A_1083], %swap3A_1086 {strides = array<i32>} : memref<79x128x1xf32, #tpu.memory_space<vmem>>, vector<1x128x1xf32>,
    %slice3A_1087 = vector.extract_strided_slice %get3A_28 {offsets = [59, 0, 0], sizes = [1, 128, 128], strides = [1, 1, 1]} : vector<79x128x128xf32> to vector<1x128x128xf32>
    %squeeze3A_1088 = vector.shape_cast %slice3A_1087 : vector<1x128x128xf32> to vector<128x128xf32>
    %slice3A_1089 = vector.extract_strided_slice %dot_general3A_19 {offsets = [0, 59], sizes = [128, 1], strides = [1, 1]} : vector<128x79xf32> to vector<128x1xf32>
    %mul3A_1090 = vector.broadcast %slice3A_1089 : vector<128x1xf32> to vector<128x128xf32>
    %mul3A_1091 = arith.mulf %squeeze3A_1088, %mul3A_1090 : vector<128x128xf32>
    %swap3A_1092 = arith.constant 59 : index
    %swap3A_1093 = arith.constant 0 : index
    %swap3A_1094 = arith.constant 0 : index
    %swap3A_1095 = vector.load %arg4[%swap3A_1092, %swap3A_1093, %swap3A_1094] : memref<79x128x128xf32, #tpu.memory_space<vmem>>, vector<1x128x128xf32>
    %swap3A_1096 = vector.shape_cast %swap3A_1095 : vector<1x128x128xf32> to vector<128x128xf32>
    %swap3A_1097 = vector.shape_cast %mul3A_1091 : vector<128x128xf32> to vector<1x128x128xf32>
    tpu.vector_store %arg4[%swap3A_1092, %swap3A_1093, %swap3A_1094], %swap3A_1097 {strides = array<i32>} : memref<79x128x128xf32, #tpu.memory_space<vmem>>, vector<1x128x128xf32>,
    %slice3A_1098 = vector.extract_strided_slice %dot_general3A_24 {offsets = [0, 59], sizes = [128, 1], strides = [1, 1]} : vector<128x79xf32> to vector<128x1xf32>
    %swap3A_1099 = arith.constant 59 : index
    %swap3A_1100 = arith.constant 0 : index
    %swap3A_1101 = arith.constant 0 : index
    %swap3A_1102 = vector.load %arg6[%swap3A_1099, %swap3A_1100, %swap3A_1101] : memref<79x128x1xf32, #tpu.memory_space<vmem>>, vector<1x128x1xf32>
    %swap3A_1103 = vector.shape_cast %swap3A_1102 : vector<1x128x1xf32> to vector<128x1xf32>
    %swap3A_1104 = vector.shape_cast %slice3A_1098 : vector<128x1xf32> to vector<1x128x1xf32>
    tpu.vector_store %arg6[%swap3A_1099, %swap3A_1100, %swap3A_1101], %swap3A_1104 {strides = array<i32>} : memref<79x128x1xf32, #tpu.memory_space<vmem>>, vector<1x128x1xf32>,
    %slice3A_1105 = vector.extract_strided_slice %get3A_28 {offsets = [60, 0, 0], sizes = [1, 128, 128], strides = [1, 1, 1]} : vector<79x128x128xf32> to vector<1x128x128xf32>
    %squeeze3A_1106 = vector.shape_cast %slice3A_1105 : vector<1x128x128xf32> to vector<128x128xf32>
    %slice3A_1107 = vector.extract_strided_slice %dot_general3A_19 {offsets = [0, 60], sizes = [128, 1], strides = [1, 1]} : vector<128x79xf32> to vector<128x1xf32>
    %mul3A_1108 = vector.broadcast %slice3A_1107 : vector<128x1xf32> to vector<128x128xf32>
    %mul3A_1109 = arith.mulf %squeeze3A_1106, %mul3A_1108 : vector<128x128xf32>
    %swap3A_1110 = arith.constant 60 : index
    %swap3A_1111 = arith.constant 0 : index
    %swap3A_1112 = arith.constant 0 : index
    %swap3A_1113 = vector.load %arg4[%swap3A_1110, %swap3A_1111, %swap3A_1112] : memref<79x128x128xf32, #tpu.memory_space<vmem>>, vector<1x128x128xf32>
    %swap3A_1114 = vector.shape_cast %swap3A_1113 : vector<1x128x128xf32> to vector<128x128xf32>
    %swap3A_1115 = vector.shape_cast %mul3A_1109 : vector<128x128xf32> to vector<1x128x128xf32>
    tpu.vector_store %arg4[%swap3A_1110, %swap3A_1111, %swap3A_1112], %swap3A_1115 {strides = array<i32>} : memref<79x128x128xf32, #tpu.memory_space<vmem>>, vector<1x128x128xf32>,
    %slice3A_1116 = vector.extract_strided_slice %dot_general3A_24 {offsets = [0, 60], sizes = [128, 1], strides = [1, 1]} : vector<128x79xf32> to vector<128x1xf32>
    %swap3A_1117 = arith.constant 60 : index
    %swap3A_1118 = arith.constant 0 : index
    %swap3A_1119 = arith.constant 0 : index
    %swap3A_1120 = vector.load %arg6[%swap3A_1117, %swap3A_1118, %swap3A_1119] : memref<79x128x1xf32, #tpu.memory_space<vmem>>, vector<1x128x1xf32>
    %swap3A_1121 = vector.shape_cast %swap3A_1120 : vector<1x128x1xf32> to vector<128x1xf32>
    %swap3A_1122 = vector.shape_cast %slice3A_1116 : vector<128x1xf32> to vector<1x128x1xf32>
    tpu.vector_store %arg6[%swap3A_1117, %swap3A_1118, %swap3A_1119], %swap3A_1122 {strides = array<i32>} : memref<79x128x1xf32, #tpu.memory_space<vmem>>, vector<1x128x1xf32>,
    %slice3A_1123 = vector.extract_strided_slice %get3A_28 {offsets = [61, 0, 0], sizes = [1, 128, 128], strides = [1, 1, 1]} : vector<79x128x128xf32> to vector<1x128x128xf32>
    %squeeze3A_1124 = vector.shape_cast %slice3A_1123 : vector<1x128x128xf32> to vector<128x128xf32>
    %slice3A_1125 = vector.extract_strided_slice %dot_general3A_19 {offsets = [0, 61], sizes = [128, 1], strides = [1, 1]} : vector<128x79xf32> to vector<128x1xf32>
    %mul3A_1126 = vector.broadcast %slice3A_1125 : vector<128x1xf32> to vector<128x128xf32>
    %mul3A_1127 = arith.mulf %squeeze3A_1124, %mul3A_1126 : vector<128x128xf32>
    %swap3A_1128 = arith.constant 61 : index
    %swap3A_1129 = arith.constant 0 : index
    %swap3A_1130 = arith.constant 0 : index
    %swap3A_1131 = vector.load %arg4[%swap3A_1128, %swap3A_1129, %swap3A_1130] : memref<79x128x128xf32, #tpu.memory_space<vmem>>, vector<1x128x128xf32>
    %swap3A_1132 = vector.shape_cast %swap3A_1131 : vector<1x128x128xf32> to vector<128x128xf32>
    %swap3A_1133 = vector.shape_cast %mul3A_1127 : vector<128x128xf32> to vector<1x128x128xf32>
    tpu.vector_store %arg4[%swap3A_1128, %swap3A_1129, %swap3A_1130], %swap3A_1133 {strides = array<i32>} : memref<79x128x128xf32, #tpu.memory_space<vmem>>, vector<1x128x128xf32>,
    %slice3A_1134 = vector.extract_strided_slice %dot_general3A_24 {offsets = [0, 61], sizes = [128, 1], strides = [1, 1]} : vector<128x79xf32> to vector<128x1xf32>
    %swap3A_1135 = arith.constant 61 : index
    %swap3A_1136 = arith.constant 0 : index
    %swap3A_1137 = arith.constant 0 : index
    %swap3A_1138 = vector.load %arg6[%swap3A_1135, %swap3A_1136, %swap3A_1137] : memref<79x128x1xf32, #tpu.memory_space<vmem>>, vector<1x128x1xf32>
    %swap3A_1139 = vector.shape_cast %swap3A_1138 : vector<1x128x1xf32> to vector<128x1xf32>
    %swap3A_1140 = vector.shape_cast %slice3A_1134 : vector<128x1xf32> to vector<1x128x1xf32>
    tpu.vector_store %arg6[%swap3A_1135, %swap3A_1136, %swap3A_1137], %swap3A_1140 {strides = array<i32>} : memref<79x128x1xf32, #tpu.memory_space<vmem>>, vector<1x128x1xf32>,
    %slice3A_1141 = vector.extract_strided_slice %get3A_28 {offsets = [62, 0, 0], sizes = [1, 128, 128], strides = [1, 1, 1]} : vector<79x128x128xf32> to vector<1x128x128xf32>
    %squeeze3A_1142 = vector.shape_cast %slice3A_1141 : vector<1x128x128xf32> to vector<128x128xf32>
    %slice3A_1143 = vector.extract_strided_slice %dot_general3A_19 {offsets = [0, 62], sizes = [128, 1], strides = [1, 1]} : vector<128x79xf32> to vector<128x1xf32>
    %mul3A_1144 = vector.broadcast %slice3A_1143 : vector<128x1xf32> to vector<128x128xf32>
    %mul3A_1145 = arith.mulf %squeeze3A_1142, %mul3A_1144 : vector<128x128xf32>
    %swap3A_1146 = arith.constant 62 : index
    %swap3A_1147 = arith.constant 0 : index
    %swap3A_1148 = arith.constant 0 : index
    %swap3A_1149 = vector.load %arg4[%swap3A_1146, %swap3A_1147, %swap3A_1148] : memref<79x128x128xf32, #tpu.memory_space<vmem>>, vector<1x128x128xf32>
    %swap3A_1150 = vector.shape_cast %swap3A_1149 : vector<1x128x128xf32> to vector<128x128xf32>
    %swap3A_1151 = vector.shape_cast %mul3A_1145 : vector<128x128xf32> to vector<1x128x128xf32>
    tpu.vector_store %arg4[%swap3A_1146, %swap3A_1147, %swap3A_1148], %swap3A_1151 {strides = array<i32>} : memref<79x128x128xf32, #tpu.memory_space<vmem>>, vector<1x128x128xf32>,
    %slice3A_1152 = vector.extract_strided_slice %dot_general3A_24 {offsets = [0, 62], sizes = [128, 1], strides = [1, 1]} : vector<128x79xf32> to vector<128x1xf32>
    %swap3A_1153 = arith.constant 62 : index
    %swap3A_1154 = arith.constant 0 : index
    %swap3A_1155 = arith.constant 0 : index
    %swap3A_1156 = vector.load %arg6[%swap3A_1153, %swap3A_1154, %swap3A_1155] : memref<79x128x1xf32, #tpu.memory_space<vmem>>, vector<1x128x1xf32>
    %swap3A_1157 = vector.shape_cast %swap3A_1156 : vector<1x128x1xf32> to vector<128x1xf32>
    %swap3A_1158 = vector.shape_cast %slice3A_1152 : vector<128x1xf32> to vector<1x128x1xf32>
    tpu.vector_store %arg6[%swap3A_1153, %swap3A_1154, %swap3A_1155], %swap3A_1158 {strides = array<i32>} : memref<79x128x1xf32, #tpu.memory_space<vmem>>, vector<1x128x1xf32>,
    %slice3A_1159 = vector.extract_strided_slice %get3A_28 {offsets = [63, 0, 0], sizes = [1, 128, 128], strides = [1, 1, 1]} : vector<79x128x128xf32> to vector<1x128x128xf32>
    %squeeze3A_1160 = vector.shape_cast %slice3A_1159 : vector<1x128x128xf32> to vector<128x128xf32>
    %slice3A_1161 = vector.extract_strided_slice %dot_general3A_19 {offsets = [0, 63], sizes = [128, 1], strides = [1, 1]} : vector<128x79xf32> to vector<128x1xf32>
    %mul3A_1162 = vector.broadcast %slice3A_1161 : vector<128x1xf32> to vector<128x128xf32>
    %mul3A_1163 = arith.mulf %squeeze3A_1160, %mul3A_1162 : vector<128x128xf32>
    %swap3A_1164 = arith.constant 63 : index
    %swap3A_1165 = arith.constant 0 : index
    %swap3A_1166 = arith.constant 0 : index
    %swap3A_1167 = vector.load %arg4[%swap3A_1164, %swap3A_1165, %swap3A_1166] : memref<79x128x128xf32, #tpu.memory_space<vmem>>, vector<1x128x128xf32>
    %swap3A_1168 = vector.shape_cast %swap3A_1167 : vector<1x128x128xf32> to vector<128x128xf32>
    %swap3A_1169 = vector.shape_cast %mul3A_1163 : vector<128x128xf32> to vector<1x128x128xf32>
    tpu.vector_store %arg4[%swap3A_1164, %swap3A_1165, %swap3A_1166], %swap3A_1169 {strides = array<i32>} : memref<79x128x128xf32, #tpu.memory_space<vmem>>, vector<1x128x128xf32>,
    %slice3A_1170 = vector.extract_strided_slice %dot_general3A_24 {offsets = [0, 63], sizes = [128, 1], strides = [1, 1]} : vector<128x79xf32> to vector<128x1xf32>
    %swap3A_1171 = arith.constant 63 : index
    %swap3A_1172 = arith.constant 0 : index
    %swap3A_1173 = arith.constant 0 : index
    %swap3A_1174 = vector.load %arg6[%swap3A_1171, %swap3A_1172, %swap3A_1173] : memref<79x128x1xf32, #tpu.memory_space<vmem>>, vector<1x128x1xf32>
    %swap3A_1175 = vector.shape_cast %swap3A_1174 : vector<1x128x1xf32> to vector<128x1xf32>
    %swap3A_1176 = vector.shape_cast %slice3A_1170 : vector<128x1xf32> to vector<1x128x1xf32>
    tpu.vector_store %arg6[%swap3A_1171, %swap3A_1172, %swap3A_1173], %swap3A_1176 {strides = array<i32>} : memref<79x128x1xf32, #tpu.memory_space<vmem>>, vector<1x128x1xf32>,
    %slice3A_1177 = vector.extract_strided_slice %get3A_28 {offsets = [64, 0, 0], sizes = [1, 128, 128], strides = [1, 1, 1]} : vector<79x128x128xf32> to vector<1x128x128xf32>
    %squeeze3A_1178 = vector.shape_cast %slice3A_1177 : vector<1x128x128xf32> to vector<128x128xf32>
    %slice3A_1179 = vector.extract_strided_slice %dot_general3A_19 {offsets = [0, 64], sizes = [128, 1], strides = [1, 1]} : vector<128x79xf32> to vector<128x1xf32>
    %mul3A_1180 = vector.broadcast %slice3A_1179 : vector<128x1xf32> to vector<128x128xf32>
    %mul3A_1181 = arith.mulf %squeeze3A_1178, %mul3A_1180 : vector<128x128xf32>
    %swap3A_1182 = arith.constant 64 : index
    %swap3A_1183 = arith.constant 0 : index
    %swap3A_1184 = arith.constant 0 : index
    %swap3A_1185 = vector.load %arg4[%swap3A_1182, %swap3A_1183, %swap3A_1184] : memref<79x128x128xf32, #tpu.memory_space<vmem>>, vector<1x128x128xf32>
    %swap3A_1186 = vector.shape_cast %swap3A_1185 : vector<1x128x128xf32> to vector<128x128xf32>
    %swap3A_1187 = vector.shape_cast %mul3A_1181 : vector<128x128xf32> to vector<1x128x128xf32>
    tpu.vector_store %arg4[%swap3A_1182, %swap3A_1183, %swap3A_1184], %swap3A_1187 {strides = array<i32>} : memref<79x128x128xf32, #tpu.memory_space<vmem>>, vector<1x128x128xf32>,
    %slice3A_1188 = vector.extract_strided_slice %dot_general3A_24 {offsets = [0, 64], sizes = [128, 1], strides = [1, 1]} : vector<128x79xf32> to vector<128x1xf32>
    %swap3A_1189 = arith.constant 64 : index
    %swap3A_1190 = arith.constant 0 : index
    %swap3A_1191 = arith.constant 0 : index
    %swap3A_1192 = vector.load %arg6[%swap3A_1189, %swap3A_1190, %swap3A_1191] : memref<79x128x1xf32, #tpu.memory_space<vmem>>, vector<1x128x1xf32>
    %swap3A_1193 = vector.shape_cast %swap3A_1192 : vector<1x128x1xf32> to vector<128x1xf32>
    %swap3A_1194 = vector.shape_cast %slice3A_1188 : vector<128x1xf32> to vector<1x128x1xf32>
    tpu.vector_store %arg6[%swap3A_1189, %swap3A_1190, %swap3A_1191], %swap3A_1194 {strides = array<i32>} : memref<79x128x1xf32, #tpu.memory_space<vmem>>, vector<1x128x1xf32>,
    %slice3A_1195 = vector.extract_strided_slice %get3A_28 {offsets = [65, 0, 0], sizes = [1, 128, 128], strides = [1, 1, 1]} : vector<79x128x128xf32> to vector<1x128x128xf32>
    %squeeze3A_1196 = vector.shape_cast %slice3A_1195 : vector<1x128x128xf32> to vector<128x128xf32>
    %slice3A_1197 = vector.extract_strided_slice %dot_general3A_19 {offsets = [0, 65], sizes = [128, 1], strides = [1, 1]} : vector<128x79xf32> to vector<128x1xf32>
    %mul3A_1198 = vector.broadcast %slice3A_1197 : vector<128x1xf32> to vector<128x128xf32>
    %mul3A_1199 = arith.mulf %squeeze3A_1196, %mul3A_1198 : vector<128x128xf32>
    %swap3A_1200 = arith.constant 65 : index
    %swap3A_1201 = arith.constant 0 : index
    %swap3A_1202 = arith.constant 0 : index
    %swap3A_1203 = vector.load %arg4[%swap3A_1200, %swap3A_1201, %swap3A_1202] : memref<79x128x128xf32, #tpu.memory_space<vmem>>, vector<1x128x128xf32>
    %swap3A_1204 = vector.shape_cast %swap3A_1203 : vector<1x128x128xf32> to vector<128x128xf32>
    %swap3A_1205 = vector.shape_cast %mul3A_1199 : vector<128x128xf32> to vector<1x128x128xf32>
    tpu.vector_store %arg4[%swap3A_1200, %swap3A_1201, %swap3A_1202], %swap3A_1205 {strides = array<i32>} : memref<79x128x128xf32, #tpu.memory_space<vmem>>, vector<1x128x128xf32>,
    %slice3A_1206 = vector.extract_strided_slice %dot_general3A_24 {offsets = [0, 65], sizes = [128, 1], strides = [1, 1]} : vector<128x79xf32> to vector<128x1xf32>
    %swap3A_1207 = arith.constant 65 : index
    %swap3A_1208 = arith.constant 0 : index
    %swap3A_1209 = arith.constant 0 : index
    %swap3A_1210 = vector.load %arg6[%swap3A_1207, %swap3A_1208, %swap3A_1209] : memref<79x128x1xf32, #tpu.memory_space<vmem>>, vector<1x128x1xf32>
    %swap3A_1211 = vector.shape_cast %swap3A_1210 : vector<1x128x1xf32> to vector<128x1xf32>
    %swap3A_1212 = vector.shape_cast %slice3A_1206 : vector<128x1xf32> to vector<1x128x1xf32>
    tpu.vector_store %arg6[%swap3A_1207, %swap3A_1208, %swap3A_1209], %swap3A_1212 {strides = array<i32>} : memref<79x128x1xf32, #tpu.memory_space<vmem>>, vector<1x128x1xf32>,
    %slice3A_1213 = vector.extract_strided_slice %get3A_28 {offsets = [66, 0, 0], sizes = [1, 128, 128], strides = [1, 1, 1]} : vector<79x128x128xf32> to vector<1x128x128xf32>
    %squeeze3A_1214 = vector.shape_cast %slice3A_1213 : vector<1x128x128xf32> to vector<128x128xf32>
    %slice3A_1215 = vector.extract_strided_slice %dot_general3A_19 {offsets = [0, 66], sizes = [128, 1], strides = [1, 1]} : vector<128x79xf32> to vector<128x1xf32>
    %mul3A_1216 = vector.broadcast %slice3A_1215 : vector<128x1xf32> to vector<128x128xf32>
    %mul3A_1217 = arith.mulf %squeeze3A_1214, %mul3A_1216 : vector<128x128xf32>
    %swap3A_1218 = arith.constant 66 : index
    %swap3A_1219 = arith.constant 0 : index
    %swap3A_1220 = arith.constant 0 : index
    %swap3A_1221 = vector.load %arg4[%swap3A_1218, %swap3A_1219, %swap3A_1220] : memref<79x128x128xf32, #tpu.memory_space<vmem>>, vector<1x128x128xf32>
    %swap3A_1222 = vector.shape_cast %swap3A_1221 : vector<1x128x128xf32> to vector<128x128xf32>
    %swap3A_1223 = vector.shape_cast %mul3A_1217 : vector<128x128xf32> to vector<1x128x128xf32>
    tpu.vector_store %arg4[%swap3A_1218, %swap3A_1219, %swap3A_1220], %swap3A_1223 {strides = array<i32>} : memref<79x128x128xf32, #tpu.memory_space<vmem>>, vector<1x128x128xf32>,
    %slice3A_1224 = vector.extract_strided_slice %dot_general3A_24 {offsets = [0, 66], sizes = [128, 1], strides = [1, 1]} : vector<128x79xf32> to vector<128x1xf32>
    %swap3A_1225 = arith.constant 66 : index
    %swap3A_1226 = arith.constant 0 : index
    %swap3A_1227 = arith.constant 0 : index
    %swap3A_1228 = vector.load %arg6[%swap3A_1225, %swap3A_1226, %swap3A_1227] : memref<79x128x1xf32, #tpu.memory_space<vmem>>, vector<1x128x1xf32>
    %swap3A_1229 = vector.shape_cast %swap3A_1228 : vector<1x128x1xf32> to vector<128x1xf32>
    %swap3A_1230 = vector.shape_cast %slice3A_1224 : vector<128x1xf32> to vector<1x128x1xf32>
    tpu.vector_store %arg6[%swap3A_1225, %swap3A_1226, %swap3A_1227], %swap3A_1230 {strides = array<i32>} : memref<79x128x1xf32, #tpu.memory_space<vmem>>, vector<1x128x1xf32>,
    %slice3A_1231 = vector.extract_strided_slice %get3A_28 {offsets = [67, 0, 0], sizes = [1, 128, 128], strides = [1, 1, 1]} : vector<79x128x128xf32> to vector<1x128x128xf32>
    %squeeze3A_1232 = vector.shape_cast %slice3A_1231 : vector<1x128x128xf32> to vector<128x128xf32>
    %slice3A_1233 = vector.extract_strided_slice %dot_general3A_19 {offsets = [0, 67], sizes = [128, 1], strides = [1, 1]} : vector<128x79xf32> to vector<128x1xf32>
    %mul3A_1234 = vector.broadcast %slice3A_1233 : vector<128x1xf32> to vector<128x128xf32>
    %mul3A_1235 = arith.mulf %squeeze3A_1232, %mul3A_1234 : vector<128x128xf32>
    %swap3A_1236 = arith.constant 67 : index
    %swap3A_1237 = arith.constant 0 : index
    %swap3A_1238 = arith.constant 0 : index
    %swap3A_1239 = vector.load %arg4[%swap3A_1236, %swap3A_1237, %swap3A_1238] : memref<79x128x128xf32, #tpu.memory_space<vmem>>, vector<1x128x128xf32>
    %swap3A_1240 = vector.shape_cast %swap3A_1239 : vector<1x128x128xf32> to vector<128x128xf32>
    %swap3A_1241 = vector.shape_cast %mul3A_1235 : vector<128x128xf32> to vector<1x128x128xf32>
    tpu.vector_store %arg4[%swap3A_1236, %swap3A_1237, %swap3A_1238], %swap3A_1241 {strides = array<i32>} : memref<79x128x128xf32, #tpu.memory_space<vmem>>, vector<1x128x128xf32>,
    %slice3A_1242 = vector.extract_strided_slice %dot_general3A_24 {offsets = [0, 67], sizes = [128, 1], strides = [1, 1]} : vector<128x79xf32> to vector<128x1xf32>
    %swap3A_1243 = arith.constant 67 : index
    %swap3A_1244 = arith.constant 0 : index
    %swap3A_1245 = arith.constant 0 : index
    %swap3A_1246 = vector.load %arg6[%swap3A_1243, %swap3A_1244, %swap3A_1245] : memref<79x128x1xf32, #tpu.memory_space<vmem>>, vector<1x128x1xf32>
    %swap3A_1247 = vector.shape_cast %swap3A_1246 : vector<1x128x1xf32> to vector<128x1xf32>
    %swap3A_1248 = vector.shape_cast %slice3A_1242 : vector<128x1xf32> to vector<1x128x1xf32>
    tpu.vector_store %arg6[%swap3A_1243, %swap3A_1244, %swap3A_1245], %swap3A_1248 {strides = array<i32>} : memref<79x128x1xf32, #tpu.memory_space<vmem>>, vector<1x128x1xf32>,
    %slice3A_1249 = vector.extract_strided_slice %get3A_28 {offsets = [68, 0, 0], sizes = [1, 128, 128], strides = [1, 1, 1]} : vector<79x128x128xf32> to vector<1x128x128xf32>
    %squeeze3A_1250 = vector.shape_cast %slice3A_1249 : vector<1x128x128xf32> to vector<128x128xf32>
    %slice3A_1251 = vector.extract_strided_slice %dot_general3A_19 {offsets = [0, 68], sizes = [128, 1], strides = [1, 1]} : vector<128x79xf32> to vector<128x1xf32>
    %mul3A_1252 = vector.broadcast %slice3A_1251 : vector<128x1xf32> to vector<128x128xf32>
    %mul3A_1253 = arith.mulf %squeeze3A_1250, %mul3A_1252 : vector<128x128xf32>
    %swap3A_1254 = arith.constant 68 : index
    %swap3A_1255 = arith.constant 0 : index
    %swap3A_1256 = arith.constant 0 : index
    %swap3A_1257 = vector.load %arg4[%swap3A_1254, %swap3A_1255, %swap3A_1256] : memref<79x128x128xf32, #tpu.memory_space<vmem>>, vector<1x128x128xf32>
    %swap3A_1258 = vector.shape_cast %swap3A_1257 : vector<1x128x128xf32> to vector<128x128xf32>
    %swap3A_1259 = vector.shape_cast %mul3A_1253 : vector<128x128xf32> to vector<1x128x128xf32>
    tpu.vector_store %arg4[%swap3A_1254, %swap3A_1255, %swap3A_1256], %swap3A_1259 {strides = array<i32>} : memref<79x128x128xf32, #tpu.memory_space<vmem>>, vector<1x128x128xf32>,
    %slice3A_1260 = vector.extract_strided_slice %dot_general3A_24 {offsets = [0, 68], sizes = [128, 1], strides = [1, 1]} : vector<128x79xf32> to vector<128x1xf32>
    %swap3A_1261 = arith.constant 68 : index
    %swap3A_1262 = arith.constant 0 : index
    %swap3A_1263 = arith.constant 0 : index
    %swap3A_1264 = vector.load %arg6[%swap3A_1261, %swap3A_1262, %swap3A_1263] : memref<79x128x1xf32, #tpu.memory_space<vmem>>, vector<1x128x1xf32>
    %swap3A_1265 = vector.shape_cast %swap3A_1264 : vector<1x128x1xf32> to vector<128x1xf32>
    %swap3A_1266 = vector.shape_cast %slice3A_1260 : vector<128x1xf32> to vector<1x128x1xf32>
    tpu.vector_store %arg6[%swap3A_1261, %swap3A_1262, %swap3A_1263], %swap3A_1266 {strides = array<i32>} : memref<79x128x1xf32, #tpu.memory_space<vmem>>, vector<1x128x1xf32>,
    %slice3A_1267 = vector.extract_strided_slice %get3A_28 {offsets = [69, 0, 0], sizes = [1, 128, 128], strides = [1, 1, 1]} : vector<79x128x128xf32> to vector<1x128x128xf32>
    %squeeze3A_1268 = vector.shape_cast %slice3A_1267 : vector<1x128x128xf32> to vector<128x128xf32>
    %slice3A_1269 = vector.extract_strided_slice %dot_general3A_19 {offsets = [0, 69], sizes = [128, 1], strides = [1, 1]} : vector<128x79xf32> to vector<128x1xf32>
    %mul3A_1270 = vector.broadcast %slice3A_1269 : vector<128x1xf32> to vector<128x128xf32>
    %mul3A_1271 = arith.mulf %squeeze3A_1268, %mul3A_1270 : vector<128x128xf32>
    %swap3A_1272 = arith.constant 69 : index
    %swap3A_1273 = arith.constant 0 : index
    %swap3A_1274 = arith.constant 0 : index
    %swap3A_1275 = vector.load %arg4[%swap3A_1272, %swap3A_1273, %swap3A_1274] : memref<79x128x128xf32, #tpu.memory_space<vmem>>, vector<1x128x128xf32>
    %swap3A_1276 = vector.shape_cast %swap3A_1275 : vector<1x128x128xf32> to vector<128x128xf32>
    %swap3A_1277 = vector.shape_cast %mul3A_1271 : vector<128x128xf32> to vector<1x128x128xf32>
    tpu.vector_store %arg4[%swap3A_1272, %swap3A_1273, %swap3A_1274], %swap3A_1277 {strides = array<i32>} : memref<79x128x128xf32, #tpu.memory_space<vmem>>, vector<1x128x128xf32>,
    %slice3A_1278 = vector.extract_strided_slice %dot_general3A_24 {offsets = [0, 69], sizes = [128, 1], strides = [1, 1]} : vector<128x79xf32> to vector<128x1xf32>
    %swap3A_1279 = arith.constant 69 : index
    %swap3A_1280 = arith.constant 0 : index
    %swap3A_1281 = arith.constant 0 : index
    %swap3A_1282 = vector.load %arg6[%swap3A_1279, %swap3A_1280, %swap3A_1281] : memref<79x128x1xf32, #tpu.memory_space<vmem>>, vector<1x128x1xf32>
    %swap3A_1283 = vector.shape_cast %swap3A_1282 : vector<1x128x1xf32> to vector<128x1xf32>
    %swap3A_1284 = vector.shape_cast %slice3A_1278 : vector<128x1xf32> to vector<1x128x1xf32>
    tpu.vector_store %arg6[%swap3A_1279, %swap3A_1280, %swap3A_1281], %swap3A_1284 {strides = array<i32>} : memref<79x128x1xf32, #tpu.memory_space<vmem>>, vector<1x128x1xf32>,
    %slice3A_1285 = vector.extract_strided_slice %get3A_28 {offsets = [70, 0, 0], sizes = [1, 128, 128], strides = [1, 1, 1]} : vector<79x128x128xf32> to vector<1x128x128xf32>
    %squeeze3A_1286 = vector.shape_cast %slice3A_1285 : vector<1x128x128xf32> to vector<128x128xf32>
    %slice3A_1287 = vector.extract_strided_slice %dot_general3A_19 {offsets = [0, 70], sizes = [128, 1], strides = [1, 1]} : vector<128x79xf32> to vector<128x1xf32>
    %mul3A_1288 = vector.broadcast %slice3A_1287 : vector<128x1xf32> to vector<128x128xf32>
    %mul3A_1289 = arith.mulf %squeeze3A_1286, %mul3A_1288 : vector<128x128xf32>
    %swap3A_1290 = arith.constant 70 : index
    %swap3A_1291 = arith.constant 0 : index
    %swap3A_1292 = arith.constant 0 : index
    %swap3A_1293 = vector.load %arg4[%swap3A_1290, %swap3A_1291, %swap3A_1292] : memref<79x128x128xf32, #tpu.memory_space<vmem>>, vector<1x128x128xf32>
    %swap3A_1294 = vector.shape_cast %swap3A_1293 : vector<1x128x128xf32> to vector<128x128xf32>
    %swap3A_1295 = vector.shape_cast %mul3A_1289 : vector<128x128xf32> to vector<1x128x128xf32>
    tpu.vector_store %arg4[%swap3A_1290, %swap3A_1291, %swap3A_1292], %swap3A_1295 {strides = array<i32>} : memref<79x128x128xf32, #tpu.memory_space<vmem>>, vector<1x128x128xf32>,
    %slice3A_1296 = vector.extract_strided_slice %dot_general3A_24 {offsets = [0, 70], sizes = [128, 1], strides = [1, 1]} : vector<128x79xf32> to vector<128x1xf32>
    %swap3A_1297 = arith.constant 70 : index
    %swap3A_1298 = arith.constant 0 : index
    %swap3A_1299 = arith.constant 0 : index
    %swap3A_1300 = vector.load %arg6[%swap3A_1297, %swap3A_1298, %swap3A_1299] : memref<79x128x1xf32, #tpu.memory_space<vmem>>, vector<1x128x1xf32>
    %swap3A_1301 = vector.shape_cast %swap3A_1300 : vector<1x128x1xf32> to vector<128x1xf32>
    %swap3A_1302 = vector.shape_cast %slice3A_1296 : vector<128x1xf32> to vector<1x128x1xf32>
    tpu.vector_store %arg6[%swap3A_1297, %swap3A_1298, %swap3A_1299], %swap3A_1302 {strides = array<i32>} : memref<79x128x1xf32, #tpu.memory_space<vmem>>, vector<1x128x1xf32>,
    %slice3A_1303 = vector.extract_strided_slice %get3A_28 {offsets = [71, 0, 0], sizes = [1, 128, 128], strides = [1, 1, 1]} : vector<79x128x128xf32> to vector<1x128x128xf32>
    %squeeze3A_1304 = vector.shape_cast %slice3A_1303 : vector<1x128x128xf32> to vector<128x128xf32>
    %slice3A_1305 = vector.extract_strided_slice %dot_general3A_19 {offsets = [0, 71], sizes = [128, 1], strides = [1, 1]} : vector<128x79xf32> to vector<128x1xf32>
    %mul3A_1306 = vector.broadcast %slice3A_1305 : vector<128x1xf32> to vector<128x128xf32>
    %mul3A_1307 = arith.mulf %squeeze3A_1304, %mul3A_1306 : vector<128x128xf32>
    %swap3A_1308 = arith.constant 71 : index
    %swap3A_1309 = arith.constant 0 : index
    %swap3A_1310 = arith.constant 0 : index
    %swap3A_1311 = vector.load %arg4[%swap3A_1308, %swap3A_1309, %swap3A_1310] : memref<79x128x128xf32, #tpu.memory_space<vmem>>, vector<1x128x128xf32>
    %swap3A_1312 = vector.shape_cast %swap3A_1311 : vector<1x128x128xf32> to vector<128x128xf32>
    %swap3A_1313 = vector.shape_cast %mul3A_1307 : vector<128x128xf32> to vector<1x128x128xf32>
    tpu.vector_store %arg4[%swap3A_1308, %swap3A_1309, %swap3A_1310], %swap3A_1313 {strides = array<i32>} : memref<79x128x128xf32, #tpu.memory_space<vmem>>, vector<1x128x128xf32>,
    %slice3A_1314 = vector.extract_strided_slice %dot_general3A_24 {offsets = [0, 71], sizes = [128, 1], strides = [1, 1]} : vector<128x79xf32> to vector<128x1xf32>
    %swap3A_1315 = arith.constant 71 : index
    %swap3A_1316 = arith.constant 0 : index
    %swap3A_1317 = arith.constant 0 : index
    %swap3A_1318 = vector.load %arg6[%swap3A_1315, %swap3A_1316, %swap3A_1317] : memref<79x128x1xf32, #tpu.memory_space<vmem>>, vector<1x128x1xf32>
    %swap3A_1319 = vector.shape_cast %swap3A_1318 : vector<1x128x1xf32> to vector<128x1xf32>
    %swap3A_1320 = vector.shape_cast %slice3A_1314 : vector<128x1xf32> to vector<1x128x1xf32>
    tpu.vector_store %arg6[%swap3A_1315, %swap3A_1316, %swap3A_1317], %swap3A_1320 {strides = array<i32>} : memref<79x128x1xf32, #tpu.memory_space<vmem>>, vector<1x128x1xf32>,
    %slice3A_1321 = vector.extract_strided_slice %get3A_28 {offsets = [72, 0, 0], sizes = [1, 128, 128], strides = [1, 1, 1]} : vector<79x128x128xf32> to vector<1x128x128xf32>
    %squeeze3A_1322 = vector.shape_cast %slice3A_1321 : vector<1x128x128xf32> to vector<128x128xf32>
    %slice3A_1323 = vector.extract_strided_slice %dot_general3A_19 {offsets = [0, 72], sizes = [128, 1], strides = [1, 1]} : vector<128x79xf32> to vector<128x1xf32>
    %mul3A_1324 = vector.broadcast %slice3A_1323 : vector<128x1xf32> to vector<128x128xf32>
    %mul3A_1325 = arith.mulf %squeeze3A_1322, %mul3A_1324 : vector<128x128xf32>
    %swap3A_1326 = arith.constant 72 : index
    %swap3A_1327 = arith.constant 0 : index
    %swap3A_1328 = arith.constant 0 : index
    %swap3A_1329 = vector.load %arg4[%swap3A_1326, %swap3A_1327, %swap3A_1328] : memref<79x128x128xf32, #tpu.memory_space<vmem>>, vector<1x128x128xf32>
    %swap3A_1330 = vector.shape_cast %swap3A_1329 : vector<1x128x128xf32> to vector<128x128xf32>
    %swap3A_1331 = vector.shape_cast %mul3A_1325 : vector<128x128xf32> to vector<1x128x128xf32>
    tpu.vector_store %arg4[%swap3A_1326, %swap3A_1327, %swap3A_1328], %swap3A_1331 {strides = array<i32>} : memref<79x128x128xf32, #tpu.memory_space<vmem>>, vector<1x128x128xf32>,
    %slice3A_1332 = vector.extract_strided_slice %dot_general3A_24 {offsets = [0, 72], sizes = [128, 1], strides = [1, 1]} : vector<128x79xf32> to vector<128x1xf32>
    %swap3A_1333 = arith.constant 72 : index
    %swap3A_1334 = arith.constant 0 : index
    %swap3A_1335 = arith.constant 0 : index
    %swap3A_1336 = vector.load %arg6[%swap3A_1333, %swap3A_1334, %swap3A_1335] : memref<79x128x1xf32, #tpu.memory_space<vmem>>, vector<1x128x1xf32>
    %swap3A_1337 = vector.shape_cast %swap3A_1336 : vector<1x128x1xf32> to vector<128x1xf32>
    %swap3A_1338 = vector.shape_cast %slice3A_1332 : vector<128x1xf32> to vector<1x128x1xf32>
    tpu.vector_store %arg6[%swap3A_1333, %swap3A_1334, %swap3A_1335], %swap3A_1338 {strides = array<i32>} : memref<79x128x1xf32, #tpu.memory_space<vmem>>, vector<1x128x1xf32>,
    %slice3A_1339 = vector.extract_strided_slice %get3A_28 {offsets = [73, 0, 0], sizes = [1, 128, 128], strides = [1, 1, 1]} : vector<79x128x128xf32> to vector<1x128x128xf32>
    %squeeze3A_1340 = vector.shape_cast %slice3A_1339 : vector<1x128x128xf32> to vector<128x128xf32>
    %slice3A_1341 = vector.extract_strided_slice %dot_general3A_19 {offsets = [0, 73], sizes = [128, 1], strides = [1, 1]} : vector<128x79xf32> to vector<128x1xf32>
    %mul3A_1342 = vector.broadcast %slice3A_1341 : vector<128x1xf32> to vector<128x128xf32>
    %mul3A_1343 = arith.mulf %squeeze3A_1340, %mul3A_1342 : vector<128x128xf32>
    %swap3A_1344 = arith.constant 73 : index
    %swap3A_1345 = arith.constant 0 : index
    %swap3A_1346 = arith.constant 0 : index
    %swap3A_1347 = vector.load %arg4[%swap3A_1344, %swap3A_1345, %swap3A_1346] : memref<79x128x128xf32, #tpu.memory_space<vmem>>, vector<1x128x128xf32>
    %swap3A_1348 = vector.shape_cast %swap3A_1347 : vector<1x128x128xf32> to vector<128x128xf32>
    %swap3A_1349 = vector.shape_cast %mul3A_1343 : vector<128x128xf32> to vector<1x128x128xf32>
    tpu.vector_store %arg4[%swap3A_1344, %swap3A_1345, %swap3A_1346], %swap3A_1349 {strides = array<i32>} : memref<79x128x128xf32, #tpu.memory_space<vmem>>, vector<1x128x128xf32>,
    %slice3A_1350 = vector.extract_strided_slice %dot_general3A_24 {offsets = [0, 73], sizes = [128, 1], strides = [1, 1]} : vector<128x79xf32> to vector<128x1xf32>
    %swap3A_1351 = arith.constant 73 : index
    %swap3A_1352 = arith.constant 0 : index
    %swap3A_1353 = arith.constant 0 : index
    %swap3A_1354 = vector.load %arg6[%swap3A_1351, %swap3A_1352, %swap3A_1353] : memref<79x128x1xf32, #tpu.memory_space<vmem>>, vector<1x128x1xf32>
    %swap3A_1355 = vector.shape_cast %swap3A_1354 : vector<1x128x1xf32> to vector<128x1xf32>
    %swap3A_1356 = vector.shape_cast %slice3A_1350 : vector<128x1xf32> to vector<1x128x1xf32>
    tpu.vector_store %arg6[%swap3A_1351, %swap3A_1352, %swap3A_1353], %swap3A_1356 {strides = array<i32>} : memref<79x128x1xf32, #tpu.memory_space<vmem>>, vector<1x128x1xf32>,
    %slice3A_1357 = vector.extract_strided_slice %get3A_28 {offsets = [74, 0, 0], sizes = [1, 128, 128], strides = [1, 1, 1]} : vector<79x128x128xf32> to vector<1x128x128xf32>
    %squeeze3A_1358 = vector.shape_cast %slice3A_1357 : vector<1x128x128xf32> to vector<128x128xf32>
    %slice3A_1359 = vector.extract_strided_slice %dot_general3A_19 {offsets = [0, 74], sizes = [128, 1], strides = [1, 1]} : vector<128x79xf32> to vector<128x1xf32>
    %mul3A_1360 = vector.broadcast %slice3A_1359 : vector<128x1xf32> to vector<128x128xf32>
    %mul3A_1361 = arith.mulf %squeeze3A_1358, %mul3A_1360 : vector<128x128xf32>
    %swap3A_1362 = arith.constant 74 : index
    %swap3A_1363 = arith.constant 0 : index
    %swap3A_1364 = arith.constant 0 : index
    %swap3A_1365 = vector.load %arg4[%swap3A_1362, %swap3A_1363, %swap3A_1364] : memref<79x128x128xf32, #tpu.memory_space<vmem>>, vector<1x128x128xf32>
    %swap3A_1366 = vector.shape_cast %swap3A_1365 : vector<1x128x128xf32> to vector<128x128xf32>
    %swap3A_1367 = vector.shape_cast %mul3A_1361 : vector<128x128xf32> to vector<1x128x128xf32>
    tpu.vector_store %arg4[%swap3A_1362, %swap3A_1363, %swap3A_1364], %swap3A_1367 {strides = array<i32>} : memref<79x128x128xf32, #tpu.memory_space<vmem>>, vector<1x128x128xf32>,
    %slice3A_1368 = vector.extract_strided_slice %dot_general3A_24 {offsets = [0, 74], sizes = [128, 1], strides = [1, 1]} : vector<128x79xf32> to vector<128x1xf32>
    %swap3A_1369 = arith.constant 74 : index
    %swap3A_1370 = arith.constant 0 : index
    %swap3A_1371 = arith.constant 0 : index
    %swap3A_1372 = vector.load %arg6[%swap3A_1369, %swap3A_1370, %swap3A_1371] : memref<79x128x1xf32, #tpu.memory_space<vmem>>, vector<1x128x1xf32>
    %swap3A_1373 = vector.shape_cast %swap3A_1372 : vector<1x128x1xf32> to vector<128x1xf32>
    %swap3A_1374 = vector.shape_cast %slice3A_1368 : vector<128x1xf32> to vector<1x128x1xf32>
    tpu.vector_store %arg6[%swap3A_1369, %swap3A_1370, %swap3A_1371], %swap3A_1374 {strides = array<i32>} : memref<79x128x1xf32, #tpu.memory_space<vmem>>, vector<1x128x1xf32>,
    %slice3A_1375 = vector.extract_strided_slice %get3A_28 {offsets = [75, 0, 0], sizes = [1, 128, 128], strides = [1, 1, 1]} : vector<79x128x128xf32> to vector<1x128x128xf32>
    %squeeze3A_1376 = vector.shape_cast %slice3A_1375 : vector<1x128x128xf32> to vector<128x128xf32>
    %slice3A_1377 = vector.extract_strided_slice %dot_general3A_19 {offsets = [0, 75], sizes = [128, 1], strides = [1, 1]} : vector<128x79xf32> to vector<128x1xf32>
    %mul3A_1378 = vector.broadcast %slice3A_1377 : vector<128x1xf32> to vector<128x128xf32>
    %mul3A_1379 = arith.mulf %squeeze3A_1376, %mul3A_1378 : vector<128x128xf32>
    %swap3A_1380 = arith.constant 75 : index
    %swap3A_1381 = arith.constant 0 : index
    %swap3A_1382 = arith.constant 0 : index
    %swap3A_1383 = vector.load %arg4[%swap3A_1380, %swap3A_1381, %swap3A_1382] : memref<79x128x128xf32, #tpu.memory_space<vmem>>, vector<1x128x128xf32>
    %swap3A_1384 = vector.shape_cast %swap3A_1383 : vector<1x128x128xf32> to vector<128x128xf32>
    %swap3A_1385 = vector.shape_cast %mul3A_1379 : vector<128x128xf32> to vector<1x128x128xf32>
    tpu.vector_store %arg4[%swap3A_1380, %swap3A_1381, %swap3A_1382], %swap3A_1385 {strides = array<i32>} : memref<79x128x128xf32, #tpu.memory_space<vmem>>, vector<1x128x128xf32>,
    %slice3A_1386 = vector.extract_strided_slice %dot_general3A_24 {offsets = [0, 75], sizes = [128, 1], strides = [1, 1]} : vector<128x79xf32> to vector<128x1xf32>
    %swap3A_1387 = arith.constant 75 : index
    %swap3A_1388 = arith.constant 0 : index
    %swap3A_1389 = arith.constant 0 : index
    %swap3A_1390 = vector.load %arg6[%swap3A_1387, %swap3A_1388, %swap3A_1389] : memref<79x128x1xf32, #tpu.memory_space<vmem>>, vector<1x128x1xf32>
    %swap3A_1391 = vector.shape_cast %swap3A_1390 : vector<1x128x1xf32> to vector<128x1xf32>
    %swap3A_1392 = vector.shape_cast %slice3A_1386 : vector<128x1xf32> to vector<1x128x1xf32>
    tpu.vector_store %arg6[%swap3A_1387, %swap3A_1388, %swap3A_1389], %swap3A_1392 {strides = array<i32>} : memref<79x128x1xf32, #tpu.memory_space<vmem>>, vector<1x128x1xf32>,
    %slice3A_1393 = vector.extract_strided_slice %get3A_28 {offsets = [76, 0, 0], sizes = [1, 128, 128], strides = [1, 1, 1]} : vector<79x128x128xf32> to vector<1x128x128xf32>
    %squeeze3A_1394 = vector.shape_cast %slice3A_1393 : vector<1x128x128xf32> to vector<128x128xf32>
    %slice3A_1395 = vector.extract_strided_slice %dot_general3A_19 {offsets = [0, 76], sizes = [128, 1], strides = [1, 1]} : vector<128x79xf32> to vector<128x1xf32>
    %mul3A_1396 = vector.broadcast %slice3A_1395 : vector<128x1xf32> to vector<128x128xf32>
    %mul3A_1397 = arith.mulf %squeeze3A_1394, %mul3A_1396 : vector<128x128xf32>
    %swap3A_1398 = arith.constant 76 : index
    %swap3A_1399 = arith.constant 0 : index
    %swap3A_1400 = arith.constant 0 : index
    %swap3A_1401 = vector.load %arg4[%swap3A_1398, %swap3A_1399, %swap3A_1400] : memref<79x128x128xf32, #tpu.memory_space<vmem>>, vector<1x128x128xf32>
    %swap3A_1402 = vector.shape_cast %swap3A_1401 : vector<1x128x128xf32> to vector<128x128xf32>
    %swap3A_1403 = vector.shape_cast %mul3A_1397 : vector<128x128xf32> to vector<1x128x128xf32>
    tpu.vector_store %arg4[%swap3A_1398, %swap3A_1399, %swap3A_1400], %swap3A_1403 {strides = array<i32>} : memref<79x128x128xf32, #tpu.memory_space<vmem>>, vector<1x128x128xf32>,
    %slice3A_1404 = vector.extract_strided_slice %dot_general3A_24 {offsets = [0, 76], sizes = [128, 1], strides = [1, 1]} : vector<128x79xf32> to vector<128x1xf32>
    %swap3A_1405 = arith.constant 76 : index
    %swap3A_1406 = arith.constant 0 : index
    %swap3A_1407 = arith.constant 0 : index
    %swap3A_1408 = vector.load %arg6[%swap3A_1405, %swap3A_1406, %swap3A_1407] : memref<79x128x1xf32, #tpu.memory_space<vmem>>, vector<1x128x1xf32>
    %swap3A_1409 = vector.shape_cast %swap3A_1408 : vector<1x128x1xf32> to vector<128x1xf32>
    %swap3A_1410 = vector.shape_cast %slice3A_1404 : vector<128x1xf32> to vector<1x128x1xf32>
    tpu.vector_store %arg6[%swap3A_1405, %swap3A_1406, %swap3A_1407], %swap3A_1410 {strides = array<i32>} : memref<79x128x1xf32, #tpu.memory_space<vmem>>, vector<1x128x1xf32>,
    %slice3A_1411 = vector.extract_strided_slice %get3A_28 {offsets = [77, 0, 0], sizes = [1, 128, 128], strides = [1, 1, 1]} : vector<79x128x128xf32> to vector<1x128x128xf32>
    %squeeze3A_1412 = vector.shape_cast %slice3A_1411 : vector<1x128x128xf32> to vector<128x128xf32>
    %slice3A_1413 = vector.extract_strided_slice %dot_general3A_19 {offsets = [0, 77], sizes = [128, 1], strides = [1, 1]} : vector<128x79xf32> to vector<128x1xf32>
    %mul3A_1414 = vector.broadcast %slice3A_1413 : vector<128x1xf32> to vector<128x128xf32>
    %mul3A_1415 = arith.mulf %squeeze3A_1412, %mul3A_1414 : vector<128x128xf32>
    %swap3A_1416 = arith.constant 77 : index
    %swap3A_1417 = arith.constant 0 : index
    %swap3A_1418 = arith.constant 0 : index
    %swap3A_1419 = vector.load %arg4[%swap3A_1416, %swap3A_1417, %swap3A_1418] : memref<79x128x128xf32, #tpu.memory_space<vmem>>, vector<1x128x128xf32>
    %swap3A_1420 = vector.shape_cast %swap3A_1419 : vector<1x128x128xf32> to vector<128x128xf32>
    %swap3A_1421 = vector.shape_cast %mul3A_1415 : vector<128x128xf32> to vector<1x128x128xf32>
    tpu.vector_store %arg4[%swap3A_1416, %swap3A_1417, %swap3A_1418], %swap3A_1421 {strides = array<i32>} : memref<79x128x128xf32, #tpu.memory_space<vmem>>, vector<1x128x128xf32>,
    %slice3A_1422 = vector.extract_strided_slice %dot_general3A_24 {offsets = [0, 77], sizes = [128, 1], strides = [1, 1]} : vector<128x79xf32> to vector<128x1xf32>
    %swap3A_1423 = arith.constant 77 : index
    %swap3A_1424 = arith.constant 0 : index
    %swap3A_1425 = arith.constant 0 : index
    %swap3A_1426 = vector.load %arg6[%swap3A_1423, %swap3A_1424, %swap3A_1425] : memref<79x128x1xf32, #tpu.memory_space<vmem>>, vector<1x128x1xf32>
    %swap3A_1427 = vector.shape_cast %swap3A_1426 : vector<1x128x1xf32> to vector<128x1xf32>
    %swap3A_1428 = vector.shape_cast %slice3A_1422 : vector<128x1xf32> to vector<1x128x1xf32>
    tpu.vector_store %arg6[%swap3A_1423, %swap3A_1424, %swap3A_1425], %swap3A_1428 {strides = array<i32>} : memref<79x128x1xf32, #tpu.memory_space<vmem>>, vector<1x128x1xf32>,
    %slice3A_1429 = vector.extract_strided_slice %get3A_28 {offsets = [78, 0, 0], sizes = [1, 128, 128], strides = [1, 1, 1]} : vector<79x128x128xf32> to vector<1x128x128xf32>
    %squeeze3A_1430 = vector.shape_cast %slice3A_1429 : vector<1x128x128xf32> to vector<128x128xf32>
    %slice3A_1431 = vector.extract_strided_slice %dot_general3A_19 {offsets = [0, 78], sizes = [128, 1], strides = [1, 1]} : vector<128x79xf32> to vector<128x1xf32>
    %mul3A_1432 = vector.broadcast %slice3A_1431 : vector<128x1xf32> to vector<128x128xf32>
    %mul3A_1433 = arith.mulf %squeeze3A_1430, %mul3A_1432 : vector<128x128xf32>
    %swap3A_1434 = arith.constant 78 : index
    %swap3A_1435 = arith.constant 0 : index
    %swap3A_1436 = arith.constant 0 : index
    %swap3A_1437 = vector.load %arg4[%swap3A_1434, %swap3A_1435, %swap3A_1436] : memref<79x128x128xf32, #tpu.memory_space<vmem>>, vector<1x128x128xf32>
    %swap3A_1438 = vector.shape_cast %swap3A_1437 : vector<1x128x128xf32> to vector<128x128xf32>
    %swap3A_1439 = vector.shape_cast %mul3A_1433 : vector<128x128xf32> to vector<1x128x128xf32>
    tpu.vector_store %arg4[%swap3A_1434, %swap3A_1435, %swap3A_1436], %swap3A_1439 {strides = array<i32>} : memref<79x128x128xf32, #tpu.memory_space<vmem>>, vector<1x128x128xf32>,
    %slice3A_1440 = vector.extract_strided_slice %dot_general3A_24 {offsets = [0, 78], sizes = [128, 1], strides = [1, 1]} : vector<128x79xf32> to vector<128x1xf32>
    %swap3A_1441 = arith.constant 78 : index
    %swap3A_1442 = arith.constant 0 : index
    %swap3A_1443 = arith.constant 0 : index
    %swap3A_1444 = vector.load %arg6[%swap3A_1441, %swap3A_1442, %swap3A_1443] : memref<79x128x1xf32, #tpu.memory_space<vmem>>, vector<1x128x1xf32>
    %swap3A_1445 = vector.shape_cast %swap3A_1444 : vector<1x128x1xf32> to vector<128x1xf32>
    %swap3A_1446 = vector.shape_cast %slice3A_1440 : vector<128x1xf32> to vector<1x128x1xf32>
    tpu.vector_store %arg6[%swap3A_1441, %swap3A_1442, %swap3A_1443], %swap3A_1446 {strides = array<i32>} : memref<79x128x1xf32, #tpu.memory_space<vmem>>, vector<1x128x1xf32>,
    %reduce_sum3A_1447 = arith.constant dense<0.000000e+00> : vector<128x128xf32>
    %reduce_sum3A_1448 = vector.multi_reduction <add>, %get3A_28, %reduce_sum3A_1447 [0] : vector<79x128x128xf32> to vector<128x128xf32>
    %reduce_sum3A_1449 = arith.constant dense<0.000000e+00> : vector<128xf32>
    %reduce_sum3A_1450 = vector.multi_reduction <add>, %reduce_sum3A_1448, %reduce_sum3A_1449 [0] : vector<128x128xf32> to vector<128xf32>
    %broadcast_in_dim3A = vector.shape_cast %reduce_sum3A_1450 : vector<128xf32> to vector<1x128xf32>
    %swap3A_1451 = arith.constant 0 : index
    %swap3A_1452 = arith.constant 0 : index
    %swap3A_1453 = vector.load %arg5[%swap3A_1451, %swap3A_1452] : memref<1x128xf32, #tpu.memory_space<vmem>>, vector<1x128xf32>
    tpu.vector_store %arg5[%swap3A_1451, %swap3A_1452], %broadcast_in_dim3A {strides = array<i32>} : memref<1x128xf32, #tpu.memory_space<vmem>>, vector<1x128xf32>,
    return
  }
}

module attributes {stable_mosaic.version = 14 : i64} {
  func.func @body(%arg0: memref<128x128xf32, #tpu.memory_space<vmem>>, %arg1: memref<128x128xf32, #tpu.memory_space<vmem>>, %arg2: memref<128x128xf32, #tpu.memory_space<vmem>>, %arg3: memref<1x128xf32, #tpu.memory_space<vmem>>, %arg4: memref<1x128xf32, #tpu.memory_space<vmem>>, %arg5: memref<1x128xf32, #tpu.memory_space<vmem>>, %arg6: memref<128x128xf32, #tpu.memory_space<vmem>>, %arg7: memref<128x128xf32, #tpu.memory_space<vmem>>, %arg8: memref<1x128xf32, #tpu.memory_space<vmem>>, %arg9: memref<1x128xf32, #tpu.memory_space<vmem>>, %arg10: memref<128x64xf32, #tpu.memory_space<vmem>>, %arg11: memref<128x64xf32, #tpu.memory_space<vmem>>, %arg12: memref<128x64xf32, #tpu.memory_space<vmem>>, %arg13: memref<1x64xf32, #tpu.memory_space<vmem>>, %arg14: memref<1x64xf32, #tpu.memory_space<vmem>>, %arg15: memref<1x64xf32, #tpu.memory_space<vmem>>, %arg16: memref<128x64xf32, #tpu.memory_space<vmem>>, %arg17: memref<128x64xf32, #tpu.memory_space<vmem>>, %arg18: memref<128x64xf32, #tpu.memory_space<vmem>>, %arg19: memref<1x64xf32, #tpu.memory_space<vmem>>, %arg20: memref<1x64xf32, #tpu.memory_space<vmem>>, %arg21: memref<1x64xf32, #tpu.memory_space<vmem>>, %arg22: memref<128x128xf32, #tpu.memory_space<vmem>>, %arg23: memref<1x128xf32, #tpu.memory_space<vmem>>, %arg24: memref<128x64xf32, #tpu.memory_space<vmem>>, %arg25: memref<1x64xf32, #tpu.memory_space<vmem>>, %arg26: memref<128x64xf32, #tpu.memory_space<vmem>>, %arg27: memref<1x64xf32, #tpu.memory_space<vmem>>, %arg28: memref<1x1xf32, #tpu.memory_space<vmem>>) attributes {dimension_semantics = [], scalar_prefetch = 0 : i64, scratch_operands = 0 : i64, tpu.core_type = #tpu.core_type<tc>} {
    %get3A = arith.constant 0 : index
    %get3A_0 = arith.constant 0 : index
    %get3A_1 = vector.load %arg1[%get3A, %get3A_0] : memref<128x128xf32, #tpu.memory_space<vmem>>, vector<128x128xf32>
    %exp3A = math.exp %get3A_1 : vector<128x128xf32>
    %log1p3A = math.log1p %exp3A : vector<128x128xf32>
    %get3A_2 = arith.constant 0 : index
    %get3A_3 = arith.constant 0 : index
    %get3A_4 = vector.load %arg4[%get3A_2, %get3A_3] : memref<1x128xf32, #tpu.memory_space<vmem>>, vector<1x128xf32>
    %exp3A_5 = math.exp %get3A_4 : vector<1x128xf32>
    %log1p3A_6 = math.log1p %exp3A_5 : vector<1x128xf32>
    %get3A_7 = arith.constant 0 : index
    %get3A_8 = arith.constant 0 : index
    %get3A_9 = vector.load %arg0[%get3A_7, %get3A_8] : memref<128x128xf32, #tpu.memory_space<vmem>>, vector<128x128xf32>
    %get3A_10 = arith.constant 0 : index
    %get3A_11 = arith.constant 0 : index
    %get3A_12 = vector.load %arg2[%get3A_10, %get3A_11] : memref<128x128xf32, #tpu.memory_space<vmem>>, vector<128x128xf32>
    %mul3A = arith.mulf %log1p3A, %get3A_12 : vector<128x128xf32>
    %add3A = arith.addf %get3A_9, %mul3A : vector<128x128xf32>
    %swap3A = arith.constant 0 : index
    %swap3A_13 = arith.constant 0 : index
    %swap3A_14 = vector.load %arg22[%swap3A, %swap3A_13] : memref<128x128xf32, #tpu.memory_space<vmem>>, vector<128x128xf32>
    tpu.vector_store %arg22[%swap3A, %swap3A_13], %add3A {strides = array<i32>} : memref<128x128xf32, #tpu.memory_space<vmem>>, vector<128x128xf32>,
    %get3A_15 = arith.constant 0 : index
    %get3A_16 = arith.constant 0 : index
    %get3A_17 = vector.load %arg3[%get3A_15, %get3A_16] : memref<1x128xf32, #tpu.memory_space<vmem>>, vector<1x128xf32>
    %get3A_18 = arith.constant 0 : index
    %get3A_19 = arith.constant 0 : index
    %get3A_20 = vector.load %arg5[%get3A_18, %get3A_19] : memref<1x128xf32, #tpu.memory_space<vmem>>, vector<1x128xf32>
    %mul3A_21 = arith.mulf %log1p3A_6, %get3A_20 : vector<1x128xf32>
    %add3A_22 = arith.addf %get3A_17, %mul3A_21 : vector<1x128xf32>
    %swap3A_23 = arith.constant 0 : index
    %swap3A_24 = arith.constant 0 : index
    %swap3A_25 = vector.load %arg23[%swap3A_23, %swap3A_24] : memref<1x128xf32, #tpu.memory_space<vmem>>, vector<1x128xf32>
    tpu.vector_store %arg23[%swap3A_23, %swap3A_24], %add3A_22 {strides = array<i32>} : memref<1x128xf32, #tpu.memory_space<vmem>>, vector<1x128xf32>,
    %get3A_26 = arith.constant 0 : index
    %get3A_27 = arith.constant 0 : index
    %get3A_28 = vector.load %arg10[%get3A_26, %get3A_27] : memref<128x64xf32, #tpu.memory_space<vmem>>, vector<128x64xf32>
    %get3A_29 = arith.constant 0 : index
    %get3A_30 = arith.constant 0 : index
    %get3A_31 = vector.load %arg11[%get3A_29, %get3A_30] : memref<128x64xf32, #tpu.memory_space<vmem>>, vector<128x64xf32>
    %exp3A_32 = math.exp %get3A_31 : vector<128x64xf32>
    %log1p3A_33 = math.log1p %exp3A_32 : vector<128x64xf32>
    %get3A_34 = arith.constant 0 : index
    %get3A_35 = arith.constant 0 : index
    %get3A_36 = vector.load %arg12[%get3A_34, %get3A_35] : memref<128x64xf32, #tpu.memory_space<vmem>>, vector<128x64xf32>
    %mul3A_37 = arith.mulf %log1p3A_33, %get3A_36 : vector<128x64xf32>
    %add3A_38 = arith.addf %get3A_28, %mul3A_37 : vector<128x64xf32>
    %swap3A_39 = arith.constant 0 : index
    %swap3A_40 = arith.constant 0 : index
    %swap3A_41 = vector.load %arg24[%swap3A_39, %swap3A_40] : memref<128x64xf32, #tpu.memory_space<vmem>>, vector<128x64xf32>
    tpu.vector_store %arg24[%swap3A_39, %swap3A_40], %add3A_38 {strides = array<i32>} : memref<128x64xf32, #tpu.memory_space<vmem>>, vector<128x64xf32>,
    %get3A_42 = arith.constant 0 : index
    %get3A_43 = arith.constant 0 : index
    %get3A_44 = vector.load %arg13[%get3A_42, %get3A_43] : memref<1x64xf32, #tpu.memory_space<vmem>>, vector<1x64xf32>
    %get3A_45 = arith.constant 0 : index
    %get3A_46 = arith.constant 0 : index
    %get3A_47 = vector.load %arg14[%get3A_45, %get3A_46] : memref<1x64xf32, #tpu.memory_space<vmem>>, vector<1x64xf32>
    %exp3A_48 = math.exp %get3A_47 : vector<1x64xf32>
    %log1p3A_49 = math.log1p %exp3A_48 : vector<1x64xf32>
    %get3A_50 = arith.constant 0 : index
    %get3A_51 = arith.constant 0 : index
    %get3A_52 = vector.load %arg15[%get3A_50, %get3A_51] : memref<1x64xf32, #tpu.memory_space<vmem>>, vector<1x64xf32>
    %mul3A_53 = arith.mulf %log1p3A_49, %get3A_52 : vector<1x64xf32>
    %add3A_54 = arith.addf %get3A_44, %mul3A_53 : vector<1x64xf32>
    %swap3A_55 = arith.constant 0 : index
    %swap3A_56 = arith.constant 0 : index
    %swap3A_57 = vector.load %arg25[%swap3A_55, %swap3A_56] : memref<1x64xf32, #tpu.memory_space<vmem>>, vector<1x64xf32>
    tpu.vector_store %arg25[%swap3A_55, %swap3A_56], %add3A_54 {strides = array<i32>} : memref<1x64xf32, #tpu.memory_space<vmem>>, vector<1x64xf32>,
    %get3A_58 = arith.constant 0 : index
    %get3A_59 = arith.constant 0 : index
    %get3A_60 = vector.load %arg16[%get3A_58, %get3A_59] : memref<128x64xf32, #tpu.memory_space<vmem>>, vector<128x64xf32>
    %get3A_61 = arith.constant 0 : index
    %get3A_62 = arith.constant 0 : index
    %get3A_63 = vector.load %arg17[%get3A_61, %get3A_62] : memref<128x64xf32, #tpu.memory_space<vmem>>, vector<128x64xf32>
    %exp3A_64 = math.exp %get3A_63 : vector<128x64xf32>
    %log1p3A_65 = math.log1p %exp3A_64 : vector<128x64xf32>
    %get3A_66 = arith.constant 0 : index
    %get3A_67 = arith.constant 0 : index
    %get3A_68 = vector.load %arg18[%get3A_66, %get3A_67] : memref<128x64xf32, #tpu.memory_space<vmem>>, vector<128x64xf32>
    %mul3A_69 = arith.mulf %log1p3A_65, %get3A_68 : vector<128x64xf32>
    %add3A_70 = arith.addf %get3A_60, %mul3A_69 : vector<128x64xf32>
    %swap3A_71 = arith.constant 0 : index
    %swap3A_72 = arith.constant 0 : index
    %swap3A_73 = vector.load %arg26[%swap3A_71, %swap3A_72] : memref<128x64xf32, #tpu.memory_space<vmem>>, vector<128x64xf32>
    tpu.vector_store %arg26[%swap3A_71, %swap3A_72], %add3A_70 {strides = array<i32>} : memref<128x64xf32, #tpu.memory_space<vmem>>, vector<128x64xf32>,
    %get3A_74 = arith.constant 0 : index
    %get3A_75 = arith.constant 0 : index
    %get3A_76 = vector.load %arg19[%get3A_74, %get3A_75] : memref<1x64xf32, #tpu.memory_space<vmem>>, vector<1x64xf32>
    %get3A_77 = arith.constant 0 : index
    %get3A_78 = arith.constant 0 : index
    %get3A_79 = vector.load %arg20[%get3A_77, %get3A_78] : memref<1x64xf32, #tpu.memory_space<vmem>>, vector<1x64xf32>
    %exp3A_80 = math.exp %get3A_79 : vector<1x64xf32>
    %log1p3A_81 = math.log1p %exp3A_80 : vector<1x64xf32>
    %get3A_82 = arith.constant 0 : index
    %get3A_83 = arith.constant 0 : index
    %get3A_84 = vector.load %arg21[%get3A_82, %get3A_83] : memref<1x64xf32, #tpu.memory_space<vmem>>, vector<1x64xf32>
    %mul3A_85 = arith.mulf %log1p3A_81, %get3A_84 : vector<1x64xf32>
    %add3A_86 = arith.addf %get3A_76, %mul3A_85 : vector<1x64xf32>
    %swap3A_87 = arith.constant 0 : index
    %swap3A_88 = arith.constant 0 : index
    %swap3A_89 = vector.load %arg27[%swap3A_87, %swap3A_88] : memref<1x64xf32, #tpu.memory_space<vmem>>, vector<1x64xf32>
    tpu.vector_store %arg27[%swap3A_87, %swap3A_88], %add3A_86 {strides = array<i32>} : memref<1x64xf32, #tpu.memory_space<vmem>>, vector<1x64xf32>,
    %get3A_90 = arith.constant 0 : index
    %get3A_91 = arith.constant 0 : index
    %get3A_92 = vector.load %arg0[%get3A_90, %get3A_91] : memref<128x128xf32, #tpu.memory_space<vmem>>, vector<128x128xf32>
    %div3A = arith.constant 1.000000e-01 : f32
    %div3A_93 = vector.broadcast %div3A : f32 to vector<128x128xf32>
    %div3A_94 = arith.divf %div3A_93, %log1p3A : vector<128x128xf32>
    %log3A = math.log %div3A_94 : vector<128x128xf32>
    %integer_pow3A = arith.mulf %log1p3A, %log1p3A : vector<128x128xf32>
    %sub3A = arith.constant 0.000000e+00 : f32
    %sub3A_95 = vector.broadcast %sub3A : f32 to vector<128x128xf32>
    %sub3A_96 = arith.subf %get3A_92, %sub3A_95 : vector<128x128xf32>
    %integer_pow3A_97 = arith.mulf %sub3A_96, %sub3A_96 : vector<128x128xf32>
    %add3A_98 = arith.addf %integer_pow3A, %integer_pow3A_97 : vector<128x128xf32>
    %div3A_99 = arith.constant 2.000000e-02 : f32
    %div3A_100 = vector.broadcast %div3A_99 : f32 to vector<128x128xf32>
    %div3A_101 = arith.divf %add3A_98, %div3A_100 : vector<128x128xf32>
    %add3A_102 = arith.addf %log3A, %div3A_101 : vector<128x128xf32>
    %sub3A_103 = arith.constant 5.000000e-01 : f32
    %sub3A_104 = vector.broadcast %sub3A_103 : f32 to vector<128x128xf32>
    %sub3A_105 = arith.subf %add3A_102, %sub3A_104 : vector<128x128xf32>
    %reduce_sum3A = vector.shape_cast %sub3A_105 : vector<128x128xf32> to vector<1x128x128xf32>
    %reduce_sum3A_106 = arith.constant dense<0.000000e+00> : vector<1xf32>
    %reduce_sum3A_107 = vector.multi_reduction <add>, %reduce_sum3A, %reduce_sum3A_106 [1, 2] : vector<1x128x128xf32> to vector<1xf32>
    %reduce_sum3A_108 = vector.shape_cast %reduce_sum3A_107 : vector<1xf32> to vector<1x1x1xf32>
    %reduce_sum3A_109 = vector.extract %reduce_sum3A_108[0, 0, 0] : f32 from vector<1x1x1xf32>
    %get3A_110 = arith.constant 0 : index
    %get3A_111 = arith.constant 0 : index
    %get3A_112 = vector.load %arg3[%get3A_110, %get3A_111] : memref<1x128xf32, #tpu.memory_space<vmem>>, vector<1x128xf32>
    %div3A_113 = arith.constant 1.000000e-01 : f32
    %div3A_114 = vector.broadcast %div3A_113 : f32 to vector<1x128xf32>
    %div3A_115 = arith.divf %div3A_114, %log1p3A_6 : vector<1x128xf32>
    %log3A_116 = math.log %div3A_115 : vector<1x128xf32>
    %integer_pow3A_117 = arith.mulf %log1p3A_6, %log1p3A_6 : vector<1x128xf32>
    %sub3A_118 = arith.constant 0.000000e+00 : f32
    %sub3A_119 = vector.broadcast %sub3A_118 : f32 to vector<1x128xf32>
    %sub3A_120 = arith.subf %get3A_112, %sub3A_119 : vector<1x128xf32>
    %integer_pow3A_121 = arith.mulf %sub3A_120, %sub3A_120 : vector<1x128xf32>
    %add3A_122 = arith.addf %integer_pow3A_117, %integer_pow3A_121 : vector<1x128xf32>
    %div3A_123 = arith.constant 2.000000e-02 : f32
    %div3A_124 = vector.broadcast %div3A_123 : f32 to vector<1x128xf32>
    %div3A_125 = arith.divf %add3A_122, %div3A_124 : vector<1x128xf32>
    %add3A_126 = arith.addf %log3A_116, %div3A_125 : vector<1x128xf32>
    %sub3A_127 = arith.constant 5.000000e-01 : f32
    %sub3A_128 = vector.broadcast %sub3A_127 : f32 to vector<1x128xf32>
    %sub3A_129 = arith.subf %add3A_126, %sub3A_128 : vector<1x128xf32>
    %reduce_sum3A_130 = vector.shape_cast %sub3A_129 : vector<1x128xf32> to vector<1x1x128xf32>
    %reduce_sum3A_131 = arith.constant dense<0.000000e+00> : vector<1xf32>
    %reduce_sum3A_132 = vector.multi_reduction <add>, %reduce_sum3A_130, %reduce_sum3A_131 [1, 2] : vector<1x1x128xf32> to vector<1xf32>
    %reduce_sum3A_133 = vector.shape_cast %reduce_sum3A_132 : vector<1xf32> to vector<1x1x1xf32>
    %reduce_sum3A_134 = vector.extract %reduce_sum3A_133[0, 0, 0] : f32 from vector<1x1x1xf32>
    %add3A_135 = arith.addf %reduce_sum3A_109, %reduce_sum3A_134 : f32
    %get3A_136 = arith.constant 0 : index
    %get3A_137 = arith.constant 0 : index
    %get3A_138 = vector.load %arg6[%get3A_136, %get3A_137] : memref<128x128xf32, #tpu.memory_space<vmem>>, vector<128x128xf32>
    %get3A_139 = arith.constant 0 : index
    %get3A_140 = arith.constant 0 : index
    %get3A_141 = vector.load %arg7[%get3A_139, %get3A_140] : memref<128x128xf32, #tpu.memory_space<vmem>>, vector<128x128xf32>
    %exp3A_142 = math.exp %get3A_141 : vector<128x128xf32>
    %log1p3A_143 = math.log1p %exp3A_142 : vector<128x128xf32>
    %div3A_144 = arith.constant 1.000000e-01 : f32
    %div3A_145 = vector.broadcast %div3A_144 : f32 to vector<128x128xf32>
    %div3A_146 = arith.divf %div3A_145, %log1p3A_143 : vector<128x128xf32>
    %log3A_147 = math.log %div3A_146 : vector<128x128xf32>
    %integer_pow3A_148 = arith.mulf %log1p3A_143, %log1p3A_143 : vector<128x128xf32>
    %sub3A_149 = arith.constant 0.000000e+00 : f32
    %sub3A_150 = vector.broadcast %sub3A_149 : f32 to vector<128x128xf32>
    %sub3A_151 = arith.subf %get3A_138, %sub3A_150 : vector<128x128xf32>
    %integer_pow3A_152 = arith.mulf %sub3A_151, %sub3A_151 : vector<128x128xf32>
    %add3A_153 = arith.addf %integer_pow3A_148, %integer_pow3A_152 : vector<128x128xf32>
    %div3A_154 = arith.constant 2.000000e-02 : f32
    %div3A_155 = vector.broadcast %div3A_154 : f32 to vector<128x128xf32>
    %div3A_156 = arith.divf %add3A_153, %div3A_155 : vector<128x128xf32>
    %add3A_157 = arith.addf %log3A_147, %div3A_156 : vector<128x128xf32>
    %sub3A_158 = arith.constant 5.000000e-01 : f32
    %sub3A_159 = vector.broadcast %sub3A_158 : f32 to vector<128x128xf32>
    %sub3A_160 = arith.subf %add3A_157, %sub3A_159 : vector<128x128xf32>
    %reduce_sum3A_161 = vector.shape_cast %sub3A_160 : vector<128x128xf32> to vector<1x128x128xf32>
    %reduce_sum3A_162 = arith.constant dense<0.000000e+00> : vector<1xf32>
    %reduce_sum3A_163 = vector.multi_reduction <add>, %reduce_sum3A_161, %reduce_sum3A_162 [1, 2] : vector<1x128x128xf32> to vector<1xf32>
    %reduce_sum3A_164 = vector.shape_cast %reduce_sum3A_163 : vector<1xf32> to vector<1x1x1xf32>
    %reduce_sum3A_165 = vector.extract %reduce_sum3A_164[0, 0, 0] : f32 from vector<1x1x1xf32>
    %add3A_166 = arith.addf %add3A_135, %reduce_sum3A_165 : f32
    %get3A_167 = arith.constant 0 : index
    %get3A_168 = arith.constant 0 : index
    %get3A_169 = vector.load %arg8[%get3A_167, %get3A_168] : memref<1x128xf32, #tpu.memory_space<vmem>>, vector<1x128xf32>
    %get3A_170 = arith.constant 0 : index
    %get3A_171 = arith.constant 0 : index
    %get3A_172 = vector.load %arg9[%get3A_170, %get3A_171] : memref<1x128xf32, #tpu.memory_space<vmem>>, vector<1x128xf32>
    %exp3A_173 = math.exp %get3A_172 : vector<1x128xf32>
    %log1p3A_174 = math.log1p %exp3A_173 : vector<1x128xf32>
    %div3A_175 = arith.constant 1.000000e-01 : f32
    %div3A_176 = vector.broadcast %div3A_175 : f32 to vector<1x128xf32>
    %div3A_177 = arith.divf %div3A_176, %log1p3A_174 : vector<1x128xf32>
    %log3A_178 = math.log %div3A_177 : vector<1x128xf32>
    %integer_pow3A_179 = arith.mulf %log1p3A_174, %log1p3A_174 : vector<1x128xf32>
    %sub3A_180 = arith.constant 0.000000e+00 : f32
    %sub3A_181 = vector.broadcast %sub3A_180 : f32 to vector<1x128xf32>
    %sub3A_182 = arith.subf %get3A_169, %sub3A_181 : vector<1x128xf32>
    %integer_pow3A_183 = arith.mulf %sub3A_182, %sub3A_182 : vector<1x128xf32>
    %add3A_184 = arith.addf %integer_pow3A_179, %integer_pow3A_183 : vector<1x128xf32>
    %div3A_185 = arith.constant 2.000000e-02 : f32
    %div3A_186 = vector.broadcast %div3A_185 : f32 to vector<1x128xf32>
    %div3A_187 = arith.divf %add3A_184, %div3A_186 : vector<1x128xf32>
    %add3A_188 = arith.addf %log3A_178, %div3A_187 : vector<1x128xf32>
    %sub3A_189 = arith.constant 5.000000e-01 : f32
    %sub3A_190 = vector.broadcast %sub3A_189 : f32 to vector<1x128xf32>
    %sub3A_191 = arith.subf %add3A_188, %sub3A_190 : vector<1x128xf32>
    %reduce_sum3A_192 = vector.shape_cast %sub3A_191 : vector<1x128xf32> to vector<1x1x128xf32>
    %reduce_sum3A_193 = arith.constant dense<0.000000e+00> : vector<1xf32>
    %reduce_sum3A_194 = vector.multi_reduction <add>, %reduce_sum3A_192, %reduce_sum3A_193 [1, 2] : vector<1x1x128xf32> to vector<1xf32>
    %reduce_sum3A_195 = vector.shape_cast %reduce_sum3A_194 : vector<1xf32> to vector<1x1x1xf32>
    %reduce_sum3A_196 = vector.extract %reduce_sum3A_195[0, 0, 0] : f32 from vector<1x1x1xf32>
    %add3A_197 = arith.addf %add3A_166, %reduce_sum3A_196 : f32
    %reshape3A = vector.broadcast %add3A_197 : f32 to vector<1x1xf32>
    %swap3A_198 = arith.constant 0 : index
    %swap3A_199 = arith.constant 0 : index
    %swap3A_200 = vector.load %arg28[%swap3A_198, %swap3A_199] : memref<1x1xf32, #tpu.memory_space<vmem>>, vector<1x1xf32>
    tpu.vector_store %arg28[%swap3A_198, %swap3A_199], %reshape3A {strides = array<i32>} : memref<1x1xf32, #tpu.memory_space<vmem>>, vector<1x1xf32>,
    return
  }
}

module attributes {stable_mosaic.version = 14 : i64} {
  func.func @body(%arg0: i32, %arg1: memref<2x2000x128xf32, #tpu.memory_space<vmem>>, %arg2: memref<2000x1xf32, #tpu.memory_space<vmem>>, %arg3: memref<128x128xf32, #tpu.memory_space<vmem>>, %arg4: memref<1x128xf32, #tpu.memory_space<vmem>>, %arg5: memref<128x64xf32, #tpu.memory_space<vmem>>, %arg6: memref<1x64xf32, #tpu.memory_space<vmem>>, %arg7: memref<128x64xf32, #tpu.memory_space<vmem>>, %arg8: memref<1x64xf32, #tpu.memory_space<vmem>>, %arg9: memref<1x128xf32, #tpu.memory_space<vmem>>, %arg10: memref<1x64xf32, #tpu.memory_space<vmem>>, %arg11: memref<1x128xf32, #tpu.memory_space<vmem>>) attributes {dimension_semantics = [#tpu.dimension_semantics<arbitrary>], iteration_bounds = array<i64: 5>, scalar_prefetch = 0 : i64, scratch_operands = 1 : i64, tpu.core_type = #tpu.core_type<tc>, window_params = [{transform_indices = @transform_0, window_bounds = array<i64: 2, 2000, 128>}, {transform_indices = @transform_1, window_bounds = array<i64: 2000, 1>}, {pipeline_mode = #tpu.pipeline_mode<synchronous>, transform_indices = @transform_2, window_bounds = array<i64: 128, 128>}, {pipeline_mode = #tpu.pipeline_mode<synchronous>, transform_indices = @transform_3, window_bounds = array<i64: 1, 128>}, {pipeline_mode = #tpu.pipeline_mode<synchronous>, transform_indices = @transform_4, window_bounds = array<i64: 128, 64>}, {pipeline_mode = #tpu.pipeline_mode<synchronous>, transform_indices = @transform_5, window_bounds = array<i64: 1, 64>}, {pipeline_mode = #tpu.pipeline_mode<synchronous>, transform_indices = @transform_6, window_bounds = array<i64: 128, 64>}, {pipeline_mode = #tpu.pipeline_mode<synchronous>, transform_indices = @transform_7, window_bounds = array<i64: 1, 64>}, {pipeline_mode = #tpu.pipeline_mode<synchronous>, transform_indices = @transform_8, window_bounds = array<i64: 1, 128>}, {pipeline_mode = #tpu.pipeline_mode<synchronous>, transform_indices = @transform_9, window_bounds = array<i64: 1, 64>}]} {
    %get3A = arith.constant 0 : index
    %get3A_0 = arith.constant 0 : index
    %get3A_1 = arith.constant 0 : index
    %get3A_2 = vector.load %arg1[%get3A, %get3A_0, %get3A_1] : memref<2x2000x128xf32, #tpu.memory_space<vmem>>, vector<1x2000x128xf32>
    %get3A_3 = vector.shape_cast %get3A_2 : vector<1x2000x128xf32> to vector<2000x128xf32>
    %get3A_4 = arith.constant 1 : index
    %get3A_5 = arith.constant 0 : index
    %get3A_6 = arith.constant 0 : index
    %get3A_7 = vector.load %arg1[%get3A_4, %get3A_5, %get3A_6] : memref<2x2000x128xf32, #tpu.memory_space<vmem>>, vector<1x2000x128xf32>
    %get3A_8 = vector.shape_cast %get3A_7 : vector<1x2000x128xf32> to vector<2000x128xf32>
    %add3A = arith.addf %get3A_3, %get3A_8 : vector<2000x128xf32>
    %get3A_9 = arith.constant 0 : index
    %get3A_10 = arith.constant 0 : index
    %get3A_11 = vector.load %arg2[%get3A_9, %get3A_10] : memref<2000x1xf32, #tpu.memory_space<vmem>>, vector<2000x1xf32>
    %mul3A = vector.broadcast %get3A_11 : vector<2000x1xf32> to vector<2000x128xf32>
    %mul3A_12 = arith.mulf %add3A, %mul3A : vector<2000x128xf32>
    %get3A_13 = arith.constant 0 : index
    %get3A_14 = arith.constant 0 : index
    %get3A_15 = vector.load %arg3[%get3A_13, %get3A_14] : memref<128x128xf32, #tpu.memory_space<vmem>>, vector<128x128xf32>
    %dot_general3A = arith.constant dense<0.000000e+00> : vector<2000x128xf32>
    %dot_general3A_16 = tpu.matmul %mul3A_12, %get3A_15, %dot_general3A {dimension_numbers = #tpu.dot_dimension_numbers<[1], [0], [0], [1], [0, 0, 1, 1], [], []>, transpose_lhs_hint = false} : vector<2000x128xf32>, vector<128x128xf32>, vector<2000x128xf32> -> vector<2000x128xf32>
    %get3A_17 = arith.constant 0 : index
    %get3A_18 = arith.constant 0 : index
    %get3A_19 = vector.load %arg4[%get3A_17, %get3A_18] : memref<1x128xf32, #tpu.memory_space<vmem>>, vector<1x128xf32>
    %add3A_20 = vector.broadcast %get3A_19 : vector<1x128xf32> to vector<2000x128xf32>
    %add3A_21 = arith.addf %dot_general3A_16, %add3A_20 : vector<2000x128xf32>
    %max3A = arith.constant 0.000000e+00 : f32
    %max3A_22 = vector.broadcast %max3A : f32 to vector<2000x128xf32>
    %max3A_23 = arith.maximumf %add3A_21, %max3A_22 : vector<2000x128xf32>
    %eq3A = arith.constant 0 : i32
    %eq3A_24 = arith.cmpi eq, %arg0, %eq3A : i32
    %convert_element_type3A = arith.extui %eq3A_24 : i1 to i32
    %cond3A = arith.constant 0 : i32
    %cond3A_25 = arith.cmpi ne, %convert_element_type3A, %cond3A : i32
    scf.if %cond3A_25 {
      %broadcast_in_dim3A_38 = arith.constant 0.000000e+00 : f32
      %broadcast_in_dim3A_39 = vector.broadcast %broadcast_in_dim3A_38 : f32 to vector<1x128xf32>
      %swap3A_40 = arith.constant 0 : index
      %swap3A_41 = arith.constant 0 : index
      %swap3A_42 = vector.load %arg11[%swap3A_40, %swap3A_41] : memref<1x128xf32, #tpu.memory_space<vmem>>, vector<1x128xf32>
      tpu.vector_store %arg11[%swap3A_40, %swap3A_41], %broadcast_in_dim3A_39 {strides = array<i32>} : memref<1x128xf32, #tpu.memory_space<vmem>>, vector<1x128xf32>,
    } else {
    }
    %get3A_26 = arith.constant 0 : index
    %get3A_27 = arith.constant 0 : index
    %get3A_28 = vector.load %arg11[%get3A_26, %get3A_27] : memref<1x128xf32, #tpu.memory_space<vmem>>, vector<1x128xf32>
    %reduce_sum3A = arith.constant dense<0.000000e+00> : vector<128xf32>
    %reduce_sum3A_29 = vector.multi_reduction <add>, %max3A_23, %reduce_sum3A [0] : vector<2000x128xf32> to vector<128xf32>
    %broadcast_in_dim3A = vector.shape_cast %reduce_sum3A_29 : vector<128xf32> to vector<1x128xf32>
    %add3A_30 = arith.addf %get3A_28, %broadcast_in_dim3A : vector<1x128xf32>
    %swap3A = arith.constant 0 : index
    %swap3A_31 = arith.constant 0 : index
    %swap3A_32 = vector.load %arg11[%swap3A, %swap3A_31] : memref<1x128xf32, #tpu.memory_space<vmem>>, vector<1x128xf32>
    tpu.vector_store %arg11[%swap3A, %swap3A_31], %add3A_30 {strides = array<i32>} : memref<1x128xf32, #tpu.memory_space<vmem>>, vector<1x128xf32>,
    %eq3A_33 = arith.constant 4 : i32
    %eq3A_34 = arith.cmpi eq, %arg0, %eq3A_33 : i32
    %convert_element_type3A_35 = arith.extui %eq3A_34 : i1 to i32
    %cond3A_36 = arith.constant 0 : i32
    %cond3A_37 = arith.cmpi ne, %convert_element_type3A_35, %cond3A_36 : i32
    scf.if %cond3A_37 {
      %get3A_38 = arith.constant 0 : index
      %get3A_39 = arith.constant 0 : index
      %get3A_40 = vector.load %arg9[%get3A_38, %get3A_39] : memref<1x128xf32, #tpu.memory_space<vmem>>, vector<1x128xf32>
      %mul3A_41 = arith.constant 9.99999974E-5 : f32
      %mul3A_42 = vector.broadcast %mul3A_41 : f32 to vector<1x128xf32>
      %mul3A_43 = arith.mulf %get3A_40, %mul3A_42 : vector<1x128xf32>
      %get3A_44 = arith.constant 0 : index
      %get3A_45 = arith.constant 0 : index
      %get3A_46 = vector.load %arg11[%get3A_44, %get3A_45] : memref<1x128xf32, #tpu.memory_space<vmem>>, vector<1x128xf32>
      %mul3A_47 = arith.constant 9.99999974E-5 : f32
      %mul3A_48 = vector.broadcast %mul3A_47 : f32 to vector<1x128xf32>
      %mul3A_49 = arith.mulf %get3A_46, %mul3A_48 : vector<1x128xf32>
      %get3A_50 = arith.constant 0 : index
      %get3A_51 = arith.constant 0 : index
      %get3A_52 = vector.load %arg5[%get3A_50, %get3A_51] : memref<128x64xf32, #tpu.memory_space<vmem>>, vector<128x64xf32>
      %dot_general3A_53 = arith.constant dense<0.000000e+00> : vector<1x64xf32>
      %dot_general3A_54 = tpu.matmul %mul3A_43, %get3A_52, %dot_general3A_53 {dimension_numbers = #tpu.dot_dimension_numbers<[1], [0], [0], [1], [0, 0, 1, 1], [], []>, transpose_lhs_hint = false} : vector<1x128xf32>, vector<128x64xf32>, vector<1x64xf32> -> vector<1x64xf32>
      %get3A_55 = arith.constant 0 : index
      %get3A_56 = arith.constant 0 : index
      %get3A_57 = vector.load %arg6[%get3A_55, %get3A_56] : memref<1x64xf32, #tpu.memory_space<vmem>>, vector<1x64xf32>
      %add3A_58 = arith.addf %dot_general3A_54, %get3A_57 : vector<1x64xf32>
      %get3A_59 = arith.constant 0 : index
      %get3A_60 = arith.constant 0 : index
      %get3A_61 = vector.load %arg7[%get3A_59, %get3A_60] : memref<128x64xf32, #tpu.memory_space<vmem>>, vector<128x64xf32>
      %dot_general3A_62 = arith.constant dense<0.000000e+00> : vector<1x64xf32>
      %dot_general3A_63 = tpu.matmul %mul3A_49, %get3A_61, %dot_general3A_62 {dimension_numbers = #tpu.dot_dimension_numbers<[1], [0], [0], [1], [0, 0, 1, 1], [], []>, transpose_lhs_hint = false} : vector<1x128xf32>, vector<128x64xf32>, vector<1x64xf32> -> vector<1x64xf32>
      %get3A_64 = arith.constant 0 : index
      %get3A_65 = arith.constant 0 : index
      %get3A_66 = vector.load %arg8[%get3A_64, %get3A_65] : memref<1x64xf32, #tpu.memory_space<vmem>>, vector<1x64xf32>
      %add3A_67 = arith.addf %dot_general3A_63, %get3A_66 : vector<1x64xf32>
      %add3A_68 = arith.addf %add3A_58, %add3A_67 : vector<1x64xf32>
      %mul3A_69 = arith.constant 5.000000e-01 : f32
      %mul3A_70 = vector.broadcast %mul3A_69 : f32 to vector<1x64xf32>
      %mul3A_71 = arith.mulf %mul3A_70, %add3A_68 : vector<1x64xf32>
      %swap3A_72 = arith.constant 0 : index
      %swap3A_73 = arith.constant 0 : index
      %swap3A_74 = vector.load %arg10[%swap3A_72, %swap3A_73] : memref<1x64xf32, #tpu.memory_space<vmem>>, vector<1x64xf32>
      tpu.vector_store %arg10[%swap3A_72, %swap3A_73], %mul3A_71 {strides = array<i32>} : memref<1x64xf32, #tpu.memory_space<vmem>>, vector<1x64xf32>,
    } else {
    }
    return
  }
  func.func @transform_0(%arg0: i32) -> (i32, i32, i32) {
    %c0_i32 = arith.constant 0 : i32
    %c0_i32_0 = arith.constant 0 : i32
    %c0_i32_1 = arith.constant 0 : i32
    return %c0_i32, %arg0, %c0_i32_0 : i32, i32, i32
  }
  func.func @transform_1(%arg0: i32) -> (i32, i32) {
    %c0_i32 = arith.constant 0 : i32
    %c0_i32_0 = arith.constant 0 : i32
    return %arg0, %c0_i32 : i32, i32
  }
  func.func @transform_2(%arg0: i32) -> (i32, i32) {
    %c0_i32 = arith.constant 0 : i32
    %c0_i32_0 = arith.constant 0 : i32
    %c0_i32_1 = arith.constant 0 : i32
    return %c0_i32, %c0_i32_0 : i32, i32
  }
  func.func @transform_3(%arg0: i32) -> (i32, i32) {
    %c0_i32 = arith.constant 0 : i32
    %c0_i32_0 = arith.constant 0 : i32
    %c0_i32_1 = arith.constant 0 : i32
    return %c0_i32, %c0_i32_0 : i32, i32
  }
  func.func @transform_4(%arg0: i32) -> (i32, i32) {
    %c0_i32 = arith.constant 0 : i32
    %c0_i32_0 = arith.constant 0 : i32
    %c0_i32_1 = arith.constant 0 : i32
    return %c0_i32, %c0_i32_0 : i32, i32
  }
  func.func @transform_5(%arg0: i32) -> (i32, i32) {
    %c0_i32 = arith.constant 0 : i32
    %c0_i32_0 = arith.constant 0 : i32
    %c0_i32_1 = arith.constant 0 : i32
    return %c0_i32, %c0_i32_0 : i32, i32
  }
  func.func @transform_6(%arg0: i32) -> (i32, i32) {
    %c0_i32 = arith.constant 0 : i32
    %c0_i32_0 = arith.constant 0 : i32
    %c0_i32_1 = arith.constant 0 : i32
    return %c0_i32, %c0_i32_0 : i32, i32
  }
  func.func @transform_7(%arg0: i32) -> (i32, i32) {
    %c0_i32 = arith.constant 0 : i32
    %c0_i32_0 = arith.constant 0 : i32
    %c0_i32_1 = arith.constant 0 : i32
    return %c0_i32, %c0_i32_0 : i32, i32
  }
  func.func @transform_8(%arg0: i32) -> (i32, i32) {
    %c0_i32 = arith.constant 0 : i32
    %c0_i32_0 = arith.constant 0 : i32
    %c0_i32_1 = arith.constant 0 : i32
    return %c0_i32, %c0_i32_0 : i32, i32
  }
  func.func @transform_9(%arg0: i32) -> (i32, i32) {
    %c0_i32 = arith.constant 0 : i32
    %c0_i32_0 = arith.constant 0 : i32
    %c0_i32_1 = arith.constant 0 : i32
    return %c0_i32, %c0_i32_0 : i32, i32
  }
}

</mosaic_0001>

<sc_bundles>
// kernel: kernel.10.cloned.1.call-start
scs
__scs_entry_jumppad:
0x0: {  	(pc) =	sbr.rel $0x88, $3  }
0x1: {  	(tag) =	ssettag $0x0;
	lr =	simm.s32 $0x1  }
0x2: {  	[smem:$0x3F89] =	sst lr;
	_ =	strace $0xD0000000  }
0x3: {  	_ = 	snop  }
0x4: {  	_ = 	snop  }
0x5: {  	_ = 	snop  }
0x6: {  	_ = 	snop  }
0x7: {  	_ = 	snop  }
__scs_overlays_trampoline_lowered:
0x8: {  	[smem:$0x3F98] =	sst s0  }
0x9: {  	[smem:$0x3F99] =	sst s1  }
0xa: {  	[smem:$0x3F9A] =	sst s2  }
0xb: {  	[smem:$0x3F9B] =	sst s3  }
0xc: {  	[smem:$0x3F9C] =	sst s4  }
0xd: {  	[smem:$0x3F9D] =	sst s5  }
0xe: {  	[smem:$0x3F9E] =	sst s6  }
0xf: {  	[smem:$0x3F9F] =	sst s7  }
0x10: {  	[smem:$0x3FA0] =	sst s8  }
0x11: {  	[smem:$0x3FA1] =	sst s9;
	s0 =	simm.s32 @!p0 $0x0  }
0x12: {  	s1 =	sld [smem:$0x3F87];
	s0 =	simm.s32 @p0 $0x1  }
0x13: {  	[smem:$0x3FA2] =	sst s0;
	s0 =	simm.s32 @!p1 $0x0  }
0x14: {  	s2 =	sld [smem:$0x3F86];
	s0 =	simm.s32 @p1 $0x1  }
0x15: {  	[smem:$0x3FA3] =	sst s0;
	s0 =	simm.s32 @!p2 $0x0  }
0x16: {  	s3 =	sld [smem:$0x3FDB];
	s0 =	simm.s32 @p2 $0x1  }
0x17: {  	s4 =	simm.s32 $0x1BF5;
	[smem:$0x3FA5] =	sst s0  }
0x18: {  	s0 =	sld [smem:$0x3F88];
	_ =	swait.ge [sflag:s4], $0x0  }
0x19: {  	s7 =	sld [smem:$0x3F89]  }
0x1a: {  	s8 =	sadd.s32 $0xFFFFE003, lr  }
0x1b: {  	s9 =	sadd.s32 $0xFFFFFEF7, lr;
	s5 =	simm.s32 $0xFFFFFFFF;
	p2 =	slt.u32 s8, $0xFFFFF086  }
0x1c: {  	p1 =	slt.u32 s9, $0xF7A;
	s5 =	simm.s32 @!p2 $0x0  }
0x1d: {  	s5 =	simm.s32 @p1 $0x1;
	p0 =	seq.s32 s7, s2  }
0x1e: {  	s7 =	smul.u32 @!p0 $0xF7A, s2;
	p2 =	seq.s32 @!p0 s5, $0x0  }
0x1f: {  	s9 =	smul.u32 $0xF7A, s1;
	s8 =	simm.s32 @!p0 $0x1BF5;
	p2 =	por !p2, p0  }
0x20: {  	[sflag:s8] =	ssyncset.s32 @!p0 $0xFFFFF086;
	s6 =	sadd.s32 @!p0 s3, s7;
	s7 =	simm.s32 @!p0 $0x108  }
0x21: {  	s3 =	sadd.s32 s3, s9;
	s6 =	sadd.s32 @!p0 $0x88, s6;
	s7 =	simm.s32 @p2 $0x1082  }
0x22: {  	[simem:s7], [sflag:s8] =	dma.local @!p0 [hbm:s6], $0xF7A  }
0x23: {  	s9 =	sor.u32 $0xD0000000, s2;
	s6 =	simm.s32 $0x108;
	_ =	swait.ge @!p0 [sflag:s8], $0x0  }
0x24: {  	s3 =	sadd.s32 $0x88, s3;
	s6 =	simm.s32 @!p1 $0x1082;
	[sflag:s4] =	ssyncset.s32 $0xFFFFF086  }
0x25: {  	[simem:s6], [sflag:s4] =	dma.local [hbm:s3], $0xF7A  }
0x26: {  	[smem:$0x3F89] =	sst s1;
	(tag) =	ssettag s2;
	_ =	strace s9  }
0x27: {  	s1 =	sld [smem:$0x3F99]  }
0x28: {  	s2 =	sld [smem:$0x3F9A]  }
0x29: {  	s4 =	sld [smem:$0x3F9C]  }
0x2a: {  	p0 =	seq.s32 s5, $0x0;
	s5 =	sld [smem:$0x3F9D]  }
0x2b: {  	s6 =	sld [smem:$0x3F9E]  }
0x2c: {  	s7 =	sld [smem:$0x3F9F]  }
0x2d: {  	s3 =	simm.s32 $0x108;
	s8 =	sld [smem:$0x3FA0]  }
0x2e: {  	s3 =	simm.s32 @!p0 $0x1082;
	s9 =	sld [smem:$0x3FA1]  }
0x2f: {  	lr =	sadd.s32 s0, s3;
	s0 =	sld [smem:$0x3F98]  }
0x30: {  	s3 =	sld [smem:$0x3F9B]  }
0x31: {  	[smem:$0x3FA4] =	sst s10  }
0x32: {  	s10 =	sld [smem:$0x3FA2];
	_ =	sdelay $0x3  }
0x33: {  	p0 =	seq.s32 s10, $0x1;
	s10 =	sld [smem:$0x3FA4];
	_ =	sdelay $0x3  }
0x34: {  	[smem:$0x3FA4] =	sst s10  }
0x35: {  	s10 =	sld [smem:$0x3FA3];
	_ =	sdelay $0x3  }
0x36: {  	p1 =	seq.s32 s10, $0x1;
	s10 =	sld [smem:$0x3FA4];
	_ =	sdelay $0x3  }
0x37: {  	[smem:$0x3FA4] =	sst s10  }
0x38: {  	s10 =	sld [smem:$0x3FA5]  }
0x39: {  	_ = 	snop;
	(pc) =	sbr.ind lr, $3  }
0x3a: {  	_ = 	snop  }
0x3b: {  	_ = 	snop  }
0x3c: {  	p2 =	seq.s32 s10, $0x1;
	s10 =	sld [smem:$0x3FA4]  }
0x3d: {  	_ =	shalt  }
0x3e: {  	_ =	shalt  }
0x3f: {  	_ =	shalt  }
0x40: {  	_ =	shalt  }
0x41: {  	_ =	shalt  }
0x42: {  	_ =	shalt  }
0x43: {  	_ =	shalt  }
0x44: {  	_ =	shalt  }
0x45: {  	_ =	shalt  }
0x46: {  	_ =	shalt  }
0x47: {  	_ =	shalt  }
0x48: {  	_ =	shalt  }
0x49: {  	_ =	shalt  }
0x4a: {  	_ =	shalt  }
0x4b: {  	_ =	shalt  }
0x4c: {  	_ =	shalt  }
0x4d: {  	_ =	shalt  }
0x4e: {  	_ =	shalt  }
0x4f: {  	_ =	shalt  }
0x50: {  	_ =	shalt  }
0x51: {  	_ =	shalt  }
0x52: {  	_ =	shalt  }
0x53: {  	_ =	shalt  }
0x54: {  	_ =	shalt  }
0x55: {  	_ =	shalt  }
0x56: {  	_ =	shalt  }
0x57: {  	_ =	shalt  }
0x58: {  	_ =	shalt  }
0x59: {  	_ =	shalt  }
0x5a: {  	_ =	shalt  }
0x5b: {  	_ =	shalt  }
0x5c: {  	_ =	shalt  }
0x5d: {  	_ =	shalt  }
0x5e: {  	_ =	shalt  }
0x5f: {  	_ =	shalt  }
0x60: {  	_ =	shalt  }
0x61: {  	_ =	shalt  }
0x62: {  	_ =	shalt  }
0x63: {  	_ =	shalt  }
0x64: {  	_ =	shalt  }
0x65: {  	_ =	shalt  }
0x66: {  	_ =	shalt  }
0x67: {  	_ =	shalt  }
0x68: {  	_ =	shalt  }
0x69: {  	_ =	shalt  }
0x6a: {  	_ =	shalt  }
0x6b: {  	_ =	shalt  }
0x6c: {  	_ =	shalt  }
0x6d: {  	_ =	shalt  }
0x6e: {  	_ =	shalt  }
0x6f: {  	_ =	shalt  }
0x70: {  	_ =	shalt  }
0x71: {  	_ =	shalt  }
0x72: {  	_ =	shalt  }
0x73: {  	_ =	shalt  }
0x74: {  	_ =	shalt  }
0x75: {  	_ =	shalt  }
0x76: {  	_ =	shalt  }
0x77: {  	_ =	shalt  }
0x78: {  	_ =	shalt  }
0x79: {  	_ =	shalt  }
0x7a: {  	_ =	shalt  }
0x7b: {  	_ =	shalt  }
0x7c: {  	_ =	shalt  }
0x7d: {  	_ =	shalt  }
0x7e: {  	_ =	shalt  }
0x7f: {  	_ =	shalt  }
0x80: {  	_ =	shalt  }
0x81: {  	_ =	shalt  }
0x82: {  	_ =	shalt  }
0x83: {  	_ =	shalt  }
0x84: {  	_ =	shalt  }
0x85: {  	_ =	shalt  }
0x86: {  	_ =	shalt  }
0x87: {  	_ =	shalt  }
.Lfunc_end0:
.L_simem_size_0:
called_computation.1_lowered:
.L_overlay_start_0:
0x88: {  	s2 =	sld [smem:$0x3FD9]  }
0x89: {  	s3 =	sld [smem:$0x3FFE];
	_ =	sdelay $0x1  }
0x8a: {  	s1 =	srdreg.scid  }
0x8b: {  	s0 =	sand.u32 $0x1, s1  }
0x8c: {  	s16 =	sshll.u32 s0, $0xA;
	s2 =	sadd.s32 s3, s2  }
0x8d: {  	s2 =	sadd.s32 s2, s16  }
0x8e: {  	[smem:$0x3FB0] =	sst s2  }
0x8f: {  	_ = 	snop  }
0x90: {  	(tm) =	ssettm $0x1  }
0x91: {  	s17 =	sld [smem:$0x3FFB];
	_ =	sdelay $0x3  }
0x92: {  	_ =	strace s17  }
0x93: {  	s2 =	sld [smem:$0x3FFC];
	_ =	sdelay $0x3  }
0x94: {  	_ =	strace s2  }
0x95: {  	s2 =	sld [smem:$0x3FFD];
	_ =	sdelay $0x3  }
0x96: {  	_ =	strace s2  }
0x97: {  	_ =	strace $0x8FFFFFFF  }
0x98: {  	s18 =	sld [smem:$0x3FDB];
	_ =	sdelay $0x1  }
0x99: {  	s19 =	simm.s32 $_scs_section_size  }
0x9a: {  	s4 =	simm.s32 $_size__tile_overlayer_lowered;
	s5 =	simm.s32 $_tile_overlayer_lowered  }
0x9b: {  	s22 =	simm.s32 $0x1BFF;
	s21 =	sshll.u32 s5, $0x1;
	s2 =	sadd.s32 s19, s18  }
0x9c: {  	s6 =	simm.s32 $0x0;
	s20 =	sshll.u32 s4, $0x1;
	s4 =	sadd.s32 s21, s2  }
0x9d: {  	[timem:s6], [sflag:s22] =	dma.local [hbm:s4], s20  }
0x9e: {  	_ =	swait.ge [sflag:s22], s20  }
0x9f: {  	s3 =	ssub.s32 $0x0, s20;
	[sflag:s22] =	ssyncset.done $0x0  }
0xa0: {  	[sflag:s22] =	ssyncadd.s32 s3;
	_ =	sdelay $0x1  }
0xa1: {  	s23 =	simm.s32 $0x1B8B  }
0xa2: {  	_ =	swait.ge [sflag:s23], $0x1  }
0xa3: {  	[sflag:s23] =	ssyncset.done $0x0  }
0xa4: {  	s25 =	simm.s32 $0x1B8E;
	s24 =	sld [smem:$0x3FFE];
	[sflag:s23] =	ssyncadd.s32 $0xFFFFFFFF  }
0xa5: {  	s26 =	simm.s32 $execute0_lowered;
	[smem:$0x3FD2] =	sst s25  }
0xa6: {  	s4 =	sshll.u32 s26, $0x1;
	_ =	strace $0x80000049;
	[dreg:$0x1] =	wrdreg $0xFFFFFFFF  }
0xa7: {  	s28 =	simm.s32 $_size_execute0_lowered;
	s2 =	sadd.s32 s2, s4;
	[dreg:$0x0] =	wrdreg $0x0  }
0xa8: {  	s4 =	sshll.u32 s28, $0x1;
	[dreg:$0x2] =	wrdreg s2  }
0xa9: {  	[dreg:$0x3] =	wrdreg s4  }
0xaa: {  	[dreg:$0x4] =	wrdreg $0xC0  }
0xab: {  	_ =	task [dreg:s6], $0x5FFFF  }
0xac: {  	[dreg:$0x1] =	wrdreg $0xFFFFFFFF  }
0xad: {  	[dreg:$0x0] =	wrdreg $0x60  }
0xae: {  	[dreg:$0x2] =	wrdreg s24  }
0xaf: {  	[dreg:$0x3] =	wrdreg $0xA0000  }
0xb0: {  	[dreg:$0x4] =	wrdreg $0x9  }
0xb1: {  	_ =	task.clear_ibuf [dreg:s6], $0x5FFFF;
	_ =	strace $0x90000049  }
0xb2: {  	s29 =	simm.s32 $0x9;
	_ =	strace $0x8000004B  }
0xb3: {  	_ =	swait.ge [sflag:s29], $0x1  }
0xb4: {  	[sflag:s29] =	ssyncadd.s32 $0xFFFFFFFF  }
0xb5: {  	_ =	strace $0x9000004B  }
0xb6: {  	_ =	sfence  }
0xb7: {  	s30 =	sld [smem:$0x0];
	_ =	sdelay $0x2  }
0xb8: {  	s31 =	sshll.u32 s1, $0xD;
	s1 =	sshrl.u32 s1, $0x2  }
0xb9: {  	s3 =	sand.u32 $0x4000, s31;
	s1 =	sadd.s32 s1, s30  }
0xba: {  	s0 =	sor.u32 s3, s0;
	s1 =	sshll.u32 s1, $0x11  }
0xbb: {  	s0 =	sor.u32 s1, s0  }
0xbc: {  	s0 =	sadd.s32 $0x8F2B, s0  }
0xbd: {  	[sflag:s0] =	ssyncadd.remote.s32 $0x1  }
0xbe: {  	_ =	sfence.sel $0xFFFF  }
0xbf: {  	[dreg:$0x0] =	wrdreg $0xFFFFFFFF;
	(pc) =	sbr.abs _section_cstart, $3  }
0xc0: {  	[dreg:$0x1] =	wrdreg $0xFFFFFFFF  }
0xc1: {  	_ =	task.clear_ibuf [dreg:s6], $0x2FFFF;
	_ =	strace $0x9FFFFFFF  }
0xc2: {  	(tm) =	ssettm $0x7FFFFFFF  }
0xc3: {  	_ =	shalt  }
tec
execute0_lowered:
.L_overlay_start_1:
0x0: {  	(tag) =	ssettag $0x1  }
0x1: {  	s0 =	rddreg [dreg:$0x0]  }
0x2: {  	s1 =	rddreg [dreg:$0x1];
	s2 =	srdreg.scid;
	s3 =	simm.s32 $0x0  }
0x3: {  	s14 =	stileid.u32;
	s28 =	simm.s32 $0x6000;
	s29 =	simm.s32 $0x1  }
0x4: {  	s30 =	simm.s32 $0x2;
	s31 =	simm.s32 $0xF80;
	s2 =	sand.u32 $0x1, s2  }
0x5: {  	[smem:$0x7FF] =	sst s3;
	s6 =	smul.u32 $0x13C00, s14;
	s10 =	sadd.s32 $0xEA00, s0  }
0x6: {  	s11 =	sadd.s32 $0x4600, s0;
	s4 =	sadd.s32 $0x18E00, s0;
	s8 =	smul.u32 $0x4F000, s14  }
0x7: {  	s22 =	sshll.u32 s14, $0x9;
	s13 =	sshll.u32 s14, $0xB;
	s24 =	sshll.u32 s14, $0x6  }
0x8: {  	s5 =	smul.u32 $0x13C000, s2;
	_ =	strace $0x8000004A;
	s7 =	ssub.s32 $0x2, s2  }
0x9: {  	p0 =	seq.s32 s2, $0x0;
	s9 =	sor.u32 $0x8000, s22;
	s26 =	sor.u32 $0x200, s13  }
0xa: {  	s17 =	sor.u32 $0x400, s13;
	s21 =	sshrl.u32 s7, $0x1;
	s23 =	sshrl.u32 s8, $0x2  }
0xb: {  	s9 =	smov.u32 @p0 s13;
	s15 =	sadd.s32 s10, s26;
	s16 =	sadd.s32 s11, s26  }
0xc: {  	s18 =	sadd.s32 s10, s17;
	s13 =	sor.u32 $0x600, s13;
	p0 =	sne.s32 s2, $0x0  }
0xd: {  	s2 =	simm.s32 $0x1F80;
	s6 =	sadd.s32 s6, s5;
	[dreg:$0x4] =	wrdreg s15  }
0xe: {  	s5 =	sadd.s32 $0x40600, s0;
	s12 =	ssub.s32 s7, s21;
	[dreg:$0x5] =	wrdreg s16  }
0xf: {  	s7 =	sor.u32 $0x1C03, s24;
	s25 =	sadd.s32 s10, s9;
	[dreg:$0x6] =	wrdreg s18  }
0x10: {  	s9 =	sadd.s32 s11, s9;
	s24 =	sadd.s32 s11, s17;
	[dreg:$0x3] =	wrdreg s25  }
0x11: {  	s26 =	sadd.s32 s11, s13;
	s18 =	simm.s32 $0x3;
	[dreg:$0x7] =	wrdreg s24  }
0x12: {  	s6 =	sshrl.u32 s6, $0x3;
	s25 =	sadd.s32 s10, s13;
	[dreg:$0x9] =	wrdreg s26  }
0x13: {  	s17 =	smax.u32 s12, $0x1;
	s24 =	simm.s32 $0x1000;
	s26 =	simm.s32 $0x2000  }
0x14: {  	s10 =	simm.s32 $0x0;
	s0 =	sadd.s32 s6, s0;
	s6 =	sadd.s32 s23, s1  }
.Ltmp0:
0x15: {  	[dreg:$0x8] =	wrdreg s25;
	s25 =	simm.s32 $0x80;
	(pc) =	sbr.rel .LBB2_1-.Ltmp0, $4  }
0x16: {  	s19 =	sadd.s32 $0x3C00, s6;
	s20 =	sadd.s32 $0x7800, s6;
	s21 =	sadd.s32 $0xB400, s6  }
0x17: {  	s22 =	sadd.s32 $0xF000, s6;
	s23 =	sadd.s32 $0x12C00, s6;
	s16 =	sadd.s32 $0x40E00, s0  }
0x18: {  	s0 =	simm.s32 $0x1F00;
	s19 =	sshrl.u32 s19, $0x3;
	s20 =	sshrl.u32 s20, $0x3  }
0x19: {  	s21 =	sshrl.u32 s21, $0x3;
	s22 =	sshrl.u32 s22, $0x3;
	s23 =	sshrl.u32 s23, $0x3  }
.LBB2_10:
0x1a: {  	s8 =	sadd.s32 $0x80, s12;
	[sflag:s18] =	ssyncadd.s32 $0xFFFFC000  }
0x1b: {  	[tilespmem:s28], [sflag:$0x2] =	stream.indirect.gather [hbm4b:s4+s25], $0x80, s8, s25, $0xb8;
	[tilespmem:$0x1DC00] =	vst v63  }
0x1c: {  	_ =	swait.ge [sflag:s29], $0x4000  }
0x1d: {  	[sflag:s29] =	ssyncset.done $0x0  }
0x1e: {  	s13 =	sadd.s32 $0x1000, s12;
	[sflag:s29] =	ssyncadd.s32 $0xFFFFC000  }
0x1f: {  	[spmem:s1] =	stream.indirect.scatter.add.f32 [tilespmem:s26], [sflag:$0x3], $0x80, s13, s25, $0xb8;
	[tilespmem:$0x1DC00] =	vst v63  }
0x20: {  	_ =	swait.ge [sflag:s18], $0x4000  }
0x21: {  	[sflag:s18] =	ssyncset.done $0x0  }
0x22: {  	s14 =	sadd.s32 $0x100, s12;
	[sflag:s18] =	ssyncadd.s32 $0xFFFFC000  }
0x23: {  	[tilespmem:s26], [sflag:$0x1] =	stream.indirect.gather [hbm4b:s4+s25], $0x80, s14, s25, $0xb8;
	[tilespmem:$0x1DC00] =	vst v63  }
0x24: {  	_ =	swait.ge [sflag:s30], $0x4000  }
0x25: {  	[sflag:s30] =	ssyncset.done $0x0  }
0x26: {  	s15 =	sadd.s32 $0x1080, s12;
	[sflag:s30] =	ssyncadd.s32 $0xFFFFC000  }
0x27: {  	[spmem:s1] =	stream.indirect.scatter.add.f32 [tilespmem:s28], [sflag:$0x3], $0x80, s15, s25, $0xb8;
	[tilespmem:$0x1DC00] =	vst v63  }
0x28: {  	_ =	swait.ge [sflag:s18], $0x4000  }
0x29: {  	[sflag:s18] =	ssyncset.done $0x0  }
0x2a: {  	[sflag:s18] =	ssyncadd.s32 $0xFFFFC000  }
0x2b: {  	[tilespmem:s28], [sflag:$0x2] =	stream.indirect.gather [hbm4b:s4+s25], $0x80, s31, s25, $0xb8;
	[tilespmem:$0x1DC00] =	vst v63  }
0x2c: {  	_ =	swait.ge [sflag:s29], $0x4000  }
0x2d: {  	[sflag:s29] =	ssyncset.done $0x0  }
0x2e: {  	[sflag:s29] =	ssyncadd.s32 $0xFFFFC000  }
0x2f: {  	[spmem:s1] =	stream.indirect.scatter.add.f32 [tilespmem:s26], [sflag:$0x3], $0x80, s0, s25, $0xb8;
	[tilespmem:$0x1DC00] =	vst v63  }
0x30: {  	_ =	swait.ge [sflag:s18], $0x4000  }
0x31: {  	[sflag:s18] =	ssyncset.done $0x0  }
0x32: {  	[sflag:s18] =	ssyncadd.s32 $0xFFFFC000  }
0x33: {  	_ =	swait.ge [sflag:s30], $0x4000  }
0x34: {  	[sflag:s30] =	ssyncset.done $0x0  }
0x35: {  	[sflag:s30] =	ssyncadd.s32 $0xFFFFC000  }
0x36: {  	[spmem:s1] =	stream.indirect.scatter.add.f32 [tilespmem:s28], [sflag:$0x3], $0x80, s2, s25, $0xb8;
	[tilespmem:$0x1DC00] =	vst v63  }
0x37: {  	_ =	swait.ge [sflag:s18], $0x4000  }
0x38: {  	[sflag:s18] =	ssyncset.done $0x0  }
0x39: {  	[sflag:s18] =	ssyncadd.s32 $0xFFFFC000  }
.LBB2_11:
0x3a: {  	s10 =	sadd.s32 $0x1, s10  }
0x3b: {  	p1 =	sne.s32 s10, s17  }
.Ltmp1:
0x3c: {  	[bflag:$0x0] =	sbarrier.arrive $0xFFFF;
	(pc) =	sbr.rel @!p1 .LBB2_12-.Ltmp1, $4  }
0x3d: {  	[hbm:s16], [sflag:s7] =	dma.local [spmem:s11], $0x2780  }
0x3e: {  	_ =	swait.ge [sflag:s18], $0x2780  }
0x3f: {  	[sflag:s18] =	ssyncset.done $0x0  }
0x40: {  	[sflag:s18] =	ssyncadd.s32 $0xFFFFD880  }
.LBB2_1:
0x41: {  	s11 =	sshrl.u32 s6, $0x3  }
0x42: {  	[spmem:s11], [sflag:s7] =	dma.local [hbm:s5], $0x780  }
0x43: {  	_ =	swait.ge [sflag:s18], $0x780  }
0x44: {  	[sflag:s18] =	ssyncset.done $0x0  }
0x45: {  	[sflag:s18] =	ssyncadd.s32 $0xFFFFF880  }
0x46: {  	[spmem:s19], [sflag:s7] =	dma.local [hbm:s5], $0x780  }
0x47: {  	_ =	swait.ge [sflag:s18], $0x780  }
0x48: {  	[sflag:s18] =	ssyncset.done $0x0  }
0x49: {  	[sflag:s18] =	ssyncadd.s32 $0xFFFFF880  }
0x4a: {  	[spmem:s20], [sflag:s7] =	dma.local [hbm:s5], $0x780  }
0x4b: {  	_ =	swait.ge [sflag:s18], $0x780  }
0x4c: {  	[sflag:s18] =	ssyncset.done $0x0  }
0x4d: {  	[sflag:s18] =	ssyncadd.s32 $0xFFFFF880  }
0x4e: {  	[spmem:s21], [sflag:s7] =	dma.local [hbm:s5], $0x780  }
0x4f: {  	_ =	swait.ge [sflag:s18], $0x780  }
0x50: {  	[sflag:s18] =	ssyncset.done $0x0  }
0x51: {  	[sflag:s18] =	ssyncadd.s32 $0xFFFFF880  }
0x52: {  	[spmem:s22], [sflag:s7] =	dma.local [hbm:s5], $0x780  }
0x53: {  	_ =	swait.ge [sflag:s18], $0x780  }
0x54: {  	[sflag:s18] =	ssyncset.done $0x0  }
0x55: {  	[sflag:s18] =	ssyncadd.s32 $0xFFFFF880  }
0x56: {  	[spmem:s23], [sflag:s7] =	dma.local [hbm:s5], $0x200  }
0x57: {  	_ =	swait.ge [sflag:s18], $0x200  }
0x58: {  	[sflag:s18] =	ssyncset.done $0x0  }
0x59: {  	[sflag:s18] =	ssyncadd.s32 $0xFFFFFE00  }
0x5a: {  	[bflag:$0x0] =	sbarrier.arrive $0xFFFF  }
0x5b: {  	s8 =	rddreg [dreg:$0x3]  }
0x5c: {  	[tilespmem:s3], [sflag:$0x3] =	stream.linear.gather [hbm4b:s8+s3], $0x1000, $0x38;
	[tilespmem:$0x1DC00] =	vst v63  }
0x5d: {  	_ =	swait.ge [sflag:s18], $0x1000  }
0x5e: {  	[sflag:s18] =	ssyncset.done $0x0  }
0x5f: {  	[sflag:s18] =	ssyncadd.s32 $0xFFFFF000  }
0x60: {  	[tilespmem:s24], [sflag:$0x3] =	stream.linear.gather [hbm4b:s9+s3], $0x1000, $0x38;
	[tilespmem:$0x1DC00] =	vst v63  }
0x61: {  	_ =	swait.ge [sflag:s18], $0x1000  }
0x62: {  	[sflag:s18] =	ssyncset.done $0x0  }
0x63: {  	[sflag:s18] =	ssyncadd.s32 $0xFFFFF000  }
0x64: {  	[tilespmem:s26], [sflag:$0x1] =	stream.indirect.gather [hbm4b:s4+s25], $0x80, s3, s25, $0xb8;
	[tilespmem:$0x1DC00] =	vst v63  }
0x65: {  	s12 =	simm.s32 $0x80  }
0x66: {  	[tilespmem:s28], [sflag:$0x2] =	stream.indirect.gather [hbm4b:s4+s25], $0x80, s12, s25, $0xb8;
	[tilespmem:$0x1DC00] =	vst v63  }
0x67: {  	_ =	swait.ge [sflag:s29], $0x4000  }
0x68: {  	[sflag:s29] =	ssyncset.done $0x0  }
0x69: {  	s13 =	simm.s32 $0x1000;
	[sflag:s29] =	ssyncadd.s32 $0xFFFFC000  }
0x6a: {  	[spmem:s1] =	stream.indirect.scatter.add.f32 [tilespmem:s26], [sflag:$0x3], $0x80, s13, s25, $0xb8;
	[tilespmem:$0x1DC00] =	vst v63  }
0x6b: {  	_ =	swait.ge [sflag:s18], $0x4000  }
0x6c: {  	[sflag:s18] =	ssyncset.done $0x0  }
0x6d: {  	s14 =	simm.s32 $0x100;
	[sflag:s18] =	ssyncadd.s32 $0xFFFFC000  }
0x6e: {  	[tilespmem:s26], [sflag:$0x1] =	stream.indirect.gather [hbm4b:s4+s25], $0x80, s14, s25, $0xb8;
	[tilespmem:$0x1DC00] =	vst v63  }
0x6f: {  	_ =	swait.ge [sflag:s30], $0x4000  }
0x70: {  	[sflag:s30] =	ssyncset.done $0x0  }
0x71: {  	s15 =	simm.s32 $0x1080;
	[sflag:s30] =	ssyncadd.s32 $0xFFFFC000  }
0x72: {  	[spmem:s1] =	stream.indirect.scatter.add.f32 [tilespmem:s28], [sflag:$0x3], $0x80, s15, s25, $0xb8;
	[tilespmem:$0x1DC00] =	vst v63  }
0x73: {  	_ =	swait.ge [sflag:s18], $0x4000  }
0x74: {  	s12 =	simm.s32 $0x100;
	s13 =	simm.s32 $0x800;
	[sflag:s18] =	ssyncset.done $0x0  }
.LBB2_2:
0x75: {  	s14 =	sadd.s32 $0x80, s12  }
0x76: {  	[sflag:s18] =	ssyncadd.s32 $0xFFFFC000;
	s15 =	smov.u32 s13;
	s8 =	sadd.s32 $0x400, s13  }
0x77: {  	[tilespmem:s28], [sflag:$0x2] =	stream.indirect.gather [hbm4b:s4+s25], $0x80, s14, s25, $0xb8;
	[tilespmem:$0x1DC00] =	vst v63  }
0x78: {  	p1 =	sne.s32 s13, $0x3800;
	_ =	swait.ge [sflag:s29], $0x4000  }
0x79: {  	[sflag:s29] =	ssyncset.done $0x0  }
0x7a: {  	s13 =	sadd.s32 $0x1000, s12;
	[sflag:s29] =	ssyncadd.s32 $0xFFFFC000  }
0x7b: {  	[spmem:s1] =	stream.indirect.scatter.add.f32 [tilespmem:s26], [sflag:$0x3], $0x80, s13, s25, $0xb8;
	[tilespmem:$0x1DC00] =	vst v63  }
0x7c: {  	_ =	swait.ge [sflag:s18], $0x4000  }
0x7d: {  	[sflag:s18] =	ssyncset.done $0x0  }
0x7e: {  	s13 =	sadd.s32 $0x100, s12;
	[sflag:s18] =	ssyncadd.s32 $0xFFFFC000  }
0x7f: {  	[tilespmem:s26], [sflag:$0x1] =	stream.indirect.gather [hbm4b:s4+s25], $0x80, s13, s25, $0xb8;
	[tilespmem:$0x1DC00] =	vst v63  }
0x80: {  	_ =	swait.ge [sflag:s30], $0x4000  }
.Ltmp2:
0x81: {  	[sflag:s30] =	ssyncset.done $0x0;
	(pc) =	sbr.rel @p1 .LBB2_2-.Ltmp2, $4  }
0x82: {  	s12 =	sadd.s32 $0x1080, s12;
	[sflag:s30] =	ssyncadd.s32 $0xFFFFC000  }
0x83: {  	[spmem:s1] =	stream.indirect.scatter.add.f32 [tilespmem:s28], [sflag:$0x3], $0x80, s12, s25, $0xb8;
	[tilespmem:$0x1DC00] =	vst v63  }
0x84: {  	_ =	swait.ge [sflag:s18], $0x4000  }
0x85: {  	s13 =	smov.u32 s8;
	s12 =	sshra.s32 s15, $0x2;
	[sflag:s18] =	ssyncset.done $0x0  }
0x86: {  	s8 =	sadd.s32 $0x80, s12;
	[sflag:s18] =	ssyncadd.s32 $0xFFFFC000  }
0x87: {  	[tilespmem:s28], [sflag:$0x2] =	stream.indirect.gather [hbm4b:s4+s25], $0x80, s8, s25, $0xb8;
	[tilespmem:$0x1DC00] =	vst v63  }
0x88: {  	_ =	swait.ge [sflag:s29], $0x4000  }
0x89: {  	[sflag:s29] =	ssyncset.done $0x0  }
0x8a: {  	s13 =	sadd.s32 $0x1000, s12;
	[sflag:s29] =	ssyncadd.s32 $0xFFFFC000  }
0x8b: {  	[spmem:s1] =	stream.indirect.scatter.add.f32 [tilespmem:s26], [sflag:$0x3], $0x80, s13, s25, $0xb8;
	[tilespmem:$0x1DC00] =	vst v63  }
0x8c: {  	_ =	swait.ge [sflag:s18], $0x4000  }
0x8d: {  	[sflag:s18] =	ssyncset.done $0x0  }
0x8e: {  	s14 =	sadd.s32 $0x100, s12;
	[sflag:s18] =	ssyncadd.s32 $0xFFFFC000  }
0x8f: {  	[tilespmem:s26], [sflag:$0x1] =	stream.indirect.gather [hbm4b:s4+s25], $0x80, s14, s25, $0xb8;
	[tilespmem:$0x1DC00] =	vst v63  }
0x90: {  	_ =	swait.ge [sflag:s30], $0x4000  }
0x91: {  	[sflag:s30] =	ssyncset.done $0x0  }
0x92: {  	s15 =	sadd.s32 $0x1080, s12;
	[sflag:s30] =	ssyncadd.s32 $0xFFFFC000  }
0x93: {  	[spmem:s1] =	stream.indirect.scatter.add.f32 [tilespmem:s28], [sflag:$0x3], $0x80, s15, s25, $0xb8;
	[tilespmem:$0x1DC00] =	vst v63  }
0x94: {  	_ =	swait.ge [sflag:s18], $0x4000  }
0x95: {  	[sflag:s18] =	ssyncset.done $0x0  }
0x96: {  	[sflag:s18] =	ssyncadd.s32 $0xFFFFC000  }
0x97: {  	[tilespmem:s28], [sflag:$0x2] =	stream.indirect.gather [hbm4b:s4+s25], $0x80, s31, s25, $0xb8;
	[tilespmem:$0x1DC00] =	vst v63  }
0x98: {  	_ =	swait.ge [sflag:s29], $0x4000  }
0x99: {  	[sflag:s29] =	ssyncset.done $0x0  }
0x9a: {  	[sflag:s29] =	ssyncadd.s32 $0xFFFFC000  }
0x9b: {  	[spmem:s1] =	stream.indirect.scatter.add.f32 [tilespmem:s26], [sflag:$0x3], $0x80, s0, s25, $0xb8;
	[tilespmem:$0x1DC00] =	vst v63  }
0x9c: {  	_ =	swait.ge [sflag:s18], $0x4000  }
0x9d: {  	[sflag:s18] =	ssyncset.done $0x0  }
0x9e: {  	[sflag:s18] =	ssyncadd.s32 $0xFFFFC000  }
0x9f: {  	_ =	swait.ge [sflag:s30], $0x4000  }
0xa0: {  	[sflag:s30] =	ssyncset.done $0x0  }
.Ltmp3:
0xa1: {  	[sflag:s30] =	ssyncadd.s32 $0xFFFFC000;
	(pc) =	sbr.rel @p0 .LBB2_11-.Ltmp3, $4  }
0xa2: {  	[spmem:s1] =	stream.indirect.scatter.add.f32 [tilespmem:s28], [sflag:$0x3], $0x80, s2, s25, $0xb8;
	[tilespmem:$0x1DC00] =	vst v63  }
0xa3: {  	_ =	swait.ge [sflag:s18], $0x4000  }
0xa4: {  	[sflag:s18] =	ssyncset.done $0x0  }
0xa5: {  	[sflag:s18] =	ssyncadd.s32 $0xFFFFC000  }
0xa6: {  	s8 =	simm.s32 $0x0;
	s12 =	rddreg [dreg:$0x4]  }
0xa7: {  	[tilespmem:s8], [sflag:$0x3] =	stream.linear.gather [hbm4b:s12+s8], $0x1000, $0x38;
	[tilespmem:$0x1DC00] =	vst v63  }
0xa8: {  	_ =	swait.ge [sflag:s18], $0x1000  }
0xa9: {  	[sflag:s18] =	ssyncset.done $0x0  }
0xaa: {  	s15 =	rddreg [dreg:$0x5];
	[sflag:s18] =	ssyncadd.s32 $0xFFFFF000  }
0xab: {  	[tilespmem:s24], [sflag:$0x3] =	stream.linear.gather [hbm4b:s15+s8], $0x1000, $0x38;
	[tilespmem:$0x1DC00] =	vst v63  }
0xac: {  	_ =	swait.ge [sflag:s18], $0x1000  }
0xad: {  	[sflag:s18] =	ssyncset.done $0x0  }
0xae: {  	[sflag:s18] =	ssyncadd.s32 $0xFFFFF000  }
0xaf: {  	[tilespmem:s26], [sflag:$0x1] =	stream.indirect.gather [hbm4b:s4+s25], $0x80, s8, s25, $0xb8;
	[tilespmem:$0x1DC00] =	vst v63  }
0xb0: {  	s12 =	simm.s32 $0x80  }
0xb1: {  	[tilespmem:s28], [sflag:$0x2] =	stream.indirect.gather [hbm4b:s4+s25], $0x80, s12, s25, $0xb8;
	[tilespmem:$0x1DC00] =	vst v63  }
0xb2: {  	_ =	swait.ge [sflag:s29], $0x4000  }
0xb3: {  	[sflag:s29] =	ssyncset.done $0x0  }
0xb4: {  	s13 =	simm.s32 $0x1000;
	[sflag:s29] =	ssyncadd.s32 $0xFFFFC000  }
0xb5: {  	[spmem:s1] =	stream.indirect.scatter.add.f32 [tilespmem:s26], [sflag:$0x3], $0x80, s13, s25, $0xb8;
	[tilespmem:$0x1DC00] =	vst v63  }
0xb6: {  	_ =	swait.ge [sflag:s18], $0x4000  }
0xb7: {  	[sflag:s18] =	ssyncset.done $0x0  }
0xb8: {  	s14 =	simm.s32 $0x100;
	[sflag:s18] =	ssyncadd.s32 $0xFFFFC000  }
0xb9: {  	[tilespmem:s26], [sflag:$0x1] =	stream.indirect.gather [hbm4b:s4+s25], $0x80, s14, s25, $0xb8;
	[tilespmem:$0x1DC00] =	vst v63  }
0xba: {  	_ =	swait.ge [sflag:s30], $0x4000  }
0xbb: {  	[sflag:s30] =	ssyncset.done $0x0  }
0xbc: {  	s15 =	simm.s32 $0x1080;
	[sflag:s30] =	ssyncadd.s32 $0xFFFFC000  }
0xbd: {  	[spmem:s1] =	stream.indirect.scatter.add.f32 [tilespmem:s28], [sflag:$0x3], $0x80, s15, s25, $0xb8;
	[tilespmem:$0x1DC00] =	vst v63  }
0xbe: {  	_ =	swait.ge [sflag:s18], $0x4000  }
0xbf: {  	s12 =	simm.s32 $0x100;
	s13 =	simm.s32 $0x800;
	[sflag:s18] =	ssyncset.done $0x0  }
.LBB2_5:
0xc0: {  	s8 =	sadd.s32 $0x80, s12  }
0xc1: {  	[sflag:s18] =	ssyncadd.s32 $0xFFFFC000;
	s14 =	smov.u32 s13;
	s15 =	sadd.s32 $0x400, s13  }
0xc2: {  	[tilespmem:s28], [sflag:$0x2] =	stream.indirect.gather [hbm4b:s4+s25], $0x80, s8, s25, $0xb8;
	[tilespmem:$0x1DC00] =	vst v63  }
0xc3: {  	p1 =	sne.s32 s13, $0x3800;
	_ =	swait.ge [sflag:s29], $0x4000  }
0xc4: {  	[sflag:s29] =	ssyncset.done $0x0  }
0xc5: {  	s8 =	sadd.s32 $0x1000, s12;
	[sflag:s29] =	ssyncadd.s32 $0xFFFFC000  }
0xc6: {  	[spmem:s1] =	stream.indirect.scatter.add.f32 [tilespmem:s26], [sflag:$0x3], $0x80, s8, s25, $0xb8;
	[tilespmem:$0x1DC00] =	vst v63  }
0xc7: {  	_ =	swait.ge [sflag:s18], $0x4000  }
0xc8: {  	[sflag:s18] =	ssyncset.done $0x0  }
0xc9: {  	s8 =	sadd.s32 $0x100, s12;
	[sflag:s18] =	ssyncadd.s32 $0xFFFFC000  }
0xca: {  	[tilespmem:s26], [sflag:$0x1] =	stream.indirect.gather [hbm4b:s4+s25], $0x80, s8, s25, $0xb8;
	[tilespmem:$0x1DC00] =	vst v63  }
0xcb: {  	_ =	swait.ge [sflag:s30], $0x4000  }
.Ltmp4:
0xcc: {  	[sflag:s30] =	ssyncset.done $0x0;
	(pc) =	sbr.rel @p1 .LBB2_5-.Ltmp4, $4  }
0xcd: {  	s8 =	sadd.s32 $0x1080, s12;
	[sflag:s30] =	ssyncadd.s32 $0xFFFFC000  }
0xce: {  	[spmem:s1] =	stream.indirect.scatter.add.f32 [tilespmem:s28], [sflag:$0x3], $0x80, s8, s25, $0xb8;
	[tilespmem:$0x1DC00] =	vst v63  }
0xcf: {  	_ =	swait.ge [sflag:s18], $0x4000  }
0xd0: {  	s13 =	smov.u32 s15;
	s12 =	sshra.s32 s14, $0x2;
	[sflag:s18] =	ssyncset.done $0x0  }
0xd1: {  	s8 =	sadd.s32 $0x80, s12;
	[sflag:s18] =	ssyncadd.s32 $0xFFFFC000  }
0xd2: {  	[tilespmem:s28], [sflag:$0x2] =	stream.indirect.gather [hbm4b:s4+s25], $0x80, s8, s25, $0xb8;
	[tilespmem:$0x1DC00] =	vst v63  }
0xd3: {  	_ =	swait.ge [sflag:s29], $0x4000  }
0xd4: {  	[sflag:s29] =	ssyncset.done $0x0  }
0xd5: {  	s14 =	sadd.s32 $0x1000, s12;
	[sflag:s29] =	ssyncadd.s32 $0xFFFFC000  }
0xd6: {  	[spmem:s1] =	stream.indirect.scatter.add.f32 [tilespmem:s26], [sflag:$0x3], $0x80, s14, s25, $0xb8;
	[tilespmem:$0x1DC00] =	vst v63  }
0xd7: {  	_ =	swait.ge [sflag:s18], $0x4000  }
0xd8: {  	[sflag:s18] =	ssyncset.done $0x0  }
0xd9: {  	s15 =	sadd.s32 $0x100, s12;
	[sflag:s18] =	ssyncadd.s32 $0xFFFFC000  }
0xda: {  	[tilespmem:s26], [sflag:$0x1] =	stream.indirect.gather [hbm4b:s4+s25], $0x80, s15, s25, $0xb8;
	[tilespmem:$0x1DC00] =	vst v63  }
0xdb: {  	_ =	swait.ge [sflag:s30], $0x4000  }
0xdc: {  	[sflag:s30] =	ssyncset.done $0x0  }
0xdd: {  	s12 =	sadd.s32 $0x1080, s12;
	[sflag:s30] =	ssyncadd.s32 $0xFFFFC000  }
0xde: {  	[spmem:s1] =	stream.indirect.scatter.add.f32 [tilespmem:s28], [sflag:$0x3], $0x80, s12, s25, $0xb8;
	[tilespmem:$0x1DC00] =	vst v63  }
0xdf: {  	_ =	swait.ge [sflag:s18], $0x4000  }
0xe0: {  	[sflag:s18] =	ssyncset.done $0x0  }
0xe1: {  	[sflag:s18] =	ssyncadd.s32 $0xFFFFC000  }
0xe2: {  	[tilespmem:s28], [sflag:$0x2] =	stream.indirect.gather [hbm4b:s4+s25], $0x80, s31, s25, $0xb8;
	[tilespmem:$0x1DC00] =	vst v63  }
0xe3: {  	_ =	swait.ge [sflag:s29], $0x4000  }
0xe4: {  	[sflag:s29] =	ssyncset.done $0x0  }
0xe5: {  	[sflag:s29] =	ssyncadd.s32 $0xFFFFC000  }
0xe6: {  	[spmem:s1] =	stream.indirect.scatter.add.f32 [tilespmem:s26], [sflag:$0x3], $0x80, s0, s25, $0xb8;
	[tilespmem:$0x1DC00] =	vst v63  }
0xe7: {  	_ =	swait.ge [sflag:s18], $0x4000  }
0xe8: {  	[sflag:s18] =	ssyncset.done $0x0  }
0xe9: {  	[sflag:s18] =	ssyncadd.s32 $0xFFFFC000  }
0xea: {  	_ =	swait.ge [sflag:s30], $0x4000  }
0xeb: {  	[sflag:s30] =	ssyncset.done $0x0  }
0xec: {  	[sflag:s30] =	ssyncadd.s32 $0xFFFFC000  }
0xed: {  	[spmem:s1] =	stream.indirect.scatter.add.f32 [tilespmem:s28], [sflag:$0x3], $0x80, s2, s25, $0xb8;
	[tilespmem:$0x1DC00] =	vst v63  }
0xee: {  	_ =	swait.ge [sflag:s18], $0x4000  }
0xef: {  	[sflag:s18] =	ssyncset.done $0x0  }
0xf0: {  	s13 =	simm.s32 $0x0;
	s14 =	rddreg [dreg:$0x6];
	[sflag:s18] =	ssyncadd.s32 $0xFFFFC000  }
0xf1: {  	[tilespmem:s13], [sflag:$0x3] =	stream.linear.gather [hbm4b:s14+s13], $0x1000, $0x38;
	[tilespmem:$0x1DC00] =	vst v63  }
0xf2: {  	_ =	swait.ge [sflag:s18], $0x1000  }
0xf3: {  	[sflag:s18] =	ssyncset.done $0x0  }
0xf4: {  	s15 =	rddreg [dreg:$0x7];
	[sflag:s18] =	ssyncadd.s32 $0xFFFFF000  }
0xf5: {  	[tilespmem:s24], [sflag:$0x3] =	stream.linear.gather [hbm4b:s15+s13], $0x1000, $0x38;
	[tilespmem:$0x1DC00] =	vst v63  }
0xf6: {  	_ =	swait.ge [sflag:s18], $0x1000  }
0xf7: {  	[sflag:s18] =	ssyncset.done $0x0  }
0xf8: {  	[sflag:s18] =	ssyncadd.s32 $0xFFFFF000  }
0xf9: {  	[tilespmem:s26], [sflag:$0x1] =	stream.indirect.gather [hbm4b:s4+s25], $0x80, s13, s25, $0xb8;
	[tilespmem:$0x1DC00] =	vst v63  }
0xfa: {  	s12 =	simm.s32 $0x80  }
0xfb: {  	[tilespmem:s28], [sflag:$0x2] =	stream.indirect.gather [hbm4b:s4+s25], $0x80, s12, s25, $0xb8;
	[tilespmem:$0x1DC00] =	vst v63  }
0xfc: {  	_ =	swait.ge [sflag:s29], $0x4000  }
0xfd: {  	[sflag:s29] =	ssyncset.done $0x0  }
0xfe: {  	s13 =	simm.s32 $0x1000;
	[sflag:s29] =	ssyncadd.s32 $0xFFFFC000  }
0xff: {  	[spmem:s1] =	stream.indirect.scatter.add.f32 [tilespmem:s26], [sflag:$0x3], $0x80, s13, s25, $0xb8;
	[tilespmem:$0x1DC00] =	vst v63  }
0x100: {  	_ =	swait.ge [sflag:s18], $0x4000  }
0x101: {  	[sflag:s18] =	ssyncset.done $0x0  }
0x102: {  	s14 =	simm.s32 $0x100;
	[sflag:s18] =	ssyncadd.s32 $0xFFFFC000  }
0x103: {  	[tilespmem:s26], [sflag:$0x1] =	stream.indirect.gather [hbm4b:s4+s25], $0x80, s14, s25, $0xb8;
	[tilespmem:$0x1DC00] =	vst v63  }
0x104: {  	_ =	swait.ge [sflag:s30], $0x4000  }
0x105: {  	[sflag:s30] =	ssyncset.done $0x0  }
0x106: {  	s15 =	simm.s32 $0x1080;
	[sflag:s30] =	ssyncadd.s32 $0xFFFFC000  }
0x107: {  	[spmem:s1] =	stream.indirect.scatter.add.f32 [tilespmem:s28], [sflag:$0x3], $0x80, s15, s25, $0xb8;
	[tilespmem:$0x1DC00] =	vst v63  }
0x108: {  	_ =	swait.ge [sflag:s18], $0x4000  }
0x109: {  	s12 =	simm.s32 $0x100;
	s13 =	simm.s32 $0x800;
	[sflag:s18] =	ssyncset.done $0x0  }
.LBB2_7:
0x10a: {  	s8 =	sadd.s32 $0x80, s12  }
0x10b: {  	[sflag:s18] =	ssyncadd.s32 $0xFFFFC000;
	s14 =	smov.u32 s13;
	s15 =	sadd.s32 $0x400, s13  }
0x10c: {  	[tilespmem:s28], [sflag:$0x2] =	stream.indirect.gather [hbm4b:s4+s25], $0x80, s8, s25, $0xb8;
	[tilespmem:$0x1DC00] =	vst v63  }
0x10d: {  	p1 =	sne.s32 s13, $0x3800;
	_ =	swait.ge [sflag:s29], $0x4000  }
0x10e: {  	[sflag:s29] =	ssyncset.done $0x0  }
0x10f: {  	s8 =	sadd.s32 $0x1000, s12;
	[sflag:s29] =	ssyncadd.s32 $0xFFFFC000  }
0x110: {  	[spmem:s1] =	stream.indirect.scatter.add.f32 [tilespmem:s26], [sflag:$0x3], $0x80, s8, s25, $0xb8;
	[tilespmem:$0x1DC00] =	vst v63  }
0x111: {  	_ =	swait.ge [sflag:s18], $0x4000  }
0x112: {  	[sflag:s18] =	ssyncset.done $0x0  }
0x113: {  	s8 =	sadd.s32 $0x100, s12;
	[sflag:s18] =	ssyncadd.s32 $0xFFFFC000  }
0x114: {  	[tilespmem:s26], [sflag:$0x1] =	stream.indirect.gather [hbm4b:s4+s25], $0x80, s8, s25, $0xb8;
	[tilespmem:$0x1DC00] =	vst v63  }
0x115: {  	_ =	swait.ge [sflag:s30], $0x4000  }
.Ltmp5:
0x116: {  	[sflag:s30] =	ssyncset.done $0x0;
	(pc) =	sbr.rel @p1 .LBB2_7-.Ltmp5, $4  }
0x117: {  	s8 =	sadd.s32 $0x1080, s12;
	[sflag:s30] =	ssyncadd.s32 $0xFFFFC000  }
0x118: {  	[spmem:s1] =	stream.indirect.scatter.add.f32 [tilespmem:s28], [sflag:$0x3], $0x80, s8, s25, $0xb8;
	[tilespmem:$0x1DC00] =	vst v63  }
0x119: {  	_ =	swait.ge [sflag:s18], $0x4000  }
0x11a: {  	s13 =	smov.u32 s15;
	s12 =	sshra.s32 s14, $0x2;
	[sflag:s18] =	ssyncset.done $0x0  }
0x11b: {  	s8 =	sadd.s32 $0x80, s12;
	[sflag:s18] =	ssyncadd.s32 $0xFFFFC000  }
0x11c: {  	[tilespmem:s28], [sflag:$0x2] =	stream.indirect.gather [hbm4b:s4+s25], $0x80, s8, s25, $0xb8;
	[tilespmem:$0x1DC00] =	vst v63  }
0x11d: {  	_ =	swait.ge [sflag:s29], $0x4000  }
0x11e: {  	[sflag:s29] =	ssyncset.done $0x0  }
0x11f: {  	s14 =	sadd.s32 $0x1000, s12;
	[sflag:s29] =	ssyncadd.s32 $0xFFFFC000  }
0x120: {  	[spmem:s1] =	stream.indirect.scatter.add.f32 [tilespmem:s26], [sflag:$0x3], $0x80, s14, s25, $0xb8;
	[tilespmem:$0x1DC00] =	vst v63  }
0x121: {  	_ =	swait.ge [sflag:s18], $0x4000  }
0x122: {  	[sflag:s18] =	ssyncset.done $0x0  }
0x123: {  	s15 =	sadd.s32 $0x100, s12;
	[sflag:s18] =	ssyncadd.s32 $0xFFFFC000  }
0x124: {  	[tilespmem:s26], [sflag:$0x1] =	stream.indirect.gather [hbm4b:s4+s25], $0x80, s15, s25, $0xb8;
	[tilespmem:$0x1DC00] =	vst v63  }
0x125: {  	_ =	swait.ge [sflag:s30], $0x4000  }
0x126: {  	[sflag:s30] =	ssyncset.done $0x0  }
0x127: {  	s12 =	sadd.s32 $0x1080, s12;
	[sflag:s30] =	ssyncadd.s32 $0xFFFFC000  }
0x128: {  	[spmem:s1] =	stream.indirect.scatter.add.f32 [tilespmem:s28], [sflag:$0x3], $0x80, s12, s25, $0xb8;
	[tilespmem:$0x1DC00] =	vst v63  }
0x129: {  	_ =	swait.ge [sflag:s18], $0x4000  }
0x12a: {  	[sflag:s18] =	ssyncset.done $0x0  }
0x12b: {  	[sflag:s18] =	ssyncadd.s32 $0xFFFFC000  }
0x12c: {  	[tilespmem:s28], [sflag:$0x2] =	stream.indirect.gather [hbm4b:s4+s25], $0x80, s31, s25, $0xb8;
	[tilespmem:$0x1DC00] =	vst v63  }
0x12d: {  	_ =	swait.ge [sflag:s29], $0x4000  }
0x12e: {  	[sflag:s29] =	ssyncset.done $0x0  }
0x12f: {  	[sflag:s29] =	ssyncadd.s32 $0xFFFFC000  }
0x130: {  	[spmem:s1] =	stream.indirect.scatter.add.f32 [tilespmem:s26], [sflag:$0x3], $0x80, s0, s25, $0xb8;
	[tilespmem:$0x1DC00] =	vst v63  }
0x131: {  	_ =	swait.ge [sflag:s18], $0x4000  }
0x132: {  	[sflag:s18] =	ssyncset.done $0x0  }
0x133: {  	[sflag:s18] =	ssyncadd.s32 $0xFFFFC000  }
0x134: {  	_ =	swait.ge [sflag:s30], $0x4000  }
0x135: {  	[sflag:s30] =	ssyncset.done $0x0  }
0x136: {  	[sflag:s30] =	ssyncadd.s32 $0xFFFFC000  }
0x137: {  	[spmem:s1] =	stream.indirect.scatter.add.f32 [tilespmem:s28], [sflag:$0x3], $0x80, s2, s25, $0xb8;
	[tilespmem:$0x1DC00] =	vst v63  }
0x138: {  	_ =	swait.ge [sflag:s18], $0x4000  }
0x139: {  	[sflag:s18] =	ssyncset.done $0x0  }
0x13a: {  	s13 =	simm.s32 $0x0;
	s14 =	rddreg [dreg:$0x8];
	[sflag:s18] =	ssyncadd.s32 $0xFFFFC000  }
0x13b: {  	[tilespmem:s13], [sflag:$0x3] =	stream.linear.gather [hbm4b:s14+s13], $0x1000, $0x38;
	[tilespmem:$0x1DC00] =	vst v63  }
0x13c: {  	_ =	swait.ge [sflag:s18], $0x1000  }
0x13d: {  	[sflag:s18] =	ssyncset.done $0x0  }
0x13e: {  	s15 =	rddreg [dreg:$0x9];
	[sflag:s18] =	ssyncadd.s32 $0xFFFFF000  }
0x13f: {  	[tilespmem:s24], [sflag:$0x3] =	stream.linear.gather [hbm4b:s15+s13], $0x1000, $0x38;
	[tilespmem:$0x1DC00] =	vst v63  }
0x140: {  	_ =	swait.ge [sflag:s18], $0x1000  }
0x141: {  	[sflag:s18] =	ssyncset.done $0x0  }
0x142: {  	[sflag:s18] =	ssyncadd.s32 $0xFFFFF000  }
0x143: {  	[tilespmem:s26], [sflag:$0x1] =	stream.indirect.gather [hbm4b:s4+s25], $0x80, s13, s25, $0xb8;
	[tilespmem:$0x1DC00] =	vst v63  }
0x144: {  	s12 =	simm.s32 $0x80  }
0x145: {  	[tilespmem:s28], [sflag:$0x2] =	stream.indirect.gather [hbm4b:s4+s25], $0x80, s12, s25, $0xb8;
	[tilespmem:$0x1DC00] =	vst v63  }
0x146: {  	_ =	swait.ge [sflag:s29], $0x4000  }
0x147: {  	[sflag:s29] =	ssyncset.done $0x0  }
0x148: {  	s13 =	simm.s32 $0x1000;
	[sflag:s29] =	ssyncadd.s32 $0xFFFFC000  }
0x149: {  	[spmem:s1] =	stream.indirect.scatter.add.f32 [tilespmem:s26], [sflag:$0x3], $0x80, s13, s25, $0xb8;
	[tilespmem:$0x1DC00] =	vst v63  }
0x14a: {  	_ =	swait.ge [sflag:s18], $0x4000  }
0x14b: {  	[sflag:s18] =	ssyncset.done $0x0  }
0x14c: {  	s14 =	simm.s32 $0x100;
	[sflag:s18] =	ssyncadd.s32 $0xFFFFC000  }
0x14d: {  	[tilespmem:s26], [sflag:$0x1] =	stream.indirect.gather [hbm4b:s4+s25], $0x80, s14, s25, $0xb8;
	[tilespmem:$0x1DC00] =	vst v63  }
0x14e: {  	_ =	swait.ge [sflag:s30], $0x4000  }
0x14f: {  	[sflag:s30] =	ssyncset.done $0x0  }
0x150: {  	s15 =	simm.s32 $0x1080;
	[sflag:s30] =	ssyncadd.s32 $0xFFFFC000  }
0x151: {  	[spmem:s1] =	stream.indirect.scatter.add.f32 [tilespmem:s28], [sflag:$0x3], $0x80, s15, s25, $0xb8;
	[tilespmem:$0x1DC00] =	vst v63  }
0x152: {  	_ =	swait.ge [sflag:s18], $0x4000  }
0x153: {  	s12 =	simm.s32 $0x100;
	s13 =	simm.s32 $0x800;
	[sflag:s18] =	ssyncset.done $0x0  }
.LBB2_9:
0x154: {  	s8 =	sadd.s32 $0x80, s12  }
0x155: {  	[sflag:s18] =	ssyncadd.s32 $0xFFFFC000;
	s14 =	smov.u32 s13;
	s15 =	sadd.s32 $0x400, s13  }
0x156: {  	[tilespmem:s28], [sflag:$0x2] =	stream.indirect.gather [hbm4b:s4+s25], $0x80, s8, s25, $0xb8;
	[tilespmem:$0x1DC00] =	vst v63  }
0x157: {  	p1 =	sne.s32 s13, $0x3800;
	_ =	swait.ge [sflag:s29], $0x4000  }
0x158: {  	[sflag:s29] =	ssyncset.done $0x0  }
0x159: {  	s8 =	sadd.s32 $0x1000, s12;
	[sflag:s29] =	ssyncadd.s32 $0xFFFFC000  }
0x15a: {  	[spmem:s1] =	stream.indirect.scatter.add.f32 [tilespmem:s26], [sflag:$0x3], $0x80, s8, s25, $0xb8;
	[tilespmem:$0x1DC00] =	vst v63  }
0x15b: {  	_ =	swait.ge [sflag:s18], $0x4000  }
0x15c: {  	[sflag:s18] =	ssyncset.done $0x0  }
0x15d: {  	s8 =	sadd.s32 $0x100, s12;
	[sflag:s18] =	ssyncadd.s32 $0xFFFFC000  }
0x15e: {  	[tilespmem:s26], [sflag:$0x1] =	stream.indirect.gather [hbm4b:s4+s25], $0x80, s8, s25, $0xb8;
	[tilespmem:$0x1DC00] =	vst v63  }
0x15f: {  	_ =	swait.ge [sflag:s30], $0x4000  }
.Ltmp6:
0x160: {  	[sflag:s30] =	ssyncset.done $0x0;
	(pc) =	sbr.rel @p1 .LBB2_9-.Ltmp6, $4  }
0x161: {  	s8 =	sadd.s32 $0x1080, s12;
	[sflag:s30] =	ssyncadd.s32 $0xFFFFC000  }
0x162: {  	[spmem:s1] =	stream.indirect.scatter.add.f32 [tilespmem:s28], [sflag:$0x3], $0x80, s8, s25, $0xb8;
	[tilespmem:$0x1DC00] =	vst v63  }
0x163: {  	_ =	swait.ge [sflag:s18], $0x4000  }
0x164: {  	s13 =	smov.u32 s15;
	s12 =	sshra.s32 s14, $0x2;
	[sflag:s18] =	ssyncset.done $0x0  }
.Ltmp7:
0x165: {  	_ = 	snop;
	(pc) =	sbr.rel .LBB2_10-.Ltmp7, $1  }
0x166: {  	_ =	sdelay $0x3  }
.LBB2_12:
0x167: {  	_ =	sfence.sel $0x180000  }
0x168: {  	[bflag:$0x0] =	sbarrier.arrive $0xFFFF  }
0x169: {  	_ =	strace $0x9000004A  }
0x16a: {  	s0 =	stileid.u32;
	[bflag:$0x2] =	sbarrier.arrive $0xFFFF  }
0x16b: {  	p0 =	sne.s32 s0, $0x0;
	s0 =	rddreg [dreg:$0x2]  }
0x16c: {  	s0 =	sadd.s32 @!p0 $0x100000, s0  }
0x16d: {  	[sflag:s0] =	ssyncadd.tile.s32 @!p0 $0x1;
	_ =	shalt  }
.Lfunc_end2:
_tile_overlayer_lowered:
.L_overlay_start_2:
0x16e: {  	(tag) =	ssettag $0x2  }
0x16f: {  	s0 =	rddreg [dreg:$0x0];
	s2 =	stileid.u32  }
0x170: {  	s1 =	rddreg [dreg:$0x1];
	p0 =	sne.s32 s2, $0x0  }
0x171: {  	s3 =	rddreg [dreg:$0x2];
	[bflag:$0x3] =	sbarrier.arrive $0xFFFF;
	s2 =	simm.s32 @!p0 $0x1C03  }
0x172: {  	[timem:s3], [sflag:s2] =	dma.local @!p0 [hbm:s0], s1  }
0x173: {  	s0 =	simm.s32 @!p0 $0x3  }
0x174: {  	_ =	swait.ge @!p0 [sflag:s0], s1  }
0x175: {  	s1 =	ssub.s32 @!p0 $0x0, s1;
	[sflag:s0] =	ssyncset.done @!p0 $0x0  }
0x176: {  	[sflag:s0] =	ssyncadd.s32 @!p0 s1  }
0x177: {  	[bflag:$0x3] =	sbarrier.arrive $0xFFFF  }
0x178: {  	_ =	shalt  }

// kernel: kernel.7.cloned.1.call-start
scs
__scs_entry_jumppad:
0x0: {  	(pc) =	sbr.rel $0x88, $3  }
0x1: {  	(tag) =	ssettag $0x0;
	lr =	simm.s32 $0x1  }
0x2: {  	[smem:$0x3F89] =	sst lr;
	_ =	strace $0xD0000000  }
0x3: {  	_ = 	snop  }
0x4: {  	_ = 	snop  }
0x5: {  	_ = 	snop  }
0x6: {  	_ = 	snop  }
0x7: {  	_ = 	snop  }
__scs_overlays_trampoline_lowered:
0x8: {  	[smem:$0x3F98] =	sst s0  }
0x9: {  	[smem:$0x3F99] =	sst s1  }
0xa: {  	[smem:$0x3F9A] =	sst s2  }
0xb: {  	[smem:$0x3F9B] =	sst s3  }
0xc: {  	[smem:$0x3F9C] =	sst s4  }
0xd: {  	[smem:$0x3F9D] =	sst s5  }
0xe: {  	[smem:$0x3F9E] =	sst s6  }
0xf: {  	[smem:$0x3F9F] =	sst s7  }
0x10: {  	[smem:$0x3FA0] =	sst s8  }
0x11: {  	[smem:$0x3FA1] =	sst s9;
	s0 =	simm.s32 @!p0 $0x0  }
0x12: {  	s1 =	sld [smem:$0x3F87];
	s0 =	simm.s32 @p0 $0x1  }
0x13: {  	[smem:$0x3FA2] =	sst s0;
	s0 =	simm.s32 @!p1 $0x0  }
0x14: {  	s2 =	sld [smem:$0x3F86];
	s0 =	simm.s32 @p1 $0x1  }
0x15: {  	[smem:$0x3FA3] =	sst s0;
	s0 =	simm.s32 @!p2 $0x0  }
0x16: {  	s3 =	sld [smem:$0x3FDB];
	s0 =	simm.s32 @p2 $0x1  }
0x17: {  	s4 =	simm.s32 $0x1BF5;
	[smem:$0x3FA5] =	sst s0  }
0x18: {  	s0 =	sld [smem:$0x3F88];
	_ =	swait.ge [sflag:s4], $0x0  }
0x19: {  	s7 =	sld [smem:$0x3F89]  }
0x1a: {  	s8 =	sadd.s32 $0xFFFFE003, lr  }
0x1b: {  	s9 =	sadd.s32 $0xFFFFFEF7, lr;
	s5 =	simm.s32 $0xFFFFFFFF;
	p2 =	slt.u32 s8, $0xFFFFF086  }
0x1c: {  	p1 =	slt.u32 s9, $0xF7A;
	s5 =	simm.s32 @!p2 $0x0  }
0x1d: {  	s5 =	simm.s32 @p1 $0x1;
	p0 =	seq.s32 s7, s2  }
0x1e: {  	s7 =	smul.u32 @!p0 $0xF7A, s2;
	p2 =	seq.s32 @!p0 s5, $0x0  }
0x1f: {  	s9 =	smul.u32 $0xF7A, s1;
	s8 =	simm.s32 @!p0 $0x1BF5;
	p2 =	por !p2, p0  }
0x20: {  	[sflag:s8] =	ssyncset.s32 @!p0 $0xFFFFF086;
	s6 =	sadd.s32 @!p0 s3, s7;
	s7 =	simm.s32 @!p0 $0x108  }
0x21: {  	s3 =	sadd.s32 s3, s9;
	s6 =	sadd.s32 @!p0 $0x88, s6;
	s7 =	simm.s32 @p2 $0x1082  }
0x22: {  	[simem:s7], [sflag:s8] =	dma.local @!p0 [hbm:s6], $0xF7A  }
0x23: {  	s9 =	sor.u32 $0xD0000000, s2;
	s6 =	simm.s32 $0x108;
	_ =	swait.ge @!p0 [sflag:s8], $0x0  }
0x24: {  	s3 =	sadd.s32 $0x88, s3;
	s6 =	simm.s32 @!p1 $0x1082;
	[sflag:s4] =	ssyncset.s32 $0xFFFFF086  }
0x25: {  	[simem:s6], [sflag:s4] =	dma.local [hbm:s3], $0xF7A  }
0x26: {  	[smem:$0x3F89] =	sst s1;
	(tag) =	ssettag s2;
	_ =	strace s9  }
0x27: {  	s1 =	sld [smem:$0x3F99]  }
0x28: {  	s2 =	sld [smem:$0x3F9A]  }
0x29: {  	s4 =	sld [smem:$0x3F9C]  }
0x2a: {  	p0 =	seq.s32 s5, $0x0;
	s5 =	sld [smem:$0x3F9D]  }
0x2b: {  	s6 =	sld [smem:$0x3F9E]  }
0x2c: {  	s7 =	sld [smem:$0x3F9F]  }
0x2d: {  	s3 =	simm.s32 $0x108;
	s8 =	sld [smem:$0x3FA0]  }
0x2e: {  	s3 =	simm.s32 @!p0 $0x1082;
	s9 =	sld [smem:$0x3FA1]  }
0x2f: {  	lr =	sadd.s32 s0, s3;
	s0 =	sld [smem:$0x3F98]  }
0x30: {  	s3 =	sld [smem:$0x3F9B]  }
0x31: {  	[smem:$0x3FA4] =	sst s10  }
0x32: {  	s10 =	sld [smem:$0x3FA2];
	_ =	sdelay $0x3  }
0x33: {  	p0 =	seq.s32 s10, $0x1;
	s10 =	sld [smem:$0x3FA4];
	_ =	sdelay $0x3  }
0x34: {  	[smem:$0x3FA4] =	sst s10  }
0x35: {  	s10 =	sld [smem:$0x3FA3];
	_ =	sdelay $0x3  }
0x36: {  	p1 =	seq.s32 s10, $0x1;
	s10 =	sld [smem:$0x3FA4];
	_ =	sdelay $0x3  }
0x37: {  	[smem:$0x3FA4] =	sst s10  }
0x38: {  	s10 =	sld [smem:$0x3FA5]  }
0x39: {  	_ = 	snop;
	(pc) =	sbr.ind lr, $3  }
0x3a: {  	_ = 	snop  }
0x3b: {  	_ = 	snop  }
0x3c: {  	p2 =	seq.s32 s10, $0x1;
	s10 =	sld [smem:$0x3FA4]  }
0x3d: {  	_ =	shalt  }
0x3e: {  	_ =	shalt  }
0x3f: {  	_ =	shalt  }
0x40: {  	_ =	shalt  }
0x41: {  	_ =	shalt  }
0x42: {  	_ =	shalt  }
0x43: {  	_ =	shalt  }
0x44: {  	_ =	shalt  }
0x45: {  	_ =	shalt  }
0x46: {  	_ =	shalt  }
0x47: {  	_ =	shalt  }
0x48: {  	_ =	shalt  }
0x49: {  	_ =	shalt  }
0x4a: {  	_ =	shalt  }
0x4b: {  	_ =	shalt  }
0x4c: {  	_ =	shalt  }
0x4d: {  	_ =	shalt  }
0x4e: {  	_ =	shalt  }
0x4f: {  	_ =	shalt  }
0x50: {  	_ =	shalt  }
0x51: {  	_ =	shalt  }
0x52: {  	_ =	shalt  }
0x53: {  	_ =	shalt  }
0x54: {  	_ =	shalt  }
0x55: {  	_ =	shalt  }
0x56: {  	_ =	shalt  }
0x57: {  	_ =	shalt  }
0x58: {  	_ =	shalt  }
0x59: {  	_ =	shalt  }
0x5a: {  	_ =	shalt  }
0x5b: {  	_ =	shalt  }
0x5c: {  	_ =	shalt  }
0x5d: {  	_ =	shalt  }
0x5e: {  	_ =	shalt  }
0x5f: {  	_ =	shalt  }
0x60: {  	_ =	shalt  }
0x61: {  	_ =	shalt  }
0x62: {  	_ =	shalt  }
0x63: {  	_ =	shalt  }
0x64: {  	_ =	shalt  }
0x65: {  	_ =	shalt  }
0x66: {  	_ =	shalt  }
0x67: {  	_ =	shalt  }
0x68: {  	_ =	shalt  }
0x69: {  	_ =	shalt  }
0x6a: {  	_ =	shalt  }
0x6b: {  	_ =	shalt  }
0x6c: {  	_ =	shalt  }
0x6d: {  	_ =	shalt  }
0x6e: {  	_ =	shalt  }
0x6f: {  	_ =	shalt  }
0x70: {  	_ =	shalt  }
0x71: {  	_ =	shalt  }
0x72: {  	_ =	shalt  }
0x73: {  	_ =	shalt  }
0x74: {  	_ =	shalt  }
0x75: {  	_ =	shalt  }
0x76: {  	_ =	shalt  }
0x77: {  	_ =	shalt  }
0x78: {  	_ =	shalt  }
0x79: {  	_ =	shalt  }
0x7a: {  	_ =	shalt  }
0x7b: {  	_ =	shalt  }
0x7c: {  	_ =	shalt  }
0x7d: {  	_ =	shalt  }
0x7e: {  	_ =	shalt  }
0x7f: {  	_ =	shalt  }
0x80: {  	_ =	shalt  }
0x81: {  	_ =	shalt  }
0x82: {  	_ =	shalt  }
0x83: {  	_ =	shalt  }
0x84: {  	_ =	shalt  }
0x85: {  	_ =	shalt  }
0x86: {  	_ =	shalt  }
0x87: {  	_ =	shalt  }
.Lfunc_end0:
.L_simem_size_0:
called_computation_lowered:
.L_overlay_start_0:
0x88: {  	s2 =	sld [smem:$0x3FD9]  }
0x89: {  	s3 =	sld [smem:$0x3FFE];
	_ =	sdelay $0x1  }
0x8a: {  	s1 =	srdreg.scid  }
0x8b: {  	s0 =	sand.u32 $0x1, s1  }
0x8c: {  	s16 =	sshll.u32 s0, $0xA;
	s2 =	sadd.s32 s3, s2  }
0x8d: {  	s2 =	sadd.s32 s2, s16  }
0x8e: {  	[smem:$0x3FB0] =	sst s2  }
0x8f: {  	_ = 	snop  }
0x90: {  	(tm) =	ssettm $0x1  }
0x91: {  	s17 =	sld [smem:$0x3FFB];
	_ =	sdelay $0x3  }
0x92: {  	_ =	strace s17  }
0x93: {  	s2 =	sld [smem:$0x3FFC];
	_ =	sdelay $0x3  }
0x94: {  	_ =	strace s2  }
0x95: {  	s2 =	sld [smem:$0x3FFD];
	_ =	sdelay $0x3  }
0x96: {  	_ =	strace s2  }
0x97: {  	_ =	strace $0x8FFFFFFF  }
0x98: {  	s18 =	sld [smem:$0x3FDB];
	_ =	sdelay $0x1  }
0x99: {  	s19 =	simm.s32 $_scs_section_size  }
0x9a: {  	s4 =	simm.s32 $_size__tile_overlayer_lowered;
	s5 =	simm.s32 $_tile_overlayer_lowered  }
0x9b: {  	s22 =	simm.s32 $0x1BFF;
	s21 =	sshll.u32 s5, $0x1;
	s2 =	sadd.s32 s19, s18  }
0x9c: {  	s6 =	simm.s32 $0x0;
	s20 =	sshll.u32 s4, $0x1;
	s4 =	sadd.s32 s21, s2  }
0x9d: {  	[timem:s6], [sflag:s22] =	dma.local [hbm:s4], s20  }
0x9e: {  	_ =	swait.ge [sflag:s22], s20  }
0x9f: {  	s3 =	ssub.s32 $0x0, s20;
	[sflag:s22] =	ssyncset.done $0x0  }
0xa0: {  	[sflag:s22] =	ssyncadd.s32 s3;
	_ =	sdelay $0x1  }
0xa1: {  	s23 =	simm.s32 $0x1B8B  }
0xa2: {  	_ =	swait.ge [sflag:s23], $0x1  }
0xa3: {  	[sflag:s23] =	ssyncset.done $0x0  }
0xa4: {  	s25 =	simm.s32 $0x1B8E;
	s24 =	sld [smem:$0x3FFE];
	[sflag:s23] =	ssyncadd.s32 $0xFFFFFFFF  }
0xa5: {  	s26 =	simm.s32 $execute0_lowered;
	[smem:$0x3FD2] =	sst s25  }
0xa6: {  	s4 =	sshll.u32 s26, $0x1;
	_ =	strace $0x80000046;
	[dreg:$0x1] =	wrdreg $0xFFFFFFFF  }
0xa7: {  	s28 =	simm.s32 $_size_execute0_lowered;
	s2 =	sadd.s32 s2, s4;
	[dreg:$0x0] =	wrdreg $0x0  }
0xa8: {  	s4 =	sshll.u32 s28, $0x1;
	[dreg:$0x2] =	wrdreg s2  }
0xa9: {  	[dreg:$0x3] =	wrdreg s4  }
0xaa: {  	[dreg:$0x4] =	wrdreg $0xC0  }
0xab: {  	_ =	task [dreg:s6], $0x5FFFF  }
0xac: {  	[dreg:$0x1] =	wrdreg $0xFFFFFFFF  }
0xad: {  	[dreg:$0x0] =	wrdreg $0x60  }
0xae: {  	[dreg:$0x2] =	wrdreg s24  }
0xaf: {  	[dreg:$0x3] =	wrdreg $0x9  }
0xb0: {  	_ =	task.clear_ibuf [dreg:s6], $0x4FFFF;
	_ =	strace $0x90000046  }
0xb1: {  	s29 =	simm.s32 $0x9;
	_ =	strace $0x80000048  }
0xb2: {  	_ =	swait.ge [sflag:s29], $0x1  }
0xb3: {  	[sflag:s29] =	ssyncadd.s32 $0xFFFFFFFF  }
0xb4: {  	_ =	strace $0x90000048  }
0xb5: {  	_ =	sfence  }
0xb6: {  	s30 =	sld [smem:$0x0];
	_ =	sdelay $0x2  }
0xb7: {  	s31 =	sshll.u32 s1, $0xD;
	s1 =	sshrl.u32 s1, $0x2  }
0xb8: {  	s3 =	sand.u32 $0x4000, s31;
	s1 =	sadd.s32 s1, s30  }
0xb9: {  	s0 =	sor.u32 s3, s0;
	s1 =	sshll.u32 s1, $0x11  }
0xba: {  	s0 =	sor.u32 s1, s0  }
0xbb: {  	s0 =	sadd.s32 $0x8F2B, s0  }
0xbc: {  	[sflag:s0] =	ssyncadd.remote.s32 $0x1  }
0xbd: {  	_ =	sfence.sel $0xFFFF  }
0xbe: {  	[dreg:$0x0] =	wrdreg $0xFFFFFFFF;
	(pc) =	sbr.abs _section_cstart, $3  }
0xbf: {  	[dreg:$0x1] =	wrdreg $0xFFFFFFFF  }
0xc0: {  	_ =	task.clear_ibuf [dreg:s6], $0x2FFFF;
	_ =	strace $0x9FFFFFFF  }
0xc1: {  	(tm) =	ssettm $0x7FFFFFFF  }
tec
execute0_lowered:
.L_overlay_start_1:
0x0: {  	(tag) =	ssettag $0x1  }
0x1: {  	s3 =	rddreg [dreg:$0x0]  }
0x2: {  	s0 =	rddreg [dreg:$0x1];
	s2 =	simm.s32 $0x0  }
0x3: {  	s4 =	srdreg.scid;
	s1 =	stileid.u32;
	s9 =	simm.s32 $0x1  }
0x4: {  	s10 =	simm.s32 $0x4000;
	s11 =	simm.s32 $0x8000;
	s12 =	simm.s32 $0xA800  }
0x5: {  	s13 =	simm.s32 $0x0;
	[smem:$0x7FF] =	sst s2;
	s4 =	sand.u32 $0x1, s4  }
0x6: {  	s5 =	sshll.u32 s1, $0x9;
	s7 =	sshll.u32 s1, $0xB;
	p0 =	seq.s32 s4, $0x0  }
0x7: {  	s6 =	sshll.u32 s4, $0x4;
	s5 =	sor.u32 $0x8000, s5;
	_ =	strace $0x80000047  }
0x8: {  	s4 =	ssub.s32 $0x2, s4;
	s6 =	sor.u32 s1, s6;
	s5 =	smov.u32 @p0 s7  }
0x9: {  	s31 =	sshrl.u32 s4, $0x1;
	s6 =	smul.u32 $0x500, s6;
	s5 =	sadd.s32 s5, s3  }
0xa: {  	s8 =	ssub.s32 s4, s31;
	s4 =	sadd.s32 $0xEA00, s5;
	s5 =	sadd.s32 $0x4600, s5  }
0xb: {  	s8 =	smax.u32 s8, $0x1;
	s30 =	sadd.s32 s6, s3;
	s3 =	simm.s32 $0x80  }
0xc: {  	v0 =	vimm.f32 $0.0e+00;
	v1 =	vimm.f32 $1.000000000e+00;
	s3 =	simm.s32 @!p0 $0x20;
	s6 =	sadd.s32 $0x18E00, s30;
	s7 =	sadd.s32 $0x22E00, s30  }
.LBB2_1:
0xd: {  	s14 =	simm.s32 $0x0;
	s15 =	simm.s32 $0x200  }
.LBB2_2:
0xe: {  	p0 =	sne.s32 s15, $0x9C00;
	[tilespmem:s14+$0xA870] =	vst v0  }
0xf: {  	[tilespmem:s14+$0x8000] =	vst v0  }
0x10: {  	[tilespmem:s14+$0xA800] =	vst v0  }
0x11: {  	[tilespmem:s14+$0x8010] =	vst v0  }
0x12: {  	[tilespmem:s14+$0xA810] =	vst v0  }
0x13: {  	[tilespmem:s14+$0x8020] =	vst v0  }
0x14: {  	[tilespmem:s14+$0xA820] =	vst v0  }
0x15: {  	[tilespmem:s14+$0x8030] =	vst v0  }
0x16: {  	[tilespmem:s14+$0xA830] =	vst v0  }
0x17: {  	[tilespmem:s14+$0x8040] =	vst v0  }
0x18: {  	[tilespmem:s14+$0xA840] =	vst v0  }
.Ltmp0:
0x19: {  	[tilespmem:s14+$0x8050] =	vst v0;
	(pc) =	sbr.rel @p0 .LBB2_2-.Ltmp0, $4  }
0x1a: {  	[tilespmem:s14+$0xA850] =	vst v0  }
0x1b: {  	[tilespmem:s14+$0x8060] =	vst v0  }
0x1c: {  	[tilespmem:s14+$0xA860] =	vst v0  }
0x1d: {  	[tilespmem:s14+$0x8070] =	vst v0;
	s14 =	sshra.s32 s15, $0x2;
	s15 =	sadd.s32 $0x200, s15  }
0x1e: {  	[tilespmem:s14+$0xA870] =	vst v0  }
0x1f: {  	[tilespmem:s14+$0x8000] =	vst v0  }
0x20: {  	[tilespmem:s14+$0xA800] =	vst v0  }
0x21: {  	[tilespmem:s14+$0x8010] =	vst v0  }
0x22: {  	[tilespmem:s14+$0xA810] =	vst v0  }
0x23: {  	[tilespmem:s14+$0x8020] =	vst v0  }
0x24: {  	[tilespmem:s14+$0xA820] =	vst v0  }
0x25: {  	[tilespmem:s14+$0x8030] =	vst v0  }
0x26: {  	[tilespmem:s14+$0xA830] =	vst v0  }
0x27: {  	[tilespmem:s14+$0x8040] =	vst v0  }
0x28: {  	[tilespmem:s14+$0xA840] =	vst v0  }
0x29: {  	[tilespmem:s14+$0x8050] =	vst v0  }
0x2a: {  	[tilespmem:s14+$0xA850] =	vst v0  }
0x2b: {  	[tilespmem:s14+$0x8060] =	vst v0  }
0x2c: {  	[tilespmem:s14+$0xA860] =	vst v0  }
0x2d: {  	[tilespmem:s14+$0x8070] =	vst v0  }
0x2e: {  	[tilespmem:s2], [sflag:$0x1] =	stream.linear.gather [hbm4b:s4+s2], $0x4000, $0x38;
	[tilespmem:$0xD000] =	vst v63  }
0x2f: {  	_ =	swait.ge [sflag:s9], $0x4000  }
0x30: {  	[sflag:s9] =	ssyncset.done $0x0  }
0x31: {  	[sflag:s9] =	ssyncadd.s32 $0xFFFFC000  }
0x32: {  	[tilespmem:s10], [sflag:$0x1] =	stream.linear.gather [hbm4b:s5+s2], $0x4000, $0x38;
	[tilespmem:$0xD000] =	vst v63  }
0x33: {  	_ =	swait.ge [sflag:s9], $0x4000  }
0x34: {  	s14 =	simm.s32 $0x40;
	[sflag:s9] =	ssyncset.done $0x0  }
0x35: {  	s15 =	simm.s32 $0x4040;
	s16 =	smov.u32 s3;
	[sflag:s9] =	ssyncadd.s32 $0xFFFFC000  }
.LBB2_4:
0x36: {  	v2 =	vld [tilespmem:s14+$0xFFFFFFC0];
	_ =	sdelay $0x7  }
0x37: {  	[tilespmem:v2+s11+$0x0] =	vst.idx.add.f32.msk $0xffff, v1  }
0x38: {  	v2 =	vld [tilespmem:s15+$0xFFFFFFC0];
	_ =	sdelay $0x7  }
0x39: {  	[tilespmem:v2+s12+$0x0] =	vst.idx.add.f32.msk $0xffff, v1  }
0x3a: {  	v2 =	vld [tilespmem:s14+$0xFFFFFFD0];
	_ =	sdelay $0x7  }
0x3b: {  	[tilespmem:v2+s11+$0x0] =	vst.idx.add.f32.msk $0xffff, v1  }
0x3c: {  	v2 =	vld [tilespmem:s15+$0xFFFFFFD0];
	_ =	sdelay $0x7  }
0x3d: {  	[tilespmem:v2+s12+$0x0] =	vst.idx.add.f32.msk $0xffff, v1  }
0x3e: {  	v2 =	vld [tilespmem:s14+$0xFFFFFFE0];
	_ =	sdelay $0x7  }
0x3f: {  	[tilespmem:v2+s11+$0x0] =	vst.idx.add.f32.msk $0xffff, v1  }
0x40: {  	v2 =	vld [tilespmem:s15+$0xFFFFFFE0];
	_ =	sdelay $0x7  }
0x41: {  	[tilespmem:v2+s12+$0x0] =	vst.idx.add.f32.msk $0xffff, v1  }
0x42: {  	v2 =	vld [tilespmem:s14+$0xFFFFFFF0];
	_ =	sdelay $0x7  }
0x43: {  	[tilespmem:v2+s11+$0x0] =	vst.idx.add.f32.msk $0xffff, v1  }
0x44: {  	v2 =	vld [tilespmem:s15+$0xFFFFFFF0];
	_ =	sdelay $0x7  }
0x45: {  	[tilespmem:v2+s12+$0x0] =	vst.idx.add.f32.msk $0xffff, v1  }
0x46: {  	v2 =	vld [tilespmem:s14+$0x0];
	_ =	sdelay $0x7  }
0x47: {  	[tilespmem:v2+s11+$0x0] =	vst.idx.add.f32.msk $0xffff, v1  }
0x48: {  	v2 =	vld [tilespmem:s15+$0x0];
	_ =	sdelay $0x7  }
0x49: {  	[tilespmem:v2+s12+$0x0] =	vst.idx.add.f32.msk $0xffff, v1  }
0x4a: {  	v2 =	vld [tilespmem:s14+$0x10];
	_ =	sdelay $0x7  }
0x4b: {  	[tilespmem:v2+s11+$0x0] =	vst.idx.add.f32.msk $0xffff, v1  }
0x4c: {  	v2 =	vld [tilespmem:s15+$0x10];
	_ =	sdelay $0x7  }
0x4d: {  	[tilespmem:v2+s12+$0x0] =	vst.idx.add.f32.msk $0xffff, v1  }
0x4e: {  	v2 =	vld [tilespmem:s14+$0x20];
	_ =	sdelay $0x7  }
0x4f: {  	[tilespmem:v2+s11+$0x0] =	vst.idx.add.f32.msk $0xffff, v1  }
0x50: {  	v2 =	vld [tilespmem:s15+$0x20];
	_ =	sdelay $0x7  }
0x51: {  	[tilespmem:v2+s12+$0x0] =	vst.idx.add.f32.msk $0xffff, v1  }
0x52: {  	v2 =	vld [tilespmem:s14+$0x30];
	_ =	sdelay $0x7  }
0x53: {  	[tilespmem:v2+s11+$0x0] =	vst.idx.add.f32.msk $0xffff, v1  }
0x54: {  	v2 =	vld [tilespmem:s15+$0x30];
	_ =	sdelay $0x2  }
0x55: {  	p0 =	sne.s32 s16, $0x1  }
.Ltmp1:
0x56: {  	_ = 	snop;
	(pc) =	sbr.rel @p0 .LBB2_4-.Ltmp1, $2  }
0x57: {  	_ =	sdelay $0x2  }
0x58: {  	s16 =	sadd.s32 $0xFFFFFFFF, s16;
	s14 =	sadd.s32 $0x80, s14;
	s15 =	sadd.s32 $0x80, s15;
	[tilespmem:v2+s12+$0x0] =	vst.idx.add.f32.msk $0xffff, v1  }
0x59: {  	[hbm4b:s6+s2] =	stream.linear.scatter [tilespmem:s11], [sflag:$0x1], $0x2780, $0x38;
	[tilespmem:$0xD000] =	vst v63  }
0x5a: {  	s13 =	sadd.s32 $0x1, s13;
	_ =	swait.ge [sflag:s9], $0x2780  }
0x5b: {  	p0 =	sne.s32 s13, s8;
	[sflag:s9] =	ssyncset.done $0x0  }
.Ltmp2:
0x5c: {  	[sflag:s9] =	ssyncadd.s32 $0xFFFFD880;
	(pc) =	sbr.rel @p0 .LBB2_1-.Ltmp2, $4  }
0x5d: {  	[hbm4b:s7+s2] =	stream.linear.scatter [tilespmem:s12], [sflag:$0x1], $0x2780, $0x38;
	[tilespmem:$0xD000] =	vst v63  }
0x5e: {  	_ =	swait.ge [sflag:s9], $0x2780  }
0x5f: {  	[sflag:s9] =	ssyncset.done $0x0  }
0x60: {  	[sflag:s9] =	ssyncadd.s32 $0xFFFFD880  }
0x61: {  	_ =	sfence.sel $0x180000  }
0x62: {  	[bflag:$0x0] =	sbarrier.arrive $0xFFFF  }
0x63: {  	p0 =	sne.s32 s1, $0x0;
	_ =	strace $0x90000047  }
0x64: {  	s0 =	sadd.s32 @!p0 $0x100000, s0;
	[bflag:$0x2] =	sbarrier.arrive $0xFFFF  }
0x65: {  	[sflag:s0] =	ssyncadd.tile.s32 @!p0 $0x1;
	_ =	shalt  }
.Lfunc_end2:
_tile_overlayer_lowered:
.L_overlay_start_2:
0x66: {  	(tag) =	ssettag $0x2  }
0x67: {  	s0 =	rddreg [dreg:$0x0];
	s2 =	stileid.u32  }
0x68: {  	s1 =	rddreg [dreg:$0x1];
	p0 =	sne.s32 s2, $0x0  }
0x69: {  	s3 =	rddreg [dreg:$0x2];
	[bflag:$0x3] =	sbarrier.arrive $0xFFFF;
	s2 =	simm.s32 @!p0 $0x1C01  }
0x6a: {  	[timem:s3], [sflag:s2] =	dma.local @!p0 [hbm:s0], s1  }
0x6b: {  	s0 =	simm.s32 @!p0 $0x1  }
0x6c: {  	_ =	swait.ge @!p0 [sflag:s0], s1  }
0x6d: {  	s1 =	ssub.s32 @!p0 $0x0, s1;
	[sflag:s0] =	ssyncset.done @!p0 $0x0  }
0x6e: {  	[sflag:s0] =	ssyncadd.s32 @!p0 s1  }
0x6f: {  	[bflag:$0x3] =	sbarrier.arrive $0xFFFF  }
0x70: {  	_ =	shalt  }

</sc_bundles>
